<compile_context>
chip_gen: v7x
topology: tpu7x:2x2x1
jax: 0.10.2.dev20260603
libtpu: 0.0.44.dev20260713+nightly
codegen_flags: <defaults>
</compile_context>

<pallas_src>
import functools

import jax
import jax.numpy as jnp
from jax import lax
from jax.experimental import pallas as pl
from jax.experimental.pallas import tpu as pltpu
from jax.experimental.pallas import tpu_sc as plsc

N = 10000
E = 320000
D = 128
NPAD = 10240

NC = 2
NS = 16
NW = NC * NS

CHUNK = 128
PH = 2
KPP = 40
KPW = PH * KPP
EP = NW * KPW * CHUNK

ZCH = NPAD // NS

_MESH = dict(mesh=plsc.VectorSubcoreMesh(core_axis_name="c", subcore_axis_name="s"))
_f32 = jnp.float32


def _wid():
    c = lax.axis_index("c")
    s = lax.axis_index("s")
    return c, s, c * NS + s


def _fill_ones(ones_v):
    for i in range(CHUNK // 16):
        ones_v[pl.ds(i * 16, 16)] = jnp.full((16,), 1.0, _f32)



@functools.partial(
    pl.kernel,
    out_type=(jax.ShapeDtypeStruct((NC, NPAD), _f32),) * 4,
    scratch_types=[
        pltpu.VMEM((KPP, CHUNK), jnp.int32),
        pltpu.VMEM((KPP, CHUNK), jnp.int32),
        pltpu.VMEM((CHUNK,), _f32),
        pltpu.VMEM_SHARED((NPAD,), _f32),
        pltpu.VMEM_SHARED((NPAD,), _f32),
        pltpu.VMEM_SHARED((NPAD,), _f32),
        pltpu.VMEM_SHARED((NPAD,), _f32),
        pltpu.SemaphoreType.DMA,
        pltpu.SemaphoreType.DMA,
        pltpu.SemaphoreType.DMA,
    ],
    **_MESH,
)
def _sc_degs(i0_hbm, i1_hbm, i2_hbm, i3_hbm, z_hbm,
             c0_hbm, c1_hbm, c2_hbm, c3_hbm,
             idx_a, idx_b, ones_v, acc0, acc1, acc2, acc3,
             isem_a, isem_b, ssem):
    c, s, w = _wid()
    _fill_ones(ones_v)
    zb = s * ZCH
    accs = (acc0, acc1, acc2, acc3)
    idxs = (i0_hbm, i1_hbm, i2_hbm, i3_hbm)
    outs = (c0_hbm, c1_hbm, c2_hbm, c3_hbm)
    for a in accs:
        pltpu.sync_copy(z_hbm.at[pl.ds(zb, ZCH)], a.at[pl.ds(zb, ZCH)])
    plsc.subcore_barrier()

    def fire(k, _, acc=None, buf=None):
        pltpu.async_copy(ones_v, acc.at[buf.at[k]], ssem, add=True)
        return ()

    def drain(k, _, acc=None, buf=None):
        pltpu.make_async_copy(ones_v, acc.at[buf.at[0]], ssem).wait()
        return ()

    steps = [(idxs[a], accs[a], ph) for a in range(4) for ph in range(PH)]
    bufs = (idx_a, idx_b)
    isems = (isem_a, isem_b)
    pltpu.async_copy(steps[0][0].at[w].at[steps[0][2]], bufs[0], isems[0])
    for i, (ih, acc, ph) in enumerate(steps):
        buf = bufs[i % 2]
        pltpu.make_async_copy(ih.at[w].at[ph], buf, isems[i % 2]).wait()
        if i + 1 < len(steps):
            nih, _, nph = steps[i + 1]
            pltpu.async_copy(nih.at[w].at[nph], bufs[(i + 1) % 2],
                             isems[(i + 1) % 2])
        lax.fori_loop(0, KPP, functools.partial(fire, acc=acc, buf=buf), ())
        lax.fori_loop(0, KPP, functools.partial(drain, acc=acc, buf=buf), ())

    plsc.subcore_barrier()
    for a in range(4):
        pltpu.sync_copy(accs[a].at[pl.ds(zb, ZCH)],
                        outs[a].at[c].at[pl.ds(zb, ZCH)])



@functools.partial(
    pl.kernel,
    out_type=jax.ShapeDtypeStruct((NC, NPAD, D), _f32),
    scratch_types=[
        pltpu.VMEM((KPP, CHUNK), jnp.int32),
        pltpu.VMEM((KPP, CHUNK), jnp.int32),
        pltpu.VMEM((CHUNK, D), _f32),
        pltpu.VMEM((CHUNK, D), _f32),
        pltpu.VMEM_SHARED((NPAD, D), _f32),
        pltpu.SemaphoreType.DMA,
        pltpu.SemaphoreType.DMA,
        pltpu.SemaphoreType.DMA,
        pltpu.SemaphoreType.DMA,
        pltpu.SemaphoreType.DMA,
        pltpu.SemaphoreType.DMA,
    ],
    **_MESH,
)
def _sc_agg(feat_hbm, src_hbm, dst_hbm, z2_hbm, out_hbm,
            sidx, didx, rows0, rows1, acc,
            isem0, isem1, gsem0, gsem1, ssem0, ssem1):
    c, s, w = _wid()
    rows = (rows0, rows1)
    gsem = (gsem0, gsem1)
    ssem = (ssem0, ssem1)

    pltpu.async_copy(src_hbm.at[w].at[0], sidx, isem0)
    pltpu.async_copy(dst_hbm.at[w].at[0], didx, isem1)
    rb = s * ZCH
    pltpu.sync_copy(z2_hbm.at[pl.ds(rb, ZCH)], acc.at[pl.ds(rb, ZCH)])
    pltpu.make_async_copy(src_hbm.at[w].at[0], sidx, isem0).wait()
    pltpu.make_async_copy(dst_hbm.at[w].at[0], didx, isem1).wait()
    plsc.subcore_barrier()

    def stage(k, b):
        pltpu.make_async_copy(feat_hbm.at[sidx.at[k]], rows[b], gsem[b]).wait()
        pltpu.async_copy(rows[b], acc.at[didx.at[k]], ssem[b], add=True)

        @pl.when(k + 2 < KPP)
        def _():
            pltpu.make_async_copy(rows[b], acc.at[didx.at[k]], ssem[b]).wait()
            pltpu.async_copy(feat_hbm.at[sidx.at[k + 2]], rows[b], gsem[b])

    def pair(m, _):
        for b in range(2):
            stage(m * 2 + b, b)
        return ()

    for ph in range(PH):
        for b in range(2):
            pltpu.async_copy(feat_hbm.at[sidx.at[b]], rows[b], gsem[b])
        lax.fori_loop(0, KPP // 2, pair, ())
        for b in range(2):
            pltpu.make_async_copy(rows[b], acc.at[didx.at[0]], ssem[b]).wait()
        if ph + 1 < PH:
            pltpu.sync_copy(src_hbm.at[w].at[ph + 1], sidx)
            pltpu.sync_copy(dst_hbm.at[w].at[ph + 1], didx)

    plsc.subcore_barrier()
    pltpu.sync_copy(acc.at[pl.ds(rb, ZCH)], out_hbm.at[c].at[pl.ds(rb, ZCH)])



def _tc1_body(h_ref, n_ref, w_ref, o_ref):
    x = h_ref[...] * n_ref[...]
    o_ref[:N] = jnp.dot(x, w_ref[...], preferred_element_type=_f32)
    o_ref[N:] = jnp.zeros((NPAD - N, D), _f32)


def _tc2_body(p_ref, n_ref, b_ref, pc_ref, w_ref, o_ref):
    agg = p_ref[0, :N] + p_ref[1, :N]
    x = jnp.maximum(agg * n_ref[:, 0:1] + b_ref[...], 0.0)
    x = x * jnp.clip(pc_ref[...], 0.0, 1.0)
    o_ref[:N] = jnp.dot(x * n_ref[:, 1:2], w_ref[...],
                        preferred_element_type=_f32)
    o_ref[N:] = jnp.zeros((NPAD - N, D), _f32)


def _tc3_body(p_ref, n_ref, b_ref, o_ref):
    o_ref[...] = (p_ref[0, :N] + p_ref[1, :N]) * n_ref[...] + b_ref[...]


def _tc1(h, norm, W1):
    return pl.pallas_call(
        _tc1_body, out_shape=jax.ShapeDtypeStruct((NPAD, D), _f32))(h, norm, W1)


def _tc2(part1, norms, b1, p, W2):
    return pl.pallas_call(
        _tc2_body, out_shape=jax.ShapeDtypeStruct((NPAD, D), _f32))(
            part1, norms, b1.reshape(1, D), p.reshape(1, D), W2)


def _tc3(part2, norm, b2):
    return pl.pallas_call(
        _tc3_body, out_shape=jax.ShapeDtypeStruct((N, D), _f32))(
            part2, norm, b2.reshape(1, D))



def _prep_idx(a):
    a = a.astype(jnp.int32)
    pad = jnp.full((EP - E,), N, jnp.int32)
    return jnp.concatenate([a, pad]).reshape(NW, PH, KPP, CHUNK)


def _norm(cnt):
    return lax.rsqrt(jnp.clip(cnt[0, :N] + cnt[1, :N], 1.0, None))


def kernel(h, edge_index1, edge_index2, W1, b1, p, W2, b2):
    src1 = _prep_idx(edge_index1[0])
    dst1 = _prep_idx(edge_index1[1])
    src2 = _prep_idx(edge_index2[0])
    dst2 = _prep_idx(edge_index2[1])

    zeros_n = jnp.zeros((NPAD,), _f32)
    zeros_nd = jnp.zeros((NPAD, D), _f32)

    cnt_o1, cnt_i1, cnt_o2, cnt_i2 = _sc_degs(src1, dst1, src2, dst2, zeros_n)
    norm_o1 = _norm(cnt_o1)

    feat1 = _tc1(h, norm_o1[:, None], W1)
    part1 = _sc_agg(feat1, src1, dst1, zeros_nd)
    norms_a = jnp.stack([_norm(cnt_i1), _norm(cnt_o2)], axis=1)
    feat2 = _tc2(part1, norms_a, b1, p, W2)
    part2 = _sc_agg(feat2, src2, dst2, zeros_nd)
    return _tc3(part2, _norm(cnt_i2)[:, None], b2)

# --- scband reference (transcript-rebuilt; emitter-appended) ---
"""Pipeline reference for scband-gcn-59090160058847 (READ-ONLY COPY).

The authoritative reference and input builder live on the scoring server;
editing this copy changes nothing except your own understanding.
"""

import jax, jax.numpy as jnp
import numpy as np

N = 10000
E = 320000
D_IN = 128
D_HID = 128
D_OUT = 128


def gcn_layer(x, src, dst, W, b, n_nodes):
    # DGL GraphConv with norm='both': symmetric normalization
    deg_out = jnp.clip(jnp.bincount(src, length=n_nodes), 1).astype(x.dtype)
    deg_in = jnp.clip(jnp.bincount(dst, length=n_nodes), 1).astype(x.dtype)
    norm_src = jax.lax.rsqrt(deg_out)
    norm_dst = jax.lax.rsqrt(deg_in)
    feat = x * norm_src[:, None]
    feat = feat @ W
    msg = feat[src]
    agg = jax.ops.segment_sum(msg, dst, num_segments=n_nodes)
    return agg * norm_dst[:, None] + b


def setup_inputs(seed: int = 0) -> dict:
    key = jax.random.key(seed)
    k_h, k_e1, k_e2, k_w1, k_b1, k_w2, k_b2 = jax.random.split(key, 7)
    h = jax.random.normal(k_h, (N, D_IN), dtype=jnp.float32)
    edge_index1 = jax.random.randint(k_e1, (2, E), 0, N, dtype=jnp.int64)
    edge_index2 = jax.random.randint(k_e2, (2, E), 0, N, dtype=jnp.int64)
    # Xavier-like init for GraphConv weights
    W1 = jax.random.normal(k_w1, (D_IN, D_HID), dtype=jnp.float32) * (1.0 / np.sqrt(D_IN))
    b1 = jnp.zeros((D_HID,), dtype=jnp.float32)
    W2 = jax.random.normal(k_w2, (D_HID, D_OUT), dtype=jnp.float32) * (1.0 / np.sqrt(D_HID))
    b2 = jnp.zeros((D_OUT,), dtype=jnp.float32)
    # VariationalDropout retain probabilities, initialized to dropout=0.5
    p = jnp.full((D_HID,), 0.5, dtype=jnp.float32)
    return {"h": h, "edge_index1": edge_index1, "edge_index2": edge_index2,
            "W1": W1, "b1": b1, "p": p, "W2": W2, "b2": b2}


def reference(h, edge_index1, edge_index2, W1, b1, p, W2, b2):
    src1, dst1 = edge_index1[0], edge_index1[1]
    src2, dst2 = edge_index2[0], edge_index2[1]
    x = gcn_layer(h, src1, dst1, W1, b1, N)
    x = jax.nn.relu(x)
    # VariationalDropout, deterministic mode: multiply by clamped retain probs
    x = x * jnp.clip(p, 0.0, 1.0)[None, :]
    out = gcn_layer(x, src2, dst2, W2, b2, N)
    return out

if __name__ == "__main__":
    import jax
    _d = setup_inputs()
    print(jax.jit(kernel)(*tuple(_d.values())))

</pallas_src>

<mosaic_0001>
#map = affine_map<(d0, d1) -> (0, 0, 0, 0)>
#map1 = affine_map<(d0, d1) -> (0)>
#map2 = affine_map<(d0, d1) -> (0, 0)>
module attributes {stable_mosaic.version = 14 : i64} {
  func.func @_sc_degs(%arg0: i32, %arg1: i32, %arg2: memref<32x2x40x128xi32, #tpu.memory_space<hbm>>, %arg3: memref<32x2x40x128xi32, #tpu.memory_space<hbm>>, %arg4: memref<32x2x40x128xi32, #tpu.memory_space<hbm>>, %arg5: memref<32x2x40x128xi32, #tpu.memory_space<hbm>>, %arg6: memref<10240xf32, #tpu.memory_space<hbm>>, %arg7: memref<2x10240xf32, #tpu.memory_space<hbm>>, %arg8: memref<2x10240xf32, #tpu.memory_space<hbm>>, %arg9: memref<2x10240xf32, #tpu.memory_space<hbm>>, %arg10: memref<2x10240xf32, #tpu.memory_space<hbm>>, %arg11: memref<40x128xi32, #tpu.memory_space<vmem>>, %arg12: memref<40x128xi32, #tpu.memory_space<vmem>>, %arg13: memref<128xf32, #tpu.memory_space<vmem>>, %arg14: memref<10240xf32, #tpu.memory_space<vmem_shared>>, %arg15: memref<10240xf32, #tpu.memory_space<vmem_shared>>, %arg16: memref<10240xf32, #tpu.memory_space<vmem_shared>>, %arg17: memref<10240xf32, #tpu.memory_space<vmem_shared>>, %arg18: memref<!tpu.dma_semaphore, #tpu.memory_space<semaphore_mem>>, %arg19: memref<!tpu.dma_semaphore, #tpu.memory_space<semaphore_mem>>, %arg20: memref<!tpu.dma_semaphore, #tpu.memory_space<semaphore_mem>>) attributes {dimension_semantics = [#tpu.dimension_semantics<core_parallel>, #tpu.dimension_semantics<subcore_parallel>], iteration_bounds = array<i64: 2, 16>, scalar_prefetch = 0 : i64, scratch_operands = 10 : i64, tpu.core_type = #tpu.core_type<sc_vector_subcore>, window_params = [{transform_indices = #map}, {transform_indices = #map}, {transform_indices = #map}, {transform_indices = #map}, {transform_indices = #map1}, {transform_indices = #map2}, {transform_indices = #map2}, {transform_indices = #map2}, {transform_indices = #map2}]} {
    %mul3A = arith.constant 16 : i32
    %mul3A_0 = arith.muli %arg0, %mul3A : i32
    %add3A = arith.addi %mul3A_0, %arg1 : i32
    %broadcast_in_dim3A = arith.constant 1.000000e+00 : f32
    %broadcast_in_dim3A_1 = vector.broadcast %broadcast_in_dim3A : f32 to vector<16xf32>
    %swap3A = arith.constant 0 : index
    %swap3A_2 = tpu.vector_load %arg13[%swap3A] {strides = array<i32>} : memref<128xf32, #tpu.memory_space<vmem>>, vector<16xf32>,
    %swap3A_3 = vector.shape_cast %swap3A_2 : vector<16xf32> to vector<16xf32>
    %swap3A_4 = vector.shape_cast %broadcast_in_dim3A_1 : vector<16xf32> to vector<16xf32>
    tpu.vector_store %arg13[%swap3A], %swap3A_4 {strides = array<i32>} : memref<128xf32, #tpu.memory_space<vmem>>, vector<16xf32>,
    %broadcast_in_dim3A_5 = arith.constant 1.000000e+00 : f32
    %broadcast_in_dim3A_6 = vector.broadcast %broadcast_in_dim3A_5 : f32 to vector<16xf32>
    %swap3A_7 = arith.constant 16 : index
    %swap3A_8 = tpu.vector_load %arg13[%swap3A_7] {strides = array<i32>} : memref<128xf32, #tpu.memory_space<vmem>>, vector<16xf32>,
    %swap3A_9 = vector.shape_cast %swap3A_8 : vector<16xf32> to vector<16xf32>
    %swap3A_10 = vector.shape_cast %broadcast_in_dim3A_6 : vector<16xf32> to vector<16xf32>
    tpu.vector_store %arg13[%swap3A_7], %swap3A_10 {strides = array<i32>} : memref<128xf32, #tpu.memory_space<vmem>>, vector<16xf32>,
    %broadcast_in_dim3A_11 = arith.constant 1.000000e+00 : f32
    %broadcast_in_dim3A_12 = vector.broadcast %broadcast_in_dim3A_11 : f32 to vector<16xf32>
    %swap3A_13 = arith.constant 32 : index
    %swap3A_14 = tpu.vector_load %arg13[%swap3A_13] {strides = array<i32>} : memref<128xf32, #tpu.memory_space<vmem>>, vector<16xf32>,
    %swap3A_15 = vector.shape_cast %swap3A_14 : vector<16xf32> to vector<16xf32>
    %swap3A_16 = vector.shape_cast %broadcast_in_dim3A_12 : vector<16xf32> to vector<16xf32>
    tpu.vector_store %arg13[%swap3A_13], %swap3A_16 {strides = array<i32>} : memref<128xf32, #tpu.memory_space<vmem>>, vector<16xf32>,
    %broadcast_in_dim3A_17 = arith.constant 1.000000e+00 : f32
    %broadcast_in_dim3A_18 = vector.broadcast %broadcast_in_dim3A_17 : f32 to vector<16xf32>
    %swap3A_19 = arith.constant 48 : index
    %swap3A_20 = tpu.vector_load %arg13[%swap3A_19] {strides = array<i32>} : memref<128xf32, #tpu.memory_space<vmem>>, vector<16xf32>,
    %swap3A_21 = vector.shape_cast %swap3A_20 : vector<16xf32> to vector<16xf32>
    %swap3A_22 = vector.shape_cast %broadcast_in_dim3A_18 : vector<16xf32> to vector<16xf32>
    tpu.vector_store %arg13[%swap3A_19], %swap3A_22 {strides = array<i32>} : memref<128xf32, #tpu.memory_space<vmem>>, vector<16xf32>,
    %broadcast_in_dim3A_23 = arith.constant 1.000000e+00 : f32
    %broadcast_in_dim3A_24 = vector.broadcast %broadcast_in_dim3A_23 : f32 to vector<16xf32>
    %swap3A_25 = arith.constant 64 : index
    %swap3A_26 = tpu.vector_load %arg13[%swap3A_25] {strides = array<i32>} : memref<128xf32, #tpu.memory_space<vmem>>, vector<16xf32>,
    %swap3A_27 = vector.shape_cast %swap3A_26 : vector<16xf32> to vector<16xf32>
    %swap3A_28 = vector.shape_cast %broadcast_in_dim3A_24 : vector<16xf32> to vector<16xf32>
    tpu.vector_store %arg13[%swap3A_25], %swap3A_28 {strides = array<i32>} : memref<128xf32, #tpu.memory_space<vmem>>, vector<16xf32>,
    %broadcast_in_dim3A_29 = arith.constant 1.000000e+00 : f32
    %broadcast_in_dim3A_30 = vector.broadcast %broadcast_in_dim3A_29 : f32 to vector<16xf32>
    %swap3A_31 = arith.constant 80 : index
    %swap3A_32 = tpu.vector_load %arg13[%swap3A_31] {strides = array<i32>} : memref<128xf32, #tpu.memory_space<vmem>>, vector<16xf32>,
    %swap3A_33 = vector.shape_cast %swap3A_32 : vector<16xf32> to vector<16xf32>
    %swap3A_34 = vector.shape_cast %broadcast_in_dim3A_30 : vector<16xf32> to vector<16xf32>
    tpu.vector_store %arg13[%swap3A_31], %swap3A_34 {strides = array<i32>} : memref<128xf32, #tpu.memory_space<vmem>>, vector<16xf32>,
    %broadcast_in_dim3A_35 = arith.constant 1.000000e+00 : f32
    %broadcast_in_dim3A_36 = vector.broadcast %broadcast_in_dim3A_35 : f32 to vector<16xf32>
    %swap3A_37 = arith.constant 96 : index
    %swap3A_38 = tpu.vector_load %arg13[%swap3A_37] {strides = array<i32>} : memref<128xf32, #tpu.memory_space<vmem>>, vector<16xf32>,
    %swap3A_39 = vector.shape_cast %swap3A_38 : vector<16xf32> to vector<16xf32>
    %swap3A_40 = vector.shape_cast %broadcast_in_dim3A_36 : vector<16xf32> to vector<16xf32>
    tpu.vector_store %arg13[%swap3A_37], %swap3A_40 {strides = array<i32>} : memref<128xf32, #tpu.memory_space<vmem>>, vector<16xf32>,
    %broadcast_in_dim3A_41 = arith.constant 1.000000e+00 : f32
    %broadcast_in_dim3A_42 = vector.broadcast %broadcast_in_dim3A_41 : f32 to vector<16xf32>
    %swap3A_43 = arith.constant 112 : index
    %swap3A_44 = tpu.vector_load %arg13[%swap3A_43] {strides = array<i32>} : memref<128xf32, #tpu.memory_space<vmem>>, vector<16xf32>,
    %swap3A_45 = vector.shape_cast %swap3A_44 : vector<16xf32> to vector<16xf32>
    %swap3A_46 = vector.shape_cast %broadcast_in_dim3A_42 : vector<16xf32> to vector<16xf32>
    tpu.vector_store %arg13[%swap3A_43], %swap3A_46 {strides = array<i32>} : memref<128xf32, #tpu.memory_space<vmem>>, vector<16xf32>,
    %mul3A_47 = arith.constant 640 : i32
    %mul3A_48 = arith.muli %arg1, %mul3A_47 : i32
    "tpu.region"() ({
      %run_scoped3A = tpu.sem_alloc : memref<!tpu.dma_semaphore, #tpu.memory_space<semaphore_mem>>
      %dma_start3A_431 = tpu.memref_slice %arg14[%mul3A_48] : memref<10240xf32, #tpu.memory_space<vmem_shared>> -> memref<640xf32, #tpu.memory_space<vmem_shared>>
      %dma_start3A_432 = tpu.memref_slice %arg6[%mul3A_48] : memref<10240xf32, #tpu.memory_space<hbm>> -> memref<640xf32, #tpu.memory_space<hbm>>
      tpu.enqueue_dma source(%dma_start3A_432 : memref<640xf32, #tpu.memory_space<hbm>>) target(%dma_start3A_431 : memref<640xf32, #tpu.memory_space<vmem_shared>>) target_semaphore(%run_scoped3A : memref<!tpu.dma_semaphore, #tpu.memory_space<semaphore_mem>>)
      %dma_wait3A_433 = tpu.memref_slice %arg14[%mul3A_48] : memref<10240xf32, #tpu.memory_space<vmem_shared>> -> memref<640xf32, #tpu.memory_space<vmem_shared>>
      %dma_wait3A_434 = tpu.memref_slice %arg6[%mul3A_48] : memref<10240xf32, #tpu.memory_space<hbm>> -> memref<640xf32, #tpu.memory_space<hbm>>
      tpu.wait_dma2 semaphore(%run_scoped3A : memref<!tpu.dma_semaphore, #tpu.memory_space<semaphore_mem>>) src(%dma_wait3A_434 : memref<640xf32, #tpu.memory_space<hbm>>) dst(%dma_wait3A_433 : memref<640xf32, #tpu.memory_space<vmem_shared>>)
      tpu.yield
    }) : () -> ()
    "tpu.region"() ({
      %run_scoped3A = tpu.sem_alloc : memref<!tpu.dma_semaphore, #tpu.memory_space<semaphore_mem>>
      %dma_start3A_431 = tpu.memref_slice %arg15[%mul3A_48] : memref<10240xf32, #tpu.memory_space<vmem_shared>> -> memref<640xf32, #tpu.memory_space<vmem_shared>>
      %dma_start3A_432 = tpu.memref_slice %arg6[%mul3A_48] : memref<10240xf32, #tpu.memory_space<hbm>> -> memref<640xf32, #tpu.memory_space<hbm>>
      tpu.enqueue_dma source(%dma_start3A_432 : memref<640xf32, #tpu.memory_space<hbm>>) target(%dma_start3A_431 : memref<640xf32, #tpu.memory_space<vmem_shared>>) target_semaphore(%run_scoped3A : memref<!tpu.dma_semaphore, #tpu.memory_space<semaphore_mem>>)
      %dma_wait3A_433 = tpu.memref_slice %arg15[%mul3A_48] : memref<10240xf32, #tpu.memory_space<vmem_shared>> -> memref<640xf32, #tpu.memory_space<vmem_shared>>
      %dma_wait3A_434 = tpu.memref_slice %arg6[%mul3A_48] : memref<10240xf32, #tpu.memory_space<hbm>> -> memref<640xf32, #tpu.memory_space<hbm>>
      tpu.wait_dma2 semaphore(%run_scoped3A : memref<!tpu.dma_semaphore, #tpu.memory_space<semaphore_mem>>) src(%dma_wait3A_434 : memref<640xf32, #tpu.memory_space<hbm>>) dst(%dma_wait3A_433 : memref<640xf32, #tpu.memory_space<vmem_shared>>)
      tpu.yield
    }) : () -> ()
    "tpu.region"() ({
      %run_scoped3A = tpu.sem_alloc : memref<!tpu.dma_semaphore, #tpu.memory_space<semaphore_mem>>
      %dma_start3A_431 = tpu.memref_slice %arg16[%mul3A_48] : memref<10240xf32, #tpu.memory_space<vmem_shared>> -> memref<640xf32, #tpu.memory_space<vmem_shared>>
      %dma_start3A_432 = tpu.memref_slice %arg6[%mul3A_48] : memref<10240xf32, #tpu.memory_space<hbm>> -> memref<640xf32, #tpu.memory_space<hbm>>
      tpu.enqueue_dma source(%dma_start3A_432 : memref<640xf32, #tpu.memory_space<hbm>>) target(%dma_start3A_431 : memref<640xf32, #tpu.memory_space<vmem_shared>>) target_semaphore(%run_scoped3A : memref<!tpu.dma_semaphore, #tpu.memory_space<semaphore_mem>>)
      %dma_wait3A_433 = tpu.memref_slice %arg16[%mul3A_48] : memref<10240xf32, #tpu.memory_space<vmem_shared>> -> memref<640xf32, #tpu.memory_space<vmem_shared>>
      %dma_wait3A_434 = tpu.memref_slice %arg6[%mul3A_48] : memref<10240xf32, #tpu.memory_space<hbm>> -> memref<640xf32, #tpu.memory_space<hbm>>
      tpu.wait_dma2 semaphore(%run_scoped3A : memref<!tpu.dma_semaphore, #tpu.memory_space<semaphore_mem>>) src(%dma_wait3A_434 : memref<640xf32, #tpu.memory_space<hbm>>) dst(%dma_wait3A_433 : memref<640xf32, #tpu.memory_space<vmem_shared>>)
      tpu.yield
    }) : () -> ()
    "tpu.region"() ({
      %run_scoped3A = tpu.sem_alloc : memref<!tpu.dma_semaphore, #tpu.memory_space<semaphore_mem>>
      %dma_start3A_431 = tpu.memref_slice %arg17[%mul3A_48] : memref<10240xf32, #tpu.memory_space<vmem_shared>> -> memref<640xf32, #tpu.memory_space<vmem_shared>>
      %dma_start3A_432 = tpu.memref_slice %arg6[%mul3A_48] : memref<10240xf32, #tpu.memory_space<hbm>> -> memref<640xf32, #tpu.memory_space<hbm>>
      tpu.enqueue_dma source(%dma_start3A_432 : memref<640xf32, #tpu.memory_space<hbm>>) target(%dma_start3A_431 : memref<640xf32, #tpu.memory_space<vmem_shared>>) target_semaphore(%run_scoped3A : memref<!tpu.dma_semaphore, #tpu.memory_space<semaphore_mem>>)
      %dma_wait3A_433 = tpu.memref_slice %arg17[%mul3A_48] : memref<10240xf32, #tpu.memory_space<vmem_shared>> -> memref<640xf32, #tpu.memory_space<vmem_shared>>
      %dma_wait3A_434 = tpu.memref_slice %arg6[%mul3A_48] : memref<10240xf32, #tpu.memory_space<hbm>> -> memref<640xf32, #tpu.memory_space<hbm>>
      tpu.wait_dma2 semaphore(%run_scoped3A : memref<!tpu.dma_semaphore, #tpu.memory_space<semaphore_mem>>) src(%dma_wait3A_434 : memref<640xf32, #tpu.memory_space<hbm>>) dst(%dma_wait3A_433 : memref<640xf32, #tpu.memory_space<vmem_shared>>)
      tpu.yield
    }) : () -> ()
    %barrier3A = arith.constant 0 : index
    tpu.barrier barrier_id(%barrier3A)
    %dma_start3A = arith.constant 0 : i32
    %dma_start3A_49 = arith.constant 0 : i32
    %dma_start3A_50 = arith.constant 0 : i32
    %dma_start3A_51 = arith.constant 0 : i32
    %dma_start3A_52 = tpu.memref_slice %arg2[%add3A, %dma_start3A_49, %dma_start3A_50, %dma_start3A_51] : memref<32x2x40x128xi32, #tpu.memory_space<hbm>> -> memref<1x2x40x128xi32, #tpu.memory_space<hbm>>
    %dma_start3A_53 = tpu.memref_squeeze %dma_start3A_52 : memref<1x2x40x128xi32, #tpu.memory_space<hbm>> -> memref<2x40x128xi32, #tpu.memory_space<hbm>>
    %dma_start3A_54 = arith.constant 0 : i32
    %dma_start3A_55 = arith.constant 0 : i32
    %dma_start3A_56 = tpu.memref_slice %dma_start3A_53[%dma_start3A, %dma_start3A_54, %dma_start3A_55] : memref<2x40x128xi32, #tpu.memory_space<hbm>> -> memref<1x40x128xi32, #tpu.memory_space<hbm>>
    %dma_start3A_57 = tpu.memref_squeeze %dma_start3A_56 : memref<1x40x128xi32, #tpu.memory_space<hbm>> -> memref<40x128xi32, #tpu.memory_space<hbm>>
    %dma_start3A_58 = arith.constant 0 : i32
    %dma_start3A_59 = arith.constant 0 : i32
    %dma_start3A_60 = arith.constant 0 : i32
    %dma_start3A_61 = tpu.memref_slice %arg2[%add3A, %dma_start3A_58, %dma_start3A_59, %dma_start3A_60] : memref<32x2x40x128xi32, #tpu.memory_space<hbm>> -> memref<1x2x40x128xi32, #tpu.memory_space<hbm>>
    %dma_start3A_62 = tpu.memref_squeeze %dma_start3A_61 : memref<1x2x40x128xi32, #tpu.memory_space<hbm>> -> memref<2x40x128xi32, #tpu.memory_space<hbm>>
    %dma_start3A_63 = arith.constant 0 : i32
    %dma_start3A_64 = arith.constant 0 : i32
    %dma_start3A_65 = tpu.memref_slice %dma_start3A_62[%dma_start3A, %dma_start3A_63, %dma_start3A_64] : memref<2x40x128xi32, #tpu.memory_space<hbm>> -> memref<1x40x128xi32, #tpu.memory_space<hbm>>
    %dma_start3A_66 = tpu.memref_squeeze %dma_start3A_65 : memref<1x40x128xi32, #tpu.memory_space<hbm>> -> memref<40x128xi32, #tpu.memory_space<hbm>>
    tpu.enqueue_dma source(%dma_start3A_66 : memref<40x128xi32, #tpu.memory_space<hbm>>) target(%arg11 : memref<40x128xi32, #tpu.memory_space<vmem>>) target_semaphore(%arg18 : memref<!tpu.dma_semaphore, #tpu.memory_space<semaphore_mem>>)
    %dma_wait3A = arith.constant 0 : i32
    %dma_wait3A_67 = arith.constant 0 : i32
    %dma_wait3A_68 = arith.constant 0 : i32
    %dma_wait3A_69 = arith.constant 0 : i32
    %dma_wait3A_70 = tpu.memref_slice %arg2[%add3A, %dma_wait3A_67, %dma_wait3A_68, %dma_wait3A_69] : memref<32x2x40x128xi32, #tpu.memory_space<hbm>> -> memref<1x2x40x128xi32, #tpu.memory_space<hbm>>
    %dma_wait3A_71 = tpu.memref_squeeze %dma_wait3A_70 : memref<1x2x40x128xi32, #tpu.memory_space<hbm>> -> memref<2x40x128xi32, #tpu.memory_space<hbm>>
    %dma_wait3A_72 = arith.constant 0 : i32
    %dma_wait3A_73 = arith.constant 0 : i32
    %dma_wait3A_74 = tpu.memref_slice %dma_wait3A_71[%dma_wait3A, %dma_wait3A_72, %dma_wait3A_73] : memref<2x40x128xi32, #tpu.memory_space<hbm>> -> memref<1x40x128xi32, #tpu.memory_space<hbm>>
    %dma_wait3A_75 = tpu.memref_squeeze %dma_wait3A_74 : memref<1x40x128xi32, #tpu.memory_space<hbm>> -> memref<40x128xi32, #tpu.memory_space<hbm>>
    %dma_wait3A_76 = arith.constant 0 : i32
    %dma_wait3A_77 = arith.constant 0 : i32
    %dma_wait3A_78 = arith.constant 0 : i32
    %dma_wait3A_79 = tpu.memref_slice %arg2[%add3A, %dma_wait3A_76, %dma_wait3A_77, %dma_wait3A_78] : memref<32x2x40x128xi32, #tpu.memory_space<hbm>> -> memref<1x2x40x128xi32, #tpu.memory_space<hbm>>
    %dma_wait3A_80 = tpu.memref_squeeze %dma_wait3A_79 : memref<1x2x40x128xi32, #tpu.memory_space<hbm>> -> memref<2x40x128xi32, #tpu.memory_space<hbm>>
    %dma_wait3A_81 = arith.constant 0 : i32
    %dma_wait3A_82 = arith.constant 0 : i32
    %dma_wait3A_83 = tpu.memref_slice %dma_wait3A_80[%dma_wait3A, %dma_wait3A_81, %dma_wait3A_82] : memref<2x40x128xi32, #tpu.memory_space<hbm>> -> memref<1x40x128xi32, #tpu.memory_space<hbm>>
    %dma_wait3A_84 = tpu.memref_squeeze %dma_wait3A_83 : memref<1x40x128xi32, #tpu.memory_space<hbm>> -> memref<40x128xi32, #tpu.memory_space<hbm>>
    tpu.wait_dma2 semaphore(%arg18 : memref<!tpu.dma_semaphore, #tpu.memory_space<semaphore_mem>>) src(%dma_wait3A_84 : memref<40x128xi32, #tpu.memory_space<hbm>>) dst(%arg11 : memref<40x128xi32, #tpu.memory_space<vmem>>)
    %dma_start3A_85 = arith.constant 1 : i32
    %dma_start3A_86 = arith.constant 0 : i32
    %dma_start3A_87 = arith.constant 0 : i32
    %dma_start3A_88 = arith.constant 0 : i32
    %dma_start3A_89 = tpu.memref_slice %arg2[%add3A, %dma_start3A_86, %dma_start3A_87, %dma_start3A_88] : memref<32x2x40x128xi32, #tpu.memory_space<hbm>> -> memref<1x2x40x128xi32, #tpu.memory_space<hbm>>
    %dma_start3A_90 = tpu.memref_squeeze %dma_start3A_89 : memref<1x2x40x128xi32, #tpu.memory_space<hbm>> -> memref<2x40x128xi32, #tpu.memory_space<hbm>>
    %dma_start3A_91 = arith.constant 0 : i32
    %dma_start3A_92 = arith.constant 0 : i32
    %dma_start3A_93 = tpu.memref_slice %dma_start3A_90[%dma_start3A_85, %dma_start3A_91, %dma_start3A_92] : memref<2x40x128xi32, #tpu.memory_space<hbm>> -> memref<1x40x128xi32, #tpu.memory_space<hbm>>
    %dma_start3A_94 = tpu.memref_squeeze %dma_start3A_93 : memref<1x40x128xi32, #tpu.memory_space<hbm>> -> memref<40x128xi32, #tpu.memory_space<hbm>>
    %dma_start3A_95 = arith.constant 0 : i32
    %dma_start3A_96 = arith.constant 0 : i32
    %dma_start3A_97 = arith.constant 0 : i32
    %dma_start3A_98 = tpu.memref_slice %arg2[%add3A, %dma_start3A_95, %dma_start3A_96, %dma_start3A_97] : memref<32x2x40x128xi32, #tpu.memory_space<hbm>> -> memref<1x2x40x128xi32, #tpu.memory_space<hbm>>
    %dma_start3A_99 = tpu.memref_squeeze %dma_start3A_98 : memref<1x2x40x128xi32, #tpu.memory_space<hbm>> -> memref<2x40x128xi32, #tpu.memory_space<hbm>>
    %dma_start3A_100 = arith.constant 0 : i32
    %dma_start3A_101 = arith.constant 0 : i32
    %dma_start3A_102 = tpu.memref_slice %dma_start3A_99[%dma_start3A_85, %dma_start3A_100, %dma_start3A_101] : memref<2x40x128xi32, #tpu.memory_space<hbm>> -> memref<1x40x128xi32, #tpu.memory_space<hbm>>
    %dma_start3A_103 = tpu.memref_squeeze %dma_start3A_102 : memref<1x40x128xi32, #tpu.memory_space<hbm>> -> memref<40x128xi32, #tpu.memory_space<hbm>>
    tpu.enqueue_dma source(%dma_start3A_103 : memref<40x128xi32, #tpu.memory_space<hbm>>) target(%arg12 : memref<40x128xi32, #tpu.memory_space<vmem>>) target_semaphore(%arg19 : memref<!tpu.dma_semaphore, #tpu.memory_space<semaphore_mem>>)
    %scan3A = arith.constant 0 : i32
    %scan3A_104 = arith.constant 40 : i32
    %scan3A_105 = arith.addi %scan3A, %scan3A_104 : i32
    %scan3A_106 = arith.constant 1 : i32
    scf.for %scan3A_431 = %scan3A to %scan3A_105 step %scan3A_106  : i32 {
      %dma_start3A_432 = arith.constant 0 : i32
      %dma_start3A_433 = tpu.memref_slice %arg11[%scan3A_431, %dma_start3A_432] : memref<40x128xi32, #tpu.memory_space<vmem>> -> memref<1x128xi32, #tpu.memory_space<vmem>>
      %dma_start3A_434 = tpu.memref_squeeze %dma_start3A_433 : memref<1x128xi32, #tpu.memory_space<vmem>> -> memref<128xi32, #tpu.memory_space<vmem>>
      %dma_start3A_435 = arith.constant 0 : i32
      %dma_start3A_436 = tpu.memref_slice %arg14[%dma_start3A_435] : memref<10240xf32, #tpu.memory_space<vmem_shared>> -> memref<10240xf32, #tpu.memory_space<vmem_shared>>
      tpu.enqueue_indirect_dma source(%arg13 : memref<128xf32, #tpu.memory_space<vmem>>) target(%dma_start3A_436 : memref<10240xf32, #tpu.memory_space<vmem_shared>>) offsets(%dma_start3A_434 : memref<128xi32, #tpu.memory_space<vmem>>) semaphore(%arg20 : memref<!tpu.dma_semaphore, #tpu.memory_space<semaphore_mem>>) {add = true}
    }
    %scan3A_107 = arith.constant 40 : i32
    %scan3A_108 = arith.constant 0 : i32
    %scan3A_109 = arith.constant 40 : i32
    %scan3A_110 = arith.addi %scan3A_108, %scan3A_109 : i32
    %scan3A_111 = arith.constant 1 : i32
    scf.for %scan3A_431 = %scan3A_108 to %scan3A_110 step %scan3A_111  : i32 {
      %dma_wait3A_432 = arith.constant 0 : i32
      %dma_wait3A_433 = arith.constant 0 : i32
      %dma_wait3A_434 = tpu.memref_slice %arg11[%dma_wait3A_432, %dma_wait3A_433] : memref<40x128xi32, #tpu.memory_space<vmem>> -> memref<1x128xi32, #tpu.memory_space<vmem>>
      %dma_wait3A_435 = tpu.memref_squeeze %dma_wait3A_434 : memref<1x128xi32, #tpu.memory_space<vmem>> -> memref<128xi32, #tpu.memory_space<vmem>>
      %dma_wait3A_436 = arith.constant 0 : i32
      %dma_wait3A_437 = tpu.memref_slice %arg14[%dma_wait3A_436] : memref<10240xf32, #tpu.memory_space<vmem_shared>> -> memref<10240xf32, #tpu.memory_space<vmem_shared>>
      tpu.wait_indirect_dma semaphore(%arg20 : memref<!tpu.dma_semaphore, #tpu.memory_space<semaphore_mem>>) src(%arg13 : memref<128xf32, #tpu.memory_space<vmem>>) dst(%dma_wait3A_437 : memref<10240xf32, #tpu.memory_space<vmem_shared>>)
    }
    %scan3A_112 = arith.constant 40 : i32
    %dma_wait3A_113 = arith.constant 1 : i32
    %dma_wait3A_114 = arith.constant 0 : i32
    %dma_wait3A_115 = arith.constant 0 : i32
    %dma_wait3A_116 = arith.constant 0 : i32
    %dma_wait3A_117 = tpu.memref_slice %arg2[%add3A, %dma_wait3A_114, %dma_wait3A_115, %dma_wait3A_116] : memref<32x2x40x128xi32, #tpu.memory_space<hbm>> -> memref<1x2x40x128xi32, #tpu.memory_space<hbm>>
    %dma_wait3A_118 = tpu.memref_squeeze %dma_wait3A_117 : memref<1x2x40x128xi32, #tpu.memory_space<hbm>> -> memref<2x40x128xi32, #tpu.memory_space<hbm>>
    %dma_wait3A_119 = arith.constant 0 : i32
    %dma_wait3A_120 = arith.constant 0 : i32
    %dma_wait3A_121 = tpu.memref_slice %dma_wait3A_118[%dma_wait3A_113, %dma_wait3A_119, %dma_wait3A_120] : memref<2x40x128xi32, #tpu.memory_space<hbm>> -> memref<1x40x128xi32, #tpu.memory_space<hbm>>
    %dma_wait3A_122 = tpu.memref_squeeze %dma_wait3A_121 : memref<1x40x128xi32, #tpu.memory_space<hbm>> -> memref<40x128xi32, #tpu.memory_space<hbm>>
    %dma_wait3A_123 = arith.constant 0 : i32
    %dma_wait3A_124 = arith.constant 0 : i32
    %dma_wait3A_125 = arith.constant 0 : i32
    %dma_wait3A_126 = tpu.memref_slice %arg2[%add3A, %dma_wait3A_123, %dma_wait3A_124, %dma_wait3A_125] : memref<32x2x40x128xi32, #tpu.memory_space<hbm>> -> memref<1x2x40x128xi32, #tpu.memory_space<hbm>>
    %dma_wait3A_127 = tpu.memref_squeeze %dma_wait3A_126 : memref<1x2x40x128xi32, #tpu.memory_space<hbm>> -> memref<2x40x128xi32, #tpu.memory_space<hbm>>
    %dma_wait3A_128 = arith.constant 0 : i32
    %dma_wait3A_129 = arith.constant 0 : i32
    %dma_wait3A_130 = tpu.memref_slice %dma_wait3A_127[%dma_wait3A_113, %dma_wait3A_128, %dma_wait3A_129] : memref<2x40x128xi32, #tpu.memory_space<hbm>> -> memref<1x40x128xi32, #tpu.memory_space<hbm>>
    %dma_wait3A_131 = tpu.memref_squeeze %dma_wait3A_130 : memref<1x40x128xi32, #tpu.memory_space<hbm>> -> memref<40x128xi32, #tpu.memory_space<hbm>>
    tpu.wait_dma2 semaphore(%arg19 : memref<!tpu.dma_semaphore, #tpu.memory_space<semaphore_mem>>) src(%dma_wait3A_131 : memref<40x128xi32, #tpu.memory_space<hbm>>) dst(%arg12 : memref<40x128xi32, #tpu.memory_space<vmem>>)
    %dma_start3A_132 = arith.constant 0 : i32
    %dma_start3A_133 = arith.constant 0 : i32
    %dma_start3A_134 = arith.constant 0 : i32
    %dma_start3A_135 = arith.constant 0 : i32
    %dma_start3A_136 = tpu.memref_slice %arg3[%add3A, %dma_start3A_133, %dma_start3A_134, %dma_start3A_135] : memref<32x2x40x128xi32, #tpu.memory_space<hbm>> -> memref<1x2x40x128xi32, #tpu.memory_space<hbm>>
    %dma_start3A_137 = tpu.memref_squeeze %dma_start3A_136 : memref<1x2x40x128xi32, #tpu.memory_space<hbm>> -> memref<2x40x128xi32, #tpu.memory_space<hbm>>
    %dma_start3A_138 = arith.constant 0 : i32
    %dma_start3A_139 = arith.constant 0 : i32
    %dma_start3A_140 = tpu.memref_slice %dma_start3A_137[%dma_start3A_132, %dma_start3A_138, %dma_start3A_139] : memref<2x40x128xi32, #tpu.memory_space<hbm>> -> memref<1x40x128xi32, #tpu.memory_space<hbm>>
    %dma_start3A_141 = tpu.memref_squeeze %dma_start3A_140 : memref<1x40x128xi32, #tpu.memory_space<hbm>> -> memref<40x128xi32, #tpu.memory_space<hbm>>
    %dma_start3A_142 = arith.constant 0 : i32
    %dma_start3A_143 = arith.constant 0 : i32
    %dma_start3A_144 = arith.constant 0 : i32
    %dma_start3A_145 = tpu.memref_slice %arg3[%add3A, %dma_start3A_142, %dma_start3A_143, %dma_start3A_144] : memref<32x2x40x128xi32, #tpu.memory_space<hbm>> -> memref<1x2x40x128xi32, #tpu.memory_space<hbm>>
    %dma_start3A_146 = tpu.memref_squeeze %dma_start3A_145 : memref<1x2x40x128xi32, #tpu.memory_space<hbm>> -> memref<2x40x128xi32, #tpu.memory_space<hbm>>
    %dma_start3A_147 = arith.constant 0 : i32
    %dma_start3A_148 = arith.constant 0 : i32
    %dma_start3A_149 = tpu.memref_slice %dma_start3A_146[%dma_start3A_132, %dma_start3A_147, %dma_start3A_148] : memref<2x40x128xi32, #tpu.memory_space<hbm>> -> memref<1x40x128xi32, #tpu.memory_space<hbm>>
    %dma_start3A_150 = tpu.memref_squeeze %dma_start3A_149 : memref<1x40x128xi32, #tpu.memory_space<hbm>> -> memref<40x128xi32, #tpu.memory_space<hbm>>
    tpu.enqueue_dma source(%dma_start3A_150 : memref<40x128xi32, #tpu.memory_space<hbm>>) target(%arg11 : memref<40x128xi32, #tpu.memory_space<vmem>>) target_semaphore(%arg18 : memref<!tpu.dma_semaphore, #tpu.memory_space<semaphore_mem>>)
    %scan3A_151 = arith.constant 0 : i32
    %scan3A_152 = arith.constant 40 : i32
    %scan3A_153 = arith.addi %scan3A_151, %scan3A_152 : i32
    %scan3A_154 = arith.constant 1 : i32
    scf.for %scan3A_431 = %scan3A_151 to %scan3A_153 step %scan3A_154  : i32 {
      %dma_start3A_432 = arith.constant 0 : i32
      %dma_start3A_433 = tpu.memref_slice %arg12[%scan3A_431, %dma_start3A_432] : memref<40x128xi32, #tpu.memory_space<vmem>> -> memref<1x128xi32, #tpu.memory_space<vmem>>
      %dma_start3A_434 = tpu.memref_squeeze %dma_start3A_433 : memref<1x128xi32, #tpu.memory_space<vmem>> -> memref<128xi32, #tpu.memory_space<vmem>>
      %dma_start3A_435 = arith.constant 0 : i32
      %dma_start3A_436 = tpu.memref_slice %arg14[%dma_start3A_435] : memref<10240xf32, #tpu.memory_space<vmem_shared>> -> memref<10240xf32, #tpu.memory_space<vmem_shared>>
      tpu.enqueue_indirect_dma source(%arg13 : memref<128xf32, #tpu.memory_space<vmem>>) target(%dma_start3A_436 : memref<10240xf32, #tpu.memory_space<vmem_shared>>) offsets(%dma_start3A_434 : memref<128xi32, #tpu.memory_space<vmem>>) semaphore(%arg20 : memref<!tpu.dma_semaphore, #tpu.memory_space<semaphore_mem>>) {add = true}
    }
    %scan3A_155 = arith.constant 40 : i32
    %scan3A_156 = arith.constant 0 : i32
    %scan3A_157 = arith.constant 40 : i32
    %scan3A_158 = arith.addi %scan3A_156, %scan3A_157 : i32
    %scan3A_159 = arith.constant 1 : i32
    scf.for %scan3A_431 = %scan3A_156 to %scan3A_158 step %scan3A_159  : i32 {
      %dma_wait3A_432 = arith.constant 0 : i32
      %dma_wait3A_433 = arith.constant 0 : i32
      %dma_wait3A_434 = tpu.memref_slice %arg12[%dma_wait3A_432, %dma_wait3A_433] : memref<40x128xi32, #tpu.memory_space<vmem>> -> memref<1x128xi32, #tpu.memory_space<vmem>>
      %dma_wait3A_435 = tpu.memref_squeeze %dma_wait3A_434 : memref<1x128xi32, #tpu.memory_space<vmem>> -> memref<128xi32, #tpu.memory_space<vmem>>
      %dma_wait3A_436 = arith.constant 0 : i32
      %dma_wait3A_437 = tpu.memref_slice %arg14[%dma_wait3A_436] : memref<10240xf32, #tpu.memory_space<vmem_shared>> -> memref<10240xf32, #tpu.memory_space<vmem_shared>>
      tpu.wait_indirect_dma semaphore(%arg20 : memref<!tpu.dma_semaphore, #tpu.memory_space<semaphore_mem>>) src(%arg13 : memref<128xf32, #tpu.memory_space<vmem>>) dst(%dma_wait3A_437 : memref<10240xf32, #tpu.memory_space<vmem_shared>>)
    }
    %scan3A_160 = arith.constant 40 : i32
    %dma_wait3A_161 = arith.constant 0 : i32
    %dma_wait3A_162 = arith.constant 0 : i32
    %dma_wait3A_163 = arith.constant 0 : i32
    %dma_wait3A_164 = arith.constant 0 : i32
    %dma_wait3A_165 = tpu.memref_slice %arg3[%add3A, %dma_wait3A_162, %dma_wait3A_163, %dma_wait3A_164] : memref<32x2x40x128xi32, #tpu.memory_space<hbm>> -> memref<1x2x40x128xi32, #tpu.memory_space<hbm>>
    %dma_wait3A_166 = tpu.memref_squeeze %dma_wait3A_165 : memref<1x2x40x128xi32, #tpu.memory_space<hbm>> -> memref<2x40x128xi32, #tpu.memory_space<hbm>>
    %dma_wait3A_167 = arith.constant 0 : i32
    %dma_wait3A_168 = arith.constant 0 : i32
    %dma_wait3A_169 = tpu.memref_slice %dma_wait3A_166[%dma_wait3A_161, %dma_wait3A_167, %dma_wait3A_168] : memref<2x40x128xi32, #tpu.memory_space<hbm>> -> memref<1x40x128xi32, #tpu.memory_space<hbm>>
    %dma_wait3A_170 = tpu.memref_squeeze %dma_wait3A_169 : memref<1x40x128xi32, #tpu.memory_space<hbm>> -> memref<40x128xi32, #tpu.memory_space<hbm>>
    %dma_wait3A_171 = arith.constant 0 : i32
    %dma_wait3A_172 = arith.constant 0 : i32
    %dma_wait3A_173 = arith.constant 0 : i32
    %dma_wait3A_174 = tpu.memref_slice %arg3[%add3A, %dma_wait3A_171, %dma_wait3A_172, %dma_wait3A_173] : memref<32x2x40x128xi32, #tpu.memory_space<hbm>> -> memref<1x2x40x128xi32, #tpu.memory_space<hbm>>
    %dma_wait3A_175 = tpu.memref_squeeze %dma_wait3A_174 : memref<1x2x40x128xi32, #tpu.memory_space<hbm>> -> memref<2x40x128xi32, #tpu.memory_space<hbm>>
    %dma_wait3A_176 = arith.constant 0 : i32
    %dma_wait3A_177 = arith.constant 0 : i32
    %dma_wait3A_178 = tpu.memref_slice %dma_wait3A_175[%dma_wait3A_161, %dma_wait3A_176, %dma_wait3A_177] : memref<2x40x128xi32, #tpu.memory_space<hbm>> -> memref<1x40x128xi32, #tpu.memory_space<hbm>>
    %dma_wait3A_179 = tpu.memref_squeeze %dma_wait3A_178 : memref<1x40x128xi32, #tpu.memory_space<hbm>> -> memref<40x128xi32, #tpu.memory_space<hbm>>
    tpu.wait_dma2 semaphore(%arg18 : memref<!tpu.dma_semaphore, #tpu.memory_space<semaphore_mem>>) src(%dma_wait3A_179 : memref<40x128xi32, #tpu.memory_space<hbm>>) dst(%arg11 : memref<40x128xi32, #tpu.memory_space<vmem>>)
    %dma_start3A_180 = arith.constant 1 : i32
    %dma_start3A_181 = arith.constant 0 : i32
    %dma_start3A_182 = arith.constant 0 : i32
    %dma_start3A_183 = arith.constant 0 : i32
    %dma_start3A_184 = tpu.memref_slice %arg3[%add3A, %dma_start3A_181, %dma_start3A_182, %dma_start3A_183] : memref<32x2x40x128xi32, #tpu.memory_space<hbm>> -> memref<1x2x40x128xi32, #tpu.memory_space<hbm>>
    %dma_start3A_185 = tpu.memref_squeeze %dma_start3A_184 : memref<1x2x40x128xi32, #tpu.memory_space<hbm>> -> memref<2x40x128xi32, #tpu.memory_space<hbm>>
    %dma_start3A_186 = arith.constant 0 : i32
    %dma_start3A_187 = arith.constant 0 : i32
    %dma_start3A_188 = tpu.memref_slice %dma_start3A_185[%dma_start3A_180, %dma_start3A_186, %dma_start3A_187] : memref<2x40x128xi32, #tpu.memory_space<hbm>> -> memref<1x40x128xi32, #tpu.memory_space<hbm>>
    %dma_start3A_189 = tpu.memref_squeeze %dma_start3A_188 : memref<1x40x128xi32, #tpu.memory_space<hbm>> -> memref<40x128xi32, #tpu.memory_space<hbm>>
    %dma_start3A_190 = arith.constant 0 : i32
    %dma_start3A_191 = arith.constant 0 : i32
    %dma_start3A_192 = arith.constant 0 : i32
    %dma_start3A_193 = tpu.memref_slice %arg3[%add3A, %dma_start3A_190, %dma_start3A_191, %dma_start3A_192] : memref<32x2x40x128xi32, #tpu.memory_space<hbm>> -> memref<1x2x40x128xi32, #tpu.memory_space<hbm>>
    %dma_start3A_194 = tpu.memref_squeeze %dma_start3A_193 : memref<1x2x40x128xi32, #tpu.memory_space<hbm>> -> memref<2x40x128xi32, #tpu.memory_space<hbm>>
    %dma_start3A_195 = arith.constant 0 : i32
    %dma_start3A_196 = arith.constant 0 : i32
    %dma_start3A_197 = tpu.memref_slice %dma_start3A_194[%dma_start3A_180, %dma_start3A_195, %dma_start3A_196] : memref<2x40x128xi32, #tpu.memory_space<hbm>> -> memref<1x40x128xi32, #tpu.memory_space<hbm>>
    %dma_start3A_198 = tpu.memref_squeeze %dma_start3A_197 : memref<1x40x128xi32, #tpu.memory_space<hbm>> -> memref<40x128xi32, #tpu.memory_space<hbm>>
    tpu.enqueue_dma source(%dma_start3A_198 : memref<40x128xi32, #tpu.memory_space<hbm>>) target(%arg12 : memref<40x128xi32, #tpu.memory_space<vmem>>) target_semaphore(%arg19 : memref<!tpu.dma_semaphore, #tpu.memory_space<semaphore_mem>>)
    %scan3A_199 = arith.constant 0 : i32
    %scan3A_200 = arith.constant 40 : i32
    %scan3A_201 = arith.addi %scan3A_199, %scan3A_200 : i32
    %scan3A_202 = arith.constant 1 : i32
    scf.for %scan3A_431 = %scan3A_199 to %scan3A_201 step %scan3A_202  : i32 {
      %dma_start3A_432 = arith.constant 0 : i32
      %dma_start3A_433 = tpu.memref_slice %arg11[%scan3A_431, %dma_start3A_432] : memref<40x128xi32, #tpu.memory_space<vmem>> -> memref<1x128xi32, #tpu.memory_space<vmem>>
      %dma_start3A_434 = tpu.memref_squeeze %dma_start3A_433 : memref<1x128xi32, #tpu.memory_space<vmem>> -> memref<128xi32, #tpu.memory_space<vmem>>
      %dma_start3A_435 = arith.constant 0 : i32
      %dma_start3A_436 = tpu.memref_slice %arg15[%dma_start3A_435] : memref<10240xf32, #tpu.memory_space<vmem_shared>> -> memref<10240xf32, #tpu.memory_space<vmem_shared>>
      tpu.enqueue_indirect_dma source(%arg13 : memref<128xf32, #tpu.memory_space<vmem>>) target(%dma_start3A_436 : memref<10240xf32, #tpu.memory_space<vmem_shared>>) offsets(%dma_start3A_434 : memref<128xi32, #tpu.memory_space<vmem>>) semaphore(%arg20 : memref<!tpu.dma_semaphore, #tpu.memory_space<semaphore_mem>>) {add = true}
    }
    %scan3A_203 = arith.constant 40 : i32
    %scan3A_204 = arith.constant 0 : i32
    %scan3A_205 = arith.constant 40 : i32
    %scan3A_206 = arith.addi %scan3A_204, %scan3A_205 : i32
    %scan3A_207 = arith.constant 1 : i32
    scf.for %scan3A_431 = %scan3A_204 to %scan3A_206 step %scan3A_207  : i32 {
      %dma_wait3A_432 = arith.constant 0 : i32
      %dma_wait3A_433 = arith.constant 0 : i32
      %dma_wait3A_434 = tpu.memref_slice %arg11[%dma_wait3A_432, %dma_wait3A_433] : memref<40x128xi32, #tpu.memory_space<vmem>> -> memref<1x128xi32, #tpu.memory_space<vmem>>
      %dma_wait3A_435 = tpu.memref_squeeze %dma_wait3A_434 : memref<1x128xi32, #tpu.memory_space<vmem>> -> memref<128xi32, #tpu.memory_space<vmem>>
      %dma_wait3A_436 = arith.constant 0 : i32
      %dma_wait3A_437 = tpu.memref_slice %arg15[%dma_wait3A_436] : memref<10240xf32, #tpu.memory_space<vmem_shared>> -> memref<10240xf32, #tpu.memory_space<vmem_shared>>
      tpu.wait_indirect_dma semaphore(%arg20 : memref<!tpu.dma_semaphore, #tpu.memory_space<semaphore_mem>>) src(%arg13 : memref<128xf32, #tpu.memory_space<vmem>>) dst(%dma_wait3A_437 : memref<10240xf32, #tpu.memory_space<vmem_shared>>)
    }
    %scan3A_208 = arith.constant 40 : i32
    %dma_wait3A_209 = arith.constant 1 : i32
    %dma_wait3A_210 = arith.constant 0 : i32
    %dma_wait3A_211 = arith.constant 0 : i32
    %dma_wait3A_212 = arith.constant 0 : i32
    %dma_wait3A_213 = tpu.memref_slice %arg3[%add3A, %dma_wait3A_210, %dma_wait3A_211, %dma_wait3A_212] : memref<32x2x40x128xi32, #tpu.memory_space<hbm>> -> memref<1x2x40x128xi32, #tpu.memory_space<hbm>>
    %dma_wait3A_214 = tpu.memref_squeeze %dma_wait3A_213 : memref<1x2x40x128xi32, #tpu.memory_space<hbm>> -> memref<2x40x128xi32, #tpu.memory_space<hbm>>
    %dma_wait3A_215 = arith.constant 0 : i32
    %dma_wait3A_216 = arith.constant 0 : i32
    %dma_wait3A_217 = tpu.memref_slice %dma_wait3A_214[%dma_wait3A_209, %dma_wait3A_215, %dma_wait3A_216] : memref<2x40x128xi32, #tpu.memory_space<hbm>> -> memref<1x40x128xi32, #tpu.memory_space<hbm>>
    %dma_wait3A_218 = tpu.memref_squeeze %dma_wait3A_217 : memref<1x40x128xi32, #tpu.memory_space<hbm>> -> memref<40x128xi32, #tpu.memory_space<hbm>>
    %dma_wait3A_219 = arith.constant 0 : i32
    %dma_wait3A_220 = arith.constant 0 : i32
    %dma_wait3A_221 = arith.constant 0 : i32
    %dma_wait3A_222 = tpu.memref_slice %arg3[%add3A, %dma_wait3A_219, %dma_wait3A_220, %dma_wait3A_221] : memref<32x2x40x128xi32, #tpu.memory_space<hbm>> -> memref<1x2x40x128xi32, #tpu.memory_space<hbm>>
    %dma_wait3A_223 = tpu.memref_squeeze %dma_wait3A_222 : memref<1x2x40x128xi32, #tpu.memory_space<hbm>> -> memref<2x40x128xi32, #tpu.memory_space<hbm>>
    %dma_wait3A_224 = arith.constant 0 : i32
    %dma_wait3A_225 = arith.constant 0 : i32
    %dma_wait3A_226 = tpu.memref_slice %dma_wait3A_223[%dma_wait3A_209, %dma_wait3A_224, %dma_wait3A_225] : memref<2x40x128xi32, #tpu.memory_space<hbm>> -> memref<1x40x128xi32, #tpu.memory_space<hbm>>
    %dma_wait3A_227 = tpu.memref_squeeze %dma_wait3A_226 : memref<1x40x128xi32, #tpu.memory_space<hbm>> -> memref<40x128xi32, #tpu.memory_space<hbm>>
    tpu.wait_dma2 semaphore(%arg19 : memref<!tpu.dma_semaphore, #tpu.memory_space<semaphore_mem>>) src(%dma_wait3A_227 : memref<40x128xi32, #tpu.memory_space<hbm>>) dst(%arg12 : memref<40x128xi32, #tpu.memory_space<vmem>>)
    %dma_start3A_228 = arith.constant 0 : i32
    %dma_start3A_229 = arith.constant 0 : i32
    %dma_start3A_230 = arith.constant 0 : i32
    %dma_start3A_231 = arith.constant 0 : i32
    %dma_start3A_232 = tpu.memref_slice %arg4[%add3A, %dma_start3A_229, %dma_start3A_230, %dma_start3A_231] : memref<32x2x40x128xi32, #tpu.memory_space<hbm>> -> memref<1x2x40x128xi32, #tpu.memory_space<hbm>>
    %dma_start3A_233 = tpu.memref_squeeze %dma_start3A_232 : memref<1x2x40x128xi32, #tpu.memory_space<hbm>> -> memref<2x40x128xi32, #tpu.memory_space<hbm>>
    %dma_start3A_234 = arith.constant 0 : i32
    %dma_start3A_235 = arith.constant 0 : i32
    %dma_start3A_236 = tpu.memref_slice %dma_start3A_233[%dma_start3A_228, %dma_start3A_234, %dma_start3A_235] : memref<2x40x128xi32, #tpu.memory_space<hbm>> -> memref<1x40x128xi32, #tpu.memory_space<hbm>>
    %dma_start3A_237 = tpu.memref_squeeze %dma_start3A_236 : memref<1x40x128xi32, #tpu.memory_space<hbm>> -> memref<40x128xi32, #tpu.memory_space<hbm>>
    %dma_start3A_238 = arith.constant 0 : i32
    %dma_start3A_239 = arith.constant 0 : i32
    %dma_start3A_240 = arith.constant 0 : i32
    %dma_start3A_241 = tpu.memref_slice %arg4[%add3A, %dma_start3A_238, %dma_start3A_239, %dma_start3A_240] : memref<32x2x40x128xi32, #tpu.memory_space<hbm>> -> memref<1x2x40x128xi32, #tpu.memory_space<hbm>>
    %dma_start3A_242 = tpu.memref_squeeze %dma_start3A_241 : memref<1x2x40x128xi32, #tpu.memory_space<hbm>> -> memref<2x40x128xi32, #tpu.memory_space<hbm>>
    %dma_start3A_243 = arith.constant 0 : i32
    %dma_start3A_244 = arith.constant 0 : i32
    %dma_start3A_245 = tpu.memref_slice %dma_start3A_242[%dma_start3A_228, %dma_start3A_243, %dma_start3A_244] : memref<2x40x128xi32, #tpu.memory_space<hbm>> -> memref<1x40x128xi32, #tpu.memory_space<hbm>>
    %dma_start3A_246 = tpu.memref_squeeze %dma_start3A_245 : memref<1x40x128xi32, #tpu.memory_space<hbm>> -> memref<40x128xi32, #tpu.memory_space<hbm>>
    tpu.enqueue_dma source(%dma_start3A_246 : memref<40x128xi32, #tpu.memory_space<hbm>>) target(%arg11 : memref<40x128xi32, #tpu.memory_space<vmem>>) target_semaphore(%arg18 : memref<!tpu.dma_semaphore, #tpu.memory_space<semaphore_mem>>)
    %scan3A_247 = arith.constant 0 : i32
    %scan3A_248 = arith.constant 40 : i32
    %scan3A_249 = arith.addi %scan3A_247, %scan3A_248 : i32
    %scan3A_250 = arith.constant 1 : i32
    scf.for %scan3A_431 = %scan3A_247 to %scan3A_249 step %scan3A_250  : i32 {
      %dma_start3A_432 = arith.constant 0 : i32
      %dma_start3A_433 = tpu.memref_slice %arg12[%scan3A_431, %dma_start3A_432] : memref<40x128xi32, #tpu.memory_space<vmem>> -> memref<1x128xi32, #tpu.memory_space<vmem>>
      %dma_start3A_434 = tpu.memref_squeeze %dma_start3A_433 : memref<1x128xi32, #tpu.memory_space<vmem>> -> memref<128xi32, #tpu.memory_space<vmem>>
      %dma_start3A_435 = arith.constant 0 : i32
      %dma_start3A_436 = tpu.memref_slice %arg15[%dma_start3A_435] : memref<10240xf32, #tpu.memory_space<vmem_shared>> -> memref<10240xf32, #tpu.memory_space<vmem_shared>>
      tpu.enqueue_indirect_dma source(%arg13 : memref<128xf32, #tpu.memory_space<vmem>>) target(%dma_start3A_436 : memref<10240xf32, #tpu.memory_space<vmem_shared>>) offsets(%dma_start3A_434 : memref<128xi32, #tpu.memory_space<vmem>>) semaphore(%arg20 : memref<!tpu.dma_semaphore, #tpu.memory_space<semaphore_mem>>) {add = true}
    }
    %scan3A_251 = arith.constant 40 : i32
    %scan3A_252 = arith.constant 0 : i32
    %scan3A_253 = arith.constant 40 : i32
    %scan3A_254 = arith.addi %scan3A_252, %scan3A_253 : i32
    %scan3A_255 = arith.constant 1 : i32
    scf.for %scan3A_431 = %scan3A_252 to %scan3A_254 step %scan3A_255  : i32 {
      %dma_wait3A_432 = arith.constant 0 : i32
      %dma_wait3A_433 = arith.constant 0 : i32
      %dma_wait3A_434 = tpu.memref_slice %arg12[%dma_wait3A_432, %dma_wait3A_433] : memref<40x128xi32, #tpu.memory_space<vmem>> -> memref<1x128xi32, #tpu.memory_space<vmem>>
      %dma_wait3A_435 = tpu.memref_squeeze %dma_wait3A_434 : memref<1x128xi32, #tpu.memory_space<vmem>> -> memref<128xi32, #tpu.memory_space<vmem>>
      %dma_wait3A_436 = arith.constant 0 : i32
      %dma_wait3A_437 = tpu.memref_slice %arg15[%dma_wait3A_436] : memref<10240xf32, #tpu.memory_space<vmem_shared>> -> memref<10240xf32, #tpu.memory_space<vmem_shared>>
      tpu.wait_indirect_dma semaphore(%arg20 : memref<!tpu.dma_semaphore, #tpu.memory_space<semaphore_mem>>) src(%arg13 : memref<128xf32, #tpu.memory_space<vmem>>) dst(%dma_wait3A_437 : memref<10240xf32, #tpu.memory_space<vmem_shared>>)
    }
    %scan3A_256 = arith.constant 40 : i32
    %dma_wait3A_257 = arith.constant 0 : i32
    %dma_wait3A_258 = arith.constant 0 : i32
    %dma_wait3A_259 = arith.constant 0 : i32
    %dma_wait3A_260 = arith.constant 0 : i32
    %dma_wait3A_261 = tpu.memref_slice %arg4[%add3A, %dma_wait3A_258, %dma_wait3A_259, %dma_wait3A_260] : memref<32x2x40x128xi32, #tpu.memory_space<hbm>> -> memref<1x2x40x128xi32, #tpu.memory_space<hbm>>
    %dma_wait3A_262 = tpu.memref_squeeze %dma_wait3A_261 : memref<1x2x40x128xi32, #tpu.memory_space<hbm>> -> memref<2x40x128xi32, #tpu.memory_space<hbm>>
    %dma_wait3A_263 = arith.constant 0 : i32
    %dma_wait3A_264 = arith.constant 0 : i32
    %dma_wait3A_265 = tpu.memref_slice %dma_wait3A_262[%dma_wait3A_257, %dma_wait3A_263, %dma_wait3A_264] : memref<2x40x128xi32, #tpu.memory_space<hbm>> -> memref<1x40x128xi32, #tpu.memory_space<hbm>>
    %dma_wait3A_266 = tpu.memref_squeeze %dma_wait3A_265 : memref<1x40x128xi32, #tpu.memory_space<hbm>> -> memref<40x128xi32, #tpu.memory_space<hbm>>
    %dma_wait3A_267 = arith.constant 0 : i32
    %dma_wait3A_268 = arith.constant 0 : i32
    %dma_wait3A_269 = arith.constant 0 : i32
    %dma_wait3A_270 = tpu.memref_slice %arg4[%add3A, %dma_wait3A_267, %dma_wait3A_268, %dma_wait3A_269] : memref<32x2x40x128xi32, #tpu.memory_space<hbm>> -> memref<1x2x40x128xi32, #tpu.memory_space<hbm>>
    %dma_wait3A_271 = tpu.memref_squeeze %dma_wait3A_270 : memref<1x2x40x128xi32, #tpu.memory_space<hbm>> -> memref<2x40x128xi32, #tpu.memory_space<hbm>>
    %dma_wait3A_272 = arith.constant 0 : i32
    %dma_wait3A_273 = arith.constant 0 : i32
    %dma_wait3A_274 = tpu.memref_slice %dma_wait3A_271[%dma_wait3A_257, %dma_wait3A_272, %dma_wait3A_273] : memref<2x40x128xi32, #tpu.memory_space<hbm>> -> memref<1x40x128xi32, #tpu.memory_space<hbm>>
    %dma_wait3A_275 = tpu.memref_squeeze %dma_wait3A_274 : memref<1x40x128xi32, #tpu.memory_space<hbm>> -> memref<40x128xi32, #tpu.memory_space<hbm>>
    tpu.wait_dma2 semaphore(%arg18 : memref<!tpu.dma_semaphore, #tpu.memory_space<semaphore_mem>>) src(%dma_wait3A_275 : memref<40x128xi32, #tpu.memory_space<hbm>>) dst(%arg11 : memref<40x128xi32, #tpu.memory_space<vmem>>)
    %dma_start3A_276 = arith.constant 1 : i32
    %dma_start3A_277 = arith.constant 0 : i32
    %dma_start3A_278 = arith.constant 0 : i32
    %dma_start3A_279 = arith.constant 0 : i32
    %dma_start3A_280 = tpu.memref_slice %arg4[%add3A, %dma_start3A_277, %dma_start3A_278, %dma_start3A_279] : memref<32x2x40x128xi32, #tpu.memory_space<hbm>> -> memref<1x2x40x128xi32, #tpu.memory_space<hbm>>
    %dma_start3A_281 = tpu.memref_squeeze %dma_start3A_280 : memref<1x2x40x128xi32, #tpu.memory_space<hbm>> -> memref<2x40x128xi32, #tpu.memory_space<hbm>>
    %dma_start3A_282 = arith.constant 0 : i32
    %dma_start3A_283 = arith.constant 0 : i32
    %dma_start3A_284 = tpu.memref_slice %dma_start3A_281[%dma_start3A_276, %dma_start3A_282, %dma_start3A_283] : memref<2x40x128xi32, #tpu.memory_space<hbm>> -> memref<1x40x128xi32, #tpu.memory_space<hbm>>
    %dma_start3A_285 = tpu.memref_squeeze %dma_start3A_284 : memref<1x40x128xi32, #tpu.memory_space<hbm>> -> memref<40x128xi32, #tpu.memory_space<hbm>>
    %dma_start3A_286 = arith.constant 0 : i32
    %dma_start3A_287 = arith.constant 0 : i32
    %dma_start3A_288 = arith.constant 0 : i32
    %dma_start3A_289 = tpu.memref_slice %arg4[%add3A, %dma_start3A_286, %dma_start3A_287, %dma_start3A_288] : memref<32x2x40x128xi32, #tpu.memory_space<hbm>> -> memref<1x2x40x128xi32, #tpu.memory_space<hbm>>
    %dma_start3A_290 = tpu.memref_squeeze %dma_start3A_289 : memref<1x2x40x128xi32, #tpu.memory_space<hbm>> -> memref<2x40x128xi32, #tpu.memory_space<hbm>>
    %dma_start3A_291 = arith.constant 0 : i32
    %dma_start3A_292 = arith.constant 0 : i32
    %dma_start3A_293 = tpu.memref_slice %dma_start3A_290[%dma_start3A_276, %dma_start3A_291, %dma_start3A_292] : memref<2x40x128xi32, #tpu.memory_space<hbm>> -> memref<1x40x128xi32, #tpu.memory_space<hbm>>
    %dma_start3A_294 = tpu.memref_squeeze %dma_start3A_293 : memref<1x40x128xi32, #tpu.memory_space<hbm>> -> memref<40x128xi32, #tpu.memory_space<hbm>>
    tpu.enqueue_dma source(%dma_start3A_294 : memref<40x128xi32, #tpu.memory_space<hbm>>) target(%arg12 : memref<40x128xi32, #tpu.memory_space<vmem>>) target_semaphore(%arg19 : memref<!tpu.dma_semaphore, #tpu.memory_space<semaphore_mem>>)
    %scan3A_295 = arith.constant 0 : i32
    %scan3A_296 = arith.constant 40 : i32
    %scan3A_297 = arith.addi %scan3A_295, %scan3A_296 : i32
    %scan3A_298 = arith.constant 1 : i32
    scf.for %scan3A_431 = %scan3A_295 to %scan3A_297 step %scan3A_298  : i32 {
      %dma_start3A_432 = arith.constant 0 : i32
      %dma_start3A_433 = tpu.memref_slice %arg11[%scan3A_431, %dma_start3A_432] : memref<40x128xi32, #tpu.memory_space<vmem>> -> memref<1x128xi32, #tpu.memory_space<vmem>>
      %dma_start3A_434 = tpu.memref_squeeze %dma_start3A_433 : memref<1x128xi32, #tpu.memory_space<vmem>> -> memref<128xi32, #tpu.memory_space<vmem>>
      %dma_start3A_435 = arith.constant 0 : i32
      %dma_start3A_436 = tpu.memref_slice %arg16[%dma_start3A_435] : memref<10240xf32, #tpu.memory_space<vmem_shared>> -> memref<10240xf32, #tpu.memory_space<vmem_shared>>
      tpu.enqueue_indirect_dma source(%arg13 : memref<128xf32, #tpu.memory_space<vmem>>) target(%dma_start3A_436 : memref<10240xf32, #tpu.memory_space<vmem_shared>>) offsets(%dma_start3A_434 : memref<128xi32, #tpu.memory_space<vmem>>) semaphore(%arg20 : memref<!tpu.dma_semaphore, #tpu.memory_space<semaphore_mem>>) {add = true}
    }
    %scan3A_299 = arith.constant 40 : i32
    %scan3A_300 = arith.constant 0 : i32
    %scan3A_301 = arith.constant 40 : i32
    %scan3A_302 = arith.addi %scan3A_300, %scan3A_301 : i32
    %scan3A_303 = arith.constant 1 : i32
    scf.for %scan3A_431 = %scan3A_300 to %scan3A_302 step %scan3A_303  : i32 {
      %dma_wait3A_432 = arith.constant 0 : i32
      %dma_wait3A_433 = arith.constant 0 : i32
      %dma_wait3A_434 = tpu.memref_slice %arg11[%dma_wait3A_432, %dma_wait3A_433] : memref<40x128xi32, #tpu.memory_space<vmem>> -> memref<1x128xi32, #tpu.memory_space<vmem>>
      %dma_wait3A_435 = tpu.memref_squeeze %dma_wait3A_434 : memref<1x128xi32, #tpu.memory_space<vmem>> -> memref<128xi32, #tpu.memory_space<vmem>>
      %dma_wait3A_436 = arith.constant 0 : i32
      %dma_wait3A_437 = tpu.memref_slice %arg16[%dma_wait3A_436] : memref<10240xf32, #tpu.memory_space<vmem_shared>> -> memref<10240xf32, #tpu.memory_space<vmem_shared>>
      tpu.wait_indirect_dma semaphore(%arg20 : memref<!tpu.dma_semaphore, #tpu.memory_space<semaphore_mem>>) src(%arg13 : memref<128xf32, #tpu.memory_space<vmem>>) dst(%dma_wait3A_437 : memref<10240xf32, #tpu.memory_space<vmem_shared>>)
    }
    %scan3A_304 = arith.constant 40 : i32
    %dma_wait3A_305 = arith.constant 1 : i32
    %dma_wait3A_306 = arith.constant 0 : i32
    %dma_wait3A_307 = arith.constant 0 : i32
    %dma_wait3A_308 = arith.constant 0 : i32
    %dma_wait3A_309 = tpu.memref_slice %arg4[%add3A, %dma_wait3A_306, %dma_wait3A_307, %dma_wait3A_308] : memref<32x2x40x128xi32, #tpu.memory_space<hbm>> -> memref<1x2x40x128xi32, #tpu.memory_space<hbm>>
    %dma_wait3A_310 = tpu.memref_squeeze %dma_wait3A_309 : memref<1x2x40x128xi32, #tpu.memory_space<hbm>> -> memref<2x40x128xi32, #tpu.memory_space<hbm>>
    %dma_wait3A_311 = arith.constant 0 : i32
    %dma_wait3A_312 = arith.constant 0 : i32
    %dma_wait3A_313 = tpu.memref_slice %dma_wait3A_310[%dma_wait3A_305, %dma_wait3A_311, %dma_wait3A_312] : memref<2x40x128xi32, #tpu.memory_space<hbm>> -> memref<1x40x128xi32, #tpu.memory_space<hbm>>
    %dma_wait3A_314 = tpu.memref_squeeze %dma_wait3A_313 : memref<1x40x128xi32, #tpu.memory_space<hbm>> -> memref<40x128xi32, #tpu.memory_space<hbm>>
    %dma_wait3A_315 = arith.constant 0 : i32
    %dma_wait3A_316 = arith.constant 0 : i32
    %dma_wait3A_317 = arith.constant 0 : i32
    %dma_wait3A_318 = tpu.memref_slice %arg4[%add3A, %dma_wait3A_315, %dma_wait3A_316, %dma_wait3A_317] : memref<32x2x40x128xi32, #tpu.memory_space<hbm>> -> memref<1x2x40x128xi32, #tpu.memory_space<hbm>>
    %dma_wait3A_319 = tpu.memref_squeeze %dma_wait3A_318 : memref<1x2x40x128xi32, #tpu.memory_space<hbm>> -> memref<2x40x128xi32, #tpu.memory_space<hbm>>
    %dma_wait3A_320 = arith.constant 0 : i32
    %dma_wait3A_321 = arith.constant 0 : i32
    %dma_wait3A_322 = tpu.memref_slice %dma_wait3A_319[%dma_wait3A_305, %dma_wait3A_320, %dma_wait3A_321] : memref<2x40x128xi32, #tpu.memory_space<hbm>> -> memref<1x40x128xi32, #tpu.memory_space<hbm>>
    %dma_wait3A_323 = tpu.memref_squeeze %dma_wait3A_322 : memref<1x40x128xi32, #tpu.memory_space<hbm>> -> memref<40x128xi32, #tpu.memory_space<hbm>>
    tpu.wait_dma2 semaphore(%arg19 : memref<!tpu.dma_semaphore, #tpu.memory_space<semaphore_mem>>) src(%dma_wait3A_323 : memref<40x128xi32, #tpu.memory_space<hbm>>) dst(%arg12 : memref<40x128xi32, #tpu.memory_space<vmem>>)
    %dma_start3A_324 = arith.constant 0 : i32
    %dma_start3A_325 = arith.constant 0 : i32
    %dma_start3A_326 = arith.constant 0 : i32
    %dma_start3A_327 = arith.constant 0 : i32
    %dma_start3A_328 = tpu.memref_slice %arg5[%add3A, %dma_start3A_325, %dma_start3A_326, %dma_start3A_327] : memref<32x2x40x128xi32, #tpu.memory_space<hbm>> -> memref<1x2x40x128xi32, #tpu.memory_space<hbm>>
    %dma_start3A_329 = tpu.memref_squeeze %dma_start3A_328 : memref<1x2x40x128xi32, #tpu.memory_space<hbm>> -> memref<2x40x128xi32, #tpu.memory_space<hbm>>
    %dma_start3A_330 = arith.constant 0 : i32
    %dma_start3A_331 = arith.constant 0 : i32
    %dma_start3A_332 = tpu.memref_slice %dma_start3A_329[%dma_start3A_324, %dma_start3A_330, %dma_start3A_331] : memref<2x40x128xi32, #tpu.memory_space<hbm>> -> memref<1x40x128xi32, #tpu.memory_space<hbm>>
    %dma_start3A_333 = tpu.memref_squeeze %dma_start3A_332 : memref<1x40x128xi32, #tpu.memory_space<hbm>> -> memref<40x128xi32, #tpu.memory_space<hbm>>
    %dma_start3A_334 = arith.constant 0 : i32
    %dma_start3A_335 = arith.constant 0 : i32
    %dma_start3A_336 = arith.constant 0 : i32
    %dma_start3A_337 = tpu.memref_slice %arg5[%add3A, %dma_start3A_334, %dma_start3A_335, %dma_start3A_336] : memref<32x2x40x128xi32, #tpu.memory_space<hbm>> -> memref<1x2x40x128xi32, #tpu.memory_space<hbm>>
    %dma_start3A_338 = tpu.memref_squeeze %dma_start3A_337 : memref<1x2x40x128xi32, #tpu.memory_space<hbm>> -> memref<2x40x128xi32, #tpu.memory_space<hbm>>
    %dma_start3A_339 = arith.constant 0 : i32
    %dma_start3A_340 = arith.constant 0 : i32
    %dma_start3A_341 = tpu.memref_slice %dma_start3A_338[%dma_start3A_324, %dma_start3A_339, %dma_start3A_340] : memref<2x40x128xi32, #tpu.memory_space<hbm>> -> memref<1x40x128xi32, #tpu.memory_space<hbm>>
    %dma_start3A_342 = tpu.memref_squeeze %dma_start3A_341 : memref<1x40x128xi32, #tpu.memory_space<hbm>> -> memref<40x128xi32, #tpu.memory_space<hbm>>
    tpu.enqueue_dma source(%dma_start3A_342 : memref<40x128xi32, #tpu.memory_space<hbm>>) target(%arg11 : memref<40x128xi32, #tpu.memory_space<vmem>>) target_semaphore(%arg18 : memref<!tpu.dma_semaphore, #tpu.memory_space<semaphore_mem>>)
    %scan3A_343 = arith.constant 0 : i32
    %scan3A_344 = arith.constant 40 : i32
    %scan3A_345 = arith.addi %scan3A_343, %scan3A_344 : i32
    %scan3A_346 = arith.constant 1 : i32
    scf.for %scan3A_431 = %scan3A_343 to %scan3A_345 step %scan3A_346  : i32 {
      %dma_start3A_432 = arith.constant 0 : i32
      %dma_start3A_433 = tpu.memref_slice %arg12[%scan3A_431, %dma_start3A_432] : memref<40x128xi32, #tpu.memory_space<vmem>> -> memref<1x128xi32, #tpu.memory_space<vmem>>
      %dma_start3A_434 = tpu.memref_squeeze %dma_start3A_433 : memref<1x128xi32, #tpu.memory_space<vmem>> -> memref<128xi32, #tpu.memory_space<vmem>>
      %dma_start3A_435 = arith.constant 0 : i32
      %dma_start3A_436 = tpu.memref_slice %arg16[%dma_start3A_435] : memref<10240xf32, #tpu.memory_space<vmem_shared>> -> memref<10240xf32, #tpu.memory_space<vmem_shared>>
      tpu.enqueue_indirect_dma source(%arg13 : memref<128xf32, #tpu.memory_space<vmem>>) target(%dma_start3A_436 : memref<10240xf32, #tpu.memory_space<vmem_shared>>) offsets(%dma_start3A_434 : memref<128xi32, #tpu.memory_space<vmem>>) semaphore(%arg20 : memref<!tpu.dma_semaphore, #tpu.memory_space<semaphore_mem>>) {add = true}
    }
    %scan3A_347 = arith.constant 40 : i32
    %scan3A_348 = arith.constant 0 : i32
    %scan3A_349 = arith.constant 40 : i32
    %scan3A_350 = arith.addi %scan3A_348, %scan3A_349 : i32
    %scan3A_351 = arith.constant 1 : i32
    scf.for %scan3A_431 = %scan3A_348 to %scan3A_350 step %scan3A_351  : i32 {
      %dma_wait3A_432 = arith.constant 0 : i32
      %dma_wait3A_433 = arith.constant 0 : i32
      %dma_wait3A_434 = tpu.memref_slice %arg12[%dma_wait3A_432, %dma_wait3A_433] : memref<40x128xi32, #tpu.memory_space<vmem>> -> memref<1x128xi32, #tpu.memory_space<vmem>>
      %dma_wait3A_435 = tpu.memref_squeeze %dma_wait3A_434 : memref<1x128xi32, #tpu.memory_space<vmem>> -> memref<128xi32, #tpu.memory_space<vmem>>
      %dma_wait3A_436 = arith.constant 0 : i32
      %dma_wait3A_437 = tpu.memref_slice %arg16[%dma_wait3A_436] : memref<10240xf32, #tpu.memory_space<vmem_shared>> -> memref<10240xf32, #tpu.memory_space<vmem_shared>>
      tpu.wait_indirect_dma semaphore(%arg20 : memref<!tpu.dma_semaphore, #tpu.memory_space<semaphore_mem>>) src(%arg13 : memref<128xf32, #tpu.memory_space<vmem>>) dst(%dma_wait3A_437 : memref<10240xf32, #tpu.memory_space<vmem_shared>>)
    }
    %scan3A_352 = arith.constant 40 : i32
    %dma_wait3A_353 = arith.constant 0 : i32
    %dma_wait3A_354 = arith.constant 0 : i32
    %dma_wait3A_355 = arith.constant 0 : i32
    %dma_wait3A_356 = arith.constant 0 : i32
    %dma_wait3A_357 = tpu.memref_slice %arg5[%add3A, %dma_wait3A_354, %dma_wait3A_355, %dma_wait3A_356] : memref<32x2x40x128xi32, #tpu.memory_space<hbm>> -> memref<1x2x40x128xi32, #tpu.memory_space<hbm>>
    %dma_wait3A_358 = tpu.memref_squeeze %dma_wait3A_357 : memref<1x2x40x128xi32, #tpu.memory_space<hbm>> -> memref<2x40x128xi32, #tpu.memory_space<hbm>>
    %dma_wait3A_359 = arith.constant 0 : i32
    %dma_wait3A_360 = arith.constant 0 : i32
    %dma_wait3A_361 = tpu.memref_slice %dma_wait3A_358[%dma_wait3A_353, %dma_wait3A_359, %dma_wait3A_360] : memref<2x40x128xi32, #tpu.memory_space<hbm>> -> memref<1x40x128xi32, #tpu.memory_space<hbm>>
    %dma_wait3A_362 = tpu.memref_squeeze %dma_wait3A_361 : memref<1x40x128xi32, #tpu.memory_space<hbm>> -> memref<40x128xi32, #tpu.memory_space<hbm>>
    %dma_wait3A_363 = arith.constant 0 : i32
    %dma_wait3A_364 = arith.constant 0 : i32
    %dma_wait3A_365 = arith.constant 0 : i32
    %dma_wait3A_366 = tpu.memref_slice %arg5[%add3A, %dma_wait3A_363, %dma_wait3A_364, %dma_wait3A_365] : memref<32x2x40x128xi32, #tpu.memory_space<hbm>> -> memref<1x2x40x128xi32, #tpu.memory_space<hbm>>
    %dma_wait3A_367 = tpu.memref_squeeze %dma_wait3A_366 : memref<1x2x40x128xi32, #tpu.memory_space<hbm>> -> memref<2x40x128xi32, #tpu.memory_space<hbm>>
    %dma_wait3A_368 = arith.constant 0 : i32
    %dma_wait3A_369 = arith.constant 0 : i32
    %dma_wait3A_370 = tpu.memref_slice %dma_wait3A_367[%dma_wait3A_353, %dma_wait3A_368, %dma_wait3A_369] : memref<2x40x128xi32, #tpu.memory_space<hbm>> -> memref<1x40x128xi32, #tpu.memory_space<hbm>>
    %dma_wait3A_371 = tpu.memref_squeeze %dma_wait3A_370 : memref<1x40x128xi32, #tpu.memory_space<hbm>> -> memref<40x128xi32, #tpu.memory_space<hbm>>
    tpu.wait_dma2 semaphore(%arg18 : memref<!tpu.dma_semaphore, #tpu.memory_space<semaphore_mem>>) src(%dma_wait3A_371 : memref<40x128xi32, #tpu.memory_space<hbm>>) dst(%arg11 : memref<40x128xi32, #tpu.memory_space<vmem>>)
    %dma_start3A_372 = arith.constant 1 : i32
    %dma_start3A_373 = arith.constant 0 : i32
    %dma_start3A_374 = arith.constant 0 : i32
    %dma_start3A_375 = arith.constant 0 : i32
    %dma_start3A_376 = tpu.memref_slice %arg5[%add3A, %dma_start3A_373, %dma_start3A_374, %dma_start3A_375] : memref<32x2x40x128xi32, #tpu.memory_space<hbm>> -> memref<1x2x40x128xi32, #tpu.memory_space<hbm>>
    %dma_start3A_377 = tpu.memref_squeeze %dma_start3A_376 : memref<1x2x40x128xi32, #tpu.memory_space<hbm>> -> memref<2x40x128xi32, #tpu.memory_space<hbm>>
    %dma_start3A_378 = arith.constant 0 : i32
    %dma_start3A_379 = arith.constant 0 : i32
    %dma_start3A_380 = tpu.memref_slice %dma_start3A_377[%dma_start3A_372, %dma_start3A_378, %dma_start3A_379] : memref<2x40x128xi32, #tpu.memory_space<hbm>> -> memref<1x40x128xi32, #tpu.memory_space<hbm>>
    %dma_start3A_381 = tpu.memref_squeeze %dma_start3A_380 : memref<1x40x128xi32, #tpu.memory_space<hbm>> -> memref<40x128xi32, #tpu.memory_space<hbm>>
    %dma_start3A_382 = arith.constant 0 : i32
    %dma_start3A_383 = arith.constant 0 : i32
    %dma_start3A_384 = arith.constant 0 : i32
    %dma_start3A_385 = tpu.memref_slice %arg5[%add3A, %dma_start3A_382, %dma_start3A_383, %dma_start3A_384] : memref<32x2x40x128xi32, #tpu.memory_space<hbm>> -> memref<1x2x40x128xi32, #tpu.memory_space<hbm>>
    %dma_start3A_386 = tpu.memref_squeeze %dma_start3A_385 : memref<1x2x40x128xi32, #tpu.memory_space<hbm>> -> memref<2x40x128xi32, #tpu.memory_space<hbm>>
    %dma_start3A_387 = arith.constant 0 : i32
    %dma_start3A_388 = arith.constant 0 : i32
    %dma_start3A_389 = tpu.memref_slice %dma_start3A_386[%dma_start3A_372, %dma_start3A_387, %dma_start3A_388] : memref<2x40x128xi32, #tpu.memory_space<hbm>> -> memref<1x40x128xi32, #tpu.memory_space<hbm>>
    %dma_start3A_390 = tpu.memref_squeeze %dma_start3A_389 : memref<1x40x128xi32, #tpu.memory_space<hbm>> -> memref<40x128xi32, #tpu.memory_space<hbm>>
    tpu.enqueue_dma source(%dma_start3A_390 : memref<40x128xi32, #tpu.memory_space<hbm>>) target(%arg12 : memref<40x128xi32, #tpu.memory_space<vmem>>) target_semaphore(%arg19 : memref<!tpu.dma_semaphore, #tpu.memory_space<semaphore_mem>>)
    %scan3A_391 = arith.constant 0 : i32
    %scan3A_392 = arith.constant 40 : i32
    %scan3A_393 = arith.addi %scan3A_391, %scan3A_392 : i32
    %scan3A_394 = arith.constant 1 : i32
    scf.for %scan3A_431 = %scan3A_391 to %scan3A_393 step %scan3A_394  : i32 {
      %dma_start3A_432 = arith.constant 0 : i32
      %dma_start3A_433 = tpu.memref_slice %arg11[%scan3A_431, %dma_start3A_432] : memref<40x128xi32, #tpu.memory_space<vmem>> -> memref<1x128xi32, #tpu.memory_space<vmem>>
      %dma_start3A_434 = tpu.memref_squeeze %dma_start3A_433 : memref<1x128xi32, #tpu.memory_space<vmem>> -> memref<128xi32, #tpu.memory_space<vmem>>
      %dma_start3A_435 = arith.constant 0 : i32
      %dma_start3A_436 = tpu.memref_slice %arg17[%dma_start3A_435] : memref<10240xf32, #tpu.memory_space<vmem_shared>> -> memref<10240xf32, #tpu.memory_space<vmem_shared>>
      tpu.enqueue_indirect_dma source(%arg13 : memref<128xf32, #tpu.memory_space<vmem>>) target(%dma_start3A_436 : memref<10240xf32, #tpu.memory_space<vmem_shared>>) offsets(%dma_start3A_434 : memref<128xi32, #tpu.memory_space<vmem>>) semaphore(%arg20 : memref<!tpu.dma_semaphore, #tpu.memory_space<semaphore_mem>>) {add = true}
    }
    %scan3A_395 = arith.constant 40 : i32
    %scan3A_396 = arith.constant 0 : i32
    %scan3A_397 = arith.constant 40 : i32
    %scan3A_398 = arith.addi %scan3A_396, %scan3A_397 : i32
    %scan3A_399 = arith.constant 1 : i32
    scf.for %scan3A_431 = %scan3A_396 to %scan3A_398 step %scan3A_399  : i32 {
      %dma_wait3A_432 = arith.constant 0 : i32
      %dma_wait3A_433 = arith.constant 0 : i32
      %dma_wait3A_434 = tpu.memref_slice %arg11[%dma_wait3A_432, %dma_wait3A_433] : memref<40x128xi32, #tpu.memory_space<vmem>> -> memref<1x128xi32, #tpu.memory_space<vmem>>
      %dma_wait3A_435 = tpu.memref_squeeze %dma_wait3A_434 : memref<1x128xi32, #tpu.memory_space<vmem>> -> memref<128xi32, #tpu.memory_space<vmem>>
      %dma_wait3A_436 = arith.constant 0 : i32
      %dma_wait3A_437 = tpu.memref_slice %arg17[%dma_wait3A_436] : memref<10240xf32, #tpu.memory_space<vmem_shared>> -> memref<10240xf32, #tpu.memory_space<vmem_shared>>
      tpu.wait_indirect_dma semaphore(%arg20 : memref<!tpu.dma_semaphore, #tpu.memory_space<semaphore_mem>>) src(%arg13 : memref<128xf32, #tpu.memory_space<vmem>>) dst(%dma_wait3A_437 : memref<10240xf32, #tpu.memory_space<vmem_shared>>)
    }
    %scan3A_400 = arith.constant 40 : i32
    %dma_wait3A_401 = arith.constant 1 : i32
    %dma_wait3A_402 = arith.constant 0 : i32
    %dma_wait3A_403 = arith.constant 0 : i32
    %dma_wait3A_404 = arith.constant 0 : i32
    %dma_wait3A_405 = tpu.memref_slice %arg5[%add3A, %dma_wait3A_402, %dma_wait3A_403, %dma_wait3A_404] : memref<32x2x40x128xi32, #tpu.memory_space<hbm>> -> memref<1x2x40x128xi32, #tpu.memory_space<hbm>>
    %dma_wait3A_406 = tpu.memref_squeeze %dma_wait3A_405 : memref<1x2x40x128xi32, #tpu.memory_space<hbm>> -> memref<2x40x128xi32, #tpu.memory_space<hbm>>
    %dma_wait3A_407 = arith.constant 0 : i32
    %dma_wait3A_408 = arith.constant 0 : i32
    %dma_wait3A_409 = tpu.memref_slice %dma_wait3A_406[%dma_wait3A_401, %dma_wait3A_407, %dma_wait3A_408] : memref<2x40x128xi32, #tpu.memory_space<hbm>> -> memref<1x40x128xi32, #tpu.memory_space<hbm>>
    %dma_wait3A_410 = tpu.memref_squeeze %dma_wait3A_409 : memref<1x40x128xi32, #tpu.memory_space<hbm>> -> memref<40x128xi32, #tpu.memory_space<hbm>>
    %dma_wait3A_411 = arith.constant 0 : i32
    %dma_wait3A_412 = arith.constant 0 : i32
    %dma_wait3A_413 = arith.constant 0 : i32
    %dma_wait3A_414 = tpu.memref_slice %arg5[%add3A, %dma_wait3A_411, %dma_wait3A_412, %dma_wait3A_413] : memref<32x2x40x128xi32, #tpu.memory_space<hbm>> -> memref<1x2x40x128xi32, #tpu.memory_space<hbm>>
    %dma_wait3A_415 = tpu.memref_squeeze %dma_wait3A_414 : memref<1x2x40x128xi32, #tpu.memory_space<hbm>> -> memref<2x40x128xi32, #tpu.memory_space<hbm>>
    %dma_wait3A_416 = arith.constant 0 : i32
    %dma_wait3A_417 = arith.constant 0 : i32
    %dma_wait3A_418 = tpu.memref_slice %dma_wait3A_415[%dma_wait3A_401, %dma_wait3A_416, %dma_wait3A_417] : memref<2x40x128xi32, #tpu.memory_space<hbm>> -> memref<1x40x128xi32, #tpu.memory_space<hbm>>
    %dma_wait3A_419 = tpu.memref_squeeze %dma_wait3A_418 : memref<1x40x128xi32, #tpu.memory_space<hbm>> -> memref<40x128xi32, #tpu.memory_space<hbm>>
    tpu.wait_dma2 semaphore(%arg19 : memref<!tpu.dma_semaphore, #tpu.memory_space<semaphore_mem>>) src(%dma_wait3A_419 : memref<40x128xi32, #tpu.memory_space<hbm>>) dst(%arg12 : memref<40x128xi32, #tpu.memory_space<vmem>>)
    %scan3A_420 = arith.constant 0 : i32
    %scan3A_421 = arith.constant 40 : i32
    %scan3A_422 = arith.addi %scan3A_420, %scan3A_421 : i32
    %scan3A_423 = arith.constant 1 : i32
    scf.for %scan3A_431 = %scan3A_420 to %scan3A_422 step %scan3A_423  : i32 {
      %dma_start3A_432 = arith.constant 0 : i32
      %dma_start3A_433 = tpu.memref_slice %arg12[%scan3A_431, %dma_start3A_432] : memref<40x128xi32, #tpu.memory_space<vmem>> -> memref<1x128xi32, #tpu.memory_space<vmem>>
      %dma_start3A_434 = tpu.memref_squeeze %dma_start3A_433 : memref<1x128xi32, #tpu.memory_space<vmem>> -> memref<128xi32, #tpu.memory_space<vmem>>
      %dma_start3A_435 = arith.constant 0 : i32
      %dma_start3A_436 = tpu.memref_slice %arg17[%dma_start3A_435] : memref<10240xf32, #tpu.memory_space<vmem_shared>> -> memref<10240xf32, #tpu.memory_space<vmem_shared>>
      tpu.enqueue_indirect_dma source(%arg13 : memref<128xf32, #tpu.memory_space<vmem>>) target(%dma_start3A_436 : memref<10240xf32, #tpu.memory_space<vmem_shared>>) offsets(%dma_start3A_434 : memref<128xi32, #tpu.memory_space<vmem>>) semaphore(%arg20 : memref<!tpu.dma_semaphore, #tpu.memory_space<semaphore_mem>>) {add = true}
    }
    %scan3A_424 = arith.constant 40 : i32
    %scan3A_425 = arith.constant 0 : i32
    %scan3A_426 = arith.constant 40 : i32
    %scan3A_427 = arith.addi %scan3A_425, %scan3A_426 : i32
    %scan3A_428 = arith.constant 1 : i32
    scf.for %scan3A_431 = %scan3A_425 to %scan3A_427 step %scan3A_428  : i32 {
      %dma_wait3A_432 = arith.constant 0 : i32
      %dma_wait3A_433 = arith.constant 0 : i32
      %dma_wait3A_434 = tpu.memref_slice %arg12[%dma_wait3A_432, %dma_wait3A_433] : memref<40x128xi32, #tpu.memory_space<vmem>> -> memref<1x128xi32, #tpu.memory_space<vmem>>
      %dma_wait3A_435 = tpu.memref_squeeze %dma_wait3A_434 : memref<1x128xi32, #tpu.memory_space<vmem>> -> memref<128xi32, #tpu.memory_space<vmem>>
      %dma_wait3A_436 = arith.constant 0 : i32
      %dma_wait3A_437 = tpu.memref_slice %arg17[%dma_wait3A_436] : memref<10240xf32, #tpu.memory_space<vmem_shared>> -> memref<10240xf32, #tpu.memory_space<vmem_shared>>
      tpu.wait_indirect_dma semaphore(%arg20 : memref<!tpu.dma_semaphore, #tpu.memory_space<semaphore_mem>>) src(%arg13 : memref<128xf32, #tpu.memory_space<vmem>>) dst(%dma_wait3A_437 : memref<10240xf32, #tpu.memory_space<vmem_shared>>)
    }
    %scan3A_429 = arith.constant 40 : i32
    %barrier3A_430 = arith.constant 0 : index
    tpu.barrier barrier_id(%barrier3A_430)
    "tpu.region"() ({
      %run_scoped3A = tpu.sem_alloc : memref<!tpu.dma_semaphore, #tpu.memory_space<semaphore_mem>>
      %dma_start3A_431 = arith.constant 0 : i32
      %dma_start3A_432 = tpu.memref_slice %arg7[%arg0, %dma_start3A_431] : memref<2x10240xf32, #tpu.memory_space<hbm>> -> memref<1x10240xf32, #tpu.memory_space<hbm>>
      %dma_start3A_433 = tpu.memref_squeeze %dma_start3A_432 : memref<1x10240xf32, #tpu.memory_space<hbm>> -> memref<10240xf32, #tpu.memory_space<hbm>>
      %dma_start3A_434 = tpu.memref_slice %dma_start3A_433[%mul3A_48] : memref<10240xf32, #tpu.memory_space<hbm>> -> memref<640xf32, #tpu.memory_space<hbm>>
      %dma_start3A_435 = tpu.memref_slice %arg14[%mul3A_48] : memref<10240xf32, #tpu.memory_space<vmem_shared>> -> memref<640xf32, #tpu.memory_space<vmem_shared>>
      tpu.enqueue_dma source(%dma_start3A_435 : memref<640xf32, #tpu.memory_space<vmem_shared>>) target(%dma_start3A_434 : memref<640xf32, #tpu.memory_space<hbm>>) target_semaphore(%run_scoped3A : memref<!tpu.dma_semaphore, #tpu.memory_space<semaphore_mem>>)
      %dma_wait3A_436 = arith.constant 0 : i32
      %dma_wait3A_437 = tpu.memref_slice %arg7[%arg0, %dma_wait3A_436] : memref<2x10240xf32, #tpu.memory_space<hbm>> -> memref<1x10240xf32, #tpu.memory_space<hbm>>
      %dma_wait3A_438 = tpu.memref_squeeze %dma_wait3A_437 : memref<1x10240xf32, #tpu.memory_space<hbm>> -> memref<10240xf32, #tpu.memory_space<hbm>>
      %dma_wait3A_439 = tpu.memref_slice %dma_wait3A_438[%mul3A_48] : memref<10240xf32, #tpu.memory_space<hbm>> -> memref<640xf32, #tpu.memory_space<hbm>>
      %dma_wait3A_440 = tpu.memref_slice %arg14[%mul3A_48] : memref<10240xf32, #tpu.memory_space<vmem_shared>> -> memref<640xf32, #tpu.memory_space<vmem_shared>>
      tpu.wait_dma2 semaphore(%run_scoped3A : memref<!tpu.dma_semaphore, #tpu.memory_space<semaphore_mem>>) src(%dma_wait3A_440 : memref<640xf32, #tpu.memory_space<vmem_shared>>) dst(%dma_wait3A_439 : memref<640xf32, #tpu.memory_space<hbm>>)
      tpu.yield
    }) : () -> ()
    "tpu.region"() ({
      %run_scoped3A = tpu.sem_alloc : memref<!tpu.dma_semaphore, #tpu.memory_space<semaphore_mem>>
      %dma_start3A_431 = arith.constant 0 : i32
      %dma_start3A_432 = tpu.memref_slice %arg8[%arg0, %dma_start3A_431] : memref<2x10240xf32, #tpu.memory_space<hbm>> -> memref<1x10240xf32, #tpu.memory_space<hbm>>
      %dma_start3A_433 = tpu.memref_squeeze %dma_start3A_432 : memref<1x10240xf32, #tpu.memory_space<hbm>> -> memref<10240xf32, #tpu.memory_space<hbm>>
      %dma_start3A_434 = tpu.memref_slice %dma_start3A_433[%mul3A_48] : memref<10240xf32, #tpu.memory_space<hbm>> -> memref<640xf32, #tpu.memory_space<hbm>>
      %dma_start3A_435 = tpu.memref_slice %arg15[%mul3A_48] : memref<10240xf32, #tpu.memory_space<vmem_shared>> -> memref<640xf32, #tpu.memory_space<vmem_shared>>
      tpu.enqueue_dma source(%dma_start3A_435 : memref<640xf32, #tpu.memory_space<vmem_shared>>) target(%dma_start3A_434 : memref<640xf32, #tpu.memory_space<hbm>>) target_semaphore(%run_scoped3A : memref<!tpu.dma_semaphore, #tpu.memory_space<semaphore_mem>>)
      %dma_wait3A_436 = arith.constant 0 : i32
      %dma_wait3A_437 = tpu.memref_slice %arg8[%arg0, %dma_wait3A_436] : memref<2x10240xf32, #tpu.memory_space<hbm>> -> memref<1x10240xf32, #tpu.memory_space<hbm>>
      %dma_wait3A_438 = tpu.memref_squeeze %dma_wait3A_437 : memref<1x10240xf32, #tpu.memory_space<hbm>> -> memref<10240xf32, #tpu.memory_space<hbm>>
      %dma_wait3A_439 = tpu.memref_slice %dma_wait3A_438[%mul3A_48] : memref<10240xf32, #tpu.memory_space<hbm>> -> memref<640xf32, #tpu.memory_space<hbm>>
      %dma_wait3A_440 = tpu.memref_slice %arg15[%mul3A_48] : memref<10240xf32, #tpu.memory_space<vmem_shared>> -> memref<640xf32, #tpu.memory_space<vmem_shared>>
      tpu.wait_dma2 semaphore(%run_scoped3A : memref<!tpu.dma_semaphore, #tpu.memory_space<semaphore_mem>>) src(%dma_wait3A_440 : memref<640xf32, #tpu.memory_space<vmem_shared>>) dst(%dma_wait3A_439 : memref<640xf32, #tpu.memory_space<hbm>>)
      tpu.yield
    }) : () -> ()
    "tpu.region"() ({
      %run_scoped3A = tpu.sem_alloc : memref<!tpu.dma_semaphore, #tpu.memory_space<semaphore_mem>>
      %dma_start3A_431 = arith.constant 0 : i32
      %dma_start3A_432 = tpu.memref_slice %arg9[%arg0, %dma_start3A_431] : memref<2x10240xf32, #tpu.memory_space<hbm>> -> memref<1x10240xf32, #tpu.memory_space<hbm>>
      %dma_start3A_433 = tpu.memref_squeeze %dma_start3A_432 : memref<1x10240xf32, #tpu.memory_space<hbm>> -> memref<10240xf32, #tpu.memory_space<hbm>>
      %dma_start3A_434 = tpu.memref_slice %dma_start3A_433[%mul3A_48] : memref<10240xf32, #tpu.memory_space<hbm>> -> memref<640xf32, #tpu.memory_space<hbm>>
      %dma_start3A_435 = tpu.memref_slice %arg16[%mul3A_48] : memref<10240xf32, #tpu.memory_space<vmem_shared>> -> memref<640xf32, #tpu.memory_space<vmem_shared>>
      tpu.enqueue_dma source(%dma_start3A_435 : memref<640xf32, #tpu.memory_space<vmem_shared>>) target(%dma_start3A_434 : memref<640xf32, #tpu.memory_space<hbm>>) target_semaphore(%run_scoped3A : memref<!tpu.dma_semaphore, #tpu.memory_space<semaphore_mem>>)
      %dma_wait3A_436 = arith.constant 0 : i32
      %dma_wait3A_437 = tpu.memref_slice %arg9[%arg0, %dma_wait3A_436] : memref<2x10240xf32, #tpu.memory_space<hbm>> -> memref<1x10240xf32, #tpu.memory_space<hbm>>
      %dma_wait3A_438 = tpu.memref_squeeze %dma_wait3A_437 : memref<1x10240xf32, #tpu.memory_space<hbm>> -> memref<10240xf32, #tpu.memory_space<hbm>>
      %dma_wait3A_439 = tpu.memref_slice %dma_wait3A_438[%mul3A_48] : memref<10240xf32, #tpu.memory_space<hbm>> -> memref<640xf32, #tpu.memory_space<hbm>>
      %dma_wait3A_440 = tpu.memref_slice %arg16[%mul3A_48] : memref<10240xf32, #tpu.memory_space<vmem_shared>> -> memref<640xf32, #tpu.memory_space<vmem_shared>>
      tpu.wait_dma2 semaphore(%run_scoped3A : memref<!tpu.dma_semaphore, #tpu.memory_space<semaphore_mem>>) src(%dma_wait3A_440 : memref<640xf32, #tpu.memory_space<vmem_shared>>) dst(%dma_wait3A_439 : memref<640xf32, #tpu.memory_space<hbm>>)
      tpu.yield
    }) : () -> ()
    "tpu.region"() ({
      %run_scoped3A = tpu.sem_alloc : memref<!tpu.dma_semaphore, #tpu.memory_space<semaphore_mem>>
      %dma_start3A_431 = arith.constant 0 : i32
      %dma_start3A_432 = tpu.memref_slice %arg10[%arg0, %dma_start3A_431] : memref<2x10240xf32, #tpu.memory_space<hbm>> -> memref<1x10240xf32, #tpu.memory_space<hbm>>
      %dma_start3A_433 = tpu.memref_squeeze %dma_start3A_432 : memref<1x10240xf32, #tpu.memory_space<hbm>> -> memref<10240xf32, #tpu.memory_space<hbm>>
      %dma_start3A_434 = tpu.memref_slice %dma_start3A_433[%mul3A_48] : memref<10240xf32, #tpu.memory_space<hbm>> -> memref<640xf32, #tpu.memory_space<hbm>>
      %dma_start3A_435 = tpu.memref_slice %arg17[%mul3A_48] : memref<10240xf32, #tpu.memory_space<vmem_shared>> -> memref<640xf32, #tpu.memory_space<vmem_shared>>
      tpu.enqueue_dma source(%dma_start3A_435 : memref<640xf32, #tpu.memory_space<vmem_shared>>) target(%dma_start3A_434 : memref<640xf32, #tpu.memory_space<hbm>>) target_semaphore(%run_scoped3A : memref<!tpu.dma_semaphore, #tpu.memory_space<semaphore_mem>>)
      %dma_wait3A_436 = arith.constant 0 : i32
      %dma_wait3A_437 = tpu.memref_slice %arg10[%arg0, %dma_wait3A_436] : memref<2x10240xf32, #tpu.memory_space<hbm>> -> memref<1x10240xf32, #tpu.memory_space<hbm>>
      %dma_wait3A_438 = tpu.memref_squeeze %dma_wait3A_437 : memref<1x10240xf32, #tpu.memory_space<hbm>> -> memref<10240xf32, #tpu.memory_space<hbm>>
      %dma_wait3A_439 = tpu.memref_slice %dma_wait3A_438[%mul3A_48] : memref<10240xf32, #tpu.memory_space<hbm>> -> memref<640xf32, #tpu.memory_space<hbm>>
      %dma_wait3A_440 = tpu.memref_slice %arg17[%mul3A_48] : memref<10240xf32, #tpu.memory_space<vmem_shared>> -> memref<640xf32, #tpu.memory_space<vmem_shared>>
      tpu.wait_dma2 semaphore(%run_scoped3A : memref<!tpu.dma_semaphore, #tpu.memory_space<semaphore_mem>>) src(%dma_wait3A_440 : memref<640xf32, #tpu.memory_space<vmem_shared>>) dst(%dma_wait3A_439 : memref<640xf32, #tpu.memory_space<hbm>>)
      tpu.yield
    }) : () -> ()
    return
  }
}

#map = affine_map<(d0, d1) -> (0, 0)>
#map1 = affine_map<(d0, d1) -> (0, 0, 0, 0)>
#map2 = affine_map<(d0, d1) -> (0, 0, 0)>
module attributes {stable_mosaic.version = 14 : i64} {
  func.func @_sc_agg(%arg0: i32, %arg1: i32, %arg2: memref<10240x128xf32, #tpu.memory_space<hbm>>, %arg3: memref<32x2x40x128xi32, #tpu.memory_space<hbm>>, %arg4: memref<32x2x40x128xi32, #tpu.memory_space<hbm>>, %arg5: memref<10240x128xf32, #tpu.memory_space<hbm>>, %arg6: memref<2x10240x128xf32, #tpu.memory_space<hbm>>, %arg7: memref<40x128xi32, #tpu.memory_space<vmem>>, %arg8: memref<40x128xi32, #tpu.memory_space<vmem>>, %arg9: memref<128x128xf32, #tpu.memory_space<vmem>>, %arg10: memref<128x128xf32, #tpu.memory_space<vmem>>, %arg11: memref<10240x128xf32, #tpu.memory_space<vmem_shared>>, %arg12: memref<!tpu.dma_semaphore, #tpu.memory_space<semaphore_mem>>, %arg13: memref<!tpu.dma_semaphore, #tpu.memory_space<semaphore_mem>>, %arg14: memref<!tpu.dma_semaphore, #tpu.memory_space<semaphore_mem>>, %arg15: memref<!tpu.dma_semaphore, #tpu.memory_space<semaphore_mem>>, %arg16: memref<!tpu.dma_semaphore, #tpu.memory_space<semaphore_mem>>, %arg17: memref<!tpu.dma_semaphore, #tpu.memory_space<semaphore_mem>>) attributes {dimension_semantics = [#tpu.dimension_semantics<core_parallel>, #tpu.dimension_semantics<subcore_parallel>], iteration_bounds = array<i64: 2, 16>, scalar_prefetch = 0 : i64, scratch_operands = 11 : i64, tpu.core_type = #tpu.core_type<sc_vector_subcore>, window_params = [{transform_indices = #map}, {transform_indices = #map1}, {transform_indices = #map1}, {transform_indices = #map}, {transform_indices = #map2}]} {
    %mul3A = arith.constant 16 : i32
    %mul3A_0 = arith.muli %arg0, %mul3A : i32
    %add3A = arith.addi %mul3A_0, %arg1 : i32
    %dma_start3A = arith.constant 0 : i32
    %dma_start3A_1 = arith.constant 0 : i32
    %dma_start3A_2 = arith.constant 0 : i32
    %dma_start3A_3 = arith.constant 0 : i32
    %dma_start3A_4 = tpu.memref_slice %arg3[%add3A, %dma_start3A_1, %dma_start3A_2, %dma_start3A_3] : memref<32x2x40x128xi32, #tpu.memory_space<hbm>> -> memref<1x2x40x128xi32, #tpu.memory_space<hbm>>
    %dma_start3A_5 = tpu.memref_squeeze %dma_start3A_4 : memref<1x2x40x128xi32, #tpu.memory_space<hbm>> -> memref<2x40x128xi32, #tpu.memory_space<hbm>>
    %dma_start3A_6 = arith.constant 0 : i32
    %dma_start3A_7 = arith.constant 0 : i32
    %dma_start3A_8 = tpu.memref_slice %dma_start3A_5[%dma_start3A, %dma_start3A_6, %dma_start3A_7] : memref<2x40x128xi32, #tpu.memory_space<hbm>> -> memref<1x40x128xi32, #tpu.memory_space<hbm>>
    %dma_start3A_9 = tpu.memref_squeeze %dma_start3A_8 : memref<1x40x128xi32, #tpu.memory_space<hbm>> -> memref<40x128xi32, #tpu.memory_space<hbm>>
    %dma_start3A_10 = arith.constant 0 : i32
    %dma_start3A_11 = arith.constant 0 : i32
    %dma_start3A_12 = arith.constant 0 : i32
    %dma_start3A_13 = tpu.memref_slice %arg3[%add3A, %dma_start3A_10, %dma_start3A_11, %dma_start3A_12] : memref<32x2x40x128xi32, #tpu.memory_space<hbm>> -> memref<1x2x40x128xi32, #tpu.memory_space<hbm>>
    %dma_start3A_14 = tpu.memref_squeeze %dma_start3A_13 : memref<1x2x40x128xi32, #tpu.memory_space<hbm>> -> memref<2x40x128xi32, #tpu.memory_space<hbm>>
    %dma_start3A_15 = arith.constant 0 : i32
    %dma_start3A_16 = arith.constant 0 : i32
    %dma_start3A_17 = tpu.memref_slice %dma_start3A_14[%dma_start3A, %dma_start3A_15, %dma_start3A_16] : memref<2x40x128xi32, #tpu.memory_space<hbm>> -> memref<1x40x128xi32, #tpu.memory_space<hbm>>
    %dma_start3A_18 = tpu.memref_squeeze %dma_start3A_17 : memref<1x40x128xi32, #tpu.memory_space<hbm>> -> memref<40x128xi32, #tpu.memory_space<hbm>>
    tpu.enqueue_dma source(%dma_start3A_18 : memref<40x128xi32, #tpu.memory_space<hbm>>) target(%arg7 : memref<40x128xi32, #tpu.memory_space<vmem>>) target_semaphore(%arg12 : memref<!tpu.dma_semaphore, #tpu.memory_space<semaphore_mem>>)
    %dma_start3A_19 = arith.constant 0 : i32
    %dma_start3A_20 = arith.constant 0 : i32
    %dma_start3A_21 = arith.constant 0 : i32
    %dma_start3A_22 = arith.constant 0 : i32
    %dma_start3A_23 = tpu.memref_slice %arg4[%add3A, %dma_start3A_20, %dma_start3A_21, %dma_start3A_22] : memref<32x2x40x128xi32, #tpu.memory_space<hbm>> -> memref<1x2x40x128xi32, #tpu.memory_space<hbm>>
    %dma_start3A_24 = tpu.memref_squeeze %dma_start3A_23 : memref<1x2x40x128xi32, #tpu.memory_space<hbm>> -> memref<2x40x128xi32, #tpu.memory_space<hbm>>
    %dma_start3A_25 = arith.constant 0 : i32
    %dma_start3A_26 = arith.constant 0 : i32
    %dma_start3A_27 = tpu.memref_slice %dma_start3A_24[%dma_start3A_19, %dma_start3A_25, %dma_start3A_26] : memref<2x40x128xi32, #tpu.memory_space<hbm>> -> memref<1x40x128xi32, #tpu.memory_space<hbm>>
    %dma_start3A_28 = tpu.memref_squeeze %dma_start3A_27 : memref<1x40x128xi32, #tpu.memory_space<hbm>> -> memref<40x128xi32, #tpu.memory_space<hbm>>
    %dma_start3A_29 = arith.constant 0 : i32
    %dma_start3A_30 = arith.constant 0 : i32
    %dma_start3A_31 = arith.constant 0 : i32
    %dma_start3A_32 = tpu.memref_slice %arg4[%add3A, %dma_start3A_29, %dma_start3A_30, %dma_start3A_31] : memref<32x2x40x128xi32, #tpu.memory_space<hbm>> -> memref<1x2x40x128xi32, #tpu.memory_space<hbm>>
    %dma_start3A_33 = tpu.memref_squeeze %dma_start3A_32 : memref<1x2x40x128xi32, #tpu.memory_space<hbm>> -> memref<2x40x128xi32, #tpu.memory_space<hbm>>
    %dma_start3A_34 = arith.constant 0 : i32
    %dma_start3A_35 = arith.constant 0 : i32
    %dma_start3A_36 = tpu.memref_slice %dma_start3A_33[%dma_start3A_19, %dma_start3A_34, %dma_start3A_35] : memref<2x40x128xi32, #tpu.memory_space<hbm>> -> memref<1x40x128xi32, #tpu.memory_space<hbm>>
    %dma_start3A_37 = tpu.memref_squeeze %dma_start3A_36 : memref<1x40x128xi32, #tpu.memory_space<hbm>> -> memref<40x128xi32, #tpu.memory_space<hbm>>
    tpu.enqueue_dma source(%dma_start3A_37 : memref<40x128xi32, #tpu.memory_space<hbm>>) target(%arg8 : memref<40x128xi32, #tpu.memory_space<vmem>>) target_semaphore(%arg13 : memref<!tpu.dma_semaphore, #tpu.memory_space<semaphore_mem>>)
    %mul3A_38 = arith.constant 640 : i32
    %mul3A_39 = arith.muli %arg1, %mul3A_38 : i32
    "tpu.region"() ({
      %run_scoped3A_144 = tpu.sem_alloc : memref<!tpu.dma_semaphore, #tpu.memory_space<semaphore_mem>>
      %dma_start3A_145 = arith.constant 0 : i32
      %dma_start3A_146 = tpu.memref_slice %arg11[%mul3A_39, %dma_start3A_145] : memref<10240x128xf32, #tpu.memory_space<vmem_shared>> -> memref<640x128xf32, #tpu.memory_space<vmem_shared>>
      %dma_start3A_147 = arith.constant 0 : i32
      %dma_start3A_148 = tpu.memref_slice %arg5[%mul3A_39, %dma_start3A_147] : memref<10240x128xf32, #tpu.memory_space<hbm>> -> memref<640x128xf32, #tpu.memory_space<hbm>>
      tpu.enqueue_dma source(%dma_start3A_148 : memref<640x128xf32, #tpu.memory_space<hbm>>) target(%dma_start3A_146 : memref<640x128xf32, #tpu.memory_space<vmem_shared>>) target_semaphore(%run_scoped3A_144 : memref<!tpu.dma_semaphore, #tpu.memory_space<semaphore_mem>>)
      %dma_wait3A_149 = arith.constant 0 : i32
      %dma_wait3A_150 = tpu.memref_slice %arg11[%mul3A_39, %dma_wait3A_149] : memref<10240x128xf32, #tpu.memory_space<vmem_shared>> -> memref<640x128xf32, #tpu.memory_space<vmem_shared>>
      %dma_wait3A_151 = arith.constant 0 : i32
      %dma_wait3A_152 = tpu.memref_slice %arg5[%mul3A_39, %dma_wait3A_151] : memref<10240x128xf32, #tpu.memory_space<hbm>> -> memref<640x128xf32, #tpu.memory_space<hbm>>
      tpu.wait_dma2 semaphore(%run_scoped3A_144 : memref<!tpu.dma_semaphore, #tpu.memory_space<semaphore_mem>>) src(%dma_wait3A_152 : memref<640x128xf32, #tpu.memory_space<hbm>>) dst(%dma_wait3A_150 : memref<640x128xf32, #tpu.memory_space<vmem_shared>>)
      tpu.yield
    }) : () -> ()
    %dma_wait3A = arith.constant 0 : i32
    %dma_wait3A_40 = arith.constant 0 : i32
    %dma_wait3A_41 = arith.constant 0 : i32
    %dma_wait3A_42 = arith.constant 0 : i32
    %dma_wait3A_43 = tpu.memref_slice %arg3[%add3A, %dma_wait3A_40, %dma_wait3A_41, %dma_wait3A_42] : memref<32x2x40x128xi32, #tpu.memory_space<hbm>> -> memref<1x2x40x128xi32, #tpu.memory_space<hbm>>
    %dma_wait3A_44 = tpu.memref_squeeze %dma_wait3A_43 : memref<1x2x40x128xi32, #tpu.memory_space<hbm>> -> memref<2x40x128xi32, #tpu.memory_space<hbm>>
    %dma_wait3A_45 = arith.constant 0 : i32
    %dma_wait3A_46 = arith.constant 0 : i32
    %dma_wait3A_47 = tpu.memref_slice %dma_wait3A_44[%dma_wait3A, %dma_wait3A_45, %dma_wait3A_46] : memref<2x40x128xi32, #tpu.memory_space<hbm>> -> memref<1x40x128xi32, #tpu.memory_space<hbm>>
    %dma_wait3A_48 = tpu.memref_squeeze %dma_wait3A_47 : memref<1x40x128xi32, #tpu.memory_space<hbm>> -> memref<40x128xi32, #tpu.memory_space<hbm>>
    %dma_wait3A_49 = arith.constant 0 : i32
    %dma_wait3A_50 = arith.constant 0 : i32
    %dma_wait3A_51 = arith.constant 0 : i32
    %dma_wait3A_52 = tpu.memref_slice %arg3[%add3A, %dma_wait3A_49, %dma_wait3A_50, %dma_wait3A_51] : memref<32x2x40x128xi32, #tpu.memory_space<hbm>> -> memref<1x2x40x128xi32, #tpu.memory_space<hbm>>
    %dma_wait3A_53 = tpu.memref_squeeze %dma_wait3A_52 : memref<1x2x40x128xi32, #tpu.memory_space<hbm>> -> memref<2x40x128xi32, #tpu.memory_space<hbm>>
    %dma_wait3A_54 = arith.constant 0 : i32
    %dma_wait3A_55 = arith.constant 0 : i32
    %dma_wait3A_56 = tpu.memref_slice %dma_wait3A_53[%dma_wait3A, %dma_wait3A_54, %dma_wait3A_55] : memref<2x40x128xi32, #tpu.memory_space<hbm>> -> memref<1x40x128xi32, #tpu.memory_space<hbm>>
    %dma_wait3A_57 = tpu.memref_squeeze %dma_wait3A_56 : memref<1x40x128xi32, #tpu.memory_space<hbm>> -> memref<40x128xi32, #tpu.memory_space<hbm>>
    tpu.wait_dma2 semaphore(%arg12 : memref<!tpu.dma_semaphore, #tpu.memory_space<semaphore_mem>>) src(%dma_wait3A_57 : memref<40x128xi32, #tpu.memory_space<hbm>>) dst(%arg7 : memref<40x128xi32, #tpu.memory_space<vmem>>)
    %dma_wait3A_58 = arith.constant 0 : i32
    %dma_wait3A_59 = arith.constant 0 : i32
    %dma_wait3A_60 = arith.constant 0 : i32
    %dma_wait3A_61 = arith.constant 0 : i32
    %dma_wait3A_62 = tpu.memref_slice %arg4[%add3A, %dma_wait3A_59, %dma_wait3A_60, %dma_wait3A_61] : memref<32x2x40x128xi32, #tpu.memory_space<hbm>> -> memref<1x2x40x128xi32, #tpu.memory_space<hbm>>
    %dma_wait3A_63 = tpu.memref_squeeze %dma_wait3A_62 : memref<1x2x40x128xi32, #tpu.memory_space<hbm>> -> memref<2x40x128xi32, #tpu.memory_space<hbm>>
    %dma_wait3A_64 = arith.constant 0 : i32
    %dma_wait3A_65 = arith.constant 0 : i32
    %dma_wait3A_66 = tpu.memref_slice %dma_wait3A_63[%dma_wait3A_58, %dma_wait3A_64, %dma_wait3A_65] : memref<2x40x128xi32, #tpu.memory_space<hbm>> -> memref<1x40x128xi32, #tpu.memory_space<hbm>>
    %dma_wait3A_67 = tpu.memref_squeeze %dma_wait3A_66 : memref<1x40x128xi32, #tpu.memory_space<hbm>> -> memref<40x128xi32, #tpu.memory_space<hbm>>
    %dma_wait3A_68 = arith.constant 0 : i32
    %dma_wait3A_69 = arith.constant 0 : i32
    %dma_wait3A_70 = arith.constant 0 : i32
    %dma_wait3A_71 = tpu.memref_slice %arg4[%add3A, %dma_wait3A_68, %dma_wait3A_69, %dma_wait3A_70] : memref<32x2x40x128xi32, #tpu.memory_space<hbm>> -> memref<1x2x40x128xi32, #tpu.memory_space<hbm>>
    %dma_wait3A_72 = tpu.memref_squeeze %dma_wait3A_71 : memref<1x2x40x128xi32, #tpu.memory_space<hbm>> -> memref<2x40x128xi32, #tpu.memory_space<hbm>>
    %dma_wait3A_73 = arith.constant 0 : i32
    %dma_wait3A_74 = arith.constant 0 : i32
    %dma_wait3A_75 = tpu.memref_slice %dma_wait3A_72[%dma_wait3A_58, %dma_wait3A_73, %dma_wait3A_74] : memref<2x40x128xi32, #tpu.memory_space<hbm>> -> memref<1x40x128xi32, #tpu.memory_space<hbm>>
    %dma_wait3A_76 = tpu.memref_squeeze %dma_wait3A_75 : memref<1x40x128xi32, #tpu.memory_space<hbm>> -> memref<40x128xi32, #tpu.memory_space<hbm>>
    tpu.wait_dma2 semaphore(%arg13 : memref<!tpu.dma_semaphore, #tpu.memory_space<semaphore_mem>>) src(%dma_wait3A_76 : memref<40x128xi32, #tpu.memory_space<hbm>>) dst(%arg8 : memref<40x128xi32, #tpu.memory_space<vmem>>)
    %barrier3A = arith.constant 0 : index
    tpu.barrier barrier_id(%barrier3A)
    %dma_start3A_77 = arith.constant 0 : i32
    %dma_start3A_78 = arith.constant 0 : i32
    %dma_start3A_79 = tpu.memref_slice %arg7[%dma_start3A_77, %dma_start3A_78] : memref<40x128xi32, #tpu.memory_space<vmem>> -> memref<1x128xi32, #tpu.memory_space<vmem>>
    %dma_start3A_80 = tpu.memref_squeeze %dma_start3A_79 : memref<1x128xi32, #tpu.memory_space<vmem>> -> memref<128xi32, #tpu.memory_space<vmem>>
    %dma_start3A_81 = arith.constant 0 : i32
    %dma_start3A_82 = arith.constant 0 : i32
    %dma_start3A_83 = tpu.memref_slice %arg2[%dma_start3A_81, %dma_start3A_82] : memref<10240x128xf32, #tpu.memory_space<hbm>> -> memref<10240x128xf32, #tpu.memory_space<hbm>>
    tpu.enqueue_indirect_dma source(%dma_start3A_83 : memref<10240x128xf32, #tpu.memory_space<hbm>>) target(%arg9 : memref<128x128xf32, #tpu.memory_space<vmem>>) offsets(%dma_start3A_80 : memref<128xi32, #tpu.memory_space<vmem>>) semaphore(%arg14 : memref<!tpu.dma_semaphore, #tpu.memory_space<semaphore_mem>>)
    %dma_start3A_84 = arith.constant 1 : i32
    %dma_start3A_85 = arith.constant 0 : i32
    %dma_start3A_86 = tpu.memref_slice %arg7[%dma_start3A_84, %dma_start3A_85] : memref<40x128xi32, #tpu.memory_space<vmem>> -> memref<1x128xi32, #tpu.memory_space<vmem>>
    %dma_start3A_87 = tpu.memref_squeeze %dma_start3A_86 : memref<1x128xi32, #tpu.memory_space<vmem>> -> memref<128xi32, #tpu.memory_space<vmem>>
    %dma_start3A_88 = arith.constant 0 : i32
    %dma_start3A_89 = arith.constant 0 : i32
    %dma_start3A_90 = tpu.memref_slice %arg2[%dma_start3A_88, %dma_start3A_89] : memref<10240x128xf32, #tpu.memory_space<hbm>> -> memref<10240x128xf32, #tpu.memory_space<hbm>>
    tpu.enqueue_indirect_dma source(%dma_start3A_90 : memref<10240x128xf32, #tpu.memory_space<hbm>>) target(%arg10 : memref<128x128xf32, #tpu.memory_space<vmem>>) offsets(%dma_start3A_87 : memref<128xi32, #tpu.memory_space<vmem>>) semaphore(%arg15 : memref<!tpu.dma_semaphore, #tpu.memory_space<semaphore_mem>>)
    %scan3A = arith.constant 0 : i32
    %scan3A_91 = arith.constant 20 : i32
    %scan3A_92 = arith.addi %scan3A, %scan3A_91 : i32
    %scan3A_93 = arith.constant 1 : i32
    scf.for %scan3A_144 = %scan3A to %scan3A_92 step %scan3A_93  : i32 {
      %mul3A_145 = arith.constant 2 : i32
      %mul3A_146 = arith.muli %scan3A_144, %mul3A_145 : i32
      %add3A_147 = arith.constant 0 : i32
      %add3A_148 = arith.addi %mul3A_146, %add3A_147 : i32
      %dma_wait3A_149 = arith.constant 0 : i32
      %dma_wait3A_150 = tpu.memref_slice %arg7[%add3A_148, %dma_wait3A_149] : memref<40x128xi32, #tpu.memory_space<vmem>> -> memref<1x128xi32, #tpu.memory_space<vmem>>
      %dma_wait3A_151 = tpu.memref_squeeze %dma_wait3A_150 : memref<1x128xi32, #tpu.memory_space<vmem>> -> memref<128xi32, #tpu.memory_space<vmem>>
      %dma_wait3A_152 = arith.constant 0 : i32
      %dma_wait3A_153 = arith.constant 0 : i32
      %dma_wait3A_154 = tpu.memref_slice %arg2[%dma_wait3A_152, %dma_wait3A_153] : memref<10240x128xf32, #tpu.memory_space<hbm>> -> memref<10240x128xf32, #tpu.memory_space<hbm>>
      tpu.wait_indirect_dma semaphore(%arg14 : memref<!tpu.dma_semaphore, #tpu.memory_space<semaphore_mem>>) src(%dma_wait3A_154 : memref<10240x128xf32, #tpu.memory_space<hbm>>) dst(%arg9 : memref<128x128xf32, #tpu.memory_space<vmem>>)
      %dma_start3A_155 = arith.constant 0 : i32
      %dma_start3A_156 = tpu.memref_slice %arg8[%add3A_148, %dma_start3A_155] : memref<40x128xi32, #tpu.memory_space<vmem>> -> memref<1x128xi32, #tpu.memory_space<vmem>>
      %dma_start3A_157 = tpu.memref_squeeze %dma_start3A_156 : memref<1x128xi32, #tpu.memory_space<vmem>> -> memref<128xi32, #tpu.memory_space<vmem>>
      %dma_start3A_158 = arith.constant 0 : i32
      %dma_start3A_159 = arith.constant 0 : i32
      %dma_start3A_160 = tpu.memref_slice %arg11[%dma_start3A_158, %dma_start3A_159] : memref<10240x128xf32, #tpu.memory_space<vmem_shared>> -> memref<10240x128xf32, #tpu.memory_space<vmem_shared>>
      tpu.enqueue_indirect_dma source(%arg9 : memref<128x128xf32, #tpu.memory_space<vmem>>) target(%dma_start3A_160 : memref<10240x128xf32, #tpu.memory_space<vmem_shared>>) offsets(%dma_start3A_157 : memref<128xi32, #tpu.memory_space<vmem>>) semaphore(%arg16 : memref<!tpu.dma_semaphore, #tpu.memory_space<semaphore_mem>>) {add = true}
      %add3A_161 = arith.constant 2 : i32
      %add3A_162 = arith.addi %add3A_148, %add3A_161 : i32
      %lt3A = arith.constant 40 : i32
      %lt3A_163 = arith.cmpi slt, %add3A_162, %lt3A : i32
      %convert_element_type3A = arith.extui %lt3A_163 : i1 to i32
      %cond3A = arith.constant 0 : i32
      %cond3A_164 = arith.cmpi ne, %convert_element_type3A, %cond3A : i32
      scf.if %cond3A_164 {
        %dma_wait3A_188 = arith.constant 0 : i32
        %dma_wait3A_189 = tpu.memref_slice %arg8[%add3A_148, %dma_wait3A_188] : memref<40x128xi32, #tpu.memory_space<vmem>> -> memref<1x128xi32, #tpu.memory_space<vmem>>
        %dma_wait3A_190 = tpu.memref_squeeze %dma_wait3A_189 : memref<1x128xi32, #tpu.memory_space<vmem>> -> memref<128xi32, #tpu.memory_space<vmem>>
        %dma_wait3A_191 = arith.constant 0 : i32
        %dma_wait3A_192 = arith.constant 0 : i32
        %dma_wait3A_193 = tpu.memref_slice %arg11[%dma_wait3A_191, %dma_wait3A_192] : memref<10240x128xf32, #tpu.memory_space<vmem_shared>> -> memref<10240x128xf32, #tpu.memory_space<vmem_shared>>
        tpu.wait_indirect_dma semaphore(%arg16 : memref<!tpu.dma_semaphore, #tpu.memory_space<semaphore_mem>>) src(%arg9 : memref<128x128xf32, #tpu.memory_space<vmem>>) dst(%dma_wait3A_193 : memref<10240x128xf32, #tpu.memory_space<vmem_shared>>)
        %add3A_194 = arith.constant 2 : i32
        %add3A_195 = arith.addi %add3A_148, %add3A_194 : i32
        %dma_start3A_196 = arith.constant 0 : i32
        %dma_start3A_197 = tpu.memref_slice %arg7[%add3A_195, %dma_start3A_196] : memref<40x128xi32, #tpu.memory_space<vmem>> -> memref<1x128xi32, #tpu.memory_space<vmem>>
        %dma_start3A_198 = tpu.memref_squeeze %dma_start3A_197 : memref<1x128xi32, #tpu.memory_space<vmem>> -> memref<128xi32, #tpu.memory_space<vmem>>
        %dma_start3A_199 = arith.constant 0 : i32
        %dma_start3A_200 = arith.constant 0 : i32
        %dma_start3A_201 = tpu.memref_slice %arg2[%dma_start3A_199, %dma_start3A_200] : memref<10240x128xf32, #tpu.memory_space<hbm>> -> memref<10240x128xf32, #tpu.memory_space<hbm>>
        tpu.enqueue_indirect_dma source(%dma_start3A_201 : memref<10240x128xf32, #tpu.memory_space<hbm>>) target(%arg9 : memref<128x128xf32, #tpu.memory_space<vmem>>) offsets(%dma_start3A_198 : memref<128xi32, #tpu.memory_space<vmem>>) semaphore(%arg14 : memref<!tpu.dma_semaphore, #tpu.memory_space<semaphore_mem>>)
      } else {
      }
      %mul3A_165 = arith.constant 2 : i32
      %mul3A_166 = arith.muli %scan3A_144, %mul3A_165 : i32
      %add3A_167 = arith.constant 1 : i32
      %add3A_168 = arith.addi %mul3A_166, %add3A_167 : i32
      %dma_wait3A_169 = arith.constant 0 : i32
      %dma_wait3A_170 = tpu.memref_slice %arg7[%add3A_168, %dma_wait3A_169] : memref<40x128xi32, #tpu.memory_space<vmem>> -> memref<1x128xi32, #tpu.memory_space<vmem>>
      %dma_wait3A_171 = tpu.memref_squeeze %dma_wait3A_170 : memref<1x128xi32, #tpu.memory_space<vmem>> -> memref<128xi32, #tpu.memory_space<vmem>>
      %dma_wait3A_172 = arith.constant 0 : i32
      %dma_wait3A_173 = arith.constant 0 : i32
      %dma_wait3A_174 = tpu.memref_slice %arg2[%dma_wait3A_172, %dma_wait3A_173] : memref<10240x128xf32, #tpu.memory_space<hbm>> -> memref<10240x128xf32, #tpu.memory_space<hbm>>
      tpu.wait_indirect_dma semaphore(%arg15 : memref<!tpu.dma_semaphore, #tpu.memory_space<semaphore_mem>>) src(%dma_wait3A_174 : memref<10240x128xf32, #tpu.memory_space<hbm>>) dst(%arg10 : memref<128x128xf32, #tpu.memory_space<vmem>>)
      %dma_start3A_175 = arith.constant 0 : i32
      %dma_start3A_176 = tpu.memref_slice %arg8[%add3A_168, %dma_start3A_175] : memref<40x128xi32, #tpu.memory_space<vmem>> -> memref<1x128xi32, #tpu.memory_space<vmem>>
      %dma_start3A_177 = tpu.memref_squeeze %dma_start3A_176 : memref<1x128xi32, #tpu.memory_space<vmem>> -> memref<128xi32, #tpu.memory_space<vmem>>
      %dma_start3A_178 = arith.constant 0 : i32
      %dma_start3A_179 = arith.constant 0 : i32
      %dma_start3A_180 = tpu.memref_slice %arg11[%dma_start3A_178, %dma_start3A_179] : memref<10240x128xf32, #tpu.memory_space<vmem_shared>> -> memref<10240x128xf32, #tpu.memory_space<vmem_shared>>
      tpu.enqueue_indirect_dma source(%arg10 : memref<128x128xf32, #tpu.memory_space<vmem>>) target(%dma_start3A_180 : memref<10240x128xf32, #tpu.memory_space<vmem_shared>>) offsets(%dma_start3A_177 : memref<128xi32, #tpu.memory_space<vmem>>) semaphore(%arg17 : memref<!tpu.dma_semaphore, #tpu.memory_space<semaphore_mem>>) {add = true}
      %add3A_181 = arith.constant 2 : i32
      %add3A_182 = arith.addi %add3A_168, %add3A_181 : i32
      %lt3A_183 = arith.constant 40 : i32
      %lt3A_184 = arith.cmpi slt, %add3A_182, %lt3A_183 : i32
      %convert_element_type3A_185 = arith.extui %lt3A_184 : i1 to i32
      %cond3A_186 = arith.constant 0 : i32
      %cond3A_187 = arith.cmpi ne, %convert_element_type3A_185, %cond3A_186 : i32
      scf.if %cond3A_187 {
        %dma_wait3A_188 = arith.constant 0 : i32
        %dma_wait3A_189 = tpu.memref_slice %arg8[%add3A_168, %dma_wait3A_188] : memref<40x128xi32, #tpu.memory_space<vmem>> -> memref<1x128xi32, #tpu.memory_space<vmem>>
        %dma_wait3A_190 = tpu.memref_squeeze %dma_wait3A_189 : memref<1x128xi32, #tpu.memory_space<vmem>> -> memref<128xi32, #tpu.memory_space<vmem>>
        %dma_wait3A_191 = arith.constant 0 : i32
        %dma_wait3A_192 = arith.constant 0 : i32
        %dma_wait3A_193 = tpu.memref_slice %arg11[%dma_wait3A_191, %dma_wait3A_192] : memref<10240x128xf32, #tpu.memory_space<vmem_shared>> -> memref<10240x128xf32, #tpu.memory_space<vmem_shared>>
        tpu.wait_indirect_dma semaphore(%arg17 : memref<!tpu.dma_semaphore, #tpu.memory_space<semaphore_mem>>) src(%arg10 : memref<128x128xf32, #tpu.memory_space<vmem>>) dst(%dma_wait3A_193 : memref<10240x128xf32, #tpu.memory_space<vmem_shared>>)
        %add3A_194 = arith.constant 2 : i32
        %add3A_195 = arith.addi %add3A_168, %add3A_194 : i32
        %dma_start3A_196 = arith.constant 0 : i32
        %dma_start3A_197 = tpu.memref_slice %arg7[%add3A_195, %dma_start3A_196] : memref<40x128xi32, #tpu.memory_space<vmem>> -> memref<1x128xi32, #tpu.memory_space<vmem>>
        %dma_start3A_198 = tpu.memref_squeeze %dma_start3A_197 : memref<1x128xi32, #tpu.memory_space<vmem>> -> memref<128xi32, #tpu.memory_space<vmem>>
        %dma_start3A_199 = arith.constant 0 : i32
        %dma_start3A_200 = arith.constant 0 : i32
        %dma_start3A_201 = tpu.memref_slice %arg2[%dma_start3A_199, %dma_start3A_200] : memref<10240x128xf32, #tpu.memory_space<hbm>> -> memref<10240x128xf32, #tpu.memory_space<hbm>>
        tpu.enqueue_indirect_dma source(%dma_start3A_201 : memref<10240x128xf32, #tpu.memory_space<hbm>>) target(%arg10 : memref<128x128xf32, #tpu.memory_space<vmem>>) offsets(%dma_start3A_198 : memref<128xi32, #tpu.memory_space<vmem>>) semaphore(%arg15 : memref<!tpu.dma_semaphore, #tpu.memory_space<semaphore_mem>>)
      } else {
      }
    }
    %scan3A_94 = arith.constant 20 : i32
    %dma_wait3A_95 = arith.constant 0 : i32
    %dma_wait3A_96 = arith.constant 0 : i32
    %dma_wait3A_97 = tpu.memref_slice %arg8[%dma_wait3A_95, %dma_wait3A_96] : memref<40x128xi32, #tpu.memory_space<vmem>> -> memref<1x128xi32, #tpu.memory_space<vmem>>
    %dma_wait3A_98 = tpu.memref_squeeze %dma_wait3A_97 : memref<1x128xi32, #tpu.memory_space<vmem>> -> memref<128xi32, #tpu.memory_space<vmem>>
    %dma_wait3A_99 = arith.constant 0 : i32
    %dma_wait3A_100 = arith.constant 0 : i32
    %dma_wait3A_101 = tpu.memref_slice %arg11[%dma_wait3A_99, %dma_wait3A_100] : memref<10240x128xf32, #tpu.memory_space<vmem_shared>> -> memref<10240x128xf32, #tpu.memory_space<vmem_shared>>
    tpu.wait_indirect_dma semaphore(%arg16 : memref<!tpu.dma_semaphore, #tpu.memory_space<semaphore_mem>>) src(%arg9 : memref<128x128xf32, #tpu.memory_space<vmem>>) dst(%dma_wait3A_101 : memref<10240x128xf32, #tpu.memory_space<vmem_shared>>)
    %dma_wait3A_102 = arith.constant 0 : i32
    %dma_wait3A_103 = arith.constant 0 : i32
    %dma_wait3A_104 = tpu.memref_slice %arg8[%dma_wait3A_102, %dma_wait3A_103] : memref<40x128xi32, #tpu.memory_space<vmem>> -> memref<1x128xi32, #tpu.memory_space<vmem>>
    %dma_wait3A_105 = tpu.memref_squeeze %dma_wait3A_104 : memref<1x128xi32, #tpu.memory_space<vmem>> -> memref<128xi32, #tpu.memory_space<vmem>>
    %dma_wait3A_106 = arith.constant 0 : i32
    %dma_wait3A_107 = arith.constant 0 : i32
    %dma_wait3A_108 = tpu.memref_slice %arg11[%dma_wait3A_106, %dma_wait3A_107] : memref<10240x128xf32, #tpu.memory_space<vmem_shared>> -> memref<10240x128xf32, #tpu.memory_space<vmem_shared>>
    tpu.wait_indirect_dma semaphore(%arg17 : memref<!tpu.dma_semaphore, #tpu.memory_space<semaphore_mem>>) src(%arg10 : memref<128x128xf32, #tpu.memory_space<vmem>>) dst(%dma_wait3A_108 : memref<10240x128xf32, #tpu.memory_space<vmem_shared>>)
    %run_scoped3A = arith.constant 1 : i32
    "tpu.region"() ({
      %run_scoped3A_144 = tpu.sem_alloc : memref<!tpu.dma_semaphore, #tpu.memory_space<semaphore_mem>>
      %dma_start3A_145 = arith.constant 0 : i32
      %dma_start3A_146 = arith.constant 0 : i32
      %dma_start3A_147 = arith.constant 0 : i32
      %dma_start3A_148 = tpu.memref_slice %arg3[%add3A, %dma_start3A_145, %dma_start3A_146, %dma_start3A_147] : memref<32x2x40x128xi32, #tpu.memory_space<hbm>> -> memref<1x2x40x128xi32, #tpu.memory_space<hbm>>
      %dma_start3A_149 = tpu.memref_squeeze %dma_start3A_148 : memref<1x2x40x128xi32, #tpu.memory_space<hbm>> -> memref<2x40x128xi32, #tpu.memory_space<hbm>>
      %dma_start3A_150 = arith.constant 0 : i32
      %dma_start3A_151 = arith.constant 0 : i32
      %dma_start3A_152 = tpu.memref_slice %dma_start3A_149[%run_scoped3A, %dma_start3A_150, %dma_start3A_151] : memref<2x40x128xi32, #tpu.memory_space<hbm>> -> memref<1x40x128xi32, #tpu.memory_space<hbm>>
      %dma_start3A_153 = tpu.memref_squeeze %dma_start3A_152 : memref<1x40x128xi32, #tpu.memory_space<hbm>> -> memref<40x128xi32, #tpu.memory_space<hbm>>
      %dma_start3A_154 = arith.constant 0 : i32
      %dma_start3A_155 = arith.constant 0 : i32
      %dma_start3A_156 = arith.constant 0 : i32
      %dma_start3A_157 = tpu.memref_slice %arg3[%add3A, %dma_start3A_154, %dma_start3A_155, %dma_start3A_156] : memref<32x2x40x128xi32, #tpu.memory_space<hbm>> -> memref<1x2x40x128xi32, #tpu.memory_space<hbm>>
      %dma_start3A_158 = tpu.memref_squeeze %dma_start3A_157 : memref<1x2x40x128xi32, #tpu.memory_space<hbm>> -> memref<2x40x128xi32, #tpu.memory_space<hbm>>
      %dma_start3A_159 = arith.constant 0 : i32
      %dma_start3A_160 = arith.constant 0 : i32
      %dma_start3A_161 = tpu.memref_slice %dma_start3A_158[%run_scoped3A, %dma_start3A_159, %dma_start3A_160] : memref<2x40x128xi32, #tpu.memory_space<hbm>> -> memref<1x40x128xi32, #tpu.memory_space<hbm>>
      %dma_start3A_162 = tpu.memref_squeeze %dma_start3A_161 : memref<1x40x128xi32, #tpu.memory_space<hbm>> -> memref<40x128xi32, #tpu.memory_space<hbm>>
      tpu.enqueue_dma source(%dma_start3A_162 : memref<40x128xi32, #tpu.memory_space<hbm>>) target(%arg7 : memref<40x128xi32, #tpu.memory_space<vmem>>) target_semaphore(%run_scoped3A_144 : memref<!tpu.dma_semaphore, #tpu.memory_space<semaphore_mem>>)
      %dma_wait3A_163 = arith.constant 0 : i32
      %dma_wait3A_164 = arith.constant 0 : i32
      %dma_wait3A_165 = arith.constant 0 : i32
      %dma_wait3A_166 = tpu.memref_slice %arg3[%add3A, %dma_wait3A_163, %dma_wait3A_164, %dma_wait3A_165] : memref<32x2x40x128xi32, #tpu.memory_space<hbm>> -> memref<1x2x40x128xi32, #tpu.memory_space<hbm>>
      %dma_wait3A_167 = tpu.memref_squeeze %dma_wait3A_166 : memref<1x2x40x128xi32, #tpu.memory_space<hbm>> -> memref<2x40x128xi32, #tpu.memory_space<hbm>>
      %dma_wait3A_168 = arith.constant 0 : i32
      %dma_wait3A_169 = arith.constant 0 : i32
      %dma_wait3A_170 = tpu.memref_slice %dma_wait3A_167[%run_scoped3A, %dma_wait3A_168, %dma_wait3A_169] : memref<2x40x128xi32, #tpu.memory_space<hbm>> -> memref<1x40x128xi32, #tpu.memory_space<hbm>>
      %dma_wait3A_171 = tpu.memref_squeeze %dma_wait3A_170 : memref<1x40x128xi32, #tpu.memory_space<hbm>> -> memref<40x128xi32, #tpu.memory_space<hbm>>
      %dma_wait3A_172 = arith.constant 0 : i32
      %dma_wait3A_173 = arith.constant 0 : i32
      %dma_wait3A_174 = arith.constant 0 : i32
      %dma_wait3A_175 = tpu.memref_slice %arg3[%add3A, %dma_wait3A_172, %dma_wait3A_173, %dma_wait3A_174] : memref<32x2x40x128xi32, #tpu.memory_space<hbm>> -> memref<1x2x40x128xi32, #tpu.memory_space<hbm>>
      %dma_wait3A_176 = tpu.memref_squeeze %dma_wait3A_175 : memref<1x2x40x128xi32, #tpu.memory_space<hbm>> -> memref<2x40x128xi32, #tpu.memory_space<hbm>>
      %dma_wait3A_177 = arith.constant 0 : i32
      %dma_wait3A_178 = arith.constant 0 : i32
      %dma_wait3A_179 = tpu.memref_slice %dma_wait3A_176[%run_scoped3A, %dma_wait3A_177, %dma_wait3A_178] : memref<2x40x128xi32, #tpu.memory_space<hbm>> -> memref<1x40x128xi32, #tpu.memory_space<hbm>>
      %dma_wait3A_180 = tpu.memref_squeeze %dma_wait3A_179 : memref<1x40x128xi32, #tpu.memory_space<hbm>> -> memref<40x128xi32, #tpu.memory_space<hbm>>
      tpu.wait_dma2 semaphore(%run_scoped3A_144 : memref<!tpu.dma_semaphore, #tpu.memory_space<semaphore_mem>>) src(%dma_wait3A_180 : memref<40x128xi32, #tpu.memory_space<hbm>>) dst(%arg7 : memref<40x128xi32, #tpu.memory_space<vmem>>)
      tpu.yield
    }) : () -> ()
    %run_scoped3A_109 = arith.constant 1 : i32
    "tpu.region"() ({
      %run_scoped3A_144 = tpu.sem_alloc : memref<!tpu.dma_semaphore, #tpu.memory_space<semaphore_mem>>
      %dma_start3A_145 = arith.constant 0 : i32
      %dma_start3A_146 = arith.constant 0 : i32
      %dma_start3A_147 = arith.constant 0 : i32
      %dma_start3A_148 = tpu.memref_slice %arg4[%add3A, %dma_start3A_145, %dma_start3A_146, %dma_start3A_147] : memref<32x2x40x128xi32, #tpu.memory_space<hbm>> -> memref<1x2x40x128xi32, #tpu.memory_space<hbm>>
      %dma_start3A_149 = tpu.memref_squeeze %dma_start3A_148 : memref<1x2x40x128xi32, #tpu.memory_space<hbm>> -> memref<2x40x128xi32, #tpu.memory_space<hbm>>
      %dma_start3A_150 = arith.constant 0 : i32
      %dma_start3A_151 = arith.constant 0 : i32
      %dma_start3A_152 = tpu.memref_slice %dma_start3A_149[%run_scoped3A_109, %dma_start3A_150, %dma_start3A_151] : memref<2x40x128xi32, #tpu.memory_space<hbm>> -> memref<1x40x128xi32, #tpu.memory_space<hbm>>
      %dma_start3A_153 = tpu.memref_squeeze %dma_start3A_152 : memref<1x40x128xi32, #tpu.memory_space<hbm>> -> memref<40x128xi32, #tpu.memory_space<hbm>>
      %dma_start3A_154 = arith.constant 0 : i32
      %dma_start3A_155 = arith.constant 0 : i32
      %dma_start3A_156 = arith.constant 0 : i32
      %dma_start3A_157 = tpu.memref_slice %arg4[%add3A, %dma_start3A_154, %dma_start3A_155, %dma_start3A_156] : memref<32x2x40x128xi32, #tpu.memory_space<hbm>> -> memref<1x2x40x128xi32, #tpu.memory_space<hbm>>
      %dma_start3A_158 = tpu.memref_squeeze %dma_start3A_157 : memref<1x2x40x128xi32, #tpu.memory_space<hbm>> -> memref<2x40x128xi32, #tpu.memory_space<hbm>>
      %dma_start3A_159 = arith.constant 0 : i32
      %dma_start3A_160 = arith.constant 0 : i32
      %dma_start3A_161 = tpu.memref_slice %dma_start3A_158[%run_scoped3A_109, %dma_start3A_159, %dma_start3A_160] : memref<2x40x128xi32, #tpu.memory_space<hbm>> -> memref<1x40x128xi32, #tpu.memory_space<hbm>>
      %dma_start3A_162 = tpu.memref_squeeze %dma_start3A_161 : memref<1x40x128xi32, #tpu.memory_space<hbm>> -> memref<40x128xi32, #tpu.memory_space<hbm>>
      tpu.enqueue_dma source(%dma_start3A_162 : memref<40x128xi32, #tpu.memory_space<hbm>>) target(%arg8 : memref<40x128xi32, #tpu.memory_space<vmem>>) target_semaphore(%run_scoped3A_144 : memref<!tpu.dma_semaphore, #tpu.memory_space<semaphore_mem>>)
      %dma_wait3A_163 = arith.constant 0 : i32
      %dma_wait3A_164 = arith.constant 0 : i32
      %dma_wait3A_165 = arith.constant 0 : i32
      %dma_wait3A_166 = tpu.memref_slice %arg4[%add3A, %dma_wait3A_163, %dma_wait3A_164, %dma_wait3A_165] : memref<32x2x40x128xi32, #tpu.memory_space<hbm>> -> memref<1x2x40x128xi32, #tpu.memory_space<hbm>>
      %dma_wait3A_167 = tpu.memref_squeeze %dma_wait3A_166 : memref<1x2x40x128xi32, #tpu.memory_space<hbm>> -> memref<2x40x128xi32, #tpu.memory_space<hbm>>
      %dma_wait3A_168 = arith.constant 0 : i32
      %dma_wait3A_169 = arith.constant 0 : i32
      %dma_wait3A_170 = tpu.memref_slice %dma_wait3A_167[%run_scoped3A_109, %dma_wait3A_168, %dma_wait3A_169] : memref<2x40x128xi32, #tpu.memory_space<hbm>> -> memref<1x40x128xi32, #tpu.memory_space<hbm>>
      %dma_wait3A_171 = tpu.memref_squeeze %dma_wait3A_170 : memref<1x40x128xi32, #tpu.memory_space<hbm>> -> memref<40x128xi32, #tpu.memory_space<hbm>>
      %dma_wait3A_172 = arith.constant 0 : i32
      %dma_wait3A_173 = arith.constant 0 : i32
      %dma_wait3A_174 = arith.constant 0 : i32
      %dma_wait3A_175 = tpu.memref_slice %arg4[%add3A, %dma_wait3A_172, %dma_wait3A_173, %dma_wait3A_174] : memref<32x2x40x128xi32, #tpu.memory_space<hbm>> -> memref<1x2x40x128xi32, #tpu.memory_space<hbm>>
      %dma_wait3A_176 = tpu.memref_squeeze %dma_wait3A_175 : memref<1x2x40x128xi32, #tpu.memory_space<hbm>> -> memref<2x40x128xi32, #tpu.memory_space<hbm>>
      %dma_wait3A_177 = arith.constant 0 : i32
      %dma_wait3A_178 = arith.constant 0 : i32
      %dma_wait3A_179 = tpu.memref_slice %dma_wait3A_176[%run_scoped3A_109, %dma_wait3A_177, %dma_wait3A_178] : memref<2x40x128xi32, #tpu.memory_space<hbm>> -> memref<1x40x128xi32, #tpu.memory_space<hbm>>
      %dma_wait3A_180 = tpu.memref_squeeze %dma_wait3A_179 : memref<1x40x128xi32, #tpu.memory_space<hbm>> -> memref<40x128xi32, #tpu.memory_space<hbm>>
      tpu.wait_dma2 semaphore(%run_scoped3A_144 : memref<!tpu.dma_semaphore, #tpu.memory_space<semaphore_mem>>) src(%dma_wait3A_180 : memref<40x128xi32, #tpu.memory_space<hbm>>) dst(%arg8 : memref<40x128xi32, #tpu.memory_space<vmem>>)
      tpu.yield
    }) : () -> ()
    %dma_start3A_110 = arith.constant 0 : i32
    %dma_start3A_111 = arith.constant 0 : i32
    %dma_start3A_112 = tpu.memref_slice %arg7[%dma_start3A_110, %dma_start3A_111] : memref<40x128xi32, #tpu.memory_space<vmem>> -> memref<1x128xi32, #tpu.memory_space<vmem>>
    %dma_start3A_113 = tpu.memref_squeeze %dma_start3A_112 : memref<1x128xi32, #tpu.memory_space<vmem>> -> memref<128xi32, #tpu.memory_space<vmem>>
    %dma_start3A_114 = arith.constant 0 : i32
    %dma_start3A_115 = arith.constant 0 : i32
    %dma_start3A_116 = tpu.memref_slice %arg2[%dma_start3A_114, %dma_start3A_115] : memref<10240x128xf32, #tpu.memory_space<hbm>> -> memref<10240x128xf32, #tpu.memory_space<hbm>>
    tpu.enqueue_indirect_dma source(%dma_start3A_116 : memref<10240x128xf32, #tpu.memory_space<hbm>>) target(%arg9 : memref<128x128xf32, #tpu.memory_space<vmem>>) offsets(%dma_start3A_113 : memref<128xi32, #tpu.memory_space<vmem>>) semaphore(%arg14 : memref<!tpu.dma_semaphore, #tpu.memory_space<semaphore_mem>>)
    %dma_start3A_117 = arith.constant 1 : i32
    %dma_start3A_118 = arith.constant 0 : i32
    %dma_start3A_119 = tpu.memref_slice %arg7[%dma_start3A_117, %dma_start3A_118] : memref<40x128xi32, #tpu.memory_space<vmem>> -> memref<1x128xi32, #tpu.memory_space<vmem>>
    %dma_start3A_120 = tpu.memref_squeeze %dma_start3A_119 : memref<1x128xi32, #tpu.memory_space<vmem>> -> memref<128xi32, #tpu.memory_space<vmem>>
    %dma_start3A_121 = arith.constant 0 : i32
    %dma_start3A_122 = arith.constant 0 : i32
    %dma_start3A_123 = tpu.memref_slice %arg2[%dma_start3A_121, %dma_start3A_122] : memref<10240x128xf32, #tpu.memory_space<hbm>> -> memref<10240x128xf32, #tpu.memory_space<hbm>>
    tpu.enqueue_indirect_dma source(%dma_start3A_123 : memref<10240x128xf32, #tpu.memory_space<hbm>>) target(%arg10 : memref<128x128xf32, #tpu.memory_space<vmem>>) offsets(%dma_start3A_120 : memref<128xi32, #tpu.memory_space<vmem>>) semaphore(%arg15 : memref<!tpu.dma_semaphore, #tpu.memory_space<semaphore_mem>>)
    %scan3A_124 = arith.constant 0 : i32
    %scan3A_125 = arith.constant 20 : i32
    %scan3A_126 = arith.addi %scan3A_124, %scan3A_125 : i32
    %scan3A_127 = arith.constant 1 : i32
    scf.for %scan3A_144 = %scan3A_124 to %scan3A_126 step %scan3A_127  : i32 {
      %mul3A_145 = arith.constant 2 : i32
      %mul3A_146 = arith.muli %scan3A_144, %mul3A_145 : i32
      %add3A_147 = arith.constant 0 : i32
      %add3A_148 = arith.addi %mul3A_146, %add3A_147 : i32
      %dma_wait3A_149 = arith.constant 0 : i32
      %dma_wait3A_150 = tpu.memref_slice %arg7[%add3A_148, %dma_wait3A_149] : memref<40x128xi32, #tpu.memory_space<vmem>> -> memref<1x128xi32, #tpu.memory_space<vmem>>
      %dma_wait3A_151 = tpu.memref_squeeze %dma_wait3A_150 : memref<1x128xi32, #tpu.memory_space<vmem>> -> memref<128xi32, #tpu.memory_space<vmem>>
      %dma_wait3A_152 = arith.constant 0 : i32
      %dma_wait3A_153 = arith.constant 0 : i32
      %dma_wait3A_154 = tpu.memref_slice %arg2[%dma_wait3A_152, %dma_wait3A_153] : memref<10240x128xf32, #tpu.memory_space<hbm>> -> memref<10240x128xf32, #tpu.memory_space<hbm>>
      tpu.wait_indirect_dma semaphore(%arg14 : memref<!tpu.dma_semaphore, #tpu.memory_space<semaphore_mem>>) src(%dma_wait3A_154 : memref<10240x128xf32, #tpu.memory_space<hbm>>) dst(%arg9 : memref<128x128xf32, #tpu.memory_space<vmem>>)
      %dma_start3A_155 = arith.constant 0 : i32
      %dma_start3A_156 = tpu.memref_slice %arg8[%add3A_148, %dma_start3A_155] : memref<40x128xi32, #tpu.memory_space<vmem>> -> memref<1x128xi32, #tpu.memory_space<vmem>>
      %dma_start3A_157 = tpu.memref_squeeze %dma_start3A_156 : memref<1x128xi32, #tpu.memory_space<vmem>> -> memref<128xi32, #tpu.memory_space<vmem>>
      %dma_start3A_158 = arith.constant 0 : i32
      %dma_start3A_159 = arith.constant 0 : i32
      %dma_start3A_160 = tpu.memref_slice %arg11[%dma_start3A_158, %dma_start3A_159] : memref<10240x128xf32, #tpu.memory_space<vmem_shared>> -> memref<10240x128xf32, #tpu.memory_space<vmem_shared>>
      tpu.enqueue_indirect_dma source(%arg9 : memref<128x128xf32, #tpu.memory_space<vmem>>) target(%dma_start3A_160 : memref<10240x128xf32, #tpu.memory_space<vmem_shared>>) offsets(%dma_start3A_157 : memref<128xi32, #tpu.memory_space<vmem>>) semaphore(%arg16 : memref<!tpu.dma_semaphore, #tpu.memory_space<semaphore_mem>>) {add = true}
      %add3A_161 = arith.constant 2 : i32
      %add3A_162 = arith.addi %add3A_148, %add3A_161 : i32
      %lt3A = arith.constant 40 : i32
      %lt3A_163 = arith.cmpi slt, %add3A_162, %lt3A : i32
      %convert_element_type3A = arith.extui %lt3A_163 : i1 to i32
      %cond3A = arith.constant 0 : i32
      %cond3A_164 = arith.cmpi ne, %convert_element_type3A, %cond3A : i32
      scf.if %cond3A_164 {
        %dma_wait3A_188 = arith.constant 0 : i32
        %dma_wait3A_189 = tpu.memref_slice %arg8[%add3A_148, %dma_wait3A_188] : memref<40x128xi32, #tpu.memory_space<vmem>> -> memref<1x128xi32, #tpu.memory_space<vmem>>
        %dma_wait3A_190 = tpu.memref_squeeze %dma_wait3A_189 : memref<1x128xi32, #tpu.memory_space<vmem>> -> memref<128xi32, #tpu.memory_space<vmem>>
        %dma_wait3A_191 = arith.constant 0 : i32
        %dma_wait3A_192 = arith.constant 0 : i32
        %dma_wait3A_193 = tpu.memref_slice %arg11[%dma_wait3A_191, %dma_wait3A_192] : memref<10240x128xf32, #tpu.memory_space<vmem_shared>> -> memref<10240x128xf32, #tpu.memory_space<vmem_shared>>
        tpu.wait_indirect_dma semaphore(%arg16 : memref<!tpu.dma_semaphore, #tpu.memory_space<semaphore_mem>>) src(%arg9 : memref<128x128xf32, #tpu.memory_space<vmem>>) dst(%dma_wait3A_193 : memref<10240x128xf32, #tpu.memory_space<vmem_shared>>)
        %add3A_194 = arith.constant 2 : i32
        %add3A_195 = arith.addi %add3A_148, %add3A_194 : i32
        %dma_start3A_196 = arith.constant 0 : i32
        %dma_start3A_197 = tpu.memref_slice %arg7[%add3A_195, %dma_start3A_196] : memref<40x128xi32, #tpu.memory_space<vmem>> -> memref<1x128xi32, #tpu.memory_space<vmem>>
        %dma_start3A_198 = tpu.memref_squeeze %dma_start3A_197 : memref<1x128xi32, #tpu.memory_space<vmem>> -> memref<128xi32, #tpu.memory_space<vmem>>
        %dma_start3A_199 = arith.constant 0 : i32
        %dma_start3A_200 = arith.constant 0 : i32
        %dma_start3A_201 = tpu.memref_slice %arg2[%dma_start3A_199, %dma_start3A_200] : memref<10240x128xf32, #tpu.memory_space<hbm>> -> memref<10240x128xf32, #tpu.memory_space<hbm>>
        tpu.enqueue_indirect_dma source(%dma_start3A_201 : memref<10240x128xf32, #tpu.memory_space<hbm>>) target(%arg9 : memref<128x128xf32, #tpu.memory_space<vmem>>) offsets(%dma_start3A_198 : memref<128xi32, #tpu.memory_space<vmem>>) semaphore(%arg14 : memref<!tpu.dma_semaphore, #tpu.memory_space<semaphore_mem>>)
      } else {
      }
      %mul3A_165 = arith.constant 2 : i32
      %mul3A_166 = arith.muli %scan3A_144, %mul3A_165 : i32
      %add3A_167 = arith.constant 1 : i32
      %add3A_168 = arith.addi %mul3A_166, %add3A_167 : i32
      %dma_wait3A_169 = arith.constant 0 : i32
      %dma_wait3A_170 = tpu.memref_slice %arg7[%add3A_168, %dma_wait3A_169] : memref<40x128xi32, #tpu.memory_space<vmem>> -> memref<1x128xi32, #tpu.memory_space<vmem>>
      %dma_wait3A_171 = tpu.memref_squeeze %dma_wait3A_170 : memref<1x128xi32, #tpu.memory_space<vmem>> -> memref<128xi32, #tpu.memory_space<vmem>>
      %dma_wait3A_172 = arith.constant 0 : i32
      %dma_wait3A_173 = arith.constant 0 : i32
      %dma_wait3A_174 = tpu.memref_slice %arg2[%dma_wait3A_172, %dma_wait3A_173] : memref<10240x128xf32, #tpu.memory_space<hbm>> -> memref<10240x128xf32, #tpu.memory_space<hbm>>
      tpu.wait_indirect_dma semaphore(%arg15 : memref<!tpu.dma_semaphore, #tpu.memory_space<semaphore_mem>>) src(%dma_wait3A_174 : memref<10240x128xf32, #tpu.memory_space<hbm>>) dst(%arg10 : memref<128x128xf32, #tpu.memory_space<vmem>>)
      %dma_start3A_175 = arith.constant 0 : i32
      %dma_start3A_176 = tpu.memref_slice %arg8[%add3A_168, %dma_start3A_175] : memref<40x128xi32, #tpu.memory_space<vmem>> -> memref<1x128xi32, #tpu.memory_space<vmem>>
      %dma_start3A_177 = tpu.memref_squeeze %dma_start3A_176 : memref<1x128xi32, #tpu.memory_space<vmem>> -> memref<128xi32, #tpu.memory_space<vmem>>
      %dma_start3A_178 = arith.constant 0 : i32
      %dma_start3A_179 = arith.constant 0 : i32
      %dma_start3A_180 = tpu.memref_slice %arg11[%dma_start3A_178, %dma_start3A_179] : memref<10240x128xf32, #tpu.memory_space<vmem_shared>> -> memref<10240x128xf32, #tpu.memory_space<vmem_shared>>
      tpu.enqueue_indirect_dma source(%arg10 : memref<128x128xf32, #tpu.memory_space<vmem>>) target(%dma_start3A_180 : memref<10240x128xf32, #tpu.memory_space<vmem_shared>>) offsets(%dma_start3A_177 : memref<128xi32, #tpu.memory_space<vmem>>) semaphore(%arg17 : memref<!tpu.dma_semaphore, #tpu.memory_space<semaphore_mem>>) {add = true}
      %add3A_181 = arith.constant 2 : i32
      %add3A_182 = arith.addi %add3A_168, %add3A_181 : i32
      %lt3A_183 = arith.constant 40 : i32
      %lt3A_184 = arith.cmpi slt, %add3A_182, %lt3A_183 : i32
      %convert_element_type3A_185 = arith.extui %lt3A_184 : i1 to i32
      %cond3A_186 = arith.constant 0 : i32
      %cond3A_187 = arith.cmpi ne, %convert_element_type3A_185, %cond3A_186 : i32
      scf.if %cond3A_187 {
        %dma_wait3A_188 = arith.constant 0 : i32
        %dma_wait3A_189 = tpu.memref_slice %arg8[%add3A_168, %dma_wait3A_188] : memref<40x128xi32, #tpu.memory_space<vmem>> -> memref<1x128xi32, #tpu.memory_space<vmem>>
        %dma_wait3A_190 = tpu.memref_squeeze %dma_wait3A_189 : memref<1x128xi32, #tpu.memory_space<vmem>> -> memref<128xi32, #tpu.memory_space<vmem>>
        %dma_wait3A_191 = arith.constant 0 : i32
        %dma_wait3A_192 = arith.constant 0 : i32
        %dma_wait3A_193 = tpu.memref_slice %arg11[%dma_wait3A_191, %dma_wait3A_192] : memref<10240x128xf32, #tpu.memory_space<vmem_shared>> -> memref<10240x128xf32, #tpu.memory_space<vmem_shared>>
        tpu.wait_indirect_dma semaphore(%arg17 : memref<!tpu.dma_semaphore, #tpu.memory_space<semaphore_mem>>) src(%arg10 : memref<128x128xf32, #tpu.memory_space<vmem>>) dst(%dma_wait3A_193 : memref<10240x128xf32, #tpu.memory_space<vmem_shared>>)
        %add3A_194 = arith.constant 2 : i32
        %add3A_195 = arith.addi %add3A_168, %add3A_194 : i32
        %dma_start3A_196 = arith.constant 0 : i32
        %dma_start3A_197 = tpu.memref_slice %arg7[%add3A_195, %dma_start3A_196] : memref<40x128xi32, #tpu.memory_space<vmem>> -> memref<1x128xi32, #tpu.memory_space<vmem>>
        %dma_start3A_198 = tpu.memref_squeeze %dma_start3A_197 : memref<1x128xi32, #tpu.memory_space<vmem>> -> memref<128xi32, #tpu.memory_space<vmem>>
        %dma_start3A_199 = arith.constant 0 : i32
        %dma_start3A_200 = arith.constant 0 : i32
        %dma_start3A_201 = tpu.memref_slice %arg2[%dma_start3A_199, %dma_start3A_200] : memref<10240x128xf32, #tpu.memory_space<hbm>> -> memref<10240x128xf32, #tpu.memory_space<hbm>>
        tpu.enqueue_indirect_dma source(%dma_start3A_201 : memref<10240x128xf32, #tpu.memory_space<hbm>>) target(%arg10 : memref<128x128xf32, #tpu.memory_space<vmem>>) offsets(%dma_start3A_198 : memref<128xi32, #tpu.memory_space<vmem>>) semaphore(%arg15 : memref<!tpu.dma_semaphore, #tpu.memory_space<semaphore_mem>>)
      } else {
      }
    }
    %scan3A_128 = arith.constant 20 : i32
    %dma_wait3A_129 = arith.constant 0 : i32
    %dma_wait3A_130 = arith.constant 0 : i32
    %dma_wait3A_131 = tpu.memref_slice %arg8[%dma_wait3A_129, %dma_wait3A_130] : memref<40x128xi32, #tpu.memory_space<vmem>> -> memref<1x128xi32, #tpu.memory_space<vmem>>
    %dma_wait3A_132 = tpu.memref_squeeze %dma_wait3A_131 : memref<1x128xi32, #tpu.memory_space<vmem>> -> memref<128xi32, #tpu.memory_space<vmem>>
    %dma_wait3A_133 = arith.constant 0 : i32
    %dma_wait3A_134 = arith.constant 0 : i32
    %dma_wait3A_135 = tpu.memref_slice %arg11[%dma_wait3A_133, %dma_wait3A_134] : memref<10240x128xf32, #tpu.memory_space<vmem_shared>> -> memref<10240x128xf32, #tpu.memory_space<vmem_shared>>
    tpu.wait_indirect_dma semaphore(%arg16 : memref<!tpu.dma_semaphore, #tpu.memory_space<semaphore_mem>>) src(%arg9 : memref<128x128xf32, #tpu.memory_space<vmem>>) dst(%dma_wait3A_135 : memref<10240x128xf32, #tpu.memory_space<vmem_shared>>)
    %dma_wait3A_136 = arith.constant 0 : i32
    %dma_wait3A_137 = arith.constant 0 : i32
    %dma_wait3A_138 = tpu.memref_slice %arg8[%dma_wait3A_136, %dma_wait3A_137] : memref<40x128xi32, #tpu.memory_space<vmem>> -> memref<1x128xi32, #tpu.memory_space<vmem>>
    %dma_wait3A_139 = tpu.memref_squeeze %dma_wait3A_138 : memref<1x128xi32, #tpu.memory_space<vmem>> -> memref<128xi32, #tpu.memory_space<vmem>>
    %dma_wait3A_140 = arith.constant 0 : i32
    %dma_wait3A_141 = arith.constant 0 : i32
    %dma_wait3A_142 = tpu.memref_slice %arg11[%dma_wait3A_140, %dma_wait3A_141] : memref<10240x128xf32, #tpu.memory_space<vmem_shared>> -> memref<10240x128xf32, #tpu.memory_space<vmem_shared>>
    tpu.wait_indirect_dma semaphore(%arg17 : memref<!tpu.dma_semaphore, #tpu.memory_space<semaphore_mem>>) src(%arg10 : memref<128x128xf32, #tpu.memory_space<vmem>>) dst(%dma_wait3A_142 : memref<10240x128xf32, #tpu.memory_space<vmem_shared>>)
    %barrier3A_143 = arith.constant 0 : index
    tpu.barrier barrier_id(%barrier3A_143)
    "tpu.region"() ({
      %run_scoped3A_144 = tpu.sem_alloc : memref<!tpu.dma_semaphore, #tpu.memory_space<semaphore_mem>>
      %dma_start3A_145 = arith.constant 0 : i32
      %dma_start3A_146 = arith.constant 0 : i32
      %dma_start3A_147 = tpu.memref_slice %arg6[%arg0, %dma_start3A_145, %dma_start3A_146] : memref<2x10240x128xf32, #tpu.memory_space<hbm>> -> memref<1x10240x128xf32, #tpu.memory_space<hbm>>
      %dma_start3A_148 = tpu.memref_squeeze %dma_start3A_147 : memref<1x10240x128xf32, #tpu.memory_space<hbm>> -> memref<10240x128xf32, #tpu.memory_space<hbm>>
      %dma_start3A_149 = arith.constant 0 : i32
      %dma_start3A_150 = tpu.memref_slice %dma_start3A_148[%mul3A_39, %dma_start3A_149] : memref<10240x128xf32, #tpu.memory_space<hbm>> -> memref<640x128xf32, #tpu.memory_space<hbm>>
      %dma_start3A_151 = arith.constant 0 : i32
      %dma_start3A_152 = tpu.memref_slice %arg11[%mul3A_39, %dma_start3A_151] : memref<10240x128xf32, #tpu.memory_space<vmem_shared>> -> memref<640x128xf32, #tpu.memory_space<vmem_shared>>
      tpu.enqueue_dma source(%dma_start3A_152 : memref<640x128xf32, #tpu.memory_space<vmem_shared>>) target(%dma_start3A_150 : memref<640x128xf32, #tpu.memory_space<hbm>>) target_semaphore(%run_scoped3A_144 : memref<!tpu.dma_semaphore, #tpu.memory_space<semaphore_mem>>)
      %dma_wait3A_153 = arith.constant 0 : i32
      %dma_wait3A_154 = arith.constant 0 : i32
      %dma_wait3A_155 = tpu.memref_slice %arg6[%arg0, %dma_wait3A_153, %dma_wait3A_154] : memref<2x10240x128xf32, #tpu.memory_space<hbm>> -> memref<1x10240x128xf32, #tpu.memory_space<hbm>>
      %dma_wait3A_156 = tpu.memref_squeeze %dma_wait3A_155 : memref<1x10240x128xf32, #tpu.memory_space<hbm>> -> memref<10240x128xf32, #tpu.memory_space<hbm>>
      %dma_wait3A_157 = arith.constant 0 : i32
      %dma_wait3A_158 = tpu.memref_slice %dma_wait3A_156[%mul3A_39, %dma_wait3A_157] : memref<10240x128xf32, #tpu.memory_space<hbm>> -> memref<640x128xf32, #tpu.memory_space<hbm>>
      %dma_wait3A_159 = arith.constant 0 : i32
      %dma_wait3A_160 = tpu.memref_slice %arg11[%mul3A_39, %dma_wait3A_159] : memref<10240x128xf32, #tpu.memory_space<vmem_shared>> -> memref<640x128xf32, #tpu.memory_space<vmem_shared>>
      tpu.wait_dma2 semaphore(%run_scoped3A_144 : memref<!tpu.dma_semaphore, #tpu.memory_space<semaphore_mem>>) src(%dma_wait3A_160 : memref<640x128xf32, #tpu.memory_space<vmem_shared>>) dst(%dma_wait3A_158 : memref<640x128xf32, #tpu.memory_space<hbm>>)
      tpu.yield
    }) : () -> ()
    return
  }
}

#map = affine_map<(d0, d1) -> (0, 0)>
#map1 = affine_map<(d0, d1) -> (0, 0, 0, 0)>
#map2 = affine_map<(d0, d1) -> (0, 0, 0)>
module attributes {stable_mosaic.version = 14 : i64} {
  func.func @_sc_agg(%arg0: i32, %arg1: i32, %arg2: memref<10240x128xf32, #tpu.memory_space<hbm>>, %arg3: memref<32x2x40x128xi32, #tpu.memory_space<hbm>>, %arg4: memref<32x2x40x128xi32, #tpu.memory_space<hbm>>, %arg5: memref<10240x128xf32, #tpu.memory_space<hbm>>, %arg6: memref<2x10240x128xf32, #tpu.memory_space<hbm>>, %arg7: memref<40x128xi32, #tpu.memory_space<vmem>>, %arg8: memref<40x128xi32, #tpu.memory_space<vmem>>, %arg9: memref<128x128xf32, #tpu.memory_space<vmem>>, %arg10: memref<128x128xf32, #tpu.memory_space<vmem>>, %arg11: memref<10240x128xf32, #tpu.memory_space<vmem_shared>>, %arg12: memref<!tpu.dma_semaphore, #tpu.memory_space<semaphore_mem>>, %arg13: memref<!tpu.dma_semaphore, #tpu.memory_space<semaphore_mem>>, %arg14: memref<!tpu.dma_semaphore, #tpu.memory_space<semaphore_mem>>, %arg15: memref<!tpu.dma_semaphore, #tpu.memory_space<semaphore_mem>>, %arg16: memref<!tpu.dma_semaphore, #tpu.memory_space<semaphore_mem>>, %arg17: memref<!tpu.dma_semaphore, #tpu.memory_space<semaphore_mem>>) attributes {dimension_semantics = [#tpu.dimension_semantics<core_parallel>, #tpu.dimension_semantics<subcore_parallel>], iteration_bounds = array<i64: 2, 16>, scalar_prefetch = 0 : i64, scratch_operands = 11 : i64, tpu.core_type = #tpu.core_type<sc_vector_subcore>, window_params = [{transform_indices = #map}, {transform_indices = #map1}, {transform_indices = #map1}, {transform_indices = #map}, {transform_indices = #map2}]} {
    %mul3A = arith.constant 16 : i32
    %mul3A_0 = arith.muli %arg0, %mul3A : i32
    %add3A = arith.addi %mul3A_0, %arg1 : i32
    %dma_start3A = arith.constant 0 : i32
    %dma_start3A_1 = arith.constant 0 : i32
    %dma_start3A_2 = arith.constant 0 : i32
    %dma_start3A_3 = arith.constant 0 : i32
    %dma_start3A_4 = tpu.memref_slice %arg3[%add3A, %dma_start3A_1, %dma_start3A_2, %dma_start3A_3] : memref<32x2x40x128xi32, #tpu.memory_space<hbm>> -> memref<1x2x40x128xi32, #tpu.memory_space<hbm>>
    %dma_start3A_5 = tpu.memref_squeeze %dma_start3A_4 : memref<1x2x40x128xi32, #tpu.memory_space<hbm>> -> memref<2x40x128xi32, #tpu.memory_space<hbm>>
    %dma_start3A_6 = arith.constant 0 : i32
    %dma_start3A_7 = arith.constant 0 : i32
    %dma_start3A_8 = tpu.memref_slice %dma_start3A_5[%dma_start3A, %dma_start3A_6, %dma_start3A_7] : memref<2x40x128xi32, #tpu.memory_space<hbm>> -> memref<1x40x128xi32, #tpu.memory_space<hbm>>
    %dma_start3A_9 = tpu.memref_squeeze %dma_start3A_8 : memref<1x40x128xi32, #tpu.memory_space<hbm>> -> memref<40x128xi32, #tpu.memory_space<hbm>>
    %dma_start3A_10 = arith.constant 0 : i32
    %dma_start3A_11 = arith.constant 0 : i32
    %dma_start3A_12 = arith.constant 0 : i32
    %dma_start3A_13 = tpu.memref_slice %arg3[%add3A, %dma_start3A_10, %dma_start3A_11, %dma_start3A_12] : memref<32x2x40x128xi32, #tpu.memory_space<hbm>> -> memref<1x2x40x128xi32, #tpu.memory_space<hbm>>
    %dma_start3A_14 = tpu.memref_squeeze %dma_start3A_13 : memref<1x2x40x128xi32, #tpu.memory_space<hbm>> -> memref<2x40x128xi32, #tpu.memory_space<hbm>>
    %dma_start3A_15 = arith.constant 0 : i32
    %dma_start3A_16 = arith.constant 0 : i32
    %dma_start3A_17 = tpu.memref_slice %dma_start3A_14[%dma_start3A, %dma_start3A_15, %dma_start3A_16] : memref<2x40x128xi32, #tpu.memory_space<hbm>> -> memref<1x40x128xi32, #tpu.memory_space<hbm>>
    %dma_start3A_18 = tpu.memref_squeeze %dma_start3A_17 : memref<1x40x128xi32, #tpu.memory_space<hbm>> -> memref<40x128xi32, #tpu.memory_space<hbm>>
    tpu.enqueue_dma source(%dma_start3A_18 : memref<40x128xi32, #tpu.memory_space<hbm>>) target(%arg7 : memref<40x128xi32, #tpu.memory_space<vmem>>) target_semaphore(%arg12 : memref<!tpu.dma_semaphore, #tpu.memory_space<semaphore_mem>>)
    %dma_start3A_19 = arith.constant 0 : i32
    %dma_start3A_20 = arith.constant 0 : i32
    %dma_start3A_21 = arith.constant 0 : i32
    %dma_start3A_22 = arith.constant 0 : i32
    %dma_start3A_23 = tpu.memref_slice %arg4[%add3A, %dma_start3A_20, %dma_start3A_21, %dma_start3A_22] : memref<32x2x40x128xi32, #tpu.memory_space<hbm>> -> memref<1x2x40x128xi32, #tpu.memory_space<hbm>>
    %dma_start3A_24 = tpu.memref_squeeze %dma_start3A_23 : memref<1x2x40x128xi32, #tpu.memory_space<hbm>> -> memref<2x40x128xi32, #tpu.memory_space<hbm>>
    %dma_start3A_25 = arith.constant 0 : i32
    %dma_start3A_26 = arith.constant 0 : i32
    %dma_start3A_27 = tpu.memref_slice %dma_start3A_24[%dma_start3A_19, %dma_start3A_25, %dma_start3A_26] : memref<2x40x128xi32, #tpu.memory_space<hbm>> -> memref<1x40x128xi32, #tpu.memory_space<hbm>>
    %dma_start3A_28 = tpu.memref_squeeze %dma_start3A_27 : memref<1x40x128xi32, #tpu.memory_space<hbm>> -> memref<40x128xi32, #tpu.memory_space<hbm>>
    %dma_start3A_29 = arith.constant 0 : i32
    %dma_start3A_30 = arith.constant 0 : i32
    %dma_start3A_31 = arith.constant 0 : i32
    %dma_start3A_32 = tpu.memref_slice %arg4[%add3A, %dma_start3A_29, %dma_start3A_30, %dma_start3A_31] : memref<32x2x40x128xi32, #tpu.memory_space<hbm>> -> memref<1x2x40x128xi32, #tpu.memory_space<hbm>>
    %dma_start3A_33 = tpu.memref_squeeze %dma_start3A_32 : memref<1x2x40x128xi32, #tpu.memory_space<hbm>> -> memref<2x40x128xi32, #tpu.memory_space<hbm>>
    %dma_start3A_34 = arith.constant 0 : i32
    %dma_start3A_35 = arith.constant 0 : i32
    %dma_start3A_36 = tpu.memref_slice %dma_start3A_33[%dma_start3A_19, %dma_start3A_34, %dma_start3A_35] : memref<2x40x128xi32, #tpu.memory_space<hbm>> -> memref<1x40x128xi32, #tpu.memory_space<hbm>>
    %dma_start3A_37 = tpu.memref_squeeze %dma_start3A_36 : memref<1x40x128xi32, #tpu.memory_space<hbm>> -> memref<40x128xi32, #tpu.memory_space<hbm>>
    tpu.enqueue_dma source(%dma_start3A_37 : memref<40x128xi32, #tpu.memory_space<hbm>>) target(%arg8 : memref<40x128xi32, #tpu.memory_space<vmem>>) target_semaphore(%arg13 : memref<!tpu.dma_semaphore, #tpu.memory_space<semaphore_mem>>)
    %mul3A_38 = arith.constant 640 : i32
    %mul3A_39 = arith.muli %arg1, %mul3A_38 : i32
    "tpu.region"() ({
      %run_scoped3A_144 = tpu.sem_alloc : memref<!tpu.dma_semaphore, #tpu.memory_space<semaphore_mem>>
      %dma_start3A_145 = arith.constant 0 : i32
      %dma_start3A_146 = tpu.memref_slice %arg11[%mul3A_39, %dma_start3A_145] : memref<10240x128xf32, #tpu.memory_space<vmem_shared>> -> memref<640x128xf32, #tpu.memory_space<vmem_shared>>
      %dma_start3A_147 = arith.constant 0 : i32
      %dma_start3A_148 = tpu.memref_slice %arg5[%mul3A_39, %dma_start3A_147] : memref<10240x128xf32, #tpu.memory_space<hbm>> -> memref<640x128xf32, #tpu.memory_space<hbm>>
      tpu.enqueue_dma source(%dma_start3A_148 : memref<640x128xf32, #tpu.memory_space<hbm>>) target(%dma_start3A_146 : memref<640x128xf32, #tpu.memory_space<vmem_shared>>) target_semaphore(%run_scoped3A_144 : memref<!tpu.dma_semaphore, #tpu.memory_space<semaphore_mem>>)
      %dma_wait3A_149 = arith.constant 0 : i32
      %dma_wait3A_150 = tpu.memref_slice %arg11[%mul3A_39, %dma_wait3A_149] : memref<10240x128xf32, #tpu.memory_space<vmem_shared>> -> memref<640x128xf32, #tpu.memory_space<vmem_shared>>
      %dma_wait3A_151 = arith.constant 0 : i32
      %dma_wait3A_152 = tpu.memref_slice %arg5[%mul3A_39, %dma_wait3A_151] : memref<10240x128xf32, #tpu.memory_space<hbm>> -> memref<640x128xf32, #tpu.memory_space<hbm>>
      tpu.wait_dma2 semaphore(%run_scoped3A_144 : memref<!tpu.dma_semaphore, #tpu.memory_space<semaphore_mem>>) src(%dma_wait3A_152 : memref<640x128xf32, #tpu.memory_space<hbm>>) dst(%dma_wait3A_150 : memref<640x128xf32, #tpu.memory_space<vmem_shared>>)
      tpu.yield
    }) : () -> ()
    %dma_wait3A = arith.constant 0 : i32
    %dma_wait3A_40 = arith.constant 0 : i32
    %dma_wait3A_41 = arith.constant 0 : i32
    %dma_wait3A_42 = arith.constant 0 : i32
    %dma_wait3A_43 = tpu.memref_slice %arg3[%add3A, %dma_wait3A_40, %dma_wait3A_41, %dma_wait3A_42] : memref<32x2x40x128xi32, #tpu.memory_space<hbm>> -> memref<1x2x40x128xi32, #tpu.memory_space<hbm>>
    %dma_wait3A_44 = tpu.memref_squeeze %dma_wait3A_43 : memref<1x2x40x128xi32, #tpu.memory_space<hbm>> -> memref<2x40x128xi32, #tpu.memory_space<hbm>>
    %dma_wait3A_45 = arith.constant 0 : i32
    %dma_wait3A_46 = arith.constant 0 : i32
    %dma_wait3A_47 = tpu.memref_slice %dma_wait3A_44[%dma_wait3A, %dma_wait3A_45, %dma_wait3A_46] : memref<2x40x128xi32, #tpu.memory_space<hbm>> -> memref<1x40x128xi32, #tpu.memory_space<hbm>>
    %dma_wait3A_48 = tpu.memref_squeeze %dma_wait3A_47 : memref<1x40x128xi32, #tpu.memory_space<hbm>> -> memref<40x128xi32, #tpu.memory_space<hbm>>
    %dma_wait3A_49 = arith.constant 0 : i32
    %dma_wait3A_50 = arith.constant 0 : i32
    %dma_wait3A_51 = arith.constant 0 : i32
    %dma_wait3A_52 = tpu.memref_slice %arg3[%add3A, %dma_wait3A_49, %dma_wait3A_50, %dma_wait3A_51] : memref<32x2x40x128xi32, #tpu.memory_space<hbm>> -> memref<1x2x40x128xi32, #tpu.memory_space<hbm>>
    %dma_wait3A_53 = tpu.memref_squeeze %dma_wait3A_52 : memref<1x2x40x128xi32, #tpu.memory_space<hbm>> -> memref<2x40x128xi32, #tpu.memory_space<hbm>>
    %dma_wait3A_54 = arith.constant 0 : i32
    %dma_wait3A_55 = arith.constant 0 : i32
    %dma_wait3A_56 = tpu.memref_slice %dma_wait3A_53[%dma_wait3A, %dma_wait3A_54, %dma_wait3A_55] : memref<2x40x128xi32, #tpu.memory_space<hbm>> -> memref<1x40x128xi32, #tpu.memory_space<hbm>>
    %dma_wait3A_57 = tpu.memref_squeeze %dma_wait3A_56 : memref<1x40x128xi32, #tpu.memory_space<hbm>> -> memref<40x128xi32, #tpu.memory_space<hbm>>
    tpu.wait_dma2 semaphore(%arg12 : memref<!tpu.dma_semaphore, #tpu.memory_space<semaphore_mem>>) src(%dma_wait3A_57 : memref<40x128xi32, #tpu.memory_space<hbm>>) dst(%arg7 : memref<40x128xi32, #tpu.memory_space<vmem>>)
    %dma_wait3A_58 = arith.constant 0 : i32
    %dma_wait3A_59 = arith.constant 0 : i32
    %dma_wait3A_60 = arith.constant 0 : i32
    %dma_wait3A_61 = arith.constant 0 : i32
    %dma_wait3A_62 = tpu.memref_slice %arg4[%add3A, %dma_wait3A_59, %dma_wait3A_60, %dma_wait3A_61] : memref<32x2x40x128xi32, #tpu.memory_space<hbm>> -> memref<1x2x40x128xi32, #tpu.memory_space<hbm>>
    %dma_wait3A_63 = tpu.memref_squeeze %dma_wait3A_62 : memref<1x2x40x128xi32, #tpu.memory_space<hbm>> -> memref<2x40x128xi32, #tpu.memory_space<hbm>>
    %dma_wait3A_64 = arith.constant 0 : i32
    %dma_wait3A_65 = arith.constant 0 : i32
    %dma_wait3A_66 = tpu.memref_slice %dma_wait3A_63[%dma_wait3A_58, %dma_wait3A_64, %dma_wait3A_65] : memref<2x40x128xi32, #tpu.memory_space<hbm>> -> memref<1x40x128xi32, #tpu.memory_space<hbm>>
    %dma_wait3A_67 = tpu.memref_squeeze %dma_wait3A_66 : memref<1x40x128xi32, #tpu.memory_space<hbm>> -> memref<40x128xi32, #tpu.memory_space<hbm>>
    %dma_wait3A_68 = arith.constant 0 : i32
    %dma_wait3A_69 = arith.constant 0 : i32
    %dma_wait3A_70 = arith.constant 0 : i32
    %dma_wait3A_71 = tpu.memref_slice %arg4[%add3A, %dma_wait3A_68, %dma_wait3A_69, %dma_wait3A_70] : memref<32x2x40x128xi32, #tpu.memory_space<hbm>> -> memref<1x2x40x128xi32, #tpu.memory_space<hbm>>
    %dma_wait3A_72 = tpu.memref_squeeze %dma_wait3A_71 : memref<1x2x40x128xi32, #tpu.memory_space<hbm>> -> memref<2x40x128xi32, #tpu.memory_space<hbm>>
    %dma_wait3A_73 = arith.constant 0 : i32
    %dma_wait3A_74 = arith.constant 0 : i32
    %dma_wait3A_75 = tpu.memref_slice %dma_wait3A_72[%dma_wait3A_58, %dma_wait3A_73, %dma_wait3A_74] : memref<2x40x128xi32, #tpu.memory_space<hbm>> -> memref<1x40x128xi32, #tpu.memory_space<hbm>>
    %dma_wait3A_76 = tpu.memref_squeeze %dma_wait3A_75 : memref<1x40x128xi32, #tpu.memory_space<hbm>> -> memref<40x128xi32, #tpu.memory_space<hbm>>
    tpu.wait_dma2 semaphore(%arg13 : memref<!tpu.dma_semaphore, #tpu.memory_space<semaphore_mem>>) src(%dma_wait3A_76 : memref<40x128xi32, #tpu.memory_space<hbm>>) dst(%arg8 : memref<40x128xi32, #tpu.memory_space<vmem>>)
    %barrier3A = arith.constant 0 : index
    tpu.barrier barrier_id(%barrier3A)
    %dma_start3A_77 = arith.constant 0 : i32
    %dma_start3A_78 = arith.constant 0 : i32
    %dma_start3A_79 = tpu.memref_slice %arg7[%dma_start3A_77, %dma_start3A_78] : memref<40x128xi32, #tpu.memory_space<vmem>> -> memref<1x128xi32, #tpu.memory_space<vmem>>
    %dma_start3A_80 = tpu.memref_squeeze %dma_start3A_79 : memref<1x128xi32, #tpu.memory_space<vmem>> -> memref<128xi32, #tpu.memory_space<vmem>>
    %dma_start3A_81 = arith.constant 0 : i32
    %dma_start3A_82 = arith.constant 0 : i32
    %dma_start3A_83 = tpu.memref_slice %arg2[%dma_start3A_81, %dma_start3A_82] : memref<10240x128xf32, #tpu.memory_space<hbm>> -> memref<10240x128xf32, #tpu.memory_space<hbm>>
    tpu.enqueue_indirect_dma source(%dma_start3A_83 : memref<10240x128xf32, #tpu.memory_space<hbm>>) target(%arg9 : memref<128x128xf32, #tpu.memory_space<vmem>>) offsets(%dma_start3A_80 : memref<128xi32, #tpu.memory_space<vmem>>) semaphore(%arg14 : memref<!tpu.dma_semaphore, #tpu.memory_space<semaphore_mem>>)
    %dma_start3A_84 = arith.constant 1 : i32
    %dma_start3A_85 = arith.constant 0 : i32
    %dma_start3A_86 = tpu.memref_slice %arg7[%dma_start3A_84, %dma_start3A_85] : memref<40x128xi32, #tpu.memory_space<vmem>> -> memref<1x128xi32, #tpu.memory_space<vmem>>
    %dma_start3A_87 = tpu.memref_squeeze %dma_start3A_86 : memref<1x128xi32, #tpu.memory_space<vmem>> -> memref<128xi32, #tpu.memory_space<vmem>>
    %dma_start3A_88 = arith.constant 0 : i32
    %dma_start3A_89 = arith.constant 0 : i32
    %dma_start3A_90 = tpu.memref_slice %arg2[%dma_start3A_88, %dma_start3A_89] : memref<10240x128xf32, #tpu.memory_space<hbm>> -> memref<10240x128xf32, #tpu.memory_space<hbm>>
    tpu.enqueue_indirect_dma source(%dma_start3A_90 : memref<10240x128xf32, #tpu.memory_space<hbm>>) target(%arg10 : memref<128x128xf32, #tpu.memory_space<vmem>>) offsets(%dma_start3A_87 : memref<128xi32, #tpu.memory_space<vmem>>) semaphore(%arg15 : memref<!tpu.dma_semaphore, #tpu.memory_space<semaphore_mem>>)
    %scan3A = arith.constant 0 : i32
    %scan3A_91 = arith.constant 20 : i32
    %scan3A_92 = arith.addi %scan3A, %scan3A_91 : i32
    %scan3A_93 = arith.constant 1 : i32
    scf.for %scan3A_144 = %scan3A to %scan3A_92 step %scan3A_93  : i32 {
      %mul3A_145 = arith.constant 2 : i32
      %mul3A_146 = arith.muli %scan3A_144, %mul3A_145 : i32
      %add3A_147 = arith.constant 0 : i32
      %add3A_148 = arith.addi %mul3A_146, %add3A_147 : i32
      %dma_wait3A_149 = arith.constant 0 : i32
      %dma_wait3A_150 = tpu.memref_slice %arg7[%add3A_148, %dma_wait3A_149] : memref<40x128xi32, #tpu.memory_space<vmem>> -> memref<1x128xi32, #tpu.memory_space<vmem>>
      %dma_wait3A_151 = tpu.memref_squeeze %dma_wait3A_150 : memref<1x128xi32, #tpu.memory_space<vmem>> -> memref<128xi32, #tpu.memory_space<vmem>>
      %dma_wait3A_152 = arith.constant 0 : i32
      %dma_wait3A_153 = arith.constant 0 : i32
      %dma_wait3A_154 = tpu.memref_slice %arg2[%dma_wait3A_152, %dma_wait3A_153] : memref<10240x128xf32, #tpu.memory_space<hbm>> -> memref<10240x128xf32, #tpu.memory_space<hbm>>
      tpu.wait_indirect_dma semaphore(%arg14 : memref<!tpu.dma_semaphore, #tpu.memory_space<semaphore_mem>>) src(%dma_wait3A_154 : memref<10240x128xf32, #tpu.memory_space<hbm>>) dst(%arg9 : memref<128x128xf32, #tpu.memory_space<vmem>>)
      %dma_start3A_155 = arith.constant 0 : i32
      %dma_start3A_156 = tpu.memref_slice %arg8[%add3A_148, %dma_start3A_155] : memref<40x128xi32, #tpu.memory_space<vmem>> -> memref<1x128xi32, #tpu.memory_space<vmem>>
      %dma_start3A_157 = tpu.memref_squeeze %dma_start3A_156 : memref<1x128xi32, #tpu.memory_space<vmem>> -> memref<128xi32, #tpu.memory_space<vmem>>
      %dma_start3A_158 = arith.constant 0 : i32
      %dma_start3A_159 = arith.constant 0 : i32
      %dma_start3A_160 = tpu.memref_slice %arg11[%dma_start3A_158, %dma_start3A_159] : memref<10240x128xf32, #tpu.memory_space<vmem_shared>> -> memref<10240x128xf32, #tpu.memory_space<vmem_shared>>
      tpu.enqueue_indirect_dma source(%arg9 : memref<128x128xf32, #tpu.memory_space<vmem>>) target(%dma_start3A_160 : memref<10240x128xf32, #tpu.memory_space<vmem_shared>>) offsets(%dma_start3A_157 : memref<128xi32, #tpu.memory_space<vmem>>) semaphore(%arg16 : memref<!tpu.dma_semaphore, #tpu.memory_space<semaphore_mem>>) {add = true}
      %add3A_161 = arith.constant 2 : i32
      %add3A_162 = arith.addi %add3A_148, %add3A_161 : i32
      %lt3A = arith.constant 40 : i32
      %lt3A_163 = arith.cmpi slt, %add3A_162, %lt3A : i32
      %convert_element_type3A = arith.extui %lt3A_163 : i1 to i32
      %cond3A = arith.constant 0 : i32
      %cond3A_164 = arith.cmpi ne, %convert_element_type3A, %cond3A : i32
      scf.if %cond3A_164 {
        %dma_wait3A_188 = arith.constant 0 : i32
        %dma_wait3A_189 = tpu.memref_slice %arg8[%add3A_148, %dma_wait3A_188] : memref<40x128xi32, #tpu.memory_space<vmem>> -> memref<1x128xi32, #tpu.memory_space<vmem>>
        %dma_wait3A_190 = tpu.memref_squeeze %dma_wait3A_189 : memref<1x128xi32, #tpu.memory_space<vmem>> -> memref<128xi32, #tpu.memory_space<vmem>>
        %dma_wait3A_191 = arith.constant 0 : i32
        %dma_wait3A_192 = arith.constant 0 : i32
        %dma_wait3A_193 = tpu.memref_slice %arg11[%dma_wait3A_191, %dma_wait3A_192] : memref<10240x128xf32, #tpu.memory_space<vmem_shared>> -> memref<10240x128xf32, #tpu.memory_space<vmem_shared>>
        tpu.wait_indirect_dma semaphore(%arg16 : memref<!tpu.dma_semaphore, #tpu.memory_space<semaphore_mem>>) src(%arg9 : memref<128x128xf32, #tpu.memory_space<vmem>>) dst(%dma_wait3A_193 : memref<10240x128xf32, #tpu.memory_space<vmem_shared>>)
        %add3A_194 = arith.constant 2 : i32
        %add3A_195 = arith.addi %add3A_148, %add3A_194 : i32
        %dma_start3A_196 = arith.constant 0 : i32
        %dma_start3A_197 = tpu.memref_slice %arg7[%add3A_195, %dma_start3A_196] : memref<40x128xi32, #tpu.memory_space<vmem>> -> memref<1x128xi32, #tpu.memory_space<vmem>>
        %dma_start3A_198 = tpu.memref_squeeze %dma_start3A_197 : memref<1x128xi32, #tpu.memory_space<vmem>> -> memref<128xi32, #tpu.memory_space<vmem>>
        %dma_start3A_199 = arith.constant 0 : i32
        %dma_start3A_200 = arith.constant 0 : i32
        %dma_start3A_201 = tpu.memref_slice %arg2[%dma_start3A_199, %dma_start3A_200] : memref<10240x128xf32, #tpu.memory_space<hbm>> -> memref<10240x128xf32, #tpu.memory_space<hbm>>
        tpu.enqueue_indirect_dma source(%dma_start3A_201 : memref<10240x128xf32, #tpu.memory_space<hbm>>) target(%arg9 : memref<128x128xf32, #tpu.memory_space<vmem>>) offsets(%dma_start3A_198 : memref<128xi32, #tpu.memory_space<vmem>>) semaphore(%arg14 : memref<!tpu.dma_semaphore, #tpu.memory_space<semaphore_mem>>)
      } else {
      }
      %mul3A_165 = arith.constant 2 : i32
      %mul3A_166 = arith.muli %scan3A_144, %mul3A_165 : i32
      %add3A_167 = arith.constant 1 : i32
      %add3A_168 = arith.addi %mul3A_166, %add3A_167 : i32
      %dma_wait3A_169 = arith.constant 0 : i32
      %dma_wait3A_170 = tpu.memref_slice %arg7[%add3A_168, %dma_wait3A_169] : memref<40x128xi32, #tpu.memory_space<vmem>> -> memref<1x128xi32, #tpu.memory_space<vmem>>
      %dma_wait3A_171 = tpu.memref_squeeze %dma_wait3A_170 : memref<1x128xi32, #tpu.memory_space<vmem>> -> memref<128xi32, #tpu.memory_space<vmem>>
      %dma_wait3A_172 = arith.constant 0 : i32
      %dma_wait3A_173 = arith.constant 0 : i32
      %dma_wait3A_174 = tpu.memref_slice %arg2[%dma_wait3A_172, %dma_wait3A_173] : memref<10240x128xf32, #tpu.memory_space<hbm>> -> memref<10240x128xf32, #tpu.memory_space<hbm>>
      tpu.wait_indirect_dma semaphore(%arg15 : memref<!tpu.dma_semaphore, #tpu.memory_space<semaphore_mem>>) src(%dma_wait3A_174 : memref<10240x128xf32, #tpu.memory_space<hbm>>) dst(%arg10 : memref<128x128xf32, #tpu.memory_space<vmem>>)
      %dma_start3A_175 = arith.constant 0 : i32
      %dma_start3A_176 = tpu.memref_slice %arg8[%add3A_168, %dma_start3A_175] : memref<40x128xi32, #tpu.memory_space<vmem>> -> memref<1x128xi32, #tpu.memory_space<vmem>>
      %dma_start3A_177 = tpu.memref_squeeze %dma_start3A_176 : memref<1x128xi32, #tpu.memory_space<vmem>> -> memref<128xi32, #tpu.memory_space<vmem>>
      %dma_start3A_178 = arith.constant 0 : i32
      %dma_start3A_179 = arith.constant 0 : i32
      %dma_start3A_180 = tpu.memref_slice %arg11[%dma_start3A_178, %dma_start3A_179] : memref<10240x128xf32, #tpu.memory_space<vmem_shared>> -> memref<10240x128xf32, #tpu.memory_space<vmem_shared>>
      tpu.enqueue_indirect_dma source(%arg10 : memref<128x128xf32, #tpu.memory_space<vmem>>) target(%dma_start3A_180 : memref<10240x128xf32, #tpu.memory_space<vmem_shared>>) offsets(%dma_start3A_177 : memref<128xi32, #tpu.memory_space<vmem>>) semaphore(%arg17 : memref<!tpu.dma_semaphore, #tpu.memory_space<semaphore_mem>>) {add = true}
      %add3A_181 = arith.constant 2 : i32
      %add3A_182 = arith.addi %add3A_168, %add3A_181 : i32
      %lt3A_183 = arith.constant 40 : i32
      %lt3A_184 = arith.cmpi slt, %add3A_182, %lt3A_183 : i32
      %convert_element_type3A_185 = arith.extui %lt3A_184 : i1 to i32
      %cond3A_186 = arith.constant 0 : i32
      %cond3A_187 = arith.cmpi ne, %convert_element_type3A_185, %cond3A_186 : i32
      scf.if %cond3A_187 {
        %dma_wait3A_188 = arith.constant 0 : i32
        %dma_wait3A_189 = tpu.memref_slice %arg8[%add3A_168, %dma_wait3A_188] : memref<40x128xi32, #tpu.memory_space<vmem>> -> memref<1x128xi32, #tpu.memory_space<vmem>>
        %dma_wait3A_190 = tpu.memref_squeeze %dma_wait3A_189 : memref<1x128xi32, #tpu.memory_space<vmem>> -> memref<128xi32, #tpu.memory_space<vmem>>
        %dma_wait3A_191 = arith.constant 0 : i32
        %dma_wait3A_192 = arith.constant 0 : i32
        %dma_wait3A_193 = tpu.memref_slice %arg11[%dma_wait3A_191, %dma_wait3A_192] : memref<10240x128xf32, #tpu.memory_space<vmem_shared>> -> memref<10240x128xf32, #tpu.memory_space<vmem_shared>>
        tpu.wait_indirect_dma semaphore(%arg17 : memref<!tpu.dma_semaphore, #tpu.memory_space<semaphore_mem>>) src(%arg10 : memref<128x128xf32, #tpu.memory_space<vmem>>) dst(%dma_wait3A_193 : memref<10240x128xf32, #tpu.memory_space<vmem_shared>>)
        %add3A_194 = arith.constant 2 : i32
        %add3A_195 = arith.addi %add3A_168, %add3A_194 : i32
        %dma_start3A_196 = arith.constant 0 : i32
        %dma_start3A_197 = tpu.memref_slice %arg7[%add3A_195, %dma_start3A_196] : memref<40x128xi32, #tpu.memory_space<vmem>> -> memref<1x128xi32, #tpu.memory_space<vmem>>
        %dma_start3A_198 = tpu.memref_squeeze %dma_start3A_197 : memref<1x128xi32, #tpu.memory_space<vmem>> -> memref<128xi32, #tpu.memory_space<vmem>>
        %dma_start3A_199 = arith.constant 0 : i32
        %dma_start3A_200 = arith.constant 0 : i32
        %dma_start3A_201 = tpu.memref_slice %arg2[%dma_start3A_199, %dma_start3A_200] : memref<10240x128xf32, #tpu.memory_space<hbm>> -> memref<10240x128xf32, #tpu.memory_space<hbm>>
        tpu.enqueue_indirect_dma source(%dma_start3A_201 : memref<10240x128xf32, #tpu.memory_space<hbm>>) target(%arg10 : memref<128x128xf32, #tpu.memory_space<vmem>>) offsets(%dma_start3A_198 : memref<128xi32, #tpu.memory_space<vmem>>) semaphore(%arg15 : memref<!tpu.dma_semaphore, #tpu.memory_space<semaphore_mem>>)
      } else {
      }
    }
    %scan3A_94 = arith.constant 20 : i32
    %dma_wait3A_95 = arith.constant 0 : i32
    %dma_wait3A_96 = arith.constant 0 : i32
    %dma_wait3A_97 = tpu.memref_slice %arg8[%dma_wait3A_95, %dma_wait3A_96] : memref<40x128xi32, #tpu.memory_space<vmem>> -> memref<1x128xi32, #tpu.memory_space<vmem>>
    %dma_wait3A_98 = tpu.memref_squeeze %dma_wait3A_97 : memref<1x128xi32, #tpu.memory_space<vmem>> -> memref<128xi32, #tpu.memory_space<vmem>>
    %dma_wait3A_99 = arith.constant 0 : i32
    %dma_wait3A_100 = arith.constant 0 : i32
    %dma_wait3A_101 = tpu.memref_slice %arg11[%dma_wait3A_99, %dma_wait3A_100] : memref<10240x128xf32, #tpu.memory_space<vmem_shared>> -> memref<10240x128xf32, #tpu.memory_space<vmem_shared>>
    tpu.wait_indirect_dma semaphore(%arg16 : memref<!tpu.dma_semaphore, #tpu.memory_space<semaphore_mem>>) src(%arg9 : memref<128x128xf32, #tpu.memory_space<vmem>>) dst(%dma_wait3A_101 : memref<10240x128xf32, #tpu.memory_space<vmem_shared>>)
    %dma_wait3A_102 = arith.constant 0 : i32
    %dma_wait3A_103 = arith.constant 0 : i32
    %dma_wait3A_104 = tpu.memref_slice %arg8[%dma_wait3A_102, %dma_wait3A_103] : memref<40x128xi32, #tpu.memory_space<vmem>> -> memref<1x128xi32, #tpu.memory_space<vmem>>
    %dma_wait3A_105 = tpu.memref_squeeze %dma_wait3A_104 : memref<1x128xi32, #tpu.memory_space<vmem>> -> memref<128xi32, #tpu.memory_space<vmem>>
    %dma_wait3A_106 = arith.constant 0 : i32
    %dma_wait3A_107 = arith.constant 0 : i32
    %dma_wait3A_108 = tpu.memref_slice %arg11[%dma_wait3A_106, %dma_wait3A_107] : memref<10240x128xf32, #tpu.memory_space<vmem_shared>> -> memref<10240x128xf32, #tpu.memory_space<vmem_shared>>
    tpu.wait_indirect_dma semaphore(%arg17 : memref<!tpu.dma_semaphore, #tpu.memory_space<semaphore_mem>>) src(%arg10 : memref<128x128xf32, #tpu.memory_space<vmem>>) dst(%dma_wait3A_108 : memref<10240x128xf32, #tpu.memory_space<vmem_shared>>)
    %run_scoped3A = arith.constant 1 : i32
    "tpu.region"() ({
      %run_scoped3A_144 = tpu.sem_alloc : memref<!tpu.dma_semaphore, #tpu.memory_space<semaphore_mem>>
      %dma_start3A_145 = arith.constant 0 : i32
      %dma_start3A_146 = arith.constant 0 : i32
      %dma_start3A_147 = arith.constant 0 : i32
      %dma_start3A_148 = tpu.memref_slice %arg3[%add3A, %dma_start3A_145, %dma_start3A_146, %dma_start3A_147] : memref<32x2x40x128xi32, #tpu.memory_space<hbm>> -> memref<1x2x40x128xi32, #tpu.memory_space<hbm>>
      %dma_start3A_149 = tpu.memref_squeeze %dma_start3A_148 : memref<1x2x40x128xi32, #tpu.memory_space<hbm>> -> memref<2x40x128xi32, #tpu.memory_space<hbm>>
      %dma_start3A_150 = arith.constant 0 : i32
      %dma_start3A_151 = arith.constant 0 : i32
      %dma_start3A_152 = tpu.memref_slice %dma_start3A_149[%run_scoped3A, %dma_start3A_150, %dma_start3A_151] : memref<2x40x128xi32, #tpu.memory_space<hbm>> -> memref<1x40x128xi32, #tpu.memory_space<hbm>>
      %dma_start3A_153 = tpu.memref_squeeze %dma_start3A_152 : memref<1x40x128xi32, #tpu.memory_space<hbm>> -> memref<40x128xi32, #tpu.memory_space<hbm>>
      %dma_start3A_154 = arith.constant 0 : i32
      %dma_start3A_155 = arith.constant 0 : i32
      %dma_start3A_156 = arith.constant 0 : i32
      %dma_start3A_157 = tpu.memref_slice %arg3[%add3A, %dma_start3A_154, %dma_start3A_155, %dma_start3A_156] : memref<32x2x40x128xi32, #tpu.memory_space<hbm>> -> memref<1x2x40x128xi32, #tpu.memory_space<hbm>>
      %dma_start3A_158 = tpu.memref_squeeze %dma_start3A_157 : memref<1x2x40x128xi32, #tpu.memory_space<hbm>> -> memref<2x40x128xi32, #tpu.memory_space<hbm>>
      %dma_start3A_159 = arith.constant 0 : i32
      %dma_start3A_160 = arith.constant 0 : i32
      %dma_start3A_161 = tpu.memref_slice %dma_start3A_158[%run_scoped3A, %dma_start3A_159, %dma_start3A_160] : memref<2x40x128xi32, #tpu.memory_space<hbm>> -> memref<1x40x128xi32, #tpu.memory_space<hbm>>
      %dma_start3A_162 = tpu.memref_squeeze %dma_start3A_161 : memref<1x40x128xi32, #tpu.memory_space<hbm>> -> memref<40x128xi32, #tpu.memory_space<hbm>>
      tpu.enqueue_dma source(%dma_start3A_162 : memref<40x128xi32, #tpu.memory_space<hbm>>) target(%arg7 : memref<40x128xi32, #tpu.memory_space<vmem>>) target_semaphore(%run_scoped3A_144 : memref<!tpu.dma_semaphore, #tpu.memory_space<semaphore_mem>>)
      %dma_wait3A_163 = arith.constant 0 : i32
      %dma_wait3A_164 = arith.constant 0 : i32
      %dma_wait3A_165 = arith.constant 0 : i32
      %dma_wait3A_166 = tpu.memref_slice %arg3[%add3A, %dma_wait3A_163, %dma_wait3A_164, %dma_wait3A_165] : memref<32x2x40x128xi32, #tpu.memory_space<hbm>> -> memref<1x2x40x128xi32, #tpu.memory_space<hbm>>
      %dma_wait3A_167 = tpu.memref_squeeze %dma_wait3A_166 : memref<1x2x40x128xi32, #tpu.memory_space<hbm>> -> memref<2x40x128xi32, #tpu.memory_space<hbm>>
      %dma_wait3A_168 = arith.constant 0 : i32
      %dma_wait3A_169 = arith.constant 0 : i32
      %dma_wait3A_170 = tpu.memref_slice %dma_wait3A_167[%run_scoped3A, %dma_wait3A_168, %dma_wait3A_169] : memref<2x40x128xi32, #tpu.memory_space<hbm>> -> memref<1x40x128xi32, #tpu.memory_space<hbm>>
      %dma_wait3A_171 = tpu.memref_squeeze %dma_wait3A_170 : memref<1x40x128xi32, #tpu.memory_space<hbm>> -> memref<40x128xi32, #tpu.memory_space<hbm>>
      %dma_wait3A_172 = arith.constant 0 : i32
      %dma_wait3A_173 = arith.constant 0 : i32
      %dma_wait3A_174 = arith.constant 0 : i32
      %dma_wait3A_175 = tpu.memref_slice %arg3[%add3A, %dma_wait3A_172, %dma_wait3A_173, %dma_wait3A_174] : memref<32x2x40x128xi32, #tpu.memory_space<hbm>> -> memref<1x2x40x128xi32, #tpu.memory_space<hbm>>
      %dma_wait3A_176 = tpu.memref_squeeze %dma_wait3A_175 : memref<1x2x40x128xi32, #tpu.memory_space<hbm>> -> memref<2x40x128xi32, #tpu.memory_space<hbm>>
      %dma_wait3A_177 = arith.constant 0 : i32
      %dma_wait3A_178 = arith.constant 0 : i32
      %dma_wait3A_179 = tpu.memref_slice %dma_wait3A_176[%run_scoped3A, %dma_wait3A_177, %dma_wait3A_178] : memref<2x40x128xi32, #tpu.memory_space<hbm>> -> memref<1x40x128xi32, #tpu.memory_space<hbm>>
      %dma_wait3A_180 = tpu.memref_squeeze %dma_wait3A_179 : memref<1x40x128xi32, #tpu.memory_space<hbm>> -> memref<40x128xi32, #tpu.memory_space<hbm>>
      tpu.wait_dma2 semaphore(%run_scoped3A_144 : memref<!tpu.dma_semaphore, #tpu.memory_space<semaphore_mem>>) src(%dma_wait3A_180 : memref<40x128xi32, #tpu.memory_space<hbm>>) dst(%arg7 : memref<40x128xi32, #tpu.memory_space<vmem>>)
      tpu.yield
    }) : () -> ()
    %run_scoped3A_109 = arith.constant 1 : i32
    "tpu.region"() ({
      %run_scoped3A_144 = tpu.sem_alloc : memref<!tpu.dma_semaphore, #tpu.memory_space<semaphore_mem>>
      %dma_start3A_145 = arith.constant 0 : i32
      %dma_start3A_146 = arith.constant 0 : i32
      %dma_start3A_147 = arith.constant 0 : i32
      %dma_start3A_148 = tpu.memref_slice %arg4[%add3A, %dma_start3A_145, %dma_start3A_146, %dma_start3A_147] : memref<32x2x40x128xi32, #tpu.memory_space<hbm>> -> memref<1x2x40x128xi32, #tpu.memory_space<hbm>>
      %dma_start3A_149 = tpu.memref_squeeze %dma_start3A_148 : memref<1x2x40x128xi32, #tpu.memory_space<hbm>> -> memref<2x40x128xi32, #tpu.memory_space<hbm>>
      %dma_start3A_150 = arith.constant 0 : i32
      %dma_start3A_151 = arith.constant 0 : i32
      %dma_start3A_152 = tpu.memref_slice %dma_start3A_149[%run_scoped3A_109, %dma_start3A_150, %dma_start3A_151] : memref<2x40x128xi32, #tpu.memory_space<hbm>> -> memref<1x40x128xi32, #tpu.memory_space<hbm>>
      %dma_start3A_153 = tpu.memref_squeeze %dma_start3A_152 : memref<1x40x128xi32, #tpu.memory_space<hbm>> -> memref<40x128xi32, #tpu.memory_space<hbm>>
      %dma_start3A_154 = arith.constant 0 : i32
      %dma_start3A_155 = arith.constant 0 : i32
      %dma_start3A_156 = arith.constant 0 : i32
      %dma_start3A_157 = tpu.memref_slice %arg4[%add3A, %dma_start3A_154, %dma_start3A_155, %dma_start3A_156] : memref<32x2x40x128xi32, #tpu.memory_space<hbm>> -> memref<1x2x40x128xi32, #tpu.memory_space<hbm>>
      %dma_start3A_158 = tpu.memref_squeeze %dma_start3A_157 : memref<1x2x40x128xi32, #tpu.memory_space<hbm>> -> memref<2x40x128xi32, #tpu.memory_space<hbm>>
      %dma_start3A_159 = arith.constant 0 : i32
      %dma_start3A_160 = arith.constant 0 : i32
      %dma_start3A_161 = tpu.memref_slice %dma_start3A_158[%run_scoped3A_109, %dma_start3A_159, %dma_start3A_160] : memref<2x40x128xi32, #tpu.memory_space<hbm>> -> memref<1x40x128xi32, #tpu.memory_space<hbm>>
      %dma_start3A_162 = tpu.memref_squeeze %dma_start3A_161 : memref<1x40x128xi32, #tpu.memory_space<hbm>> -> memref<40x128xi32, #tpu.memory_space<hbm>>
      tpu.enqueue_dma source(%dma_start3A_162 : memref<40x128xi32, #tpu.memory_space<hbm>>) target(%arg8 : memref<40x128xi32, #tpu.memory_space<vmem>>) target_semaphore(%run_scoped3A_144 : memref<!tpu.dma_semaphore, #tpu.memory_space<semaphore_mem>>)
      %dma_wait3A_163 = arith.constant 0 : i32
      %dma_wait3A_164 = arith.constant 0 : i32
      %dma_wait3A_165 = arith.constant 0 : i32
      %dma_wait3A_166 = tpu.memref_slice %arg4[%add3A, %dma_wait3A_163, %dma_wait3A_164, %dma_wait3A_165] : memref<32x2x40x128xi32, #tpu.memory_space<hbm>> -> memref<1x2x40x128xi32, #tpu.memory_space<hbm>>
      %dma_wait3A_167 = tpu.memref_squeeze %dma_wait3A_166 : memref<1x2x40x128xi32, #tpu.memory_space<hbm>> -> memref<2x40x128xi32, #tpu.memory_space<hbm>>
      %dma_wait3A_168 = arith.constant 0 : i32
      %dma_wait3A_169 = arith.constant 0 : i32
      %dma_wait3A_170 = tpu.memref_slice %dma_wait3A_167[%run_scoped3A_109, %dma_wait3A_168, %dma_wait3A_169] : memref<2x40x128xi32, #tpu.memory_space<hbm>> -> memref<1x40x128xi32, #tpu.memory_space<hbm>>
      %dma_wait3A_171 = tpu.memref_squeeze %dma_wait3A_170 : memref<1x40x128xi32, #tpu.memory_space<hbm>> -> memref<40x128xi32, #tpu.memory_space<hbm>>
      %dma_wait3A_172 = arith.constant 0 : i32
      %dma_wait3A_173 = arith.constant 0 : i32
      %dma_wait3A_174 = arith.constant 0 : i32
      %dma_wait3A_175 = tpu.memref_slice %arg4[%add3A, %dma_wait3A_172, %dma_wait3A_173, %dma_wait3A_174] : memref<32x2x40x128xi32, #tpu.memory_space<hbm>> -> memref<1x2x40x128xi32, #tpu.memory_space<hbm>>
      %dma_wait3A_176 = tpu.memref_squeeze %dma_wait3A_175 : memref<1x2x40x128xi32, #tpu.memory_space<hbm>> -> memref<2x40x128xi32, #tpu.memory_space<hbm>>
      %dma_wait3A_177 = arith.constant 0 : i32
      %dma_wait3A_178 = arith.constant 0 : i32
      %dma_wait3A_179 = tpu.memref_slice %dma_wait3A_176[%run_scoped3A_109, %dma_wait3A_177, %dma_wait3A_178] : memref<2x40x128xi32, #tpu.memory_space<hbm>> -> memref<1x40x128xi32, #tpu.memory_space<hbm>>
      %dma_wait3A_180 = tpu.memref_squeeze %dma_wait3A_179 : memref<1x40x128xi32, #tpu.memory_space<hbm>> -> memref<40x128xi32, #tpu.memory_space<hbm>>
      tpu.wait_dma2 semaphore(%run_scoped3A_144 : memref<!tpu.dma_semaphore, #tpu.memory_space<semaphore_mem>>) src(%dma_wait3A_180 : memref<40x128xi32, #tpu.memory_space<hbm>>) dst(%arg8 : memref<40x128xi32, #tpu.memory_space<vmem>>)
      tpu.yield
    }) : () -> ()
    %dma_start3A_110 = arith.constant 0 : i32
    %dma_start3A_111 = arith.constant 0 : i32
    %dma_start3A_112 = tpu.memref_slice %arg7[%dma_start3A_110, %dma_start3A_111] : memref<40x128xi32, #tpu.memory_space<vmem>> -> memref<1x128xi32, #tpu.memory_space<vmem>>
    %dma_start3A_113 = tpu.memref_squeeze %dma_start3A_112 : memref<1x128xi32, #tpu.memory_space<vmem>> -> memref<128xi32, #tpu.memory_space<vmem>>
    %dma_start3A_114 = arith.constant 0 : i32
    %dma_start3A_115 = arith.constant 0 : i32
    %dma_start3A_116 = tpu.memref_slice %arg2[%dma_start3A_114, %dma_start3A_115] : memref<10240x128xf32, #tpu.memory_space<hbm>> -> memref<10240x128xf32, #tpu.memory_space<hbm>>
    tpu.enqueue_indirect_dma source(%dma_start3A_116 : memref<10240x128xf32, #tpu.memory_space<hbm>>) target(%arg9 : memref<128x128xf32, #tpu.memory_space<vmem>>) offsets(%dma_start3A_113 : memref<128xi32, #tpu.memory_space<vmem>>) semaphore(%arg14 : memref<!tpu.dma_semaphore, #tpu.memory_space<semaphore_mem>>)
    %dma_start3A_117 = arith.constant 1 : i32
    %dma_start3A_118 = arith.constant 0 : i32
    %dma_start3A_119 = tpu.memref_slice %arg7[%dma_start3A_117, %dma_start3A_118] : memref<40x128xi32, #tpu.memory_space<vmem>> -> memref<1x128xi32, #tpu.memory_space<vmem>>
    %dma_start3A_120 = tpu.memref_squeeze %dma_start3A_119 : memref<1x128xi32, #tpu.memory_space<vmem>> -> memref<128xi32, #tpu.memory_space<vmem>>
    %dma_start3A_121 = arith.constant 0 : i32
    %dma_start3A_122 = arith.constant 0 : i32
    %dma_start3A_123 = tpu.memref_slice %arg2[%dma_start3A_121, %dma_start3A_122] : memref<10240x128xf32, #tpu.memory_space<hbm>> -> memref<10240x128xf32, #tpu.memory_space<hbm>>
    tpu.enqueue_indirect_dma source(%dma_start3A_123 : memref<10240x128xf32, #tpu.memory_space<hbm>>) target(%arg10 : memref<128x128xf32, #tpu.memory_space<vmem>>) offsets(%dma_start3A_120 : memref<128xi32, #tpu.memory_space<vmem>>) semaphore(%arg15 : memref<!tpu.dma_semaphore, #tpu.memory_space<semaphore_mem>>)
    %scan3A_124 = arith.constant 0 : i32
    %scan3A_125 = arith.constant 20 : i32
    %scan3A_126 = arith.addi %scan3A_124, %scan3A_125 : i32
    %scan3A_127 = arith.constant 1 : i32
    scf.for %scan3A_144 = %scan3A_124 to %scan3A_126 step %scan3A_127  : i32 {
      %mul3A_145 = arith.constant 2 : i32
      %mul3A_146 = arith.muli %scan3A_144, %mul3A_145 : i32
      %add3A_147 = arith.constant 0 : i32
      %add3A_148 = arith.addi %mul3A_146, %add3A_147 : i32
      %dma_wait3A_149 = arith.constant 0 : i32
      %dma_wait3A_150 = tpu.memref_slice %arg7[%add3A_148, %dma_wait3A_149] : memref<40x128xi32, #tpu.memory_space<vmem>> -> memref<1x128xi32, #tpu.memory_space<vmem>>
      %dma_wait3A_151 = tpu.memref_squeeze %dma_wait3A_150 : memref<1x128xi32, #tpu.memory_space<vmem>> -> memref<128xi32, #tpu.memory_space<vmem>>
      %dma_wait3A_152 = arith.constant 0 : i32
      %dma_wait3A_153 = arith.constant 0 : i32
      %dma_wait3A_154 = tpu.memref_slice %arg2[%dma_wait3A_152, %dma_wait3A_153] : memref<10240x128xf32, #tpu.memory_space<hbm>> -> memref<10240x128xf32, #tpu.memory_space<hbm>>
      tpu.wait_indirect_dma semaphore(%arg14 : memref<!tpu.dma_semaphore, #tpu.memory_space<semaphore_mem>>) src(%dma_wait3A_154 : memref<10240x128xf32, #tpu.memory_space<hbm>>) dst(%arg9 : memref<128x128xf32, #tpu.memory_space<vmem>>)
      %dma_start3A_155 = arith.constant 0 : i32
      %dma_start3A_156 = tpu.memref_slice %arg8[%add3A_148, %dma_start3A_155] : memref<40x128xi32, #tpu.memory_space<vmem>> -> memref<1x128xi32, #tpu.memory_space<vmem>>
      %dma_start3A_157 = tpu.memref_squeeze %dma_start3A_156 : memref<1x128xi32, #tpu.memory_space<vmem>> -> memref<128xi32, #tpu.memory_space<vmem>>
      %dma_start3A_158 = arith.constant 0 : i32
      %dma_start3A_159 = arith.constant 0 : i32
      %dma_start3A_160 = tpu.memref_slice %arg11[%dma_start3A_158, %dma_start3A_159] : memref<10240x128xf32, #tpu.memory_space<vmem_shared>> -> memref<10240x128xf32, #tpu.memory_space<vmem_shared>>
      tpu.enqueue_indirect_dma source(%arg9 : memref<128x128xf32, #tpu.memory_space<vmem>>) target(%dma_start3A_160 : memref<10240x128xf32, #tpu.memory_space<vmem_shared>>) offsets(%dma_start3A_157 : memref<128xi32, #tpu.memory_space<vmem>>) semaphore(%arg16 : memref<!tpu.dma_semaphore, #tpu.memory_space<semaphore_mem>>) {add = true}
      %add3A_161 = arith.constant 2 : i32
      %add3A_162 = arith.addi %add3A_148, %add3A_161 : i32
      %lt3A = arith.constant 40 : i32
      %lt3A_163 = arith.cmpi slt, %add3A_162, %lt3A : i32
      %convert_element_type3A = arith.extui %lt3A_163 : i1 to i32
      %cond3A = arith.constant 0 : i32
      %cond3A_164 = arith.cmpi ne, %convert_element_type3A, %cond3A : i32
      scf.if %cond3A_164 {
        %dma_wait3A_188 = arith.constant 0 : i32
        %dma_wait3A_189 = tpu.memref_slice %arg8[%add3A_148, %dma_wait3A_188] : memref<40x128xi32, #tpu.memory_space<vmem>> -> memref<1x128xi32, #tpu.memory_space<vmem>>
        %dma_wait3A_190 = tpu.memref_squeeze %dma_wait3A_189 : memref<1x128xi32, #tpu.memory_space<vmem>> -> memref<128xi32, #tpu.memory_space<vmem>>
        %dma_wait3A_191 = arith.constant 0 : i32
        %dma_wait3A_192 = arith.constant 0 : i32
        %dma_wait3A_193 = tpu.memref_slice %arg11[%dma_wait3A_191, %dma_wait3A_192] : memref<10240x128xf32, #tpu.memory_space<vmem_shared>> -> memref<10240x128xf32, #tpu.memory_space<vmem_shared>>
        tpu.wait_indirect_dma semaphore(%arg16 : memref<!tpu.dma_semaphore, #tpu.memory_space<semaphore_mem>>) src(%arg9 : memref<128x128xf32, #tpu.memory_space<vmem>>) dst(%dma_wait3A_193 : memref<10240x128xf32, #tpu.memory_space<vmem_shared>>)
        %add3A_194 = arith.constant 2 : i32
        %add3A_195 = arith.addi %add3A_148, %add3A_194 : i32
        %dma_start3A_196 = arith.constant 0 : i32
        %dma_start3A_197 = tpu.memref_slice %arg7[%add3A_195, %dma_start3A_196] : memref<40x128xi32, #tpu.memory_space<vmem>> -> memref<1x128xi32, #tpu.memory_space<vmem>>
        %dma_start3A_198 = tpu.memref_squeeze %dma_start3A_197 : memref<1x128xi32, #tpu.memory_space<vmem>> -> memref<128xi32, #tpu.memory_space<vmem>>
        %dma_start3A_199 = arith.constant 0 : i32
        %dma_start3A_200 = arith.constant 0 : i32
        %dma_start3A_201 = tpu.memref_slice %arg2[%dma_start3A_199, %dma_start3A_200] : memref<10240x128xf32, #tpu.memory_space<hbm>> -> memref<10240x128xf32, #tpu.memory_space<hbm>>
        tpu.enqueue_indirect_dma source(%dma_start3A_201 : memref<10240x128xf32, #tpu.memory_space<hbm>>) target(%arg9 : memref<128x128xf32, #tpu.memory_space<vmem>>) offsets(%dma_start3A_198 : memref<128xi32, #tpu.memory_space<vmem>>) semaphore(%arg14 : memref<!tpu.dma_semaphore, #tpu.memory_space<semaphore_mem>>)
      } else {
      }
      %mul3A_165 = arith.constant 2 : i32
      %mul3A_166 = arith.muli %scan3A_144, %mul3A_165 : i32
      %add3A_167 = arith.constant 1 : i32
      %add3A_168 = arith.addi %mul3A_166, %add3A_167 : i32
      %dma_wait3A_169 = arith.constant 0 : i32
      %dma_wait3A_170 = tpu.memref_slice %arg7[%add3A_168, %dma_wait3A_169] : memref<40x128xi32, #tpu.memory_space<vmem>> -> memref<1x128xi32, #tpu.memory_space<vmem>>
      %dma_wait3A_171 = tpu.memref_squeeze %dma_wait3A_170 : memref<1x128xi32, #tpu.memory_space<vmem>> -> memref<128xi32, #tpu.memory_space<vmem>>
      %dma_wait3A_172 = arith.constant 0 : i32
      %dma_wait3A_173 = arith.constant 0 : i32
      %dma_wait3A_174 = tpu.memref_slice %arg2[%dma_wait3A_172, %dma_wait3A_173] : memref<10240x128xf32, #tpu.memory_space<hbm>> -> memref<10240x128xf32, #tpu.memory_space<hbm>>
      tpu.wait_indirect_dma semaphore(%arg15 : memref<!tpu.dma_semaphore, #tpu.memory_space<semaphore_mem>>) src(%dma_wait3A_174 : memref<10240x128xf32, #tpu.memory_space<hbm>>) dst(%arg10 : memref<128x128xf32, #tpu.memory_space<vmem>>)
      %dma_start3A_175 = arith.constant 0 : i32
      %dma_start3A_176 = tpu.memref_slice %arg8[%add3A_168, %dma_start3A_175] : memref<40x128xi32, #tpu.memory_space<vmem>> -> memref<1x128xi32, #tpu.memory_space<vmem>>
      %dma_start3A_177 = tpu.memref_squeeze %dma_start3A_176 : memref<1x128xi32, #tpu.memory_space<vmem>> -> memref<128xi32, #tpu.memory_space<vmem>>
      %dma_start3A_178 = arith.constant 0 : i32
      %dma_start3A_179 = arith.constant 0 : i32
      %dma_start3A_180 = tpu.memref_slice %arg11[%dma_start3A_178, %dma_start3A_179] : memref<10240x128xf32, #tpu.memory_space<vmem_shared>> -> memref<10240x128xf32, #tpu.memory_space<vmem_shared>>
      tpu.enqueue_indirect_dma source(%arg10 : memref<128x128xf32, #tpu.memory_space<vmem>>) target(%dma_start3A_180 : memref<10240x128xf32, #tpu.memory_space<vmem_shared>>) offsets(%dma_start3A_177 : memref<128xi32, #tpu.memory_space<vmem>>) semaphore(%arg17 : memref<!tpu.dma_semaphore, #tpu.memory_space<semaphore_mem>>) {add = true}
      %add3A_181 = arith.constant 2 : i32
      %add3A_182 = arith.addi %add3A_168, %add3A_181 : i32
      %lt3A_183 = arith.constant 40 : i32
      %lt3A_184 = arith.cmpi slt, %add3A_182, %lt3A_183 : i32
      %convert_element_type3A_185 = arith.extui %lt3A_184 : i1 to i32
      %cond3A_186 = arith.constant 0 : i32
      %cond3A_187 = arith.cmpi ne, %convert_element_type3A_185, %cond3A_186 : i32
      scf.if %cond3A_187 {
        %dma_wait3A_188 = arith.constant 0 : i32
        %dma_wait3A_189 = tpu.memref_slice %arg8[%add3A_168, %dma_wait3A_188] : memref<40x128xi32, #tpu.memory_space<vmem>> -> memref<1x128xi32, #tpu.memory_space<vmem>>
        %dma_wait3A_190 = tpu.memref_squeeze %dma_wait3A_189 : memref<1x128xi32, #tpu.memory_space<vmem>> -> memref<128xi32, #tpu.memory_space<vmem>>
        %dma_wait3A_191 = arith.constant 0 : i32
        %dma_wait3A_192 = arith.constant 0 : i32
        %dma_wait3A_193 = tpu.memref_slice %arg11[%dma_wait3A_191, %dma_wait3A_192] : memref<10240x128xf32, #tpu.memory_space<vmem_shared>> -> memref<10240x128xf32, #tpu.memory_space<vmem_shared>>
        tpu.wait_indirect_dma semaphore(%arg17 : memref<!tpu.dma_semaphore, #tpu.memory_space<semaphore_mem>>) src(%arg10 : memref<128x128xf32, #tpu.memory_space<vmem>>) dst(%dma_wait3A_193 : memref<10240x128xf32, #tpu.memory_space<vmem_shared>>)
        %add3A_194 = arith.constant 2 : i32
        %add3A_195 = arith.addi %add3A_168, %add3A_194 : i32
        %dma_start3A_196 = arith.constant 0 : i32
        %dma_start3A_197 = tpu.memref_slice %arg7[%add3A_195, %dma_start3A_196] : memref<40x128xi32, #tpu.memory_space<vmem>> -> memref<1x128xi32, #tpu.memory_space<vmem>>
        %dma_start3A_198 = tpu.memref_squeeze %dma_start3A_197 : memref<1x128xi32, #tpu.memory_space<vmem>> -> memref<128xi32, #tpu.memory_space<vmem>>
        %dma_start3A_199 = arith.constant 0 : i32
        %dma_start3A_200 = arith.constant 0 : i32
        %dma_start3A_201 = tpu.memref_slice %arg2[%dma_start3A_199, %dma_start3A_200] : memref<10240x128xf32, #tpu.memory_space<hbm>> -> memref<10240x128xf32, #tpu.memory_space<hbm>>
        tpu.enqueue_indirect_dma source(%dma_start3A_201 : memref<10240x128xf32, #tpu.memory_space<hbm>>) target(%arg10 : memref<128x128xf32, #tpu.memory_space<vmem>>) offsets(%dma_start3A_198 : memref<128xi32, #tpu.memory_space<vmem>>) semaphore(%arg15 : memref<!tpu.dma_semaphore, #tpu.memory_space<semaphore_mem>>)
      } else {
      }
    }
    %scan3A_128 = arith.constant 20 : i32
    %dma_wait3A_129 = arith.constant 0 : i32
    %dma_wait3A_130 = arith.constant 0 : i32
    %dma_wait3A_131 = tpu.memref_slice %arg8[%dma_wait3A_129, %dma_wait3A_130] : memref<40x128xi32, #tpu.memory_space<vmem>> -> memref<1x128xi32, #tpu.memory_space<vmem>>
    %dma_wait3A_132 = tpu.memref_squeeze %dma_wait3A_131 : memref<1x128xi32, #tpu.memory_space<vmem>> -> memref<128xi32, #tpu.memory_space<vmem>>
    %dma_wait3A_133 = arith.constant 0 : i32
    %dma_wait3A_134 = arith.constant 0 : i32
    %dma_wait3A_135 = tpu.memref_slice %arg11[%dma_wait3A_133, %dma_wait3A_134] : memref<10240x128xf32, #tpu.memory_space<vmem_shared>> -> memref<10240x128xf32, #tpu.memory_space<vmem_shared>>
    tpu.wait_indirect_dma semaphore(%arg16 : memref<!tpu.dma_semaphore, #tpu.memory_space<semaphore_mem>>) src(%arg9 : memref<128x128xf32, #tpu.memory_space<vmem>>) dst(%dma_wait3A_135 : memref<10240x128xf32, #tpu.memory_space<vmem_shared>>)
    %dma_wait3A_136 = arith.constant 0 : i32
    %dma_wait3A_137 = arith.constant 0 : i32
    %dma_wait3A_138 = tpu.memref_slice %arg8[%dma_wait3A_136, %dma_wait3A_137] : memref<40x128xi32, #tpu.memory_space<vmem>> -> memref<1x128xi32, #tpu.memory_space<vmem>>
    %dma_wait3A_139 = tpu.memref_squeeze %dma_wait3A_138 : memref<1x128xi32, #tpu.memory_space<vmem>> -> memref<128xi32, #tpu.memory_space<vmem>>
    %dma_wait3A_140 = arith.constant 0 : i32
    %dma_wait3A_141 = arith.constant 0 : i32
    %dma_wait3A_142 = tpu.memref_slice %arg11[%dma_wait3A_140, %dma_wait3A_141] : memref<10240x128xf32, #tpu.memory_space<vmem_shared>> -> memref<10240x128xf32, #tpu.memory_space<vmem_shared>>
    tpu.wait_indirect_dma semaphore(%arg17 : memref<!tpu.dma_semaphore, #tpu.memory_space<semaphore_mem>>) src(%arg10 : memref<128x128xf32, #tpu.memory_space<vmem>>) dst(%dma_wait3A_142 : memref<10240x128xf32, #tpu.memory_space<vmem_shared>>)
    %barrier3A_143 = arith.constant 0 : index
    tpu.barrier barrier_id(%barrier3A_143)
    "tpu.region"() ({
      %run_scoped3A_144 = tpu.sem_alloc : memref<!tpu.dma_semaphore, #tpu.memory_space<semaphore_mem>>
      %dma_start3A_145 = arith.constant 0 : i32
      %dma_start3A_146 = arith.constant 0 : i32
      %dma_start3A_147 = tpu.memref_slice %arg6[%arg0, %dma_start3A_145, %dma_start3A_146] : memref<2x10240x128xf32, #tpu.memory_space<hbm>> -> memref<1x10240x128xf32, #tpu.memory_space<hbm>>
      %dma_start3A_148 = tpu.memref_squeeze %dma_start3A_147 : memref<1x10240x128xf32, #tpu.memory_space<hbm>> -> memref<10240x128xf32, #tpu.memory_space<hbm>>
      %dma_start3A_149 = arith.constant 0 : i32
      %dma_start3A_150 = tpu.memref_slice %dma_start3A_148[%mul3A_39, %dma_start3A_149] : memref<10240x128xf32, #tpu.memory_space<hbm>> -> memref<640x128xf32, #tpu.memory_space<hbm>>
      %dma_start3A_151 = arith.constant 0 : i32
      %dma_start3A_152 = tpu.memref_slice %arg11[%mul3A_39, %dma_start3A_151] : memref<10240x128xf32, #tpu.memory_space<vmem_shared>> -> memref<640x128xf32, #tpu.memory_space<vmem_shared>>
      tpu.enqueue_dma source(%dma_start3A_152 : memref<640x128xf32, #tpu.memory_space<vmem_shared>>) target(%dma_start3A_150 : memref<640x128xf32, #tpu.memory_space<hbm>>) target_semaphore(%run_scoped3A_144 : memref<!tpu.dma_semaphore, #tpu.memory_space<semaphore_mem>>)
      %dma_wait3A_153 = arith.constant 0 : i32
      %dma_wait3A_154 = arith.constant 0 : i32
      %dma_wait3A_155 = tpu.memref_slice %arg6[%arg0, %dma_wait3A_153, %dma_wait3A_154] : memref<2x10240x128xf32, #tpu.memory_space<hbm>> -> memref<1x10240x128xf32, #tpu.memory_space<hbm>>
      %dma_wait3A_156 = tpu.memref_squeeze %dma_wait3A_155 : memref<1x10240x128xf32, #tpu.memory_space<hbm>> -> memref<10240x128xf32, #tpu.memory_space<hbm>>
      %dma_wait3A_157 = arith.constant 0 : i32
      %dma_wait3A_158 = tpu.memref_slice %dma_wait3A_156[%mul3A_39, %dma_wait3A_157] : memref<10240x128xf32, #tpu.memory_space<hbm>> -> memref<640x128xf32, #tpu.memory_space<hbm>>
      %dma_wait3A_159 = arith.constant 0 : i32
      %dma_wait3A_160 = tpu.memref_slice %arg11[%mul3A_39, %dma_wait3A_159] : memref<10240x128xf32, #tpu.memory_space<vmem_shared>> -> memref<640x128xf32, #tpu.memory_space<vmem_shared>>
      tpu.wait_dma2 semaphore(%run_scoped3A_144 : memref<!tpu.dma_semaphore, #tpu.memory_space<semaphore_mem>>) src(%dma_wait3A_160 : memref<640x128xf32, #tpu.memory_space<vmem_shared>>) dst(%dma_wait3A_158 : memref<640x128xf32, #tpu.memory_space<hbm>>)
      tpu.yield
    }) : () -> ()
    return
  }
}

module attributes {stable_mosaic.version = 14 : i64} {
  func.func @_tc1_body(%arg0: memref<10000x128xf32, #tpu.memory_space<vmem>>, %arg1: memref<10000x1xf32, #tpu.memory_space<vmem>>, %arg2: memref<128x128xf32, #tpu.memory_space<vmem>>, %arg3: memref<10240x128xf32, #tpu.memory_space<vmem>>) attributes {dimension_semantics = [], scalar_prefetch = 0 : i64, scratch_operands = 0 : i64, tpu.core_type = #tpu.core_type<tc>} {
    %get3A = arith.constant 0 : index
    %get3A_0 = arith.constant 0 : index
    %get3A_1 = vector.load %arg0[%get3A, %get3A_0] : memref<10000x128xf32, #tpu.memory_space<vmem>>, vector<10000x128xf32>
    %get3A_2 = arith.constant 0 : index
    %get3A_3 = arith.constant 0 : index
    %get3A_4 = vector.load %arg1[%get3A_2, %get3A_3] : memref<10000x1xf32, #tpu.memory_space<vmem>>, vector<10000x1xf32>
    %mul3A = vector.broadcast %get3A_4 : vector<10000x1xf32> to vector<10000x128xf32>
    %mul3A_5 = arith.mulf %get3A_1, %mul3A : vector<10000x128xf32>
    %get3A_6 = arith.constant 0 : index
    %get3A_7 = arith.constant 0 : index
    %get3A_8 = vector.load %arg2[%get3A_6, %get3A_7] : memref<128x128xf32, #tpu.memory_space<vmem>>, vector<128x128xf32>
    %dot_general3A = arith.constant dense<0.000000e+00> : vector<10000x128xf32>
    %dot_general3A_9 = tpu.matmul %mul3A_5, %get3A_8, %dot_general3A {dimension_numbers = #tpu.dot_dimension_numbers<[1], [0], [0], [1], [0, 0, 1, 1], [], []>, transpose_lhs_hint = false} : vector<10000x128xf32>, vector<128x128xf32>, vector<10000x128xf32> -> vector<10000x128xf32>
    %swap3A = arith.constant 0 : index
    %swap3A_10 = arith.constant 0 : index
    %swap3A_11 = vector.load %arg3[%swap3A, %swap3A_10] : memref<10240x128xf32, #tpu.memory_space<vmem>>, vector<10000x128xf32>
    tpu.vector_store %arg3[%swap3A, %swap3A_10], %dot_general3A_9 {strides = array<i32>} : memref<10240x128xf32, #tpu.memory_space<vmem>>, vector<10000x128xf32>,
    %broadcast_in_dim3A = arith.constant 0.000000e+00 : f32
    %broadcast_in_dim3A_12 = vector.broadcast %broadcast_in_dim3A : f32 to vector<240x128xf32>
    %swap3A_13 = arith.constant 10000 : index
    %swap3A_14 = arith.constant 0 : index
    %swap3A_15 = vector.load %arg3[%swap3A_13, %swap3A_14] : memref<10240x128xf32, #tpu.memory_space<vmem>>, vector<240x128xf32>
    tpu.vector_store %arg3[%swap3A_13, %swap3A_14], %broadcast_in_dim3A_12 {strides = array<i32>} : memref<10240x128xf32, #tpu.memory_space<vmem>>, vector<240x128xf32>,
    return
  }
}

module attributes {stable_mosaic.version = 14 : i64} {
  func.func @_tc2_body(%arg0: memref<2x10240x128xf32, #tpu.memory_space<vmem>>, %arg1: memref<10000x2xf32, #tpu.memory_space<vmem>>, %arg2: memref<1x128xf32, #tpu.memory_space<vmem>>, %arg3: memref<1x128xf32, #tpu.memory_space<vmem>>, %arg4: memref<128x128xf32, #tpu.memory_space<vmem>>, %arg5: memref<10240x128xf32, #tpu.memory_space<vmem>>) attributes {dimension_semantics = [], scalar_prefetch = 0 : i64, scratch_operands = 0 : i64, tpu.core_type = #tpu.core_type<tc>} {
    %get3A = arith.constant 0 : index
    %get3A_0 = arith.constant 0 : index
    %get3A_1 = arith.constant 0 : index
    %get3A_2 = vector.load %arg0[%get3A, %get3A_0, %get3A_1] : memref<2x10240x128xf32, #tpu.memory_space<vmem>>, vector<1x10000x128xf32>
    %get3A_3 = vector.shape_cast %get3A_2 : vector<1x10000x128xf32> to vector<10000x128xf32>
    %get3A_4 = arith.constant 1 : index
    %get3A_5 = arith.constant 0 : index
    %get3A_6 = arith.constant 0 : index
    %get3A_7 = vector.load %arg0[%get3A_4, %get3A_5, %get3A_6] : memref<2x10240x128xf32, #tpu.memory_space<vmem>>, vector<1x10000x128xf32>
    %get3A_8 = vector.shape_cast %get3A_7 : vector<1x10000x128xf32> to vector<10000x128xf32>
    %add3A = arith.addf %get3A_3, %get3A_8 : vector<10000x128xf32>
    %get3A_9 = arith.constant 0 : index
    %get3A_10 = arith.constant 0 : index
    %get3A_11 = vector.load %arg1[%get3A_9, %get3A_10] : memref<10000x2xf32, #tpu.memory_space<vmem>>, vector<10000x1xf32>
    %mul3A = vector.broadcast %get3A_11 : vector<10000x1xf32> to vector<10000x128xf32>
    %mul3A_12 = arith.mulf %add3A, %mul3A : vector<10000x128xf32>
    %get3A_13 = arith.constant 0 : index
    %get3A_14 = arith.constant 0 : index
    %get3A_15 = vector.load %arg2[%get3A_13, %get3A_14] : memref<1x128xf32, #tpu.memory_space<vmem>>, vector<1x128xf32>
    %add3A_16 = vector.broadcast %get3A_15 : vector<1x128xf32> to vector<10000x128xf32>
    %add3A_17 = arith.addf %mul3A_12, %add3A_16 : vector<10000x128xf32>
    %max3A = arith.constant 0.000000e+00 : f32
    %max3A_18 = vector.broadcast %max3A : f32 to vector<10000x128xf32>
    %max3A_19 = arith.maximumf %add3A_17, %max3A_18 : vector<10000x128xf32>
    %get3A_20 = arith.constant 0 : index
    %get3A_21 = arith.constant 0 : index
    %get3A_22 = vector.load %arg3[%get3A_20, %get3A_21] : memref<1x128xf32, #tpu.memory_space<vmem>>, vector<1x128xf32>
    %jit3A = arith.constant 0.000000e+00 : f32
    %jit3A_23 = arith.constant 1.000000e+00 : f32
    %max3A_24 = vector.broadcast %jit3A : f32 to vector<1x128xf32>
    %max3A_25 = arith.maximumf %max3A_24, %get3A_22 : vector<1x128xf32>
    %min3A = vector.broadcast %jit3A_23 : f32 to vector<1x128xf32>
    %min3A_26 = arith.minimumf %min3A, %max3A_25 : vector<1x128xf32>
    %mul3A_27 = vector.broadcast %min3A_26 : vector<1x128xf32> to vector<10000x128xf32>
    %mul3A_28 = arith.mulf %max3A_19, %mul3A_27 : vector<10000x128xf32>
    %get3A_29 = arith.constant 0 : index
    %get3A_30 = arith.constant 1 : index
    %get3A_31 = vector.load %arg1[%get3A_29, %get3A_30] : memref<10000x2xf32, #tpu.memory_space<vmem>>, vector<10000x1xf32>
    %mul3A_32 = vector.broadcast %get3A_31 : vector<10000x1xf32> to vector<10000x128xf32>
    %mul3A_33 = arith.mulf %mul3A_28, %mul3A_32 : vector<10000x128xf32>
    %get3A_34 = arith.constant 0 : index
    %get3A_35 = arith.constant 0 : index
    %get3A_36 = vector.load %arg4[%get3A_34, %get3A_35] : memref<128x128xf32, #tpu.memory_space<vmem>>, vector<128x128xf32>
    %dot_general3A = arith.constant dense<0.000000e+00> : vector<10000x128xf32>
    %dot_general3A_37 = tpu.matmul %mul3A_33, %get3A_36, %dot_general3A {dimension_numbers = #tpu.dot_dimension_numbers<[1], [0], [0], [1], [0, 0, 1, 1], [], []>, transpose_lhs_hint = false} : vector<10000x128xf32>, vector<128x128xf32>, vector<10000x128xf32> -> vector<10000x128xf32>
    %swap3A = arith.constant 0 : index
    %swap3A_38 = arith.constant 0 : index
    %swap3A_39 = vector.load %arg5[%swap3A, %swap3A_38] : memref<10240x128xf32, #tpu.memory_space<vmem>>, vector<10000x128xf32>
    tpu.vector_store %arg5[%swap3A, %swap3A_38], %dot_general3A_37 {strides = array<i32>} : memref<10240x128xf32, #tpu.memory_space<vmem>>, vector<10000x128xf32>,
    %broadcast_in_dim3A = arith.constant 0.000000e+00 : f32
    %broadcast_in_dim3A_40 = vector.broadcast %broadcast_in_dim3A : f32 to vector<240x128xf32>
    %swap3A_41 = arith.constant 10000 : index
    %swap3A_42 = arith.constant 0 : index
    %swap3A_43 = vector.load %arg5[%swap3A_41, %swap3A_42] : memref<10240x128xf32, #tpu.memory_space<vmem>>, vector<240x128xf32>
    tpu.vector_store %arg5[%swap3A_41, %swap3A_42], %broadcast_in_dim3A_40 {strides = array<i32>} : memref<10240x128xf32, #tpu.memory_space<vmem>>, vector<240x128xf32>,
    return
  }
}

module attributes {stable_mosaic.version = 14 : i64} {
  func.func @_tc3_body(%arg0: memref<2x10240x128xf32, #tpu.memory_space<vmem>>, %arg1: memref<10000x1xf32, #tpu.memory_space<vmem>>, %arg2: memref<1x128xf32, #tpu.memory_space<vmem>>, %arg3: memref<10000x128xf32, #tpu.memory_space<vmem>>) attributes {dimension_semantics = [], scalar_prefetch = 0 : i64, scratch_operands = 0 : i64, tpu.core_type = #tpu.core_type<tc>} {
    %get3A = arith.constant 0 : index
    %get3A_0 = arith.constant 0 : index
    %get3A_1 = arith.constant 0 : index
    %get3A_2 = vector.load %arg0[%get3A, %get3A_0, %get3A_1] : memref<2x10240x128xf32, #tpu.memory_space<vmem>>, vector<1x10000x128xf32>
    %get3A_3 = vector.shape_cast %get3A_2 : vector<1x10000x128xf32> to vector<10000x128xf32>
    %get3A_4 = arith.constant 1 : index
    %get3A_5 = arith.constant 0 : index
    %get3A_6 = arith.constant 0 : index
    %get3A_7 = vector.load %arg0[%get3A_4, %get3A_5, %get3A_6] : memref<2x10240x128xf32, #tpu.memory_space<vmem>>, vector<1x10000x128xf32>
    %get3A_8 = vector.shape_cast %get3A_7 : vector<1x10000x128xf32> to vector<10000x128xf32>
    %add3A = arith.addf %get3A_3, %get3A_8 : vector<10000x128xf32>
    %get3A_9 = arith.constant 0 : index
    %get3A_10 = arith.constant 0 : index
    %get3A_11 = vector.load %arg1[%get3A_9, %get3A_10] : memref<10000x1xf32, #tpu.memory_space<vmem>>, vector<10000x1xf32>
    %mul3A = vector.broadcast %get3A_11 : vector<10000x1xf32> to vector<10000x128xf32>
    %mul3A_12 = arith.mulf %add3A, %mul3A : vector<10000x128xf32>
    %get3A_13 = arith.constant 0 : index
    %get3A_14 = arith.constant 0 : index
    %get3A_15 = vector.load %arg2[%get3A_13, %get3A_14] : memref<1x128xf32, #tpu.memory_space<vmem>>, vector<1x128xf32>
    %add3A_16 = vector.broadcast %get3A_15 : vector<1x128xf32> to vector<10000x128xf32>
    %add3A_17 = arith.addf %mul3A_12, %add3A_16 : vector<10000x128xf32>
    %swap3A = arith.constant 0 : index
    %swap3A_18 = arith.constant 0 : index
    %swap3A_19 = vector.load %arg3[%swap3A, %swap3A_18] : memref<10000x128xf32, #tpu.memory_space<vmem>>, vector<10000x128xf32>
    tpu.vector_store %arg3[%swap3A, %swap3A_18], %add3A_17 {strides = array<i32>} : memref<10000x128xf32, #tpu.memory_space<vmem>>, vector<10000x128xf32>,
    return
  }
}

</mosaic_0001>

<sc_bundles>
// kernel: kernel.11.cloned.1.call-start
scs
__scs_entry_jumppad:
0x0: {  	(pc) =	sbr.rel $0x88, $3  }
0x1: {  	(tag) =	ssettag $0x0;
	lr =	simm.s32 $0x1  }
0x2: {  	[smem:$0x3F99] =	sst lr;
	_ =	strace $0xD0000000  }
0x3: {  	_ = 	snop  }
0x4: {  	_ = 	snop  }
0x5: {  	_ = 	snop  }
0x6: {  	_ = 	snop  }
0x7: {  	_ = 	snop  }
__scs_overlays_trampoline_lowered:
0x8: {  	[smem:$0x3FA8] =	sst s0  }
0x9: {  	[smem:$0x3FA9] =	sst s1  }
0xa: {  	[smem:$0x3FAA] =	sst s2  }
0xb: {  	[smem:$0x3FAB] =	sst s3  }
0xc: {  	[smem:$0x3FAC] =	sst s4  }
0xd: {  	[smem:$0x3FAD] =	sst s5  }
0xe: {  	[smem:$0x3FAE] =	sst s6  }
0xf: {  	[smem:$0x3FAF] =	sst s7  }
0x10: {  	[smem:$0x3FB0] =	sst s8  }
0x11: {  	[smem:$0x3FB1] =	sst s9;
	s0 =	simm.s32 @!p0 $0x0  }
0x12: {  	s1 =	sld [smem:$0x3F97];
	s0 =	simm.s32 @p0 $0x1  }
0x13: {  	[smem:$0x3FB2] =	sst s0;
	s0 =	simm.s32 @!p1 $0x0  }
0x14: {  	s2 =	sld [smem:$0x3F96];
	s0 =	simm.s32 @p1 $0x1  }
0x15: {  	[smem:$0x3FB3] =	sst s0;
	s0 =	simm.s32 @!p2 $0x0  }
0x16: {  	s3 =	sld [smem:$0x3FDB];
	s0 =	simm.s32 @p2 $0x1  }
0x17: {  	s4 =	simm.s32 $0x1BF5;
	[smem:$0x3FB5] =	sst s0  }
0x18: {  	s0 =	sld [smem:$0x3F98];
	_ =	swait.ge [sflag:s4], $0x0  }
0x19: {  	s7 =	sld [smem:$0x3F99]  }
0x1a: {  	s8 =	sadd.s32 $0xFFFFE003, lr  }
0x1b: {  	s9 =	sadd.s32 $0xFFFFFEF7, lr;
	s5 =	simm.s32 $0xFFFFFFFF;
	p2 =	slt.u32 s8, $0xFFFFF086  }
0x1c: {  	p1 =	slt.u32 s9, $0xF7A;
	s5 =	simm.s32 @!p2 $0x0  }
0x1d: {  	s5 =	simm.s32 @p1 $0x1;
	p0 =	seq.s32 s7, s2  }
0x1e: {  	s7 =	smul.u32 @!p0 $0xF7A, s2;
	p2 =	seq.s32 @!p0 s5, $0x0  }
0x1f: {  	s9 =	smul.u32 $0xF7A, s1;
	s8 =	simm.s32 @!p0 $0x1BF5;
	p2 =	por !p2, p0  }
0x20: {  	[sflag:s8] =	ssyncset.s32 @!p0 $0xFFFFF086;
	s6 =	sadd.s32 @!p0 s3, s7;
	s7 =	simm.s32 @!p0 $0x108  }
0x21: {  	s3 =	sadd.s32 s3, s9;
	s6 =	sadd.s32 @!p0 $0x88, s6;
	s7 =	simm.s32 @p2 $0x1082  }
0x22: {  	[simem:s7], [sflag:s8] =	dma.local @!p0 [hbm:s6], $0xF7A  }
0x23: {  	s9 =	sor.u32 $0xD0000000, s2;
	s6 =	simm.s32 $0x108;
	_ =	swait.ge @!p0 [sflag:s8], $0x0  }
0x24: {  	s3 =	sadd.s32 $0x88, s3;
	s6 =	simm.s32 @!p1 $0x1082;
	[sflag:s4] =	ssyncset.s32 $0xFFFFF086  }
0x25: {  	[simem:s6], [sflag:s4] =	dma.local [hbm:s3], $0xF7A  }
0x26: {  	[smem:$0x3F99] =	sst s1;
	(tag) =	ssettag s2;
	_ =	strace s9  }
0x27: {  	s1 =	sld [smem:$0x3FA9]  }
0x28: {  	s2 =	sld [smem:$0x3FAA]  }
0x29: {  	s4 =	sld [smem:$0x3FAC]  }
0x2a: {  	p0 =	seq.s32 s5, $0x0;
	s5 =	sld [smem:$0x3FAD]  }
0x2b: {  	s6 =	sld [smem:$0x3FAE]  }
0x2c: {  	s7 =	sld [smem:$0x3FAF]  }
0x2d: {  	s3 =	simm.s32 $0x108;
	s8 =	sld [smem:$0x3FB0]  }
0x2e: {  	s3 =	simm.s32 @!p0 $0x1082;
	s9 =	sld [smem:$0x3FB1]  }
0x2f: {  	lr =	sadd.s32 s0, s3;
	s0 =	sld [smem:$0x3FA8]  }
0x30: {  	s3 =	sld [smem:$0x3FAB]  }
0x31: {  	[smem:$0x3FB4] =	sst s10  }
0x32: {  	s10 =	sld [smem:$0x3FB2];
	_ =	sdelay $0x3  }
0x33: {  	p0 =	seq.s32 s10, $0x1;
	s10 =	sld [smem:$0x3FB4];
	_ =	sdelay $0x3  }
0x34: {  	[smem:$0x3FB4] =	sst s10  }
0x35: {  	s10 =	sld [smem:$0x3FB3];
	_ =	sdelay $0x3  }
0x36: {  	p1 =	seq.s32 s10, $0x1;
	s10 =	sld [smem:$0x3FB4];
	_ =	sdelay $0x3  }
0x37: {  	[smem:$0x3FB4] =	sst s10  }
0x38: {  	s10 =	sld [smem:$0x3FB5]  }
0x39: {  	_ = 	snop;
	(pc) =	sbr.ind lr, $3  }
0x3a: {  	_ = 	snop  }
0x3b: {  	_ = 	snop  }
0x3c: {  	p2 =	seq.s32 s10, $0x1;
	s10 =	sld [smem:$0x3FB4]  }
0x3d: {  	_ =	shalt  }
0x3e: {  	_ =	shalt  }
0x3f: {  	_ =	shalt  }
0x40: {  	_ =	shalt  }
0x41: {  	_ =	shalt  }
0x42: {  	_ =	shalt  }
0x43: {  	_ =	shalt  }
0x44: {  	_ =	shalt  }
0x45: {  	_ =	shalt  }
0x46: {  	_ =	shalt  }
0x47: {  	_ =	shalt  }
0x48: {  	_ =	shalt  }
0x49: {  	_ =	shalt  }
0x4a: {  	_ =	shalt  }
0x4b: {  	_ =	shalt  }
0x4c: {  	_ =	shalt  }
0x4d: {  	_ =	shalt  }
0x4e: {  	_ =	shalt  }
0x4f: {  	_ =	shalt  }
0x50: {  	_ =	shalt  }
0x51: {  	_ =	shalt  }
0x52: {  	_ =	shalt  }
0x53: {  	_ =	shalt  }
0x54: {  	_ =	shalt  }
0x55: {  	_ =	shalt  }
0x56: {  	_ =	shalt  }
0x57: {  	_ =	shalt  }
0x58: {  	_ =	shalt  }
0x59: {  	_ =	shalt  }
0x5a: {  	_ =	shalt  }
0x5b: {  	_ =	shalt  }
0x5c: {  	_ =	shalt  }
0x5d: {  	_ =	shalt  }
0x5e: {  	_ =	shalt  }
0x5f: {  	_ =	shalt  }
0x60: {  	_ =	shalt  }
0x61: {  	_ =	shalt  }
0x62: {  	_ =	shalt  }
0x63: {  	_ =	shalt  }
0x64: {  	_ =	shalt  }
0x65: {  	_ =	shalt  }
0x66: {  	_ =	shalt  }
0x67: {  	_ =	shalt  }
0x68: {  	_ =	shalt  }
0x69: {  	_ =	shalt  }
0x6a: {  	_ =	shalt  }
0x6b: {  	_ =	shalt  }
0x6c: {  	_ =	shalt  }
0x6d: {  	_ =	shalt  }
0x6e: {  	_ =	shalt  }
0x6f: {  	_ =	shalt  }
0x70: {  	_ =	shalt  }
0x71: {  	_ =	shalt  }
0x72: {  	_ =	shalt  }
0x73: {  	_ =	shalt  }
0x74: {  	_ =	shalt  }
0x75: {  	_ =	shalt  }
0x76: {  	_ =	shalt  }
0x77: {  	_ =	shalt  }
0x78: {  	_ =	shalt  }
0x79: {  	_ =	shalt  }
0x7a: {  	_ =	shalt  }
0x7b: {  	_ =	shalt  }
0x7c: {  	_ =	shalt  }
0x7d: {  	_ =	shalt  }
0x7e: {  	_ =	shalt  }
0x7f: {  	_ =	shalt  }
0x80: {  	_ =	shalt  }
0x81: {  	_ =	shalt  }
0x82: {  	_ =	shalt  }
0x83: {  	_ =	shalt  }
0x84: {  	_ =	shalt  }
0x85: {  	_ =	shalt  }
0x86: {  	_ =	shalt  }
0x87: {  	_ =	shalt  }
.Lfunc_end0:
.L_simem_size_0:
called_computation.1_lowered:
.L_overlay_start_0:
0x88: {  	s2 =	sld [smem:$0x3FD9]  }
0x89: {  	s3 =	sld [smem:$0x3FFE];
	_ =	sdelay $0x1  }
0x8a: {  	s1 =	srdreg.scid  }
0x8b: {  	s0 =	sand.u32 $0x1, s1  }
0x8c: {  	s17 =	sshll.u32 s0, $0xA;
	s2 =	sadd.s32 s3, s2  }
0x8d: {  	s2 =	sadd.s32 s2, s17  }
0x8e: {  	[smem:$0x3FC0] =	sst s2  }
0x8f: {  	_ = 	snop  }
0x90: {  	s2 =	sld [smem:$0x3FD0];
	(tm) =	ssettm $0x1  }
0x91: {  	s18 =	sld [smem:$0x3FFB];
	_ =	sdelay $0x3  }
0x92: {  	_ =	strace s18  }
0x93: {  	s3 =	sld [smem:$0x3FFC];
	_ =	sdelay $0x3  }
0x94: {  	_ =	strace s3  }
0x95: {  	s3 =	sld [smem:$0x3FFD];
	_ =	sdelay $0x3  }
0x96: {  	_ =	strace s3  }
0x97: {  	_ =	strace $0x8FFFFFFF  }
0x98: {  	s19 =	sld [smem:$0x3FDB];
	_ =	sdelay $0x1  }
0x99: {  	s4 =	simm.s32 $_scs_section_size  }
0x9a: {  	s5 =	simm.s32 $_size__tile_overlayer_lowered;
	s6 =	simm.s32 $_tile_overlayer_lowered  }
0x9b: {  	s22 =	simm.s32 $0x1BFF;
	s21 =	sshll.u32 s6, $0x1;
	s3 =	sadd.s32 s4, s19  }
0x9c: {  	s7 =	simm.s32 $0x0;
	s20 =	sshll.u32 s5, $0x1;
	s5 =	sadd.s32 s21, s3  }
0x9d: {  	[timem:s7], [sflag:s22] =	dma.local [hbm:s5], s20  }
0x9e: {  	_ =	swait.ge [sflag:s22], s20  }
0x9f: {  	s4 =	ssub.s32 $0x0, s20;
	[sflag:s22] =	ssyncset.done $0x0  }
0xa0: {  	[sflag:s22] =	ssyncadd.s32 s4;
	_ =	sdelay $0x1  }
0xa1: {  	s23 =	simm.s32 $0x1B8B  }
0xa2: {  	_ =	swait.ge [sflag:s23], $0x1  }
0xa3: {  	[sflag:s23] =	ssyncset.done $0x0  }
0xa4: {  	s25 =	simm.s32 $0x1B8E;
	s24 =	sld [smem:$0x3FFE];
	[sflag:s23] =	ssyncadd.s32 $0xFFFFFFFF  }
0xa5: {  	s26 =	simm.s32 $execute0_lowered;
	[smem:$0x3FD2] =	sst s25  }
0xa6: {  	s5 =	sshll.u32 s26, $0x1;
	_ =	strace $0x80000049;
	[dreg:$0x1] =	wrdreg $0xFFFFFFFF  }
0xa7: {  	s28 =	simm.s32 $_size_execute0_lowered;
	s3 =	sadd.s32 s3, s5;
	[dreg:$0x0] =	wrdreg $0x0  }
0xa8: {  	s5 =	sshll.u32 s28, $0x1;
	[dreg:$0x2] =	wrdreg s3  }
0xa9: {  	[dreg:$0x3] =	wrdreg s5  }
0xaa: {  	[dreg:$0x4] =	wrdreg $0xC0  }
0xab: {  	_ =	task [dreg:s7], $0x5FFFF  }
0xac: {  	[dreg:$0x1] =	wrdreg $0xFFFFFFFF  }
0xad: {  	[dreg:$0x0] =	wrdreg $0x60  }
0xae: {  	[dreg:$0x2] =	wrdreg s24  }
0xaf: {  	[dreg:$0x3] =	wrdreg s2  }
0xb0: {  	[dreg:$0x4] =	wrdreg $0xA8000  }
0xb1: {  	[dreg:$0x5] =	wrdreg $0x9  }
0xb2: {  	_ =	task.clear_ibuf [dreg:s7], $0x6FFFF;
	_ =	strace $0x90000049  }
0xb3: {  	s29 =	simm.s32 $0x9;
	_ =	strace $0x8000004B  }
0xb4: {  	_ =	swait.ge [sflag:s29], $0x1  }
0xb5: {  	[sflag:s29] =	ssyncadd.s32 $0xFFFFFFFF  }
0xb6: {  	_ =	strace $0x9000004B  }
0xb7: {  	_ =	sfence  }
0xb8: {  	s30 =	sld [smem:$0x0];
	_ =	sdelay $0x2  }
0xb9: {  	s31 =	sshll.u32 s1, $0xD;
	s1 =	sshrl.u32 s1, $0x2  }
0xba: {  	s3 =	sand.u32 $0x4000, s31;
	s1 =	sadd.s32 s1, s30  }
0xbb: {  	s0 =	sor.u32 s3, s0;
	s1 =	sshll.u32 s1, $0x11  }
0xbc: {  	s0 =	sor.u32 s1, s0  }
0xbd: {  	s0 =	sadd.s32 $0x8F2B, s0  }
0xbe: {  	[sflag:s0] =	ssyncadd.remote.s32 $0x1  }
0xbf: {  	_ =	sfence.sel $0xFFFF  }
0xc0: {  	[dreg:$0x0] =	wrdreg $0xFFFFFFFF;
	(pc) =	sbr.abs _section_cstart, $3  }
0xc1: {  	[dreg:$0x1] =	wrdreg $0xFFFFFFFF  }
0xc2: {  	_ =	task.clear_ibuf [dreg:s7], $0x2FFFF;
	_ =	strace $0x9FFFFFFF  }
0xc3: {  	(tm) =	ssettm $0x7FFFFFFF  }
tec
execute0_lowered:
.L_overlay_start_1:
0x0: {  	(tag) =	ssettag $0x1  }
0x1: {  	s5 =	rddreg [dreg:$0x0]  }
0x2: {  	s0 =	srdreg.scid;
	s6 =	rddreg [dreg:$0x1]  }
0x3: {  	s2 =	rddreg [dreg:$0x2];
	s1 =	stileid.u32  }
0x4: {  	s3 =	simm.s32 $0x0;
	s16 =	simm.s32 $0x2;
	s17 =	simm.s32 $0x80  }
0x5: {  	s18 =	simm.s32 $0x2800;
	s19 =	simm.s32 $0x6800;
	s20 =	simm.s32 $0x3  }
0x6: {  	s21 =	simm.s32 $0x5;
	s22 =	simm.s32 $0x4;
	s23 =	simm.s32 $0x6  }
0x7: {  	s26 =	simm.s32 $0x2780;
	s7 =	sand.u32 $0x1, s0;
	s0 =	rddreg [dreg:$0x3]  }
0x8: {  	s28 =	simm.s32 $0x0;
	[smem:$0x7FF] =	sst s3;
	s24 =	smul.u32 $0x2800, s1  }
0x9: {  	s12 =	smul.u32 $0x50000, s1;
	s31 =	sshll.u32 s1, $0x6;
	s4 =	sshll.u32 s7, $0x4  }
0xa: {  	_ =	strace $0x8000004A;
	s9 =	smul.u32 $0x28000, s7;
	s7 =	ssub.s32 $0x2, s7  }
0xb: {  	s4 =	sor.u32 s1, s4;
	s11 =	sshrl.u32 s7, $0x1;
	s13 =	sadd.s32 s24, s5  }
0xc: {  	s30 =	sshrl.u32 s12, $0x2;
	s12 =	simm.s32 $0x1400;
	s8 =	smul.u32 $0x500, s4  }
0xd: {  	s4 =	sadd.s32 $0x23000, s5;
	s14 =	sadd.s32 s9, s5;
	s11 =	ssub.s32 s7, s11  }
0xe: {  	s15 =	sadd.s32 s30, s2;
	s7 =	sadd.s32 $0x4B000, s13;
	s25 =	sadd.s32 $0x73000, s14  }
0xf: {  	s11 =	smax.u32 s11, $0x1;
	s13 =	sshrl.u32 s15, $0x3;
	s14 =	simm.s32 $0x7  }
0x10: {  	s15 =	simm.s32 $0x1;
	s10 =	sadd.s32 s8, s5;
	s5 =	sadd.s32 s6, s8  }
0x11: {  	s8 =	sor.u32 $0x1C07, s31;
	s24 =	sadd.s32 s24, s25;
	s25 =	simm.s32 $0x2700  }
0x12: {  	s6 =	sadd.s32 $0x2200, s10;
	s9 =	sadd.s32 $0x280, s5;
	s10 =	sadd.s32 $0x2480, s10  }
.LBB2_1:
0x13: {  	[tilespmem:s3], [sflag:$0x1] =	stream.linear.gather [hbm4b:s5+s3], $0x1400, $0x38;
	[tilespmem:$0x1E800] =	vst v63  }
0x14: {  	_ = 	snop  }
0x15: {  	[tilespmem:s12], [sflag:$0x2] =	stream.linear.gather [hbm4b:s6+s3], $0x1400, $0x38;
	[tilespmem:$0x1E800] =	vst v63  }
0x16: {  	[spmem:s13], [sflag:s8] =	dma.local [hbm:s7], $0x2800  }
0x17: {  	_ =	swait.ge [sflag:s14], $0x2800  }
0x18: {  	[sflag:s14] =	ssyncset.done $0x0  }
0x19: {  	[sflag:s14] =	ssyncadd.s32 $0xFFFFD800  }
0x1a: {  	_ =	swait.ge [sflag:s15], $0x1400  }
0x1b: {  	[sflag:s15] =	ssyncset.done $0x0  }
0x1c: {  	[sflag:s15] =	ssyncadd.s32 $0xFFFFEC00  }
0x1d: {  	_ =	swait.ge [sflag:s16], $0x1400  }
0x1e: {  	[sflag:s16] =	ssyncset.done $0x0  }
0x1f: {  	[sflag:s16] =	ssyncadd.s32 $0xFFFFEC00  }
0x20: {  	[bflag:$0x0] =	sbarrier.arrive $0xFFFF  }
0x21: {  	[tilespmem:s18], [sflag:$0x3] =	stream.indirect.gather [hbm4b:s4+s17], $0x80, s3, s17, $0xb8;
	[tilespmem:$0x1E800] =	vst v63  }
0x22: {  	_ = 	snop  }
0x23: {  	[tilespmem:s19], [sflag:$0x4] =	stream.indirect.gather [hbm4b:s4+s17], $0x80, s17, s17, $0xb8;
	[tilespmem:$0x1E800] =	vst v63  }
0x24: {  	_ =	swait.ge [sflag:s20], $0x4000  }
0x25: {  	[sflag:s20] =	ssyncset.done $0x0  }
0x26: {  	s29 =	simm.s32 $0x1400;
	[sflag:s20] =	ssyncadd.s32 $0xFFFFC000  }
0x27: {  	[spmem:s2] =	stream.indirect.scatter.add.f32 [tilespmem:s18], [sflag:$0x5], $0x80, s29, s17, $0xb8;
	[tilespmem:$0x1E800] =	vst v63  }
0x28: {  	_ =	swait.ge [sflag:s21], $0x4000  }
0x29: {  	[sflag:s21] =	ssyncset.done $0x0  }
0x2a: {  	s29 =	simm.s32 $0x100;
	[sflag:s21] =	ssyncadd.s32 $0xFFFFC000  }
0x2b: {  	[tilespmem:s18], [sflag:$0x3] =	stream.indirect.gather [hbm4b:s4+s17], $0x80, s29, s17, $0xb8;
	[tilespmem:$0x1E800] =	vst v63  }
0x2c: {  	_ =	swait.ge [sflag:s22], $0x4000  }
0x2d: {  	[sflag:s22] =	ssyncset.done $0x0  }
0x2e: {  	s29 =	simm.s32 $0x1480;
	[sflag:s22] =	ssyncadd.s32 $0xFFFFC000  }
0x2f: {  	[spmem:s2] =	stream.indirect.scatter.add.f32 [tilespmem:s19], [sflag:$0x6], $0x80, s29, s17, $0xb8;
	[tilespmem:$0x1E800] =	vst v63  }
0x30: {  	_ =	swait.ge [sflag:s23], $0x4000  }
0x31: {  	[sflag:s23] =	ssyncset.done $0x0  }
0x32: {  	s30 =	simm.s32 $0x180;
	s29 =	simm.s32 $0x400;
	[sflag:s23] =	ssyncadd.s32 $0xFFFFC000  }
.LBB2_2:
0x33: {  	[tilespmem:s19], [sflag:$0x4] =	stream.indirect.gather [hbm4b:s4+s17], $0x80, s30, s17, $0xb8;
	[tilespmem:$0x1E800] =	vst v63  }
0x34: {  	s30 =	smov.u32 s29  }
0x35: {  	p0 =	sne.s32 s29, $0x4800;
	s29 =	sadd.s32 $0x400, s29;
	_ =	swait.ge [sflag:s20], $0x4000  }
0x36: {  	s30 =	sshra.s32 s30, $0x2;
	[sflag:s20] =	ssyncset.done $0x0  }
0x37: {  	s31 =	sadd.s32 $0x1400, s30;
	[sflag:s20] =	ssyncadd.s32 $0xFFFFC000  }
0x38: {  	[spmem:s2] =	stream.indirect.scatter.add.f32 [tilespmem:s18], [sflag:$0x5], $0x80, s31, s17, $0xb8;
	[tilespmem:$0x1E800] =	vst v63  }
0x39: {  	_ =	swait.ge [sflag:s21], $0x4000  }
0x3a: {  	[sflag:s21] =	ssyncset.done $0x0  }
0x3b: {  	s31 =	sadd.s32 $0x100, s30;
	[sflag:s21] =	ssyncadd.s32 $0xFFFFC000  }
0x3c: {  	[tilespmem:s18], [sflag:$0x3] =	stream.indirect.gather [hbm4b:s4+s17], $0x80, s31, s17, $0xb8;
	[tilespmem:$0x1E800] =	vst v63  }
0x3d: {  	_ =	swait.ge [sflag:s22], $0x4000  }
0x3e: {  	[sflag:s22] =	ssyncset.done $0x0  }
.Ltmp0:
0x3f: {  	s31 =	sadd.s32 $0x1480, s30;
	[sflag:s22] =	ssyncadd.s32 $0xFFFFC000;
	(pc) =	sbr.rel @p0 .LBB2_2-.Ltmp0, $4  }
0x40: {  	[spmem:s2] =	stream.indirect.scatter.add.f32 [tilespmem:s19], [sflag:$0x6], $0x80, s31, s17, $0xb8;
	[tilespmem:$0x1E800] =	vst v63  }
0x41: {  	_ =	swait.ge [sflag:s23], $0x4000  }
0x42: {  	[sflag:s23] =	ssyncset.done $0x0  }
0x43: {  	s30 =	sadd.s32 $0x180, s30;
	[sflag:s23] =	ssyncadd.s32 $0xFFFFC000  }
0x44: {  	[tilespmem:s19], [sflag:$0x4] =	stream.indirect.gather [hbm4b:s4+s17], $0x80, s30, s17, $0xb8;
	[tilespmem:$0x1E800] =	vst v63  }
0x45: {  	_ =	swait.ge [sflag:s20], $0x4000  }
0x46: {  	[sflag:s20] =	ssyncset.done $0x0  }
0x47: {  	[sflag:s20] =	ssyncadd.s32 $0xFFFFC000  }
0x48: {  	[spmem:s2] =	stream.indirect.scatter.add.f32 [tilespmem:s18], [sflag:$0x5], $0x80, s25, s17, $0xb8;
	[tilespmem:$0x1E800] =	vst v63  }
0x49: {  	_ =	swait.ge [sflag:s22], $0x4000  }
0x4a: {  	[sflag:s22] =	ssyncset.done $0x0  }
0x4b: {  	[sflag:s22] =	ssyncadd.s32 $0xFFFFC000  }
0x4c: {  	[spmem:s2] =	stream.indirect.scatter.add.f32 [tilespmem:s19], [sflag:$0x6], $0x80, s26, s17, $0xb8;
	[tilespmem:$0x1E800] =	vst v63  }
0x4d: {  	_ =	swait.ge [sflag:s21], $0x4000  }
0x4e: {  	[sflag:s21] =	ssyncset.done $0x0  }
0x4f: {  	[sflag:s21] =	ssyncadd.s32 $0xFFFFC000  }
0x50: {  	_ =	swait.ge [sflag:s23], $0x4000  }
0x51: {  	[sflag:s23] =	ssyncset.done $0x0  }
0x52: {  	s29 =	simm.s32 $0x0;
	[sflag:s23] =	ssyncadd.s32 $0xFFFFC000  }
0x53: {  	[tilespmem:s29], [sflag:$0x7] =	stream.linear.gather [hbm4b:s9+s29], $0x1400, $0x38;
	[tilespmem:$0x1E800] =	vst v63  }
0x54: {  	_ =	swait.ge [sflag:s14], $0x1400  }
0x55: {  	[sflag:s14] =	ssyncset.done $0x0  }
0x56: {  	[sflag:s14] =	ssyncadd.s32 $0xFFFFEC00  }
0x57: {  	[tilespmem:s12], [sflag:$0x7] =	stream.linear.gather [hbm4b:s10+s29], $0x1400, $0x38;
	[tilespmem:$0x1E800] =	vst v63  }
0x58: {  	_ =	swait.ge [sflag:s14], $0x1400  }
0x59: {  	[sflag:s14] =	ssyncset.done $0x0  }
0x5a: {  	[sflag:s14] =	ssyncadd.s32 $0xFFFFEC00  }
0x5b: {  	[tilespmem:s18], [sflag:$0x3] =	stream.indirect.gather [hbm4b:s4+s17], $0x80, s29, s17, $0xb8;
	[tilespmem:$0x1E800] =	vst v63  }
0x5c: {  	_ = 	snop  }
0x5d: {  	[tilespmem:s19], [sflag:$0x4] =	stream.indirect.gather [hbm4b:s4+s17], $0x80, s17, s17, $0xb8;
	[tilespmem:$0x1E800] =	vst v63  }
0x5e: {  	_ =	swait.ge [sflag:s20], $0x4000  }
0x5f: {  	[sflag:s20] =	ssyncset.done $0x0  }
0x60: {  	s29 =	simm.s32 $0x1400;
	[sflag:s20] =	ssyncadd.s32 $0xFFFFC000  }
0x61: {  	[spmem:s2] =	stream.indirect.scatter.add.f32 [tilespmem:s18], [sflag:$0x5], $0x80, s29, s17, $0xb8;
	[tilespmem:$0x1E800] =	vst v63  }
0x62: {  	_ =	swait.ge [sflag:s21], $0x4000  }
0x63: {  	[sflag:s21] =	ssyncset.done $0x0  }
0x64: {  	s29 =	simm.s32 $0x100;
	[sflag:s21] =	ssyncadd.s32 $0xFFFFC000  }
0x65: {  	[tilespmem:s18], [sflag:$0x3] =	stream.indirect.gather [hbm4b:s4+s17], $0x80, s29, s17, $0xb8;
	[tilespmem:$0x1E800] =	vst v63  }
0x66: {  	_ =	swait.ge [sflag:s22], $0x4000  }
0x67: {  	[sflag:s22] =	ssyncset.done $0x0  }
0x68: {  	s29 =	simm.s32 $0x1480;
	[sflag:s22] =	ssyncadd.s32 $0xFFFFC000  }
0x69: {  	[spmem:s2] =	stream.indirect.scatter.add.f32 [tilespmem:s19], [sflag:$0x6], $0x80, s29, s17, $0xb8;
	[tilespmem:$0x1E800] =	vst v63  }
0x6a: {  	_ =	swait.ge [sflag:s23], $0x4000  }
0x6b: {  	[sflag:s23] =	ssyncset.done $0x0  }
0x6c: {  	s30 =	simm.s32 $0x180;
	s29 =	simm.s32 $0x400;
	[sflag:s23] =	ssyncadd.s32 $0xFFFFC000  }
.LBB2_4:
0x6d: {  	[tilespmem:s19], [sflag:$0x4] =	stream.indirect.gather [hbm4b:s4+s17], $0x80, s30, s17, $0xb8;
	[tilespmem:$0x1E800] =	vst v63  }
0x6e: {  	s30 =	smov.u32 s29  }
0x6f: {  	p0 =	sne.s32 s29, $0x4800;
	s29 =	sadd.s32 $0x400, s29;
	_ =	swait.ge [sflag:s20], $0x4000  }
0x70: {  	s30 =	sshra.s32 s30, $0x2;
	[sflag:s20] =	ssyncset.done $0x0  }
0x71: {  	s31 =	sadd.s32 $0x1400, s30;
	[sflag:s20] =	ssyncadd.s32 $0xFFFFC000  }
0x72: {  	[spmem:s2] =	stream.indirect.scatter.add.f32 [tilespmem:s18], [sflag:$0x5], $0x80, s31, s17, $0xb8;
	[tilespmem:$0x1E800] =	vst v63  }
0x73: {  	_ =	swait.ge [sflag:s21], $0x4000  }
0x74: {  	[sflag:s21] =	ssyncset.done $0x0  }
0x75: {  	s31 =	sadd.s32 $0x100, s30;
	[sflag:s21] =	ssyncadd.s32 $0xFFFFC000  }
0x76: {  	[tilespmem:s18], [sflag:$0x3] =	stream.indirect.gather [hbm4b:s4+s17], $0x80, s31, s17, $0xb8;
	[tilespmem:$0x1E800] =	vst v63  }
0x77: {  	_ =	swait.ge [sflag:s22], $0x4000  }
0x78: {  	[sflag:s22] =	ssyncset.done $0x0  }
.Ltmp1:
0x79: {  	s31 =	sadd.s32 $0x1480, s30;
	[sflag:s22] =	ssyncadd.s32 $0xFFFFC000;
	(pc) =	sbr.rel @p0 .LBB2_4-.Ltmp1, $4  }
0x7a: {  	[spmem:s2] =	stream.indirect.scatter.add.f32 [tilespmem:s19], [sflag:$0x6], $0x80, s31, s17, $0xb8;
	[tilespmem:$0x1E800] =	vst v63  }
0x7b: {  	_ =	swait.ge [sflag:s23], $0x4000  }
0x7c: {  	[sflag:s23] =	ssyncset.done $0x0  }
0x7d: {  	s30 =	sadd.s32 $0x180, s30;
	[sflag:s23] =	ssyncadd.s32 $0xFFFFC000  }
0x7e: {  	[tilespmem:s19], [sflag:$0x4] =	stream.indirect.gather [hbm4b:s4+s17], $0x80, s30, s17, $0xb8;
	[tilespmem:$0x1E800] =	vst v63  }
0x7f: {  	_ =	swait.ge [sflag:s20], $0x4000  }
0x80: {  	[sflag:s20] =	ssyncset.done $0x0  }
0x81: {  	[sflag:s20] =	ssyncadd.s32 $0xFFFFC000  }
0x82: {  	[spmem:s2] =	stream.indirect.scatter.add.f32 [tilespmem:s18], [sflag:$0x5], $0x80, s25, s17, $0xb8;
	[tilespmem:$0x1E800] =	vst v63  }
0x83: {  	_ =	swait.ge [sflag:s22], $0x4000  }
0x84: {  	[sflag:s22] =	ssyncset.done $0x0  }
0x85: {  	[sflag:s22] =	ssyncadd.s32 $0xFFFFC000  }
0x86: {  	[spmem:s2] =	stream.indirect.scatter.add.f32 [tilespmem:s19], [sflag:$0x6], $0x80, s26, s17, $0xb8;
	[tilespmem:$0x1E800] =	vst v63  }
0x87: {  	_ =	swait.ge [sflag:s21], $0x4000  }
0x88: {  	[sflag:s21] =	ssyncset.done $0x0  }
0x89: {  	[sflag:s21] =	ssyncadd.s32 $0xFFFFC000  }
0x8a: {  	_ =	swait.ge [sflag:s23], $0x4000  }
0x8b: {  	s28 =	sadd.s32 $0x1, s28;
	[sflag:s23] =	ssyncset.done $0x0  }
0x8c: {  	p0 =	sne.s32 s28, s11;
	[sflag:s23] =	ssyncadd.s32 $0xFFFFC000  }
.Ltmp2:
0x8d: {  	[bflag:$0x0] =	sbarrier.arrive $0xFFFF;
	(pc) =	sbr.rel @p0 .LBB2_1-.Ltmp2, $4  }
0x8e: {  	[hbm:s24], [sflag:s8] =	dma.local [spmem:s13], $0x2800  }
0x8f: {  	_ =	swait.ge [sflag:s14], $0x2800  }
0x90: {  	[sflag:s14] =	ssyncset.done $0x0  }
0x91: {  	[sflag:s14] =	ssyncadd.s32 $0xFFFFD800  }
0x92: {  	_ =	sfence.sel $0x180000  }
0x93: {  	[bflag:$0x0] =	sbarrier.arrive $0xFFFF  }
0x94: {  	p0 =	sne.s32 s1, $0x0;
	_ =	strace $0x9000004A  }
0x95: {  	s0 =	sadd.s32 @!p0 $0x100000, s0;
	[bflag:$0x2] =	sbarrier.arrive $0xFFFF  }
0x96: {  	[sflag:s0] =	ssyncadd.tile.s32 @!p0 $0x1;
	_ =	shalt  }
.Lfunc_end2:
_tile_overlayer_lowered:
.L_overlay_start_2:
0x97: {  	(tag) =	ssettag $0x2  }
0x98: {  	s0 =	rddreg [dreg:$0x0];
	s2 =	stileid.u32  }
0x99: {  	s1 =	rddreg [dreg:$0x1];
	p0 =	sne.s32 s2, $0x0  }
0x9a: {  	s3 =	rddreg [dreg:$0x2];
	[bflag:$0x3] =	sbarrier.arrive $0xFFFF;
	s2 =	simm.s32 @!p0 $0x1C07  }
0x9b: {  	[timem:s3], [sflag:s2] =	dma.local @!p0 [hbm:s0], s1  }
0x9c: {  	s0 =	simm.s32 @!p0 $0x7  }
0x9d: {  	_ =	swait.ge @!p0 [sflag:s0], s1  }
0x9e: {  	s1 =	ssub.s32 @!p0 $0x0, s1;
	[sflag:s0] =	ssyncset.done @!p0 $0x0  }
0x9f: {  	[sflag:s0] =	ssyncadd.s32 @!p0 s1  }
0xa0: {  	[bflag:$0x3] =	sbarrier.arrive $0xFFFF  }
0xa1: {  	_ =	shalt  }

// kernel: kernel.14.cloned.1.call-start
scs
__scs_entry_jumppad:
0x0: {  	(pc) =	sbr.rel $0x88, $3  }
0x1: {  	(tag) =	ssettag $0x0;
	lr =	simm.s32 $0x1  }
0x2: {  	[smem:$0x3F99] =	sst lr;
	_ =	strace $0xD0000000  }
0x3: {  	_ = 	snop  }
0x4: {  	_ = 	snop  }
0x5: {  	_ = 	snop  }
0x6: {  	_ = 	snop  }
0x7: {  	_ = 	snop  }
__scs_overlays_trampoline_lowered:
0x8: {  	[smem:$0x3FA8] =	sst s0  }
0x9: {  	[smem:$0x3FA9] =	sst s1  }
0xa: {  	[smem:$0x3FAA] =	sst s2  }
0xb: {  	[smem:$0x3FAB] =	sst s3  }
0xc: {  	[smem:$0x3FAC] =	sst s4  }
0xd: {  	[smem:$0x3FAD] =	sst s5  }
0xe: {  	[smem:$0x3FAE] =	sst s6  }
0xf: {  	[smem:$0x3FAF] =	sst s7  }
0x10: {  	[smem:$0x3FB0] =	sst s8  }
0x11: {  	[smem:$0x3FB1] =	sst s9;
	s0 =	simm.s32 @!p0 $0x0  }
0x12: {  	s1 =	sld [smem:$0x3F97];
	s0 =	simm.s32 @p0 $0x1  }
0x13: {  	[smem:$0x3FB2] =	sst s0;
	s0 =	simm.s32 @!p1 $0x0  }
0x14: {  	s2 =	sld [smem:$0x3F96];
	s0 =	simm.s32 @p1 $0x1  }
0x15: {  	[smem:$0x3FB3] =	sst s0;
	s0 =	simm.s32 @!p2 $0x0  }
0x16: {  	s3 =	sld [smem:$0x3FDB];
	s0 =	simm.s32 @p2 $0x1  }
0x17: {  	s4 =	simm.s32 $0x1BF5;
	[smem:$0x3FB5] =	sst s0  }
0x18: {  	s0 =	sld [smem:$0x3F98];
	_ =	swait.ge [sflag:s4], $0x0  }
0x19: {  	s7 =	sld [smem:$0x3F99]  }
0x1a: {  	s8 =	sadd.s32 $0xFFFFE003, lr  }
0x1b: {  	s9 =	sadd.s32 $0xFFFFFEF7, lr;
	s5 =	simm.s32 $0xFFFFFFFF;
	p2 =	slt.u32 s8, $0xFFFFF086  }
0x1c: {  	p1 =	slt.u32 s9, $0xF7A;
	s5 =	simm.s32 @!p2 $0x0  }
0x1d: {  	s5 =	simm.s32 @p1 $0x1;
	p0 =	seq.s32 s7, s2  }
0x1e: {  	s7 =	smul.u32 @!p0 $0xF7A, s2;
	p2 =	seq.s32 @!p0 s5, $0x0  }
0x1f: {  	s9 =	smul.u32 $0xF7A, s1;
	s8 =	simm.s32 @!p0 $0x1BF5;
	p2 =	por !p2, p0  }
0x20: {  	[sflag:s8] =	ssyncset.s32 @!p0 $0xFFFFF086;
	s6 =	sadd.s32 @!p0 s3, s7;
	s7 =	simm.s32 @!p0 $0x108  }
0x21: {  	s3 =	sadd.s32 s3, s9;
	s6 =	sadd.s32 @!p0 $0x88, s6;
	s7 =	simm.s32 @p2 $0x1082  }
0x22: {  	[simem:s7], [sflag:s8] =	dma.local @!p0 [hbm:s6], $0xF7A  }
0x23: {  	s9 =	sor.u32 $0xD0000000, s2;
	s6 =	simm.s32 $0x108;
	_ =	swait.ge @!p0 [sflag:s8], $0x0  }
0x24: {  	s3 =	sadd.s32 $0x88, s3;
	s6 =	simm.s32 @!p1 $0x1082;
	[sflag:s4] =	ssyncset.s32 $0xFFFFF086  }
0x25: {  	[simem:s6], [sflag:s4] =	dma.local [hbm:s3], $0xF7A  }
0x26: {  	[smem:$0x3F99] =	sst s1;
	(tag) =	ssettag s2;
	_ =	strace s9  }
0x27: {  	s1 =	sld [smem:$0x3FA9]  }
0x28: {  	s2 =	sld [smem:$0x3FAA]  }
0x29: {  	s4 =	sld [smem:$0x3FAC]  }
0x2a: {  	p0 =	seq.s32 s5, $0x0;
	s5 =	sld [smem:$0x3FAD]  }
0x2b: {  	s6 =	sld [smem:$0x3FAE]  }
0x2c: {  	s7 =	sld [smem:$0x3FAF]  }
0x2d: {  	s3 =	simm.s32 $0x108;
	s8 =	sld [smem:$0x3FB0]  }
0x2e: {  	s3 =	simm.s32 @!p0 $0x1082;
	s9 =	sld [smem:$0x3FB1]  }
0x2f: {  	lr =	sadd.s32 s0, s3;
	s0 =	sld [smem:$0x3FA8]  }
0x30: {  	s3 =	sld [smem:$0x3FAB]  }
0x31: {  	[smem:$0x3FB4] =	sst s10  }
0x32: {  	s10 =	sld [smem:$0x3FB2];
	_ =	sdelay $0x3  }
0x33: {  	p0 =	seq.s32 s10, $0x1;
	s10 =	sld [smem:$0x3FB4];
	_ =	sdelay $0x3  }
0x34: {  	[smem:$0x3FB4] =	sst s10  }
0x35: {  	s10 =	sld [smem:$0x3FB3];
	_ =	sdelay $0x3  }
0x36: {  	p1 =	seq.s32 s10, $0x1;
	s10 =	sld [smem:$0x3FB4];
	_ =	sdelay $0x3  }
0x37: {  	[smem:$0x3FB4] =	sst s10  }
0x38: {  	s10 =	sld [smem:$0x3FB5]  }
0x39: {  	_ = 	snop;
	(pc) =	sbr.ind lr, $3  }
0x3a: {  	_ = 	snop  }
0x3b: {  	_ = 	snop  }
0x3c: {  	p2 =	seq.s32 s10, $0x1;
	s10 =	sld [smem:$0x3FB4]  }
0x3d: {  	_ =	shalt  }
0x3e: {  	_ =	shalt  }
0x3f: {  	_ =	shalt  }
0x40: {  	_ =	shalt  }
0x41: {  	_ =	shalt  }
0x42: {  	_ =	shalt  }
0x43: {  	_ =	shalt  }
0x44: {  	_ =	shalt  }
0x45: {  	_ =	shalt  }
0x46: {  	_ =	shalt  }
0x47: {  	_ =	shalt  }
0x48: {  	_ =	shalt  }
0x49: {  	_ =	shalt  }
0x4a: {  	_ =	shalt  }
0x4b: {  	_ =	shalt  }
0x4c: {  	_ =	shalt  }
0x4d: {  	_ =	shalt  }
0x4e: {  	_ =	shalt  }
0x4f: {  	_ =	shalt  }
0x50: {  	_ =	shalt  }
0x51: {  	_ =	shalt  }
0x52: {  	_ =	shalt  }
0x53: {  	_ =	shalt  }
0x54: {  	_ =	shalt  }
0x55: {  	_ =	shalt  }
0x56: {  	_ =	shalt  }
0x57: {  	_ =	shalt  }
0x58: {  	_ =	shalt  }
0x59: {  	_ =	shalt  }
0x5a: {  	_ =	shalt  }
0x5b: {  	_ =	shalt  }
0x5c: {  	_ =	shalt  }
0x5d: {  	_ =	shalt  }
0x5e: {  	_ =	shalt  }
0x5f: {  	_ =	shalt  }
0x60: {  	_ =	shalt  }
0x61: {  	_ =	shalt  }
0x62: {  	_ =	shalt  }
0x63: {  	_ =	shalt  }
0x64: {  	_ =	shalt  }
0x65: {  	_ =	shalt  }
0x66: {  	_ =	shalt  }
0x67: {  	_ =	shalt  }
0x68: {  	_ =	shalt  }
0x69: {  	_ =	shalt  }
0x6a: {  	_ =	shalt  }
0x6b: {  	_ =	shalt  }
0x6c: {  	_ =	shalt  }
0x6d: {  	_ =	shalt  }
0x6e: {  	_ =	shalt  }
0x6f: {  	_ =	shalt  }
0x70: {  	_ =	shalt  }
0x71: {  	_ =	shalt  }
0x72: {  	_ =	shalt  }
0x73: {  	_ =	shalt  }
0x74: {  	_ =	shalt  }
0x75: {  	_ =	shalt  }
0x76: {  	_ =	shalt  }
0x77: {  	_ =	shalt  }
0x78: {  	_ =	shalt  }
0x79: {  	_ =	shalt  }
0x7a: {  	_ =	shalt  }
0x7b: {  	_ =	shalt  }
0x7c: {  	_ =	shalt  }
0x7d: {  	_ =	shalt  }
0x7e: {  	_ =	shalt  }
0x7f: {  	_ =	shalt  }
0x80: {  	_ =	shalt  }
0x81: {  	_ =	shalt  }
0x82: {  	_ =	shalt  }
0x83: {  	_ =	shalt  }
0x84: {  	_ =	shalt  }
0x85: {  	_ =	shalt  }
0x86: {  	_ =	shalt  }
0x87: {  	_ =	shalt  }
.Lfunc_end0:
.L_simem_size_0:
called_computation.2_lowered:
.L_overlay_start_0:
0x88: {  	s2 =	sld [smem:$0x3FD9]  }
0x89: {  	s3 =	sld [smem:$0x3FFE];
	_ =	sdelay $0x1  }
0x8a: {  	s1 =	srdreg.scid  }
0x8b: {  	s0 =	sand.u32 $0x1, s1  }
0x8c: {  	s16 =	sshll.u32 s0, $0xA;
	s2 =	sadd.s32 s3, s2  }
0x8d: {  	s2 =	sadd.s32 s2, s16  }
0x8e: {  	[smem:$0x3FC0] =	sst s2  }
0x8f: {  	_ = 	snop  }
0x90: {  	(tm) =	ssettm $0x1  }
0x91: {  	s17 =	sld [smem:$0x3FFB];
	_ =	sdelay $0x3  }
0x92: {  	_ =	strace s17  }
0x93: {  	s2 =	sld [smem:$0x3FFC];
	_ =	sdelay $0x3  }
0x94: {  	_ =	strace s2  }
0x95: {  	s2 =	sld [smem:$0x3FFD];
	_ =	sdelay $0x3  }
0x96: {  	_ =	strace s2  }
0x97: {  	_ =	strace $0x8FFFFFFF  }
0x98: {  	s18 =	sld [smem:$0x3FDB];
	_ =	sdelay $0x1  }
0x99: {  	s19 =	simm.s32 $_scs_section_size  }
0x9a: {  	s4 =	simm.s32 $_size__tile_overlayer_lowered;
	s5 =	simm.s32 $_tile_overlayer_lowered  }
0x9b: {  	s22 =	simm.s32 $0x1BFF;
	s21 =	sshll.u32 s5, $0x1;
	s2 =	sadd.s32 s19, s18  }
0x9c: {  	s6 =	simm.s32 $0x0;
	s20 =	sshll.u32 s4, $0x1;
	s4 =	sadd.s32 s21, s2  }
0x9d: {  	[timem:s6], [sflag:s22] =	dma.local [hbm:s4], s20  }
0x9e: {  	_ =	swait.ge [sflag:s22], s20  }
0x9f: {  	s3 =	ssub.s32 $0x0, s20;
	[sflag:s22] =	ssyncset.done $0x0  }
0xa0: {  	[sflag:s22] =	ssyncadd.s32 s3;
	_ =	sdelay $0x1  }
0xa1: {  	s23 =	simm.s32 $0x1B8B  }
0xa2: {  	_ =	swait.ge [sflag:s23], $0x1  }
0xa3: {  	[sflag:s23] =	ssyncset.done $0x0  }
0xa4: {  	s25 =	simm.s32 $0x1B8E;
	s24 =	sld [smem:$0x3FFE];
	[sflag:s23] =	ssyncadd.s32 $0xFFFFFFFF  }
0xa5: {  	s26 =	simm.s32 $execute0_lowered;
	[smem:$0x3FD2] =	sst s25  }
0xa6: {  	s4 =	sshll.u32 s26, $0x1;
	_ =	strace $0x8000004C;
	[dreg:$0x1] =	wrdreg $0xFFFFFFFF  }
0xa7: {  	s28 =	simm.s32 $_size_execute0_lowered;
	s2 =	sadd.s32 s2, s4;
	[dreg:$0x0] =	wrdreg $0x0  }
0xa8: {  	s4 =	sshll.u32 s28, $0x1;
	[dreg:$0x2] =	wrdreg s2  }
0xa9: {  	[dreg:$0x3] =	wrdreg s4  }
0xaa: {  	[dreg:$0x4] =	wrdreg $0xC0  }
0xab: {  	_ =	task [dreg:s6], $0x5FFFF  }
0xac: {  	[dreg:$0x1] =	wrdreg $0xFFFFFFFF  }
0xad: {  	[dreg:$0x0] =	wrdreg $0x60  }
0xae: {  	[dreg:$0x2] =	wrdreg s24  }
0xaf: {  	[dreg:$0x3] =	wrdreg $0xA8000  }
0xb0: {  	[dreg:$0x4] =	wrdreg $0x9  }
0xb1: {  	_ =	task.clear_ibuf [dreg:s6], $0x5FFFF;
	_ =	strace $0x9000004C  }
0xb2: {  	s29 =	simm.s32 $0x9;
	_ =	strace $0x8000004E  }
0xb3: {  	_ =	swait.ge [sflag:s29], $0x1  }
0xb4: {  	[sflag:s29] =	ssyncadd.s32 $0xFFFFFFFF  }
0xb5: {  	_ =	strace $0x9000004E  }
0xb6: {  	_ =	sfence  }
0xb7: {  	s30 =	sld [smem:$0x0];
	_ =	sdelay $0x2  }
0xb8: {  	s31 =	sshll.u32 s1, $0xD;
	s1 =	sshrl.u32 s1, $0x2  }
0xb9: {  	s3 =	sand.u32 $0x4000, s31;
	s1 =	sadd.s32 s1, s30  }
0xba: {  	s0 =	sor.u32 s3, s0;
	s1 =	sshll.u32 s1, $0x11  }
0xbb: {  	s0 =	sor.u32 s1, s0  }
0xbc: {  	s0 =	sadd.s32 $0x8F2B, s0  }
0xbd: {  	[sflag:s0] =	ssyncadd.remote.s32 $0x1  }
0xbe: {  	_ =	sfence.sel $0xFFFF  }
0xbf: {  	[dreg:$0x0] =	wrdreg $0xFFFFFFFF;
	(pc) =	sbr.abs _section_cstart, $3  }
0xc0: {  	[dreg:$0x1] =	wrdreg $0xFFFFFFFF  }
0xc1: {  	_ =	task.clear_ibuf [dreg:s6], $0x2FFFF;
	_ =	strace $0x9FFFFFFF  }
0xc2: {  	(tm) =	ssettm $0x7FFFFFFF  }
0xc3: {  	_ =	shalt  }
tec
execute0_lowered:
.L_overlay_start_1:
0x0: {  	(tag) =	ssettag $0x1  }
0x1: {  	s0 =	srdreg.scid;
	s5 =	rddreg [dreg:$0x0]  }
0x2: {  	s2 =	rddreg [dreg:$0x1];
	s1 =	stileid.u32  }
0x3: {  	s3 =	simm.s32 $0x0;
	s15 =	simm.s32 $0x1;
	s16 =	simm.s32 $0x2  }
0x4: {  	s17 =	simm.s32 $0x80;
	s18 =	simm.s32 $0x2800;
	s19 =	simm.s32 $0x6800  }
0x5: {  	s20 =	simm.s32 $0x3;
	s21 =	simm.s32 $0x5;
	s22 =	simm.s32 $0x4  }
0x6: {  	s23 =	simm.s32 $0x6;
	s26 =	simm.s32 $0x2780;
	s28 =	simm.s32 $0x0  }
0x7: {  	s6 =	sand.u32 $0x1, s0;
	s0 =	rddreg [dreg:$0x2];
	s24 =	smul.u32 $0x2800, s1  }
0x8: {  	[smem:$0x7FF] =	sst s3;
	s9 =	smul.u32 $0x50000, s1;
	s31 =	sshll.u32 s1, $0x6  }
0x9: {  	s4 =	sshll.u32 s6, $0x4;
	s8 =	smul.u32 $0x28000, s6;
	s6 =	ssub.s32 $0x2, s6  }
0xa: {  	_ =	strace $0x8000004D;
	s4 =	sor.u32 s1, s4;
	s29 =	sshrl.u32 s6, $0x1  }
0xb: {  	s11 =	sadd.s32 s24, s5;
	s30 =	sshrl.u32 s9, $0x2;
	s7 =	smul.u32 $0x500, s4  }
0xc: {  	s4 =	sadd.s32 $0x20200, s5;
	s12 =	sadd.s32 s8, s5;
	s13 =	ssub.s32 s6, s29  }
0xd: {  	s14 =	sadd.s32 s30, s2;
	s8 =	sor.u32 $0x1C07, s31;
	s25 =	sadd.s32 $0x73000, s12  }
0xe: {  	s12 =	simm.s32 $0x1400;
	s10 =	sadd.s32 s7, s5;
	s7 =	sadd.s32 $0x4B000, s11  }
0xf: {  	s11 =	smax.u32 s13, $0x1;
	s13 =	sshrl.u32 s14, $0x3;
	s14 =	simm.s32 $0x7  }
0x10: {  	s24 =	sadd.s32 s24, s25;
	s25 =	simm.s32 $0x2700;
	s5 =	sadd.s32 $0xC200, s10  }
0x11: {  	s6 =	sadd.s32 $0x16200, s10;
	s9 =	sadd.s32 $0xC480, s10;
	s10 =	sadd.s32 $0x16480, s10  }
.LBB2_1:
0x12: {  	[tilespmem:s3], [sflag:$0x1] =	stream.linear.gather [hbm4b:s5+s3], $0x1400, $0x38;
	[tilespmem:$0x1E800] =	vst v63  }
0x13: {  	_ = 	snop  }
0x14: {  	[tilespmem:s12], [sflag:$0x2] =	stream.linear.gather [hbm4b:s6+s3], $0x1400, $0x38;
	[tilespmem:$0x1E800] =	vst v63  }
0x15: {  	[spmem:s13], [sflag:s8] =	dma.local [hbm:s7], $0x2800  }
0x16: {  	_ =	swait.ge [sflag:s14], $0x2800  }
0x17: {  	[sflag:s14] =	ssyncset.done $0x0  }
0x18: {  	[sflag:s14] =	ssyncadd.s32 $0xFFFFD800  }
0x19: {  	_ =	swait.ge [sflag:s15], $0x1400  }
0x1a: {  	[sflag:s15] =	ssyncset.done $0x0  }
0x1b: {  	[sflag:s15] =	ssyncadd.s32 $0xFFFFEC00  }
0x1c: {  	_ =	swait.ge [sflag:s16], $0x1400  }
0x1d: {  	[sflag:s16] =	ssyncset.done $0x0  }
0x1e: {  	[sflag:s16] =	ssyncadd.s32 $0xFFFFEC00  }
0x1f: {  	[bflag:$0x0] =	sbarrier.arrive $0xFFFF  }
0x20: {  	[tilespmem:s18], [sflag:$0x3] =	stream.indirect.gather [hbm4b:s4+s17], $0x80, s3, s17, $0xb8;
	[tilespmem:$0x1E800] =	vst v63  }
0x21: {  	_ = 	snop  }
0x22: {  	[tilespmem:s19], [sflag:$0x4] =	stream.indirect.gather [hbm4b:s4+s17], $0x80, s17, s17, $0xb8;
	[tilespmem:$0x1E800] =	vst v63  }
0x23: {  	_ =	swait.ge [sflag:s20], $0x4000  }
0x24: {  	[sflag:s20] =	ssyncset.done $0x0  }
0x25: {  	s29 =	simm.s32 $0x1400;
	[sflag:s20] =	ssyncadd.s32 $0xFFFFC000  }
0x26: {  	[spmem:s2] =	stream.indirect.scatter.add.f32 [tilespmem:s18], [sflag:$0x5], $0x80, s29, s17, $0xb8;
	[tilespmem:$0x1E800] =	vst v63  }
0x27: {  	_ =	swait.ge [sflag:s21], $0x4000  }
0x28: {  	[sflag:s21] =	ssyncset.done $0x0  }
0x29: {  	s29 =	simm.s32 $0x100;
	[sflag:s21] =	ssyncadd.s32 $0xFFFFC000  }
0x2a: {  	[tilespmem:s18], [sflag:$0x3] =	stream.indirect.gather [hbm4b:s4+s17], $0x80, s29, s17, $0xb8;
	[tilespmem:$0x1E800] =	vst v63  }
0x2b: {  	_ =	swait.ge [sflag:s22], $0x4000  }
0x2c: {  	[sflag:s22] =	ssyncset.done $0x0  }
0x2d: {  	s29 =	simm.s32 $0x1480;
	[sflag:s22] =	ssyncadd.s32 $0xFFFFC000  }
0x2e: {  	[spmem:s2] =	stream.indirect.scatter.add.f32 [tilespmem:s19], [sflag:$0x6], $0x80, s29, s17, $0xb8;
	[tilespmem:$0x1E800] =	vst v63  }
0x2f: {  	_ =	swait.ge [sflag:s23], $0x4000  }
0x30: {  	[sflag:s23] =	ssyncset.done $0x0  }
0x31: {  	s30 =	simm.s32 $0x180;
	s29 =	simm.s32 $0x400;
	[sflag:s23] =	ssyncadd.s32 $0xFFFFC000  }
.LBB2_2:
0x32: {  	[tilespmem:s19], [sflag:$0x4] =	stream.indirect.gather [hbm4b:s4+s17], $0x80, s30, s17, $0xb8;
	[tilespmem:$0x1E800] =	vst v63  }
0x33: {  	s30 =	smov.u32 s29  }
0x34: {  	p0 =	sne.s32 s29, $0x4800;
	s29 =	sadd.s32 $0x400, s29;
	_ =	swait.ge [sflag:s20], $0x4000  }
0x35: {  	s30 =	sshra.s32 s30, $0x2;
	[sflag:s20] =	ssyncset.done $0x0  }
0x36: {  	s31 =	sadd.s32 $0x1400, s30;
	[sflag:s20] =	ssyncadd.s32 $0xFFFFC000  }
0x37: {  	[spmem:s2] =	stream.indirect.scatter.add.f32 [tilespmem:s18], [sflag:$0x5], $0x80, s31, s17, $0xb8;
	[tilespmem:$0x1E800] =	vst v63  }
0x38: {  	_ =	swait.ge [sflag:s21], $0x4000  }
0x39: {  	[sflag:s21] =	ssyncset.done $0x0  }
0x3a: {  	s31 =	sadd.s32 $0x100, s30;
	[sflag:s21] =	ssyncadd.s32 $0xFFFFC000  }
0x3b: {  	[tilespmem:s18], [sflag:$0x3] =	stream.indirect.gather [hbm4b:s4+s17], $0x80, s31, s17, $0xb8;
	[tilespmem:$0x1E800] =	vst v63  }
0x3c: {  	_ =	swait.ge [sflag:s22], $0x4000  }
0x3d: {  	[sflag:s22] =	ssyncset.done $0x0  }
.Ltmp0:
0x3e: {  	s31 =	sadd.s32 $0x1480, s30;
	[sflag:s22] =	ssyncadd.s32 $0xFFFFC000;
	(pc) =	sbr.rel @p0 .LBB2_2-.Ltmp0, $4  }
0x3f: {  	[spmem:s2] =	stream.indirect.scatter.add.f32 [tilespmem:s19], [sflag:$0x6], $0x80, s31, s17, $0xb8;
	[tilespmem:$0x1E800] =	vst v63  }
0x40: {  	_ =	swait.ge [sflag:s23], $0x4000  }
0x41: {  	[sflag:s23] =	ssyncset.done $0x0  }
0x42: {  	s30 =	sadd.s32 $0x180, s30;
	[sflag:s23] =	ssyncadd.s32 $0xFFFFC000  }
0x43: {  	[tilespmem:s19], [sflag:$0x4] =	stream.indirect.gather [hbm4b:s4+s17], $0x80, s30, s17, $0xb8;
	[tilespmem:$0x1E800] =	vst v63  }
0x44: {  	_ =	swait.ge [sflag:s20], $0x4000  }
0x45: {  	[sflag:s20] =	ssyncset.done $0x0  }
0x46: {  	[sflag:s20] =	ssyncadd.s32 $0xFFFFC000  }
0x47: {  	[spmem:s2] =	stream.indirect.scatter.add.f32 [tilespmem:s18], [sflag:$0x5], $0x80, s25, s17, $0xb8;
	[tilespmem:$0x1E800] =	vst v63  }
0x48: {  	_ =	swait.ge [sflag:s22], $0x4000  }
0x49: {  	[sflag:s22] =	ssyncset.done $0x0  }
0x4a: {  	[sflag:s22] =	ssyncadd.s32 $0xFFFFC000  }
0x4b: {  	[spmem:s2] =	stream.indirect.scatter.add.f32 [tilespmem:s19], [sflag:$0x6], $0x80, s26, s17, $0xb8;
	[tilespmem:$0x1E800] =	vst v63  }
0x4c: {  	_ =	swait.ge [sflag:s21], $0x4000  }
0x4d: {  	[sflag:s21] =	ssyncset.done $0x0  }
0x4e: {  	[sflag:s21] =	ssyncadd.s32 $0xFFFFC000  }
0x4f: {  	_ =	swait.ge [sflag:s23], $0x4000  }
0x50: {  	[sflag:s23] =	ssyncset.done $0x0  }
0x51: {  	s29 =	simm.s32 $0x0;
	[sflag:s23] =	ssyncadd.s32 $0xFFFFC000  }
0x52: {  	[tilespmem:s29], [sflag:$0x7] =	stream.linear.gather [hbm4b:s9+s29], $0x1400, $0x38;
	[tilespmem:$0x1E800] =	vst v63  }
0x53: {  	_ =	swait.ge [sflag:s14], $0x1400  }
0x54: {  	[sflag:s14] =	ssyncset.done $0x0  }
0x55: {  	[sflag:s14] =	ssyncadd.s32 $0xFFFFEC00  }
0x56: {  	[tilespmem:s12], [sflag:$0x7] =	stream.linear.gather [hbm4b:s10+s29], $0x1400, $0x38;
	[tilespmem:$0x1E800] =	vst v63  }
0x57: {  	_ =	swait.ge [sflag:s14], $0x1400  }
0x58: {  	[sflag:s14] =	ssyncset.done $0x0  }
0x59: {  	[sflag:s14] =	ssyncadd.s32 $0xFFFFEC00  }
0x5a: {  	[tilespmem:s18], [sflag:$0x3] =	stream.indirect.gather [hbm4b:s4+s17], $0x80, s29, s17, $0xb8;
	[tilespmem:$0x1E800] =	vst v63  }
0x5b: {  	_ = 	snop  }
0x5c: {  	[tilespmem:s19], [sflag:$0x4] =	stream.indirect.gather [hbm4b:s4+s17], $0x80, s17, s17, $0xb8;
	[tilespmem:$0x1E800] =	vst v63  }
0x5d: {  	_ =	swait.ge [sflag:s20], $0x4000  }
0x5e: {  	[sflag:s20] =	ssyncset.done $0x0  }
0x5f: {  	s29 =	simm.s32 $0x1400;
	[sflag:s20] =	ssyncadd.s32 $0xFFFFC000  }
0x60: {  	[spmem:s2] =	stream.indirect.scatter.add.f32 [tilespmem:s18], [sflag:$0x5], $0x80, s29, s17, $0xb8;
	[tilespmem:$0x1E800] =	vst v63  }
0x61: {  	_ =	swait.ge [sflag:s21], $0x4000  }
0x62: {  	[sflag:s21] =	ssyncset.done $0x0  }
0x63: {  	s29 =	simm.s32 $0x100;
	[sflag:s21] =	ssyncadd.s32 $0xFFFFC000  }
0x64: {  	[tilespmem:s18], [sflag:$0x3] =	stream.indirect.gather [hbm4b:s4+s17], $0x80, s29, s17, $0xb8;
	[tilespmem:$0x1E800] =	vst v63  }
0x65: {  	_ =	swait.ge [sflag:s22], $0x4000  }
0x66: {  	[sflag:s22] =	ssyncset.done $0x0  }
0x67: {  	s29 =	simm.s32 $0x1480;
	[sflag:s22] =	ssyncadd.s32 $0xFFFFC000  }
0x68: {  	[spmem:s2] =	stream.indirect.scatter.add.f32 [tilespmem:s19], [sflag:$0x6], $0x80, s29, s17, $0xb8;
	[tilespmem:$0x1E800] =	vst v63  }
0x69: {  	_ =	swait.ge [sflag:s23], $0x4000  }
0x6a: {  	[sflag:s23] =	ssyncset.done $0x0  }
0x6b: {  	s30 =	simm.s32 $0x180;
	s29 =	simm.s32 $0x400;
	[sflag:s23] =	ssyncadd.s32 $0xFFFFC000  }
.LBB2_4:
0x6c: {  	[tilespmem:s19], [sflag:$0x4] =	stream.indirect.gather [hbm4b:s4+s17], $0x80, s30, s17, $0xb8;
	[tilespmem:$0x1E800] =	vst v63  }
0x6d: {  	s30 =	smov.u32 s29  }
0x6e: {  	p0 =	sne.s32 s29, $0x4800;
	s29 =	sadd.s32 $0x400, s29;
	_ =	swait.ge [sflag:s20], $0x4000  }
0x6f: {  	s30 =	sshra.s32 s30, $0x2;
	[sflag:s20] =	ssyncset.done $0x0  }
0x70: {  	s31 =	sadd.s32 $0x1400, s30;
	[sflag:s20] =	ssyncadd.s32 $0xFFFFC000  }
0x71: {  	[spmem:s2] =	stream.indirect.scatter.add.f32 [tilespmem:s18], [sflag:$0x5], $0x80, s31, s17, $0xb8;
	[tilespmem:$0x1E800] =	vst v63  }
0x72: {  	_ =	swait.ge [sflag:s21], $0x4000  }
0x73: {  	[sflag:s21] =	ssyncset.done $0x0  }
0x74: {  	s31 =	sadd.s32 $0x100, s30;
	[sflag:s21] =	ssyncadd.s32 $0xFFFFC000  }
0x75: {  	[tilespmem:s18], [sflag:$0x3] =	stream.indirect.gather [hbm4b:s4+s17], $0x80, s31, s17, $0xb8;
	[tilespmem:$0x1E800] =	vst v63  }
0x76: {  	_ =	swait.ge [sflag:s22], $0x4000  }
0x77: {  	[sflag:s22] =	ssyncset.done $0x0  }
.Ltmp1:
0x78: {  	s31 =	sadd.s32 $0x1480, s30;
	[sflag:s22] =	ssyncadd.s32 $0xFFFFC000;
	(pc) =	sbr.rel @p0 .LBB2_4-.Ltmp1, $4  }
0x79: {  	[spmem:s2] =	stream.indirect.scatter.add.f32 [tilespmem:s19], [sflag:$0x6], $0x80, s31, s17, $0xb8;
	[tilespmem:$0x1E800] =	vst v63  }
0x7a: {  	_ =	swait.ge [sflag:s23], $0x4000  }
0x7b: {  	[sflag:s23] =	ssyncset.done $0x0  }
0x7c: {  	s30 =	sadd.s32 $0x180, s30;
	[sflag:s23] =	ssyncadd.s32 $0xFFFFC000  }
0x7d: {  	[tilespmem:s19], [sflag:$0x4] =	stream.indirect.gather [hbm4b:s4+s17], $0x80, s30, s17, $0xb8;
	[tilespmem:$0x1E800] =	vst v63  }
0x7e: {  	_ =	swait.ge [sflag:s20], $0x4000  }
0x7f: {  	[sflag:s20] =	ssyncset.done $0x0  }
0x80: {  	[sflag:s20] =	ssyncadd.s32 $0xFFFFC000  }
0x81: {  	[spmem:s2] =	stream.indirect.scatter.add.f32 [tilespmem:s18], [sflag:$0x5], $0x80, s25, s17, $0xb8;
	[tilespmem:$0x1E800] =	vst v63  }
0x82: {  	_ =	swait.ge [sflag:s22], $0x4000  }
0x83: {  	[sflag:s22] =	ssyncset.done $0x0  }
0x84: {  	[sflag:s22] =	ssyncadd.s32 $0xFFFFC000  }
0x85: {  	[spmem:s2] =	stream.indirect.scatter.add.f32 [tilespmem:s19], [sflag:$0x6], $0x80, s26, s17, $0xb8;
	[tilespmem:$0x1E800] =	vst v63  }
0x86: {  	_ =	swait.ge [sflag:s21], $0x4000  }
0x87: {  	[sflag:s21] =	ssyncset.done $0x0  }
0x88: {  	[sflag:s21] =	ssyncadd.s32 $0xFFFFC000  }
0x89: {  	_ =	swait.ge [sflag:s23], $0x4000  }
0x8a: {  	s28 =	sadd.s32 $0x1, s28;
	[sflag:s23] =	ssyncset.done $0x0  }
0x8b: {  	p0 =	sne.s32 s28, s11;
	[sflag:s23] =	ssyncadd.s32 $0xFFFFC000  }
.Ltmp2:
0x8c: {  	[bflag:$0x0] =	sbarrier.arrive $0xFFFF;
	(pc) =	sbr.rel @p0 .LBB2_1-.Ltmp2, $4  }
0x8d: {  	[hbm:s24], [sflag:s8] =	dma.local [spmem:s13], $0x2800  }
0x8e: {  	_ =	swait.ge [sflag:s14], $0x2800  }
0x8f: {  	[sflag:s14] =	ssyncset.done $0x0  }
0x90: {  	[sflag:s14] =	ssyncadd.s32 $0xFFFFD800  }
0x91: {  	_ =	sfence.sel $0x180000  }
0x92: {  	[bflag:$0x0] =	sbarrier.arrive $0xFFFF  }
0x93: {  	p0 =	sne.s32 s1, $0x0;
	_ =	strace $0x9000004D  }
0x94: {  	s0 =	sadd.s32 @!p0 $0x100000, s0;
	[bflag:$0x2] =	sbarrier.arrive $0xFFFF  }
0x95: {  	[sflag:s0] =	ssyncadd.tile.s32 @!p0 $0x1;
	_ =	shalt  }
.Lfunc_end2:
_tile_overlayer_lowered:
.L_overlay_start_2:
0x96: {  	(tag) =	ssettag $0x2  }
0x97: {  	s0 =	rddreg [dreg:$0x0];
	s2 =	stileid.u32  }
0x98: {  	s1 =	rddreg [dreg:$0x1];
	p0 =	sne.s32 s2, $0x0  }
0x99: {  	s3 =	rddreg [dreg:$0x2];
	[bflag:$0x3] =	sbarrier.arrive $0xFFFF;
	s2 =	simm.s32 @!p0 $0x1C07  }
0x9a: {  	[timem:s3], [sflag:s2] =	dma.local @!p0 [hbm:s0], s1  }
0x9b: {  	s0 =	simm.s32 @!p0 $0x7  }
0x9c: {  	_ =	swait.ge @!p0 [sflag:s0], s1  }
0x9d: {  	s1 =	ssub.s32 @!p0 $0x0, s1;
	[sflag:s0] =	ssyncset.done @!p0 $0x0  }
0x9e: {  	[sflag:s0] =	ssyncadd.s32 @!p0 s1  }
0x9f: {  	[bflag:$0x3] =	sbarrier.arrive $0xFFFF  }
0xa0: {  	_ =	shalt  }

// kernel: kernel.8.cloned.1.call-start
scs
__scs_entry_jumppad:
0x0: {  	(pc) =	sbr.rel $0x88, $3  }
0x1: {  	(tag) =	ssettag $0x0;
	lr =	simm.s32 $0x1  }
0x2: {  	[smem:$0x3F99] =	sst lr;
	_ =	strace $0xD0000000  }
0x3: {  	_ = 	snop  }
0x4: {  	_ = 	snop  }
0x5: {  	_ = 	snop  }
0x6: {  	_ = 	snop  }
0x7: {  	_ = 	snop  }
__scs_overlays_trampoline_lowered:
0x8: {  	[smem:$0x3FA8] =	sst s0  }
0x9: {  	[smem:$0x3FA9] =	sst s1  }
0xa: {  	[smem:$0x3FAA] =	sst s2  }
0xb: {  	[smem:$0x3FAB] =	sst s3  }
0xc: {  	[smem:$0x3FAC] =	sst s4  }
0xd: {  	[smem:$0x3FAD] =	sst s5  }
0xe: {  	[smem:$0x3FAE] =	sst s6  }
0xf: {  	[smem:$0x3FAF] =	sst s7  }
0x10: {  	[smem:$0x3FB0] =	sst s8  }
0x11: {  	[smem:$0x3FB1] =	sst s9;
	s0 =	simm.s32 @!p0 $0x0  }
0x12: {  	s1 =	sld [smem:$0x3F97];
	s0 =	simm.s32 @p0 $0x1  }
0x13: {  	[smem:$0x3FB2] =	sst s0;
	s0 =	simm.s32 @!p1 $0x0  }
0x14: {  	s2 =	sld [smem:$0x3F96];
	s0 =	simm.s32 @p1 $0x1  }
0x15: {  	[smem:$0x3FB3] =	sst s0;
	s0 =	simm.s32 @!p2 $0x0  }
0x16: {  	s3 =	sld [smem:$0x3FDB];
	s0 =	simm.s32 @p2 $0x1  }
0x17: {  	s4 =	simm.s32 $0x1BF5;
	[smem:$0x3FB5] =	sst s0  }
0x18: {  	s0 =	sld [smem:$0x3F98];
	_ =	swait.ge [sflag:s4], $0x0  }
0x19: {  	s7 =	sld [smem:$0x3F99]  }
0x1a: {  	s8 =	sadd.s32 $0xFFFFE003, lr  }
0x1b: {  	s9 =	sadd.s32 $0xFFFFFEF7, lr;
	s5 =	simm.s32 $0xFFFFFFFF;
	p2 =	slt.u32 s8, $0xFFFFF086  }
0x1c: {  	p1 =	slt.u32 s9, $0xF7A;
	s5 =	simm.s32 @!p2 $0x0  }
0x1d: {  	s5 =	simm.s32 @p1 $0x1;
	p0 =	seq.s32 s7, s2  }
0x1e: {  	s7 =	smul.u32 @!p0 $0xF7A, s2;
	p2 =	seq.s32 @!p0 s5, $0x0  }
0x1f: {  	s9 =	smul.u32 $0xF7A, s1;
	s8 =	simm.s32 @!p0 $0x1BF5;
	p2 =	por !p2, p0  }
0x20: {  	[sflag:s8] =	ssyncset.s32 @!p0 $0xFFFFF086;
	s6 =	sadd.s32 @!p0 s3, s7;
	s7 =	simm.s32 @!p0 $0x108  }
0x21: {  	s3 =	sadd.s32 s3, s9;
	s6 =	sadd.s32 @!p0 $0x88, s6;
	s7 =	simm.s32 @p2 $0x1082  }
0x22: {  	[simem:s7], [sflag:s8] =	dma.local @!p0 [hbm:s6], $0xF7A  }
0x23: {  	s9 =	sor.u32 $0xD0000000, s2;
	s6 =	simm.s32 $0x108;
	_ =	swait.ge @!p0 [sflag:s8], $0x0  }
0x24: {  	s3 =	sadd.s32 $0x88, s3;
	s6 =	simm.s32 @!p1 $0x1082;
	[sflag:s4] =	ssyncset.s32 $0xFFFFF086  }
0x25: {  	[simem:s6], [sflag:s4] =	dma.local [hbm:s3], $0xF7A  }
0x26: {  	[smem:$0x3F99] =	sst s1;
	(tag) =	ssettag s2;
	_ =	strace s9  }
0x27: {  	s1 =	sld [smem:$0x3FA9]  }
0x28: {  	s2 =	sld [smem:$0x3FAA]  }
0x29: {  	s4 =	sld [smem:$0x3FAC]  }
0x2a: {  	p0 =	seq.s32 s5, $0x0;
	s5 =	sld [smem:$0x3FAD]  }
0x2b: {  	s6 =	sld [smem:$0x3FAE]  }
0x2c: {  	s7 =	sld [smem:$0x3FAF]  }
0x2d: {  	s3 =	simm.s32 $0x108;
	s8 =	sld [smem:$0x3FB0]  }
0x2e: {  	s3 =	simm.s32 @!p0 $0x1082;
	s9 =	sld [smem:$0x3FB1]  }
0x2f: {  	lr =	sadd.s32 s0, s3;
	s0 =	sld [smem:$0x3FA8]  }
0x30: {  	s3 =	sld [smem:$0x3FAB]  }
0x31: {  	[smem:$0x3FB4] =	sst s10  }
0x32: {  	s10 =	sld [smem:$0x3FB2];
	_ =	sdelay $0x3  }
0x33: {  	p0 =	seq.s32 s10, $0x1;
	s10 =	sld [smem:$0x3FB4];
	_ =	sdelay $0x3  }
0x34: {  	[smem:$0x3FB4] =	sst s10  }
0x35: {  	s10 =	sld [smem:$0x3FB3];
	_ =	sdelay $0x3  }
0x36: {  	p1 =	seq.s32 s10, $0x1;
	s10 =	sld [smem:$0x3FB4];
	_ =	sdelay $0x3  }
0x37: {  	[smem:$0x3FB4] =	sst s10  }
0x38: {  	s10 =	sld [smem:$0x3FB5]  }
0x39: {  	_ = 	snop;
	(pc) =	sbr.ind lr, $3  }
0x3a: {  	_ = 	snop  }
0x3b: {  	_ = 	snop  }
0x3c: {  	p2 =	seq.s32 s10, $0x1;
	s10 =	sld [smem:$0x3FB4]  }
0x3d: {  	_ =	shalt  }
0x3e: {  	_ =	shalt  }
0x3f: {  	_ =	shalt  }
0x40: {  	_ =	shalt  }
0x41: {  	_ =	shalt  }
0x42: {  	_ =	shalt  }
0x43: {  	_ =	shalt  }
0x44: {  	_ =	shalt  }
0x45: {  	_ =	shalt  }
0x46: {  	_ =	shalt  }
0x47: {  	_ =	shalt  }
0x48: {  	_ =	shalt  }
0x49: {  	_ =	shalt  }
0x4a: {  	_ =	shalt  }
0x4b: {  	_ =	shalt  }
0x4c: {  	_ =	shalt  }
0x4d: {  	_ =	shalt  }
0x4e: {  	_ =	shalt  }
0x4f: {  	_ =	shalt  }
0x50: {  	_ =	shalt  }
0x51: {  	_ =	shalt  }
0x52: {  	_ =	shalt  }
0x53: {  	_ =	shalt  }
0x54: {  	_ =	shalt  }
0x55: {  	_ =	shalt  }
0x56: {  	_ =	shalt  }
0x57: {  	_ =	shalt  }
0x58: {  	_ =	shalt  }
0x59: {  	_ =	shalt  }
0x5a: {  	_ =	shalt  }
0x5b: {  	_ =	shalt  }
0x5c: {  	_ =	shalt  }
0x5d: {  	_ =	shalt  }
0x5e: {  	_ =	shalt  }
0x5f: {  	_ =	shalt  }
0x60: {  	_ =	shalt  }
0x61: {  	_ =	shalt  }
0x62: {  	_ =	shalt  }
0x63: {  	_ =	shalt  }
0x64: {  	_ =	shalt  }
0x65: {  	_ =	shalt  }
0x66: {  	_ =	shalt  }
0x67: {  	_ =	shalt  }
0x68: {  	_ =	shalt  }
0x69: {  	_ =	shalt  }
0x6a: {  	_ =	shalt  }
0x6b: {  	_ =	shalt  }
0x6c: {  	_ =	shalt  }
0x6d: {  	_ =	shalt  }
0x6e: {  	_ =	shalt  }
0x6f: {  	_ =	shalt  }
0x70: {  	_ =	shalt  }
0x71: {  	_ =	shalt  }
0x72: {  	_ =	shalt  }
0x73: {  	_ =	shalt  }
0x74: {  	_ =	shalt  }
0x75: {  	_ =	shalt  }
0x76: {  	_ =	shalt  }
0x77: {  	_ =	shalt  }
0x78: {  	_ =	shalt  }
0x79: {  	_ =	shalt  }
0x7a: {  	_ =	shalt  }
0x7b: {  	_ =	shalt  }
0x7c: {  	_ =	shalt  }
0x7d: {  	_ =	shalt  }
0x7e: {  	_ =	shalt  }
0x7f: {  	_ =	shalt  }
0x80: {  	_ =	shalt  }
0x81: {  	_ =	shalt  }
0x82: {  	_ =	shalt  }
0x83: {  	_ =	shalt  }
0x84: {  	_ =	shalt  }
0x85: {  	_ =	shalt  }
0x86: {  	_ =	shalt  }
0x87: {  	_ =	shalt  }
.Lfunc_end0:
.L_simem_size_0:
called_computation_lowered:
.L_overlay_start_0:
0x88: {  	s2 =	sld [smem:$0x3FD9]  }
0x89: {  	s3 =	sld [smem:$0x3FFE];
	_ =	sdelay $0x1  }
0x8a: {  	s1 =	srdreg.scid  }
0x8b: {  	s0 =	sand.u32 $0x1, s1  }
0x8c: {  	s17 =	sshll.u32 s0, $0xA;
	s2 =	sadd.s32 s3, s2  }
0x8d: {  	s2 =	sadd.s32 s2, s17  }
0x8e: {  	[smem:$0x3FC0] =	sst s2  }
0x8f: {  	_ = 	snop  }
0x90: {  	s2 =	sld [smem:$0x3FD0];
	(tm) =	ssettm $0x1  }
0x91: {  	s18 =	sld [smem:$0x3FFB];
	_ =	sdelay $0x3  }
0x92: {  	_ =	strace s18  }
0x93: {  	s3 =	sld [smem:$0x3FFC];
	_ =	sdelay $0x3  }
0x94: {  	_ =	strace s3  }
0x95: {  	s3 =	sld [smem:$0x3FFD];
	_ =	sdelay $0x3  }
0x96: {  	_ =	strace s3  }
0x97: {  	_ =	strace $0x8FFFFFFF  }
0x98: {  	s19 =	sld [smem:$0x3FDB];
	_ =	sdelay $0x1  }
0x99: {  	s4 =	simm.s32 $_scs_section_size  }
0x9a: {  	s5 =	simm.s32 $_size__tile_overlayer_lowered;
	s6 =	simm.s32 $_tile_overlayer_lowered  }
0x9b: {  	s22 =	simm.s32 $0x1BFF;
	s21 =	sshll.u32 s6, $0x1;
	s3 =	sadd.s32 s4, s19  }
0x9c: {  	s7 =	simm.s32 $0x0;
	s20 =	sshll.u32 s5, $0x1;
	s5 =	sadd.s32 s21, s3  }
0x9d: {  	[timem:s7], [sflag:s22] =	dma.local [hbm:s5], s20  }
0x9e: {  	_ =	swait.ge [sflag:s22], s20  }
0x9f: {  	s4 =	ssub.s32 $0x0, s20;
	[sflag:s22] =	ssyncset.done $0x0  }
0xa0: {  	[sflag:s22] =	ssyncadd.s32 s4;
	_ =	sdelay $0x1  }
0xa1: {  	s23 =	simm.s32 $0x1B8B  }
0xa2: {  	_ =	swait.ge [sflag:s23], $0x1  }
0xa3: {  	[sflag:s23] =	ssyncset.done $0x0  }
0xa4: {  	s25 =	simm.s32 $0x1B8E;
	s24 =	sld [smem:$0x3FFE];
	[sflag:s23] =	ssyncadd.s32 $0xFFFFFFFF  }
0xa5: {  	s26 =	simm.s32 $execute0_lowered;
	[smem:$0x3FD2] =	sst s25  }
0xa6: {  	s5 =	sshll.u32 s26, $0x1;
	_ =	strace $0x80000046;
	[dreg:$0x1] =	wrdreg $0xFFFFFFFF  }
0xa7: {  	s28 =	simm.s32 $_size_execute0_lowered;
	s3 =	sadd.s32 s3, s5;
	[dreg:$0x0] =	wrdreg $0x0  }
0xa8: {  	s5 =	sshll.u32 s28, $0x1;
	[dreg:$0x2] =	wrdreg s3  }
0xa9: {  	[dreg:$0x3] =	wrdreg s5  }
0xaa: {  	[dreg:$0x4] =	wrdreg $0xC0  }
0xab: {  	_ =	task [dreg:s7], $0x5FFFF  }
0xac: {  	[dreg:$0x1] =	wrdreg $0xFFFFFFFF  }
0xad: {  	[dreg:$0x0] =	wrdreg $0x60  }
0xae: {  	[dreg:$0x2] =	wrdreg s2  }
0xaf: {  	[dreg:$0x3] =	wrdreg s24  }
0xb0: {  	[dreg:$0x4] =	wrdreg $0x28800  }
0xb1: {  	[dreg:$0x5] =	wrdreg $0x2B000  }
0xb2: {  	[dreg:$0x6] =	wrdreg $0x2D800  }
0xb3: {  	[dreg:$0x7] =	wrdreg $0x30000  }
0xb4: {  	[dreg:$0x8] =	wrdreg $0x9  }
0xb5: {  	_ =	task.clear_ibuf [dreg:s7], $0x9FFFF;
	_ =	strace $0x90000046  }
0xb6: {  	s29 =	simm.s32 $0x9;
	_ =	strace $0x80000048  }
0xb7: {  	_ =	swait.ge [sflag:s29], $0x1  }
0xb8: {  	[sflag:s29] =	ssyncadd.s32 $0xFFFFFFFF  }
0xb9: {  	_ =	strace $0x90000048  }
0xba: {  	_ =	sfence  }
0xbb: {  	s30 =	sld [smem:$0x0];
	_ =	sdelay $0x2  }
0xbc: {  	s31 =	sshll.u32 s1, $0xD;
	s1 =	sshrl.u32 s1, $0x2  }
0xbd: {  	s3 =	sand.u32 $0x4000, s31;
	s1 =	sadd.s32 s1, s30  }
0xbe: {  	s0 =	sor.u32 s3, s0;
	s1 =	sshll.u32 s1, $0x11  }
0xbf: {  	s0 =	sor.u32 s1, s0  }
0xc0: {  	s0 =	sadd.s32 $0x8F2B, s0  }
0xc1: {  	[sflag:s0] =	ssyncadd.remote.s32 $0x1  }
0xc2: {  	_ =	sfence.sel $0xFFFF  }
0xc3: {  	[dreg:$0x0] =	wrdreg $0xFFFFFFFF;
	(pc) =	sbr.abs _section_cstart, $3  }
0xc4: {  	[dreg:$0x1] =	wrdreg $0xFFFFFFFF  }
0xc5: {  	_ =	task.clear_ibuf [dreg:s7], $0x2FFFF;
	_ =	strace $0x9FFFFFFF  }
0xc6: {  	(tm) =	ssettm $0x7FFFFFFF  }
0xc7: {  	_ =	shalt  }
tec
execute0_lowered:
.L_overlay_start_1:
0x0: {  	(tag) =	ssettag $0x1  }
0x1: {  	s1 =	rddreg [dreg:$0x0]  }
0x2: {  	s3 =	rddreg [dreg:$0x1]  }
0x3: {  	s0 =	rddreg [dreg:$0x2]  }
0x4: {  	s4 =	srdreg.scid;
	s2 =	rddreg [dreg:$0x3]  }
0x5: {  	s14 =	stileid.u32;
	s5 =	rddreg [dreg:$0x5]  }
0x6: {  	s6 =	simm.s32 $0x0;
	s18 =	simm.s32 $0x4;
	s19 =	simm.s32 $0x1  }
0x7: {  	s20 =	simm.s32 $0x1400;
	s28 =	simm.s32 $0x3;
	s29 =	simm.s32 $0x2  }
0x8: {  	s30 =	simm.s32 $0x2580;
	s7 =	sand.u32 $0x1, s4;
	s4 =	rddreg [dreg:$0x4]  }
0x9: {  	s31 =	simm.s32 $0x2600;
	[smem:$0x7FF] =	sst s6;
	s11 =	smul.u32 $0x280, s14  }
0xa: {  	s24 =	sshll.u32 s14, $0x6;
	s21 =	smul.u32 $0xA0, s14;
	s8 =	sshll.u32 s7, $0x4  }
0xb: {  	_ =	strace $0x80000047;
	s7 =	ssub.s32 $0x2, s7;
	s9 =	sor.u32 s14, s8  }
0xc: {  	s22 =	sshrl.u32 s11, $0x3;
	s13 =	sshrl.u32 s7, $0x1;
	s23 =	sadd.s32 s11, s0  }
0xd: {  	s25 =	sadd.s32 s11, s2;
	s26 =	sadd.s32 s11, s4;
	[dreg:$0x7] =	wrdreg s23  }
0xe: {  	s11 =	sadd.s32 s11, s5;
	s14 =	simm.s32 $0x2400;
	[dreg:$0x8] =	wrdreg s25  }
0xf: {  	s10 =	smul.u32 $0x500, s9;
	s9 =	sadd.s32 s22, s3;
	[dreg:$0x9] =	wrdreg s26  }
0x10: {  	s7 =	ssub.s32 s7, s13;
	[dreg:$0xa] =	wrdreg s11;
	s11 =	simm.s32 $0x10  }
0x11: {  	s7 =	smax.u32 s7, $0x1;
	s12 =	sadd.s32 s10, s3;
	s3 =	sadd.s32 s8, s3  }
0x12: {  	s8 =	sadd.s32 $0x20200, s9;
	s9 =	sor.u32 $0x1C04, s24;
	s1 =	sadd.s32 s1, s10  }
0x13: {  	[dreg:$0xf] =	wrdreg s7;
	s7 =	simm.s32 $0x2780;
	s10 =	simm.s32 $0x20  }
0x14: {  	[dreg:$0xb] =	wrdreg s1;
	s13 =	sadd.s32 $0x2200, s12;
	s15 =	sadd.s32 $0xC200, s12  }
0x15: {  	s16 =	sadd.s32 $0x16200, s12;
	s17 =	sadd.s32 $0x20800, s3;
	[dreg:$0xc] =	wrdreg s13  }
0x16: {  	s22 =	sadd.s32 $0x21200, s3;
	s23 =	sadd.s32 $0x21C00, s3;
	[dreg:$0xd] =	wrdreg s15  }
0x17: {  	s3 =	sadd.s32 $0x22600, s3;
	[dreg:$0xe] =	wrdreg s16;
	s1 =	sadd.s32 s21, s17  }
0x18: {  	s12 =	simm.s32 $0x0;
	s24 =	sadd.s32 s21, s22;
	[dreg:$0x10] =	wrdreg s1  }
0x19: {  	s25 =	sadd.s32 s21, s23;
	s26 =	sadd.s32 s21, s3;
	[dreg:$0x11] =	wrdreg s24  }
0x1a: {  	s13 =	simm.s32 $0x2380;
	s15 =	simm.s32 $0x2480;
	[dreg:$0x12] =	wrdreg s25  }
0x1b: {  	s16 =	simm.s32 $0x2500;
	s3 =	simm.s32 $0x2680;
	[dreg:$0x13] =	wrdreg s26  }
0x1c: {  	v0 =	vimm.f32 $1.000000000e+00;
	s25 =	simm.s32 $0x80;
	s26 =	simm.s32 $0x2800;
	s1 =	simm.s32 $0x2700  }
.LBB2_1:
0x1d: {  	[tilespmem:$0x2800] =	vst v0  }
0x1e: {  	[tilespmem:$0x2810] =	vst v0  }
0x1f: {  	[tilespmem:$0x2820] =	vst v0  }
0x20: {  	[tilespmem:$0x2830] =	vst v0  }
0x21: {  	[tilespmem:$0x2840] =	vst v0  }
0x22: {  	[tilespmem:$0x2850] =	vst v0  }
0x23: {  	[tilespmem:$0x2860] =	vst v0;
	s17 =	rddreg [dreg:$0x7]  }
0x24: {  	[tilespmem:$0x2870] =	vst v0;
	s17 =	sshrl.u32 s17, $0x3  }
0x25: {  	[spmem:s17], [sflag:s9] =	dma.local [hbm:s8], $0x50  }
0x26: {  	_ =	swait.ge [sflag:s18], $0x50  }
0x27: {  	[sflag:s18] =	ssyncset.done $0x0;
	s21 =	rddreg [dreg:$0x8]  }
0x28: {  	[sflag:s18] =	ssyncadd.s32 $0xFFFFFFB0;
	s21 =	sshrl.u32 s21, $0x3  }
0x29: {  	[spmem:s21], [sflag:s9] =	dma.local [hbm:s8], $0x50  }
0x2a: {  	_ =	swait.ge [sflag:s18], $0x50  }
0x2b: {  	[sflag:s18] =	ssyncset.done $0x0;
	s22 =	rddreg [dreg:$0x9]  }
0x2c: {  	[sflag:s18] =	ssyncadd.s32 $0xFFFFFFB0;
	s22 =	sshrl.u32 s22, $0x3  }
0x2d: {  	[spmem:s22], [sflag:s9] =	dma.local [hbm:s8], $0x50  }
0x2e: {  	_ =	swait.ge [sflag:s18], $0x50  }
0x2f: {  	[sflag:s18] =	ssyncset.done $0x0;
	s23 =	rddreg [dreg:$0xa]  }
0x30: {  	[sflag:s18] =	ssyncadd.s32 $0xFFFFFFB0;
	s23 =	sshrl.u32 s23, $0x3  }
0x31: {  	[spmem:s23], [sflag:s9] =	dma.local [hbm:s8], $0x50  }
0x32: {  	_ =	swait.ge [sflag:s18], $0x50  }
0x33: {  	[sflag:s18] =	ssyncset.done $0x0  }
0x34: {  	[sflag:s18] =	ssyncadd.s32 $0xFFFFFFB0  }
0x35: {  	[bflag:$0x0] =	sbarrier.arrive $0xFFFF  }
0x36: {  	s24 =	rddreg [dreg:$0xb]  }
0x37: {  	[tilespmem:s6], [sflag:$0x1] =	stream.linear.gather [hbm4b:s24+s6], $0x1400, $0x38;
	[tilespmem:$0x3280] =	vst v63  }
0x38: {  	_ =	swait.ge [sflag:s19], $0x1400  }
0x39: {  	[sflag:s19] =	ssyncset.done $0x0  }
0x3a: {  	s24 =	sadd.s32 $0x280, s24;
	[sflag:s19] =	ssyncadd.s32 $0xFFFFEC00  }
0x3b: {  	[tilespmem:s20], [sflag:$0x2] =	stream.linear.gather [hbm4b:s24+s6], $0x1400, $0x38;
	[tilespmem:$0x3280] =	vst v63  }
0x3c: {  	_ = 	snop  }
0x3d: {  	[spmem:s0] =	stream.indirect.scatter.add.f32 [tilespmem:s26], [sflag:$0x3], $0x1, s6, s25, $0xb8;
	[tilespmem:$0x3280] =	vst v63  }
0x3e: {  	_ = 	snop  }
0x3f: {  	[spmem:s0] =	stream.indirect.scatter.add.f32 [tilespmem:s26], [sflag:$0x3], $0x1, s25, s25, $0xb8;
	[tilespmem:$0x3280] =	vst v63  }
0x40: {  	s24 =	simm.s32 $0x100  }
0x41: {  	[spmem:s0] =	stream.indirect.scatter.add.f32 [tilespmem:s26], [sflag:$0x3], $0x1, s24, s25, $0xb8;
	[tilespmem:$0x3280] =	vst v63  }
0x42: {  	s24 =	simm.s32 $0x180  }
0x43: {  	[spmem:s0] =	stream.indirect.scatter.add.f32 [tilespmem:s26], [sflag:$0x3], $0x1, s24, s25, $0xb8;
	[tilespmem:$0x3280] =	vst v63  }
0x44: {  	s24 =	simm.s32 $0x200  }
0x45: {  	[spmem:s0] =	stream.indirect.scatter.add.f32 [tilespmem:s26], [sflag:$0x3], $0x1, s24, s25, $0xb8;
	[tilespmem:$0x3280] =	vst v63  }
0x46: {  	s24 =	simm.s32 $0x280  }
0x47: {  	[spmem:s0] =	stream.indirect.scatter.add.f32 [tilespmem:s26], [sflag:$0x3], $0x1, s24, s25, $0xb8;
	[tilespmem:$0x3280] =	vst v63  }
0x48: {  	s24 =	simm.s32 $0x300  }
0x49: {  	[spmem:s0] =	stream.indirect.scatter.add.f32 [tilespmem:s26], [sflag:$0x3], $0x1, s24, s25, $0xb8;
	[tilespmem:$0x3280] =	vst v63  }
0x4a: {  	s24 =	simm.s32 $0x380  }
0x4b: {  	[spmem:s0] =	stream.indirect.scatter.add.f32 [tilespmem:s26], [sflag:$0x3], $0x1, s24, s25, $0xb8;
	[tilespmem:$0x3280] =	vst v63  }
0x4c: {  	s24 =	simm.s32 $0x400  }
0x4d: {  	[spmem:s0] =	stream.indirect.scatter.add.f32 [tilespmem:s26], [sflag:$0x3], $0x1, s24, s25, $0xb8;
	[tilespmem:$0x3280] =	vst v63  }
0x4e: {  	s24 =	simm.s32 $0x480  }
0x4f: {  	[spmem:s0] =	stream.indirect.scatter.add.f32 [tilespmem:s26], [sflag:$0x3], $0x1, s24, s25, $0xb8;
	[tilespmem:$0x3280] =	vst v63  }
0x50: {  	s24 =	simm.s32 $0x500  }
0x51: {  	[spmem:s0] =	stream.indirect.scatter.add.f32 [tilespmem:s26], [sflag:$0x3], $0x1, s24, s25, $0xb8;
	[tilespmem:$0x3280] =	vst v63  }
0x52: {  	s24 =	simm.s32 $0x580  }
0x53: {  	[spmem:s0] =	stream.indirect.scatter.add.f32 [tilespmem:s26], [sflag:$0x3], $0x1, s24, s25, $0xb8;
	[tilespmem:$0x3280] =	vst v63  }
0x54: {  	s24 =	simm.s32 $0x600  }
0x55: {  	[spmem:s0] =	stream.indirect.scatter.add.f32 [tilespmem:s26], [sflag:$0x3], $0x1, s24, s25, $0xb8;
	[tilespmem:$0x3280] =	vst v63  }
0x56: {  	s24 =	simm.s32 $0x680  }
0x57: {  	[spmem:s0] =	stream.indirect.scatter.add.f32 [tilespmem:s26], [sflag:$0x3], $0x1, s24, s25, $0xb8;
	[tilespmem:$0x3280] =	vst v63  }
0x58: {  	s24 =	simm.s32 $0x700  }
0x59: {  	[spmem:s0] =	stream.indirect.scatter.add.f32 [tilespmem:s26], [sflag:$0x3], $0x1, s24, s25, $0xb8;
	[tilespmem:$0x3280] =	vst v63  }
0x5a: {  	s24 =	simm.s32 $0x780  }
0x5b: {  	[spmem:s0] =	stream.indirect.scatter.add.f32 [tilespmem:s26], [sflag:$0x3], $0x1, s24, s25, $0xb8;
	[tilespmem:$0x3280] =	vst v63  }
0x5c: {  	s24 =	simm.s32 $0x800  }
0x5d: {  	[spmem:s0] =	stream.indirect.scatter.add.f32 [tilespmem:s26], [sflag:$0x3], $0x1, s24, s25, $0xb8;
	[tilespmem:$0x3280] =	vst v63  }
0x5e: {  	s24 =	simm.s32 $0x880  }
0x5f: {  	[spmem:s0] =	stream.indirect.scatter.add.f32 [tilespmem:s26], [sflag:$0x3], $0x1, s24, s25, $0xb8;
	[tilespmem:$0x3280] =	vst v63  }
0x60: {  	s24 =	simm.s32 $0x900  }
0x61: {  	[spmem:s0] =	stream.indirect.scatter.add.f32 [tilespmem:s26], [sflag:$0x3], $0x1, s24, s25, $0xb8;
	[tilespmem:$0x3280] =	vst v63  }
0x62: {  	s24 =	simm.s32 $0x980  }
0x63: {  	[spmem:s0] =	stream.indirect.scatter.add.f32 [tilespmem:s26], [sflag:$0x3], $0x1, s24, s25, $0xb8;
	[tilespmem:$0x3280] =	vst v63  }
0x64: {  	s24 =	simm.s32 $0xA00  }
0x65: {  	[spmem:s0] =	stream.indirect.scatter.add.f32 [tilespmem:s26], [sflag:$0x3], $0x1, s24, s25, $0xb8;
	[tilespmem:$0x3280] =	vst v63  }
0x66: {  	s24 =	simm.s32 $0xA80  }
0x67: {  	[spmem:s0] =	stream.indirect.scatter.add.f32 [tilespmem:s26], [sflag:$0x3], $0x1, s24, s25, $0xb8;
	[tilespmem:$0x3280] =	vst v63  }
0x68: {  	s24 =	simm.s32 $0xB00  }
0x69: {  	[spmem:s0] =	stream.indirect.scatter.add.f32 [tilespmem:s26], [sflag:$0x3], $0x1, s24, s25, $0xb8;
	[tilespmem:$0x3280] =	vst v63  }
0x6a: {  	s24 =	simm.s32 $0xB80  }
0x6b: {  	[spmem:s0] =	stream.indirect.scatter.add.f32 [tilespmem:s26], [sflag:$0x3], $0x1, s24, s25, $0xb8;
	[tilespmem:$0x3280] =	vst v63  }
0x6c: {  	s24 =	simm.s32 $0xC00  }
0x6d: {  	[spmem:s0] =	stream.indirect.scatter.add.f32 [tilespmem:s26], [sflag:$0x3], $0x1, s24, s25, $0xb8;
	[tilespmem:$0x3280] =	vst v63  }
0x6e: {  	s24 =	simm.s32 $0xC80  }
0x6f: {  	[spmem:s0] =	stream.indirect.scatter.add.f32 [tilespmem:s26], [sflag:$0x3], $0x1, s24, s25, $0xb8;
	[tilespmem:$0x3280] =	vst v63  }
0x70: {  	s24 =	simm.s32 $0xD00  }
0x71: {  	[spmem:s0] =	stream.indirect.scatter.add.f32 [tilespmem:s26], [sflag:$0x3], $0x1, s24, s25, $0xb8;
	[tilespmem:$0x3280] =	vst v63  }
0x72: {  	s24 =	simm.s32 $0xD80  }
0x73: {  	[spmem:s0] =	stream.indirect.scatter.add.f32 [tilespmem:s26], [sflag:$0x3], $0x1, s24, s25, $0xb8;
	[tilespmem:$0x3280] =	vst v63  }
0x74: {  	s24 =	simm.s32 $0xE00  }
0x75: {  	[spmem:s0] =	stream.indirect.scatter.add.f32 [tilespmem:s26], [sflag:$0x3], $0x1, s24, s25, $0xb8;
	[tilespmem:$0x3280] =	vst v63  }
0x76: {  	s24 =	simm.s32 $0xE80  }
0x77: {  	[spmem:s0] =	stream.indirect.scatter.add.f32 [tilespmem:s26], [sflag:$0x3], $0x1, s24, s25, $0xb8;
	[tilespmem:$0x3280] =	vst v63  }
0x78: {  	s24 =	simm.s32 $0xF00  }
0x79: {  	[spmem:s0] =	stream.indirect.scatter.add.f32 [tilespmem:s26], [sflag:$0x3], $0x1, s24, s25, $0xb8;
	[tilespmem:$0x3280] =	vst v63  }
0x7a: {  	s24 =	simm.s32 $0xF80  }
0x7b: {  	[spmem:s0] =	stream.indirect.scatter.add.f32 [tilespmem:s26], [sflag:$0x3], $0x1, s24, s25, $0xb8;
	[tilespmem:$0x3280] =	vst v63  }
0x7c: {  	s24 =	simm.s32 $0x1000  }
0x7d: {  	[spmem:s0] =	stream.indirect.scatter.add.f32 [tilespmem:s26], [sflag:$0x3], $0x1, s24, s25, $0xb8;
	[tilespmem:$0x3280] =	vst v63  }
0x7e: {  	s24 =	simm.s32 $0x1080  }
0x7f: {  	[spmem:s0] =	stream.indirect.scatter.add.f32 [tilespmem:s26], [sflag:$0x3], $0x1, s24, s25, $0xb8;
	[tilespmem:$0x3280] =	vst v63  }
0x80: {  	s24 =	simm.s32 $0x1100  }
0x81: {  	[spmem:s0] =	stream.indirect.scatter.add.f32 [tilespmem:s26], [sflag:$0x3], $0x1, s24, s25, $0xb8;
	[tilespmem:$0x3280] =	vst v63  }
0x82: {  	s24 =	simm.s32 $0x1180  }
0x83: {  	[spmem:s0] =	stream.indirect.scatter.add.f32 [tilespmem:s26], [sflag:$0x3], $0x1, s24, s25, $0xb8;
	[tilespmem:$0x3280] =	vst v63  }
0x84: {  	s24 =	simm.s32 $0x1200  }
0x85: {  	[spmem:s0] =	stream.indirect.scatter.add.f32 [tilespmem:s26], [sflag:$0x3], $0x1, s24, s25, $0xb8;
	[tilespmem:$0x3280] =	vst v63  }
0x86: {  	s24 =	simm.s32 $0x1280  }
0x87: {  	[spmem:s0] =	stream.indirect.scatter.add.f32 [tilespmem:s26], [sflag:$0x3], $0x1, s24, s25, $0xb8;
	[tilespmem:$0x3280] =	vst v63  }
0x88: {  	s24 =	simm.s32 $0x1300  }
0x89: {  	[spmem:s0] =	stream.indirect.scatter.add.f32 [tilespmem:s26], [sflag:$0x3], $0x1, s24, s25, $0xb8;
	[tilespmem:$0x3280] =	vst v63  }
0x8a: {  	s24 =	simm.s32 $0x1380  }
0x8b: {  	[spmem:s0] =	stream.indirect.scatter.add.f32 [tilespmem:s26], [sflag:$0x3], $0x1, s24, s25, $0xb8;
	[tilespmem:$0x3280] =	vst v63  }
0x8c: {  	_ =	swait.ge [sflag:s28], $0x80  }
0x8d: {  	s24 =	simm.s32 $0x27;
	[sflag:s28] =	ssyncset.done $0x0  }
.LBB2_2:
0x8e: {  	p0 =	sne.s32 s24, $0x1;
	s24 =	sadd.s32 $0xFFFFFFFF, s24;
	[sflag:s28] =	ssyncadd.s32 $0xFFFFFF80  }
.Ltmp0:
0x8f: {  	(pc) =	sbr.rel @p0 .LBB2_2-.Ltmp0, $3  }
0x90: {  	_ =	sdelay $0x1  }
0x91: {  	_ =	swait.ge [sflag:s28], $0x80  }
0x92: {  	[sflag:s28] =	ssyncset.done $0x0  }
0x93: {  	[sflag:s28] =	ssyncadd.s32 $0xFFFFFF80  }
0x94: {  	_ =	swait.ge [sflag:s29], $0x1400  }
0x95: {  	[sflag:s29] =	ssyncset.done $0x0  }
0x96: {  	s24 =	rddreg [dreg:$0xc];
	[sflag:s29] =	ssyncadd.s32 $0xFFFFEC00  }
0x97: {  	[tilespmem:s6], [sflag:$0x1] =	stream.linear.gather [hbm4b:s24+s6], $0x1400, $0x38;
	[tilespmem:$0x3280] =	vst v63  }
0x98: {  	_ = 	snop  }
0x99: {  	[spmem:s0] =	stream.indirect.scatter.add.f32 [tilespmem:s26], [sflag:$0x3], $0x1, s20, s25, $0xb8;
	[tilespmem:$0x3280] =	vst v63  }
0x9a: {  	s24 =	simm.s32 $0x1480  }
0x9b: {  	[spmem:s0] =	stream.indirect.scatter.add.f32 [tilespmem:s26], [sflag:$0x3], $0x1, s24, s25, $0xb8;
	[tilespmem:$0x3280] =	vst v63  }
0x9c: {  	s24 =	simm.s32 $0x1500  }
0x9d: {  	[spmem:s0] =	stream.indirect.scatter.add.f32 [tilespmem:s26], [sflag:$0x3], $0x1, s24, s25, $0xb8;
	[tilespmem:$0x3280] =	vst v63  }
0x9e: {  	s24 =	simm.s32 $0x1580  }
0x9f: {  	[spmem:s0] =	stream.indirect.scatter.add.f32 [tilespmem:s26], [sflag:$0x3], $0x1, s24, s25, $0xb8;
	[tilespmem:$0x3280] =	vst v63  }
0xa0: {  	s24 =	simm.s32 $0x1600  }
0xa1: {  	[spmem:s0] =	stream.indirect.scatter.add.f32 [tilespmem:s26], [sflag:$0x3], $0x1, s24, s25, $0xb8;
	[tilespmem:$0x3280] =	vst v63  }
0xa2: {  	s24 =	simm.s32 $0x1680  }
0xa3: {  	[spmem:s0] =	stream.indirect.scatter.add.f32 [tilespmem:s26], [sflag:$0x3], $0x1, s24, s25, $0xb8;
	[tilespmem:$0x3280] =	vst v63  }
0xa4: {  	s24 =	simm.s32 $0x1700  }
0xa5: {  	[spmem:s0] =	stream.indirect.scatter.add.f32 [tilespmem:s26], [sflag:$0x3], $0x1, s24, s25, $0xb8;
	[tilespmem:$0x3280] =	vst v63  }
0xa6: {  	s24 =	simm.s32 $0x1780  }
0xa7: {  	[spmem:s0] =	stream.indirect.scatter.add.f32 [tilespmem:s26], [sflag:$0x3], $0x1, s24, s25, $0xb8;
	[tilespmem:$0x3280] =	vst v63  }
0xa8: {  	s24 =	simm.s32 $0x1800  }
0xa9: {  	[spmem:s0] =	stream.indirect.scatter.add.f32 [tilespmem:s26], [sflag:$0x3], $0x1, s24, s25, $0xb8;
	[tilespmem:$0x3280] =	vst v63  }
0xaa: {  	s24 =	simm.s32 $0x1880  }
0xab: {  	[spmem:s0] =	stream.indirect.scatter.add.f32 [tilespmem:s26], [sflag:$0x3], $0x1, s24, s25, $0xb8;
	[tilespmem:$0x3280] =	vst v63  }
0xac: {  	s24 =	simm.s32 $0x1900  }
0xad: {  	[spmem:s0] =	stream.indirect.scatter.add.f32 [tilespmem:s26], [sflag:$0x3], $0x1, s24, s25, $0xb8;
	[tilespmem:$0x3280] =	vst v63  }
0xae: {  	s24 =	simm.s32 $0x1980  }
0xaf: {  	[spmem:s0] =	stream.indirect.scatter.add.f32 [tilespmem:s26], [sflag:$0x3], $0x1, s24, s25, $0xb8;
	[tilespmem:$0x3280] =	vst v63  }
0xb0: {  	s24 =	simm.s32 $0x1A00  }
0xb1: {  	[spmem:s0] =	stream.indirect.scatter.add.f32 [tilespmem:s26], [sflag:$0x3], $0x1, s24, s25, $0xb8;
	[tilespmem:$0x3280] =	vst v63  }
0xb2: {  	s24 =	simm.s32 $0x1A80  }
0xb3: {  	[spmem:s0] =	stream.indirect.scatter.add.f32 [tilespmem:s26], [sflag:$0x3], $0x1, s24, s25, $0xb8;
	[tilespmem:$0x3280] =	vst v63  }
0xb4: {  	s24 =	simm.s32 $0x1B00  }
0xb5: {  	[spmem:s0] =	stream.indirect.scatter.add.f32 [tilespmem:s26], [sflag:$0x3], $0x1, s24, s25, $0xb8;
	[tilespmem:$0x3280] =	vst v63  }
0xb6: {  	s24 =	simm.s32 $0x1B80  }
0xb7: {  	[spmem:s0] =	stream.indirect.scatter.add.f32 [tilespmem:s26], [sflag:$0x3], $0x1, s24, s25, $0xb8;
	[tilespmem:$0x3280] =	vst v63  }
0xb8: {  	s24 =	simm.s32 $0x1C00  }
0xb9: {  	[spmem:s0] =	stream.indirect.scatter.add.f32 [tilespmem:s26], [sflag:$0x3], $0x1, s24, s25, $0xb8;
	[tilespmem:$0x3280] =	vst v63  }
0xba: {  	s24 =	simm.s32 $0x1C80  }
0xbb: {  	[spmem:s0] =	stream.indirect.scatter.add.f32 [tilespmem:s26], [sflag:$0x3], $0x1, s24, s25, $0xb8;
	[tilespmem:$0x3280] =	vst v63  }
0xbc: {  	s24 =	simm.s32 $0x1D00  }
0xbd: {  	[spmem:s0] =	stream.indirect.scatter.add.f32 [tilespmem:s26], [sflag:$0x3], $0x1, s24, s25, $0xb8;
	[tilespmem:$0x3280] =	vst v63  }
0xbe: {  	s24 =	simm.s32 $0x1D80  }
0xbf: {  	[spmem:s0] =	stream.indirect.scatter.add.f32 [tilespmem:s26], [sflag:$0x3], $0x1, s24, s25, $0xb8;
	[tilespmem:$0x3280] =	vst v63  }
0xc0: {  	s24 =	simm.s32 $0x1E00  }
0xc1: {  	[spmem:s0] =	stream.indirect.scatter.add.f32 [tilespmem:s26], [sflag:$0x3], $0x1, s24, s25, $0xb8;
	[tilespmem:$0x3280] =	vst v63  }
0xc2: {  	s24 =	simm.s32 $0x1E80  }
0xc3: {  	[spmem:s0] =	stream.indirect.scatter.add.f32 [tilespmem:s26], [sflag:$0x3], $0x1, s24, s25, $0xb8;
	[tilespmem:$0x3280] =	vst v63  }
0xc4: {  	s24 =	simm.s32 $0x1F00  }
0xc5: {  	[spmem:s0] =	stream.indirect.scatter.add.f32 [tilespmem:s26], [sflag:$0x3], $0x1, s24, s25, $0xb8;
	[tilespmem:$0x3280] =	vst v63  }
0xc6: {  	s24 =	simm.s32 $0x1F80  }
0xc7: {  	[spmem:s0] =	stream.indirect.scatter.add.f32 [tilespmem:s26], [sflag:$0x3], $0x1, s24, s25, $0xb8;
	[tilespmem:$0x3280] =	vst v63  }
0xc8: {  	s24 =	simm.s32 $0x2000  }
0xc9: {  	[spmem:s0] =	stream.indirect.scatter.add.f32 [tilespmem:s26], [sflag:$0x3], $0x1, s24, s25, $0xb8;
	[tilespmem:$0x3280] =	vst v63  }
0xca: {  	s24 =	simm.s32 $0x2080  }
0xcb: {  	[spmem:s0] =	stream.indirect.scatter.add.f32 [tilespmem:s26], [sflag:$0x3], $0x1, s24, s25, $0xb8;
	[tilespmem:$0x3280] =	vst v63  }
0xcc: {  	s24 =	simm.s32 $0x2100  }
0xcd: {  	[spmem:s0] =	stream.indirect.scatter.add.f32 [tilespmem:s26], [sflag:$0x3], $0x1, s24, s25, $0xb8;
	[tilespmem:$0x3280] =	vst v63  }
0xce: {  	s24 =	simm.s32 $0x2180  }
0xcf: {  	[spmem:s0] =	stream.indirect.scatter.add.f32 [tilespmem:s26], [sflag:$0x3], $0x1, s24, s25, $0xb8;
	[tilespmem:$0x3280] =	vst v63  }
0xd0: {  	s24 =	simm.s32 $0x2200  }
0xd1: {  	[spmem:s0] =	stream.indirect.scatter.add.f32 [tilespmem:s26], [sflag:$0x3], $0x1, s24, s25, $0xb8;
	[tilespmem:$0x3280] =	vst v63  }
0xd2: {  	s24 =	simm.s32 $0x2280  }
0xd3: {  	[spmem:s0] =	stream.indirect.scatter.add.f32 [tilespmem:s26], [sflag:$0x3], $0x1, s24, s25, $0xb8;
	[tilespmem:$0x3280] =	vst v63  }
0xd4: {  	s24 =	simm.s32 $0x2300  }
0xd5: {  	[spmem:s0] =	stream.indirect.scatter.add.f32 [tilespmem:s26], [sflag:$0x3], $0x1, s24, s25, $0xb8;
	[tilespmem:$0x3280] =	vst v63  }
0xd6: {  	_ = 	snop  }
0xd7: {  	[spmem:s0] =	stream.indirect.scatter.add.f32 [tilespmem:s26], [sflag:$0x3], $0x1, s13, s25, $0xb8;
	[tilespmem:$0x3280] =	vst v63  }
0xd8: {  	_ = 	snop  }
0xd9: {  	[spmem:s0] =	stream.indirect.scatter.add.f32 [tilespmem:s26], [sflag:$0x3], $0x1, s14, s25, $0xb8;
	[tilespmem:$0x3280] =	vst v63  }
0xda: {  	_ = 	snop  }
0xdb: {  	[spmem:s0] =	stream.indirect.scatter.add.f32 [tilespmem:s26], [sflag:$0x3], $0x1, s15, s25, $0xb8;
	[tilespmem:$0x3280] =	vst v63  }
0xdc: {  	_ = 	snop  }
0xdd: {  	[spmem:s0] =	stream.indirect.scatter.add.f32 [tilespmem:s26], [sflag:$0x3], $0x1, s16, s25, $0xb8;
	[tilespmem:$0x3280] =	vst v63  }
0xde: {  	_ = 	snop  }
0xdf: {  	[spmem:s0] =	stream.indirect.scatter.add.f32 [tilespmem:s26], [sflag:$0x3], $0x1, s30, s25, $0xb8;
	[tilespmem:$0x3280] =	vst v63  }
0xe0: {  	_ = 	snop  }
0xe1: {  	[spmem:s0] =	stream.indirect.scatter.add.f32 [tilespmem:s26], [sflag:$0x3], $0x1, s31, s25, $0xb8;
	[tilespmem:$0x3280] =	vst v63  }
0xe2: {  	_ = 	snop  }
0xe3: {  	[spmem:s0] =	stream.indirect.scatter.add.f32 [tilespmem:s26], [sflag:$0x3], $0x1, s3, s25, $0xb8;
	[tilespmem:$0x3280] =	vst v63  }
0xe4: {  	_ = 	snop  }
0xe5: {  	[spmem:s0] =	stream.indirect.scatter.add.f32 [tilespmem:s26], [sflag:$0x3], $0x1, s1, s25, $0xb8;
	[tilespmem:$0x3280] =	vst v63  }
0xe6: {  	_ = 	snop  }
0xe7: {  	[spmem:s0] =	stream.indirect.scatter.add.f32 [tilespmem:s26], [sflag:$0x3], $0x1, s7, s25, $0xb8;
	[tilespmem:$0x3280] =	vst v63  }
0xe8: {  	_ =	swait.ge [sflag:s28], $0x80  }
0xe9: {  	s24 =	simm.s32 $0x27;
	[sflag:s28] =	ssyncset.done $0x0  }
.LBB2_4:
0xea: {  	p0 =	sne.s32 s24, $0x1;
	s24 =	sadd.s32 $0xFFFFFFFF, s24;
	[sflag:s28] =	ssyncadd.s32 $0xFFFFFF80  }
.Ltmp1:
0xeb: {  	(pc) =	sbr.rel @p0 .LBB2_4-.Ltmp1, $3  }
0xec: {  	_ =	sdelay $0x1  }
0xed: {  	_ =	swait.ge [sflag:s28], $0x80  }
0xee: {  	[sflag:s28] =	ssyncset.done $0x0  }
0xef: {  	[sflag:s28] =	ssyncadd.s32 $0xFFFFFF80  }
0xf0: {  	_ =	swait.ge [sflag:s19], $0x1400  }
0xf1: {  	[sflag:s19] =	ssyncset.done $0x0;
	s24 =	rddreg [dreg:$0xc]  }
0xf2: {  	[sflag:s19] =	ssyncadd.s32 $0xFFFFEC00;
	s24 =	sadd.s32 $0x280, s24  }
0xf3: {  	[tilespmem:s20], [sflag:$0x2] =	stream.linear.gather [hbm4b:s24+s6], $0x1400, $0x38;
	[tilespmem:$0x3280] =	vst v63  }
0xf4: {  	_ = 	snop  }
0xf5: {  	[spmem:s2] =	stream.indirect.scatter.add.f32 [tilespmem:s26], [sflag:$0x3], $0x1, s6, s25, $0xb8;
	[tilespmem:$0x3280] =	vst v63  }
0xf6: {  	_ = 	snop  }
0xf7: {  	[spmem:s2] =	stream.indirect.scatter.add.f32 [tilespmem:s26], [sflag:$0x3], $0x1, s25, s25, $0xb8;
	[tilespmem:$0x3280] =	vst v63  }
0xf8: {  	s24 =	simm.s32 $0x100  }
0xf9: {  	[spmem:s2] =	stream.indirect.scatter.add.f32 [tilespmem:s26], [sflag:$0x3], $0x1, s24, s25, $0xb8;
	[tilespmem:$0x3280] =	vst v63  }
0xfa: {  	s24 =	simm.s32 $0x180  }
0xfb: {  	[spmem:s2] =	stream.indirect.scatter.add.f32 [tilespmem:s26], [sflag:$0x3], $0x1, s24, s25, $0xb8;
	[tilespmem:$0x3280] =	vst v63  }
0xfc: {  	s24 =	simm.s32 $0x200  }
0xfd: {  	[spmem:s2] =	stream.indirect.scatter.add.f32 [tilespmem:s26], [sflag:$0x3], $0x1, s24, s25, $0xb8;
	[tilespmem:$0x3280] =	vst v63  }
0xfe: {  	s24 =	simm.s32 $0x280  }
0xff: {  	[spmem:s2] =	stream.indirect.scatter.add.f32 [tilespmem:s26], [sflag:$0x3], $0x1, s24, s25, $0xb8;
	[tilespmem:$0x3280] =	vst v63  }
0x100: {  	s24 =	simm.s32 $0x300  }
0x101: {  	[spmem:s2] =	stream.indirect.scatter.add.f32 [tilespmem:s26], [sflag:$0x3], $0x1, s24, s25, $0xb8;
	[tilespmem:$0x3280] =	vst v63  }
0x102: {  	s24 =	simm.s32 $0x380  }
0x103: {  	[spmem:s2] =	stream.indirect.scatter.add.f32 [tilespmem:s26], [sflag:$0x3], $0x1, s24, s25, $0xb8;
	[tilespmem:$0x3280] =	vst v63  }
0x104: {  	s24 =	simm.s32 $0x400  }
0x105: {  	[spmem:s2] =	stream.indirect.scatter.add.f32 [tilespmem:s26], [sflag:$0x3], $0x1, s24, s25, $0xb8;
	[tilespmem:$0x3280] =	vst v63  }
0x106: {  	s24 =	simm.s32 $0x480  }
0x107: {  	[spmem:s2] =	stream.indirect.scatter.add.f32 [tilespmem:s26], [sflag:$0x3], $0x1, s24, s25, $0xb8;
	[tilespmem:$0x3280] =	vst v63  }
0x108: {  	s24 =	simm.s32 $0x500  }
0x109: {  	[spmem:s2] =	stream.indirect.scatter.add.f32 [tilespmem:s26], [sflag:$0x3], $0x1, s24, s25, $0xb8;
	[tilespmem:$0x3280] =	vst v63  }
0x10a: {  	s24 =	simm.s32 $0x580  }
0x10b: {  	[spmem:s2] =	stream.indirect.scatter.add.f32 [tilespmem:s26], [sflag:$0x3], $0x1, s24, s25, $0xb8;
	[tilespmem:$0x3280] =	vst v63  }
0x10c: {  	s24 =	simm.s32 $0x600  }
0x10d: {  	[spmem:s2] =	stream.indirect.scatter.add.f32 [tilespmem:s26], [sflag:$0x3], $0x1, s24, s25, $0xb8;
	[tilespmem:$0x3280] =	vst v63  }
0x10e: {  	s24 =	simm.s32 $0x680  }
0x10f: {  	[spmem:s2] =	stream.indirect.scatter.add.f32 [tilespmem:s26], [sflag:$0x3], $0x1, s24, s25, $0xb8;
	[tilespmem:$0x3280] =	vst v63  }
0x110: {  	s24 =	simm.s32 $0x700  }
0x111: {  	[spmem:s2] =	stream.indirect.scatter.add.f32 [tilespmem:s26], [sflag:$0x3], $0x1, s24, s25, $0xb8;
	[tilespmem:$0x3280] =	vst v63  }
0x112: {  	s24 =	simm.s32 $0x780  }
0x113: {  	[spmem:s2] =	stream.indirect.scatter.add.f32 [tilespmem:s26], [sflag:$0x3], $0x1, s24, s25, $0xb8;
	[tilespmem:$0x3280] =	vst v63  }
0x114: {  	s24 =	simm.s32 $0x800  }
0x115: {  	[spmem:s2] =	stream.indirect.scatter.add.f32 [tilespmem:s26], [sflag:$0x3], $0x1, s24, s25, $0xb8;
	[tilespmem:$0x3280] =	vst v63  }
0x116: {  	s24 =	simm.s32 $0x880  }
0x117: {  	[spmem:s2] =	stream.indirect.scatter.add.f32 [tilespmem:s26], [sflag:$0x3], $0x1, s24, s25, $0xb8;
	[tilespmem:$0x3280] =	vst v63  }
0x118: {  	s24 =	simm.s32 $0x900  }
0x119: {  	[spmem:s2] =	stream.indirect.scatter.add.f32 [tilespmem:s26], [sflag:$0x3], $0x1, s24, s25, $0xb8;
	[tilespmem:$0x3280] =	vst v63  }
0x11a: {  	s24 =	simm.s32 $0x980  }
0x11b: {  	[spmem:s2] =	stream.indirect.scatter.add.f32 [tilespmem:s26], [sflag:$0x3], $0x1, s24, s25, $0xb8;
	[tilespmem:$0x3280] =	vst v63  }
0x11c: {  	s24 =	simm.s32 $0xA00  }
0x11d: {  	[spmem:s2] =	stream.indirect.scatter.add.f32 [tilespmem:s26], [sflag:$0x3], $0x1, s24, s25, $0xb8;
	[tilespmem:$0x3280] =	vst v63  }
0x11e: {  	s24 =	simm.s32 $0xA80  }
0x11f: {  	[spmem:s2] =	stream.indirect.scatter.add.f32 [tilespmem:s26], [sflag:$0x3], $0x1, s24, s25, $0xb8;
	[tilespmem:$0x3280] =	vst v63  }
0x120: {  	s24 =	simm.s32 $0xB00  }
0x121: {  	[spmem:s2] =	stream.indirect.scatter.add.f32 [tilespmem:s26], [sflag:$0x3], $0x1, s24, s25, $0xb8;
	[tilespmem:$0x3280] =	vst v63  }
0x122: {  	s24 =	simm.s32 $0xB80  }
0x123: {  	[spmem:s2] =	stream.indirect.scatter.add.f32 [tilespmem:s26], [sflag:$0x3], $0x1, s24, s25, $0xb8;
	[tilespmem:$0x3280] =	vst v63  }
0x124: {  	s24 =	simm.s32 $0xC00  }
0x125: {  	[spmem:s2] =	stream.indirect.scatter.add.f32 [tilespmem:s26], [sflag:$0x3], $0x1, s24, s25, $0xb8;
	[tilespmem:$0x3280] =	vst v63  }
0x126: {  	s24 =	simm.s32 $0xC80  }
0x127: {  	[spmem:s2] =	stream.indirect.scatter.add.f32 [tilespmem:s26], [sflag:$0x3], $0x1, s24, s25, $0xb8;
	[tilespmem:$0x3280] =	vst v63  }
0x128: {  	s24 =	simm.s32 $0xD00  }
0x129: {  	[spmem:s2] =	stream.indirect.scatter.add.f32 [tilespmem:s26], [sflag:$0x3], $0x1, s24, s25, $0xb8;
	[tilespmem:$0x3280] =	vst v63  }
0x12a: {  	s24 =	simm.s32 $0xD80  }
0x12b: {  	[spmem:s2] =	stream.indirect.scatter.add.f32 [tilespmem:s26], [sflag:$0x3], $0x1, s24, s25, $0xb8;
	[tilespmem:$0x3280] =	vst v63  }
0x12c: {  	s24 =	simm.s32 $0xE00  }
0x12d: {  	[spmem:s2] =	stream.indirect.scatter.add.f32 [tilespmem:s26], [sflag:$0x3], $0x1, s24, s25, $0xb8;
	[tilespmem:$0x3280] =	vst v63  }
0x12e: {  	s24 =	simm.s32 $0xE80  }
0x12f: {  	[spmem:s2] =	stream.indirect.scatter.add.f32 [tilespmem:s26], [sflag:$0x3], $0x1, s24, s25, $0xb8;
	[tilespmem:$0x3280] =	vst v63  }
0x130: {  	s24 =	simm.s32 $0xF00  }
0x131: {  	[spmem:s2] =	stream.indirect.scatter.add.f32 [tilespmem:s26], [sflag:$0x3], $0x1, s24, s25, $0xb8;
	[tilespmem:$0x3280] =	vst v63  }
0x132: {  	s24 =	simm.s32 $0xF80  }
0x133: {  	[spmem:s2] =	stream.indirect.scatter.add.f32 [tilespmem:s26], [sflag:$0x3], $0x1, s24, s25, $0xb8;
	[tilespmem:$0x3280] =	vst v63  }
0x134: {  	s24 =	simm.s32 $0x1000  }
0x135: {  	[spmem:s2] =	stream.indirect.scatter.add.f32 [tilespmem:s26], [sflag:$0x3], $0x1, s24, s25, $0xb8;
	[tilespmem:$0x3280] =	vst v63  }
0x136: {  	s24 =	simm.s32 $0x1080  }
0x137: {  	[spmem:s2] =	stream.indirect.scatter.add.f32 [tilespmem:s26], [sflag:$0x3], $0x1, s24, s25, $0xb8;
	[tilespmem:$0x3280] =	vst v63  }
0x138: {  	s24 =	simm.s32 $0x1100  }
0x139: {  	[spmem:s2] =	stream.indirect.scatter.add.f32 [tilespmem:s26], [sflag:$0x3], $0x1, s24, s25, $0xb8;
	[tilespmem:$0x3280] =	vst v63  }
0x13a: {  	s24 =	simm.s32 $0x1180  }
0x13b: {  	[spmem:s2] =	stream.indirect.scatter.add.f32 [tilespmem:s26], [sflag:$0x3], $0x1, s24, s25, $0xb8;
	[tilespmem:$0x3280] =	vst v63  }
0x13c: {  	s24 =	simm.s32 $0x1200  }
0x13d: {  	[spmem:s2] =	stream.indirect.scatter.add.f32 [tilespmem:s26], [sflag:$0x3], $0x1, s24, s25, $0xb8;
	[tilespmem:$0x3280] =	vst v63  }
0x13e: {  	s24 =	simm.s32 $0x1280  }
0x13f: {  	[spmem:s2] =	stream.indirect.scatter.add.f32 [tilespmem:s26], [sflag:$0x3], $0x1, s24, s25, $0xb8;
	[tilespmem:$0x3280] =	vst v63  }
0x140: {  	s24 =	simm.s32 $0x1300  }
0x141: {  	[spmem:s2] =	stream.indirect.scatter.add.f32 [tilespmem:s26], [sflag:$0x3], $0x1, s24, s25, $0xb8;
	[tilespmem:$0x3280] =	vst v63  }
0x142: {  	s24 =	simm.s32 $0x1380  }
0x143: {  	[spmem:s2] =	stream.indirect.scatter.add.f32 [tilespmem:s26], [sflag:$0x3], $0x1, s24, s25, $0xb8;
	[tilespmem:$0x3280] =	vst v63  }
0x144: {  	_ =	swait.ge [sflag:s28], $0x80  }
0x145: {  	s24 =	simm.s32 $0x27;
	[sflag:s28] =	ssyncset.done $0x0  }
.LBB2_6:
0x146: {  	p0 =	sne.s32 s24, $0x1;
	s24 =	sadd.s32 $0xFFFFFFFF, s24;
	[sflag:s28] =	ssyncadd.s32 $0xFFFFFF80  }
.Ltmp2:
0x147: {  	(pc) =	sbr.rel @p0 .LBB2_6-.Ltmp2, $3  }
0x148: {  	_ =	sdelay $0x1  }
0x149: {  	_ =	swait.ge [sflag:s28], $0x80  }
0x14a: {  	[sflag:s28] =	ssyncset.done $0x0  }
0x14b: {  	[sflag:s28] =	ssyncadd.s32 $0xFFFFFF80  }
0x14c: {  	_ =	swait.ge [sflag:s29], $0x1400  }
0x14d: {  	[sflag:s29] =	ssyncset.done $0x0  }
0x14e: {  	s24 =	rddreg [dreg:$0xd];
	[sflag:s29] =	ssyncadd.s32 $0xFFFFEC00  }
0x14f: {  	[tilespmem:s6], [sflag:$0x1] =	stream.linear.gather [hbm4b:s24+s6], $0x1400, $0x38;
	[tilespmem:$0x3280] =	vst v63  }
0x150: {  	_ = 	snop  }
0x151: {  	[spmem:s2] =	stream.indirect.scatter.add.f32 [tilespmem:s26], [sflag:$0x3], $0x1, s20, s25, $0xb8;
	[tilespmem:$0x3280] =	vst v63  }
0x152: {  	s24 =	simm.s32 $0x1480  }
0x153: {  	[spmem:s2] =	stream.indirect.scatter.add.f32 [tilespmem:s26], [sflag:$0x3], $0x1, s24, s25, $0xb8;
	[tilespmem:$0x3280] =	vst v63  }
0x154: {  	s24 =	simm.s32 $0x1500  }
0x155: {  	[spmem:s2] =	stream.indirect.scatter.add.f32 [tilespmem:s26], [sflag:$0x3], $0x1, s24, s25, $0xb8;
	[tilespmem:$0x3280] =	vst v63  }
0x156: {  	s24 =	simm.s32 $0x1580  }
0x157: {  	[spmem:s2] =	stream.indirect.scatter.add.f32 [tilespmem:s26], [sflag:$0x3], $0x1, s24, s25, $0xb8;
	[tilespmem:$0x3280] =	vst v63  }
0x158: {  	s24 =	simm.s32 $0x1600  }
0x159: {  	[spmem:s2] =	stream.indirect.scatter.add.f32 [tilespmem:s26], [sflag:$0x3], $0x1, s24, s25, $0xb8;
	[tilespmem:$0x3280] =	vst v63  }
0x15a: {  	s24 =	simm.s32 $0x1680  }
0x15b: {  	[spmem:s2] =	stream.indirect.scatter.add.f32 [tilespmem:s26], [sflag:$0x3], $0x1, s24, s25, $0xb8;
	[tilespmem:$0x3280] =	vst v63  }
0x15c: {  	s24 =	simm.s32 $0x1700  }
0x15d: {  	[spmem:s2] =	stream.indirect.scatter.add.f32 [tilespmem:s26], [sflag:$0x3], $0x1, s24, s25, $0xb8;
	[tilespmem:$0x3280] =	vst v63  }
0x15e: {  	s24 =	simm.s32 $0x1780  }
0x15f: {  	[spmem:s2] =	stream.indirect.scatter.add.f32 [tilespmem:s26], [sflag:$0x3], $0x1, s24, s25, $0xb8;
	[tilespmem:$0x3280] =	vst v63  }
0x160: {  	s24 =	simm.s32 $0x1800  }
0x161: {  	[spmem:s2] =	stream.indirect.scatter.add.f32 [tilespmem:s26], [sflag:$0x3], $0x1, s24, s25, $0xb8;
	[tilespmem:$0x3280] =	vst v63  }
0x162: {  	s24 =	simm.s32 $0x1880  }
0x163: {  	[spmem:s2] =	stream.indirect.scatter.add.f32 [tilespmem:s26], [sflag:$0x3], $0x1, s24, s25, $0xb8;
	[tilespmem:$0x3280] =	vst v63  }
0x164: {  	s24 =	simm.s32 $0x1900  }
0x165: {  	[spmem:s2] =	stream.indirect.scatter.add.f32 [tilespmem:s26], [sflag:$0x3], $0x1, s24, s25, $0xb8;
	[tilespmem:$0x3280] =	vst v63  }
0x166: {  	s24 =	simm.s32 $0x1980  }
0x167: {  	[spmem:s2] =	stream.indirect.scatter.add.f32 [tilespmem:s26], [sflag:$0x3], $0x1, s24, s25, $0xb8;
	[tilespmem:$0x3280] =	vst v63  }
0x168: {  	s24 =	simm.s32 $0x1A00  }
0x169: {  	[spmem:s2] =	stream.indirect.scatter.add.f32 [tilespmem:s26], [sflag:$0x3], $0x1, s24, s25, $0xb8;
	[tilespmem:$0x3280] =	vst v63  }
0x16a: {  	s24 =	simm.s32 $0x1A80  }
0x16b: {  	[spmem:s2] =	stream.indirect.scatter.add.f32 [tilespmem:s26], [sflag:$0x3], $0x1, s24, s25, $0xb8;
	[tilespmem:$0x3280] =	vst v63  }
0x16c: {  	s24 =	simm.s32 $0x1B00  }
0x16d: {  	[spmem:s2] =	stream.indirect.scatter.add.f32 [tilespmem:s26], [sflag:$0x3], $0x1, s24, s25, $0xb8;
	[tilespmem:$0x3280] =	vst v63  }
0x16e: {  	s24 =	simm.s32 $0x1B80  }
0x16f: {  	[spmem:s2] =	stream.indirect.scatter.add.f32 [tilespmem:s26], [sflag:$0x3], $0x1, s24, s25, $0xb8;
	[tilespmem:$0x3280] =	vst v63  }
0x170: {  	s24 =	simm.s32 $0x1C00  }
0x171: {  	[spmem:s2] =	stream.indirect.scatter.add.f32 [tilespmem:s26], [sflag:$0x3], $0x1, s24, s25, $0xb8;
	[tilespmem:$0x3280] =	vst v63  }
0x172: {  	s24 =	simm.s32 $0x1C80  }
0x173: {  	[spmem:s2] =	stream.indirect.scatter.add.f32 [tilespmem:s26], [sflag:$0x3], $0x1, s24, s25, $0xb8;
	[tilespmem:$0x3280] =	vst v63  }
0x174: {  	s24 =	simm.s32 $0x1D00  }
0x175: {  	[spmem:s2] =	stream.indirect.scatter.add.f32 [tilespmem:s26], [sflag:$0x3], $0x1, s24, s25, $0xb8;
	[tilespmem:$0x3280] =	vst v63  }
0x176: {  	s24 =	simm.s32 $0x1D80  }
0x177: {  	[spmem:s2] =	stream.indirect.scatter.add.f32 [tilespmem:s26], [sflag:$0x3], $0x1, s24, s25, $0xb8;
	[tilespmem:$0x3280] =	vst v63  }
0x178: {  	s24 =	simm.s32 $0x1E00  }
0x179: {  	[spmem:s2] =	stream.indirect.scatter.add.f32 [tilespmem:s26], [sflag:$0x3], $0x1, s24, s25, $0xb8;
	[tilespmem:$0x3280] =	vst v63  }
0x17a: {  	s24 =	simm.s32 $0x1E80  }
0x17b: {  	[spmem:s2] =	stream.indirect.scatter.add.f32 [tilespmem:s26], [sflag:$0x3], $0x1, s24, s25, $0xb8;
	[tilespmem:$0x3280] =	vst v63  }
0x17c: {  	s24 =	simm.s32 $0x1F00  }
0x17d: {  	[spmem:s2] =	stream.indirect.scatter.add.f32 [tilespmem:s26], [sflag:$0x3], $0x1, s24, s25, $0xb8;
	[tilespmem:$0x3280] =	vst v63  }
0x17e: {  	s24 =	simm.s32 $0x1F80  }
0x17f: {  	[spmem:s2] =	stream.indirect.scatter.add.f32 [tilespmem:s26], [sflag:$0x3], $0x1, s24, s25, $0xb8;
	[tilespmem:$0x3280] =	vst v63  }
0x180: {  	s24 =	simm.s32 $0x2000  }
0x181: {  	[spmem:s2] =	stream.indirect.scatter.add.f32 [tilespmem:s26], [sflag:$0x3], $0x1, s24, s25, $0xb8;
	[tilespmem:$0x3280] =	vst v63  }
0x182: {  	s24 =	simm.s32 $0x2080  }
0x183: {  	[spmem:s2] =	stream.indirect.scatter.add.f32 [tilespmem:s26], [sflag:$0x3], $0x1, s24, s25, $0xb8;
	[tilespmem:$0x3280] =	vst v63  }
0x184: {  	s24 =	simm.s32 $0x2100  }
0x185: {  	[spmem:s2] =	stream.indirect.scatter.add.f32 [tilespmem:s26], [sflag:$0x3], $0x1, s24, s25, $0xb8;
	[tilespmem:$0x3280] =	vst v63  }
0x186: {  	s24 =	simm.s32 $0x2180  }
0x187: {  	[spmem:s2] =	stream.indirect.scatter.add.f32 [tilespmem:s26], [sflag:$0x3], $0x1, s24, s25, $0xb8;
	[tilespmem:$0x3280] =	vst v63  }
0x188: {  	s24 =	simm.s32 $0x2200  }
0x189: {  	[spmem:s2] =	stream.indirect.scatter.add.f32 [tilespmem:s26], [sflag:$0x3], $0x1, s24, s25, $0xb8;
	[tilespmem:$0x3280] =	vst v63  }
0x18a: {  	s24 =	simm.s32 $0x2280  }
0x18b: {  	[spmem:s2] =	stream.indirect.scatter.add.f32 [tilespmem:s26], [sflag:$0x3], $0x1, s24, s25, $0xb8;
	[tilespmem:$0x3280] =	vst v63  }
0x18c: {  	s24 =	simm.s32 $0x2300  }
0x18d: {  	[spmem:s2] =	stream.indirect.scatter.add.f32 [tilespmem:s26], [sflag:$0x3], $0x1, s24, s25, $0xb8;
	[tilespmem:$0x3280] =	vst v63  }
0x18e: {  	_ = 	snop  }
0x18f: {  	[spmem:s2] =	stream.indirect.scatter.add.f32 [tilespmem:s26], [sflag:$0x3], $0x1, s13, s25, $0xb8;
	[tilespmem:$0x3280] =	vst v63  }
0x190: {  	_ = 	snop  }
0x191: {  	[spmem:s2] =	stream.indirect.scatter.add.f32 [tilespmem:s26], [sflag:$0x3], $0x1, s14, s25, $0xb8;
	[tilespmem:$0x3280] =	vst v63  }
0x192: {  	_ = 	snop  }
0x193: {  	[spmem:s2] =	stream.indirect.scatter.add.f32 [tilespmem:s26], [sflag:$0x3], $0x1, s15, s25, $0xb8;
	[tilespmem:$0x3280] =	vst v63  }
0x194: {  	_ = 	snop  }
0x195: {  	[spmem:s2] =	stream.indirect.scatter.add.f32 [tilespmem:s26], [sflag:$0x3], $0x1, s16, s25, $0xb8;
	[tilespmem:$0x3280] =	vst v63  }
0x196: {  	_ = 	snop  }
0x197: {  	[spmem:s2] =	stream.indirect.scatter.add.f32 [tilespmem:s26], [sflag:$0x3], $0x1, s30, s25, $0xb8;
	[tilespmem:$0x3280] =	vst v63  }
0x198: {  	_ = 	snop  }
0x199: {  	[spmem:s2] =	stream.indirect.scatter.add.f32 [tilespmem:s26], [sflag:$0x3], $0x1, s31, s25, $0xb8;
	[tilespmem:$0x3280] =	vst v63  }
0x19a: {  	_ = 	snop  }
0x19b: {  	[spmem:s2] =	stream.indirect.scatter.add.f32 [tilespmem:s26], [sflag:$0x3], $0x1, s3, s25, $0xb8;
	[tilespmem:$0x3280] =	vst v63  }
0x19c: {  	_ = 	snop  }
0x19d: {  	[spmem:s2] =	stream.indirect.scatter.add.f32 [tilespmem:s26], [sflag:$0x3], $0x1, s1, s25, $0xb8;
	[tilespmem:$0x3280] =	vst v63  }
0x19e: {  	_ = 	snop  }
0x19f: {  	[spmem:s2] =	stream.indirect.scatter.add.f32 [tilespmem:s26], [sflag:$0x3], $0x1, s7, s25, $0xb8;
	[tilespmem:$0x3280] =	vst v63  }
0x1a0: {  	_ =	swait.ge [sflag:s28], $0x80  }
0x1a1: {  	s24 =	simm.s32 $0x27;
	[sflag:s28] =	ssyncset.done $0x0  }
.LBB2_8:
0x1a2: {  	p0 =	sne.s32 s24, $0x1;
	s24 =	sadd.s32 $0xFFFFFFFF, s24;
	[sflag:s28] =	ssyncadd.s32 $0xFFFFFF80  }
.Ltmp3:
0x1a3: {  	(pc) =	sbr.rel @p0 .LBB2_8-.Ltmp3, $3  }
0x1a4: {  	_ =	sdelay $0x1  }
0x1a5: {  	_ =	swait.ge [sflag:s28], $0x80  }
0x1a6: {  	[sflag:s28] =	ssyncset.done $0x0  }
0x1a7: {  	[sflag:s28] =	ssyncadd.s32 $0xFFFFFF80  }
0x1a8: {  	_ =	swait.ge [sflag:s19], $0x1400  }
0x1a9: {  	[sflag:s19] =	ssyncset.done $0x0;
	s24 =	rddreg [dreg:$0xd]  }
0x1aa: {  	[sflag:s19] =	ssyncadd.s32 $0xFFFFEC00;
	s24 =	sadd.s32 $0x280, s24  }
0x1ab: {  	[tilespmem:s20], [sflag:$0x2] =	stream.linear.gather [hbm4b:s24+s6], $0x1400, $0x38;
	[tilespmem:$0x3280] =	vst v63  }
0x1ac: {  	_ = 	snop  }
0x1ad: {  	[spmem:s4] =	stream.indirect.scatter.add.f32 [tilespmem:s26], [sflag:$0x3], $0x1, s6, s25, $0xb8;
	[tilespmem:$0x3280] =	vst v63  }
0x1ae: {  	_ = 	snop  }
0x1af: {  	[spmem:s4] =	stream.indirect.scatter.add.f32 [tilespmem:s26], [sflag:$0x3], $0x1, s25, s25, $0xb8;
	[tilespmem:$0x3280] =	vst v63  }
0x1b0: {  	s24 =	simm.s32 $0x100  }
0x1b1: {  	[spmem:s4] =	stream.indirect.scatter.add.f32 [tilespmem:s26], [sflag:$0x3], $0x1, s24, s25, $0xb8;
	[tilespmem:$0x3280] =	vst v63  }
0x1b2: {  	s24 =	simm.s32 $0x180  }
0x1b3: {  	[spmem:s4] =	stream.indirect.scatter.add.f32 [tilespmem:s26], [sflag:$0x3], $0x1, s24, s25, $0xb8;
	[tilespmem:$0x3280] =	vst v63  }
0x1b4: {  	s24 =	simm.s32 $0x200  }
0x1b5: {  	[spmem:s4] =	stream.indirect.scatter.add.f32 [tilespmem:s26], [sflag:$0x3], $0x1, s24, s25, $0xb8;
	[tilespmem:$0x3280] =	vst v63  }
0x1b6: {  	s24 =	simm.s32 $0x280  }
0x1b7: {  	[spmem:s4] =	stream.indirect.scatter.add.f32 [tilespmem:s26], [sflag:$0x3], $0x1, s24, s25, $0xb8;
	[tilespmem:$0x3280] =	vst v63  }
0x1b8: {  	s24 =	simm.s32 $0x300  }
0x1b9: {  	[spmem:s4] =	stream.indirect.scatter.add.f32 [tilespmem:s26], [sflag:$0x3], $0x1, s24, s25, $0xb8;
	[tilespmem:$0x3280] =	vst v63  }
0x1ba: {  	s24 =	simm.s32 $0x380  }
0x1bb: {  	[spmem:s4] =	stream.indirect.scatter.add.f32 [tilespmem:s26], [sflag:$0x3], $0x1, s24, s25, $0xb8;
	[tilespmem:$0x3280] =	vst v63  }
0x1bc: {  	s24 =	simm.s32 $0x400  }
0x1bd: {  	[spmem:s4] =	stream.indirect.scatter.add.f32 [tilespmem:s26], [sflag:$0x3], $0x1, s24, s25, $0xb8;
	[tilespmem:$0x3280] =	vst v63  }
0x1be: {  	s24 =	simm.s32 $0x480  }
0x1bf: {  	[spmem:s4] =	stream.indirect.scatter.add.f32 [tilespmem:s26], [sflag:$0x3], $0x1, s24, s25, $0xb8;
	[tilespmem:$0x3280] =	vst v63  }
0x1c0: {  	s24 =	simm.s32 $0x500  }
0x1c1: {  	[spmem:s4] =	stream.indirect.scatter.add.f32 [tilespmem:s26], [sflag:$0x3], $0x1, s24, s25, $0xb8;
	[tilespmem:$0x3280] =	vst v63  }
0x1c2: {  	s24 =	simm.s32 $0x580  }
0x1c3: {  	[spmem:s4] =	stream.indirect.scatter.add.f32 [tilespmem:s26], [sflag:$0x3], $0x1, s24, s25, $0xb8;
	[tilespmem:$0x3280] =	vst v63  }
0x1c4: {  	s24 =	simm.s32 $0x600  }
0x1c5: {  	[spmem:s4] =	stream.indirect.scatter.add.f32 [tilespmem:s26], [sflag:$0x3], $0x1, s24, s25, $0xb8;
	[tilespmem:$0x3280] =	vst v63  }
0x1c6: {  	s24 =	simm.s32 $0x680  }
0x1c7: {  	[spmem:s4] =	stream.indirect.scatter.add.f32 [tilespmem:s26], [sflag:$0x3], $0x1, s24, s25, $0xb8;
	[tilespmem:$0x3280] =	vst v63  }
0x1c8: {  	s24 =	simm.s32 $0x700  }
0x1c9: {  	[spmem:s4] =	stream.indirect.scatter.add.f32 [tilespmem:s26], [sflag:$0x3], $0x1, s24, s25, $0xb8;
	[tilespmem:$0x3280] =	vst v63  }
0x1ca: {  	s24 =	simm.s32 $0x780  }
0x1cb: {  	[spmem:s4] =	stream.indirect.scatter.add.f32 [tilespmem:s26], [sflag:$0x3], $0x1, s24, s25, $0xb8;
	[tilespmem:$0x3280] =	vst v63  }
0x1cc: {  	s24 =	simm.s32 $0x800  }
0x1cd: {  	[spmem:s4] =	stream.indirect.scatter.add.f32 [tilespmem:s26], [sflag:$0x3], $0x1, s24, s25, $0xb8;
	[tilespmem:$0x3280] =	vst v63  }
0x1ce: {  	s24 =	simm.s32 $0x880  }
0x1cf: {  	[spmem:s4] =	stream.indirect.scatter.add.f32 [tilespmem:s26], [sflag:$0x3], $0x1, s24, s25, $0xb8;
	[tilespmem:$0x3280] =	vst v63  }
0x1d0: {  	s24 =	simm.s32 $0x900  }
0x1d1: {  	[spmem:s4] =	stream.indirect.scatter.add.f32 [tilespmem:s26], [sflag:$0x3], $0x1, s24, s25, $0xb8;
	[tilespmem:$0x3280] =	vst v63  }
0x1d2: {  	s24 =	simm.s32 $0x980  }
0x1d3: {  	[spmem:s4] =	stream.indirect.scatter.add.f32 [tilespmem:s26], [sflag:$0x3], $0x1, s24, s25, $0xb8;
	[tilespmem:$0x3280] =	vst v63  }
0x1d4: {  	s24 =	simm.s32 $0xA00  }
0x1d5: {  	[spmem:s4] =	stream.indirect.scatter.add.f32 [tilespmem:s26], [sflag:$0x3], $0x1, s24, s25, $0xb8;
	[tilespmem:$0x3280] =	vst v63  }
0x1d6: {  	s24 =	simm.s32 $0xA80  }
0x1d7: {  	[spmem:s4] =	stream.indirect.scatter.add.f32 [tilespmem:s26], [sflag:$0x3], $0x1, s24, s25, $0xb8;
	[tilespmem:$0x3280] =	vst v63  }
0x1d8: {  	s24 =	simm.s32 $0xB00  }
0x1d9: {  	[spmem:s4] =	stream.indirect.scatter.add.f32 [tilespmem:s26], [sflag:$0x3], $0x1, s24, s25, $0xb8;
	[tilespmem:$0x3280] =	vst v63  }
0x1da: {  	s24 =	simm.s32 $0xB80  }
0x1db: {  	[spmem:s4] =	stream.indirect.scatter.add.f32 [tilespmem:s26], [sflag:$0x3], $0x1, s24, s25, $0xb8;
	[tilespmem:$0x3280] =	vst v63  }
0x1dc: {  	s24 =	simm.s32 $0xC00  }
0x1dd: {  	[spmem:s4] =	stream.indirect.scatter.add.f32 [tilespmem:s26], [sflag:$0x3], $0x1, s24, s25, $0xb8;
	[tilespmem:$0x3280] =	vst v63  }
0x1de: {  	s24 =	simm.s32 $0xC80  }
0x1df: {  	[spmem:s4] =	stream.indirect.scatter.add.f32 [tilespmem:s26], [sflag:$0x3], $0x1, s24, s25, $0xb8;
	[tilespmem:$0x3280] =	vst v63  }
0x1e0: {  	s24 =	simm.s32 $0xD00  }
0x1e1: {  	[spmem:s4] =	stream.indirect.scatter.add.f32 [tilespmem:s26], [sflag:$0x3], $0x1, s24, s25, $0xb8;
	[tilespmem:$0x3280] =	vst v63  }
0x1e2: {  	s24 =	simm.s32 $0xD80  }
0x1e3: {  	[spmem:s4] =	stream.indirect.scatter.add.f32 [tilespmem:s26], [sflag:$0x3], $0x1, s24, s25, $0xb8;
	[tilespmem:$0x3280] =	vst v63  }
0x1e4: {  	s24 =	simm.s32 $0xE00  }
0x1e5: {  	[spmem:s4] =	stream.indirect.scatter.add.f32 [tilespmem:s26], [sflag:$0x3], $0x1, s24, s25, $0xb8;
	[tilespmem:$0x3280] =	vst v63  }
0x1e6: {  	s24 =	simm.s32 $0xE80  }
0x1e7: {  	[spmem:s4] =	stream.indirect.scatter.add.f32 [tilespmem:s26], [sflag:$0x3], $0x1, s24, s25, $0xb8;
	[tilespmem:$0x3280] =	vst v63  }
0x1e8: {  	s24 =	simm.s32 $0xF00  }
0x1e9: {  	[spmem:s4] =	stream.indirect.scatter.add.f32 [tilespmem:s26], [sflag:$0x3], $0x1, s24, s25, $0xb8;
	[tilespmem:$0x3280] =	vst v63  }
0x1ea: {  	s24 =	simm.s32 $0xF80  }
0x1eb: {  	[spmem:s4] =	stream.indirect.scatter.add.f32 [tilespmem:s26], [sflag:$0x3], $0x1, s24, s25, $0xb8;
	[tilespmem:$0x3280] =	vst v63  }
0x1ec: {  	s24 =	simm.s32 $0x1000  }
0x1ed: {  	[spmem:s4] =	stream.indirect.scatter.add.f32 [tilespmem:s26], [sflag:$0x3], $0x1, s24, s25, $0xb8;
	[tilespmem:$0x3280] =	vst v63  }
0x1ee: {  	s24 =	simm.s32 $0x1080  }
0x1ef: {  	[spmem:s4] =	stream.indirect.scatter.add.f32 [tilespmem:s26], [sflag:$0x3], $0x1, s24, s25, $0xb8;
	[tilespmem:$0x3280] =	vst v63  }
0x1f0: {  	s24 =	simm.s32 $0x1100  }
0x1f1: {  	[spmem:s4] =	stream.indirect.scatter.add.f32 [tilespmem:s26], [sflag:$0x3], $0x1, s24, s25, $0xb8;
	[tilespmem:$0x3280] =	vst v63  }
0x1f2: {  	s24 =	simm.s32 $0x1180  }
0x1f3: {  	[spmem:s4] =	stream.indirect.scatter.add.f32 [tilespmem:s26], [sflag:$0x3], $0x1, s24, s25, $0xb8;
	[tilespmem:$0x3280] =	vst v63  }
0x1f4: {  	s24 =	simm.s32 $0x1200  }
0x1f5: {  	[spmem:s4] =	stream.indirect.scatter.add.f32 [tilespmem:s26], [sflag:$0x3], $0x1, s24, s25, $0xb8;
	[tilespmem:$0x3280] =	vst v63  }
0x1f6: {  	s24 =	simm.s32 $0x1280  }
0x1f7: {  	[spmem:s4] =	stream.indirect.scatter.add.f32 [tilespmem:s26], [sflag:$0x3], $0x1, s24, s25, $0xb8;
	[tilespmem:$0x3280] =	vst v63  }
0x1f8: {  	s24 =	simm.s32 $0x1300  }
0x1f9: {  	[spmem:s4] =	stream.indirect.scatter.add.f32 [tilespmem:s26], [sflag:$0x3], $0x1, s24, s25, $0xb8;
	[tilespmem:$0x3280] =	vst v63  }
0x1fa: {  	s24 =	simm.s32 $0x1380  }
0x1fb: {  	[spmem:s4] =	stream.indirect.scatter.add.f32 [tilespmem:s26], [sflag:$0x3], $0x1, s24, s25, $0xb8;
	[tilespmem:$0x3280] =	vst v63  }
0x1fc: {  	_ =	swait.ge [sflag:s28], $0x80  }
0x1fd: {  	s24 =	simm.s32 $0x27;
	[sflag:s28] =	ssyncset.done $0x0  }
.LBB2_10:
0x1fe: {  	p0 =	sne.s32 s24, $0x1;
	s24 =	sadd.s32 $0xFFFFFFFF, s24;
	[sflag:s28] =	ssyncadd.s32 $0xFFFFFF80  }
.Ltmp4:
0x1ff: {  	(pc) =	sbr.rel @p0 .LBB2_10-.Ltmp4, $3  }
0x200: {  	_ =	sdelay $0x1  }
0x201: {  	_ =	swait.ge [sflag:s28], $0x80  }
0x202: {  	[sflag:s28] =	ssyncset.done $0x0  }
0x203: {  	[sflag:s28] =	ssyncadd.s32 $0xFFFFFF80  }
0x204: {  	_ =	swait.ge [sflag:s29], $0x1400  }
0x205: {  	[sflag:s29] =	ssyncset.done $0x0  }
0x206: {  	s24 =	rddreg [dreg:$0xe];
	[sflag:s29] =	ssyncadd.s32 $0xFFFFEC00  }
0x207: {  	[tilespmem:s6], [sflag:$0x1] =	stream.linear.gather [hbm4b:s24+s6], $0x1400, $0x38;
	[tilespmem:$0x3280] =	vst v63  }
0x208: {  	_ = 	snop  }
0x209: {  	[spmem:s4] =	stream.indirect.scatter.add.f32 [tilespmem:s26], [sflag:$0x3], $0x1, s20, s25, $0xb8;
	[tilespmem:$0x3280] =	vst v63  }
0x20a: {  	s24 =	simm.s32 $0x1480  }
0x20b: {  	[spmem:s4] =	stream.indirect.scatter.add.f32 [tilespmem:s26], [sflag:$0x3], $0x1, s24, s25, $0xb8;
	[tilespmem:$0x3280] =	vst v63  }
0x20c: {  	s24 =	simm.s32 $0x1500  }
0x20d: {  	[spmem:s4] =	stream.indirect.scatter.add.f32 [tilespmem:s26], [sflag:$0x3], $0x1, s24, s25, $0xb8;
	[tilespmem:$0x3280] =	vst v63  }
0x20e: {  	s24 =	simm.s32 $0x1580  }
0x20f: {  	[spmem:s4] =	stream.indirect.scatter.add.f32 [tilespmem:s26], [sflag:$0x3], $0x1, s24, s25, $0xb8;
	[tilespmem:$0x3280] =	vst v63  }
0x210: {  	s24 =	simm.s32 $0x1600  }
0x211: {  	[spmem:s4] =	stream.indirect.scatter.add.f32 [tilespmem:s26], [sflag:$0x3], $0x1, s24, s25, $0xb8;
	[tilespmem:$0x3280] =	vst v63  }
0x212: {  	s24 =	simm.s32 $0x1680  }
0x213: {  	[spmem:s4] =	stream.indirect.scatter.add.f32 [tilespmem:s26], [sflag:$0x3], $0x1, s24, s25, $0xb8;
	[tilespmem:$0x3280] =	vst v63  }
0x214: {  	s24 =	simm.s32 $0x1700  }
0x215: {  	[spmem:s4] =	stream.indirect.scatter.add.f32 [tilespmem:s26], [sflag:$0x3], $0x1, s24, s25, $0xb8;
	[tilespmem:$0x3280] =	vst v63  }
0x216: {  	s24 =	simm.s32 $0x1780  }
0x217: {  	[spmem:s4] =	stream.indirect.scatter.add.f32 [tilespmem:s26], [sflag:$0x3], $0x1, s24, s25, $0xb8;
	[tilespmem:$0x3280] =	vst v63  }
0x218: {  	s24 =	simm.s32 $0x1800  }
0x219: {  	[spmem:s4] =	stream.indirect.scatter.add.f32 [tilespmem:s26], [sflag:$0x3], $0x1, s24, s25, $0xb8;
	[tilespmem:$0x3280] =	vst v63  }
0x21a: {  	s24 =	simm.s32 $0x1880  }
0x21b: {  	[spmem:s4] =	stream.indirect.scatter.add.f32 [tilespmem:s26], [sflag:$0x3], $0x1, s24, s25, $0xb8;
	[tilespmem:$0x3280] =	vst v63  }
0x21c: {  	s24 =	simm.s32 $0x1900  }
0x21d: {  	[spmem:s4] =	stream.indirect.scatter.add.f32 [tilespmem:s26], [sflag:$0x3], $0x1, s24, s25, $0xb8;
	[tilespmem:$0x3280] =	vst v63  }
0x21e: {  	s24 =	simm.s32 $0x1980  }
0x21f: {  	[spmem:s4] =	stream.indirect.scatter.add.f32 [tilespmem:s26], [sflag:$0x3], $0x1, s24, s25, $0xb8;
	[tilespmem:$0x3280] =	vst v63  }
0x220: {  	s24 =	simm.s32 $0x1A00  }
0x221: {  	[spmem:s4] =	stream.indirect.scatter.add.f32 [tilespmem:s26], [sflag:$0x3], $0x1, s24, s25, $0xb8;
	[tilespmem:$0x3280] =	vst v63  }
0x222: {  	s24 =	simm.s32 $0x1A80  }
0x223: {  	[spmem:s4] =	stream.indirect.scatter.add.f32 [tilespmem:s26], [sflag:$0x3], $0x1, s24, s25, $0xb8;
	[tilespmem:$0x3280] =	vst v63  }
0x224: {  	s24 =	simm.s32 $0x1B00  }
0x225: {  	[spmem:s4] =	stream.indirect.scatter.add.f32 [tilespmem:s26], [sflag:$0x3], $0x1, s24, s25, $0xb8;
	[tilespmem:$0x3280] =	vst v63  }
0x226: {  	s24 =	simm.s32 $0x1B80  }
0x227: {  	[spmem:s4] =	stream.indirect.scatter.add.f32 [tilespmem:s26], [sflag:$0x3], $0x1, s24, s25, $0xb8;
	[tilespmem:$0x3280] =	vst v63  }
0x228: {  	s24 =	simm.s32 $0x1C00  }
0x229: {  	[spmem:s4] =	stream.indirect.scatter.add.f32 [tilespmem:s26], [sflag:$0x3], $0x1, s24, s25, $0xb8;
	[tilespmem:$0x3280] =	vst v63  }
0x22a: {  	s24 =	simm.s32 $0x1C80  }
0x22b: {  	[spmem:s4] =	stream.indirect.scatter.add.f32 [tilespmem:s26], [sflag:$0x3], $0x1, s24, s25, $0xb8;
	[tilespmem:$0x3280] =	vst v63  }
0x22c: {  	s24 =	simm.s32 $0x1D00  }
0x22d: {  	[spmem:s4] =	stream.indirect.scatter.add.f32 [tilespmem:s26], [sflag:$0x3], $0x1, s24, s25, $0xb8;
	[tilespmem:$0x3280] =	vst v63  }
0x22e: {  	s24 =	simm.s32 $0x1D80  }
0x22f: {  	[spmem:s4] =	stream.indirect.scatter.add.f32 [tilespmem:s26], [sflag:$0x3], $0x1, s24, s25, $0xb8;
	[tilespmem:$0x3280] =	vst v63  }
0x230: {  	s24 =	simm.s32 $0x1E00  }
0x231: {  	[spmem:s4] =	stream.indirect.scatter.add.f32 [tilespmem:s26], [sflag:$0x3], $0x1, s24, s25, $0xb8;
	[tilespmem:$0x3280] =	vst v63  }
0x232: {  	s24 =	simm.s32 $0x1E80  }
0x233: {  	[spmem:s4] =	stream.indirect.scatter.add.f32 [tilespmem:s26], [sflag:$0x3], $0x1, s24, s25, $0xb8;
	[tilespmem:$0x3280] =	vst v63  }
0x234: {  	s24 =	simm.s32 $0x1F00  }
0x235: {  	[spmem:s4] =	stream.indirect.scatter.add.f32 [tilespmem:s26], [sflag:$0x3], $0x1, s24, s25, $0xb8;
	[tilespmem:$0x3280] =	vst v63  }
0x236: {  	s24 =	simm.s32 $0x1F80  }
0x237: {  	[spmem:s4] =	stream.indirect.scatter.add.f32 [tilespmem:s26], [sflag:$0x3], $0x1, s24, s25, $0xb8;
	[tilespmem:$0x3280] =	vst v63  }
0x238: {  	s24 =	simm.s32 $0x2000  }
0x239: {  	[spmem:s4] =	stream.indirect.scatter.add.f32 [tilespmem:s26], [sflag:$0x3], $0x1, s24, s25, $0xb8;
	[tilespmem:$0x3280] =	vst v63  }
0x23a: {  	s24 =	simm.s32 $0x2080  }
0x23b: {  	[spmem:s4] =	stream.indirect.scatter.add.f32 [tilespmem:s26], [sflag:$0x3], $0x1, s24, s25, $0xb8;
	[tilespmem:$0x3280] =	vst v63  }
0x23c: {  	s24 =	simm.s32 $0x2100  }
0x23d: {  	[spmem:s4] =	stream.indirect.scatter.add.f32 [tilespmem:s26], [sflag:$0x3], $0x1, s24, s25, $0xb8;
	[tilespmem:$0x3280] =	vst v63  }
0x23e: {  	s24 =	simm.s32 $0x2180  }
0x23f: {  	[spmem:s4] =	stream.indirect.scatter.add.f32 [tilespmem:s26], [sflag:$0x3], $0x1, s24, s25, $0xb8;
	[tilespmem:$0x3280] =	vst v63  }
0x240: {  	s24 =	simm.s32 $0x2200  }
0x241: {  	[spmem:s4] =	stream.indirect.scatter.add.f32 [tilespmem:s26], [sflag:$0x3], $0x1, s24, s25, $0xb8;
	[tilespmem:$0x3280] =	vst v63  }
0x242: {  	s24 =	simm.s32 $0x2280  }
0x243: {  	[spmem:s4] =	stream.indirect.scatter.add.f32 [tilespmem:s26], [sflag:$0x3], $0x1, s24, s25, $0xb8;
	[tilespmem:$0x3280] =	vst v63  }
0x244: {  	s24 =	simm.s32 $0x2300  }
0x245: {  	[spmem:s4] =	stream.indirect.scatter.add.f32 [tilespmem:s26], [sflag:$0x3], $0x1, s24, s25, $0xb8;
	[tilespmem:$0x3280] =	vst v63  }
0x246: {  	_ = 	snop  }
0x247: {  	[spmem:s4] =	stream.indirect.scatter.add.f32 [tilespmem:s26], [sflag:$0x3], $0x1, s13, s25, $0xb8;
	[tilespmem:$0x3280] =	vst v63  }
0x248: {  	_ = 	snop  }
0x249: {  	[spmem:s4] =	stream.indirect.scatter.add.f32 [tilespmem:s26], [sflag:$0x3], $0x1, s14, s25, $0xb8;
	[tilespmem:$0x3280] =	vst v63  }
0x24a: {  	_ = 	snop  }
0x24b: {  	[spmem:s4] =	stream.indirect.scatter.add.f32 [tilespmem:s26], [sflag:$0x3], $0x1, s15, s25, $0xb8;
	[tilespmem:$0x3280] =	vst v63  }
0x24c: {  	_ = 	snop  }
0x24d: {  	[spmem:s4] =	stream.indirect.scatter.add.f32 [tilespmem:s26], [sflag:$0x3], $0x1, s16, s25, $0xb8;
	[tilespmem:$0x3280] =	vst v63  }
0x24e: {  	_ = 	snop  }
0x24f: {  	[spmem:s4] =	stream.indirect.scatter.add.f32 [tilespmem:s26], [sflag:$0x3], $0x1, s30, s25, $0xb8;
	[tilespmem:$0x3280] =	vst v63  }
0x250: {  	_ = 	snop  }
0x251: {  	[spmem:s4] =	stream.indirect.scatter.add.f32 [tilespmem:s26], [sflag:$0x3], $0x1, s31, s25, $0xb8;
	[tilespmem:$0x3280] =	vst v63  }
0x252: {  	_ = 	snop  }
0x253: {  	[spmem:s4] =	stream.indirect.scatter.add.f32 [tilespmem:s26], [sflag:$0x3], $0x1, s3, s25, $0xb8;
	[tilespmem:$0x3280] =	vst v63  }
0x254: {  	_ = 	snop  }
0x255: {  	[spmem:s4] =	stream.indirect.scatter.add.f32 [tilespmem:s26], [sflag:$0x3], $0x1, s1, s25, $0xb8;
	[tilespmem:$0x3280] =	vst v63  }
0x256: {  	_ = 	snop  }
0x257: {  	[spmem:s4] =	stream.indirect.scatter.add.f32 [tilespmem:s26], [sflag:$0x3], $0x1, s7, s25, $0xb8;
	[tilespmem:$0x3280] =	vst v63  }
0x258: {  	_ =	swait.ge [sflag:s28], $0x80  }
0x259: {  	s24 =	simm.s32 $0x27;
	[sflag:s28] =	ssyncset.done $0x0  }
.LBB2_12:
0x25a: {  	p0 =	sne.s32 s24, $0x1;
	s24 =	sadd.s32 $0xFFFFFFFF, s24;
	[sflag:s28] =	ssyncadd.s32 $0xFFFFFF80  }
.Ltmp5:
0x25b: {  	(pc) =	sbr.rel @p0 .LBB2_12-.Ltmp5, $3  }
0x25c: {  	_ =	sdelay $0x1  }
0x25d: {  	_ =	swait.ge [sflag:s28], $0x80  }
0x25e: {  	[sflag:s28] =	ssyncset.done $0x0  }
0x25f: {  	[sflag:s28] =	ssyncadd.s32 $0xFFFFFF80  }
0x260: {  	_ =	swait.ge [sflag:s19], $0x1400  }
0x261: {  	[sflag:s19] =	ssyncset.done $0x0;
	s24 =	rddreg [dreg:$0xe]  }
0x262: {  	[sflag:s19] =	ssyncadd.s32 $0xFFFFEC00;
	s24 =	sadd.s32 $0x280, s24  }
0x263: {  	[tilespmem:s20], [sflag:$0x2] =	stream.linear.gather [hbm4b:s24+s6], $0x1400, $0x38;
	[tilespmem:$0x3280] =	vst v63  }
0x264: {  	_ = 	snop  }
0x265: {  	[spmem:s5] =	stream.indirect.scatter.add.f32 [tilespmem:s26], [sflag:$0x3], $0x1, s6, s25, $0xb8;
	[tilespmem:$0x3280] =	vst v63  }
0x266: {  	_ = 	snop  }
0x267: {  	[spmem:s5] =	stream.indirect.scatter.add.f32 [tilespmem:s26], [sflag:$0x3], $0x1, s25, s25, $0xb8;
	[tilespmem:$0x3280] =	vst v63  }
0x268: {  	s24 =	simm.s32 $0x100  }
0x269: {  	[spmem:s5] =	stream.indirect.scatter.add.f32 [tilespmem:s26], [sflag:$0x3], $0x1, s24, s25, $0xb8;
	[tilespmem:$0x3280] =	vst v63  }
0x26a: {  	s24 =	simm.s32 $0x180  }
0x26b: {  	[spmem:s5] =	stream.indirect.scatter.add.f32 [tilespmem:s26], [sflag:$0x3], $0x1, s24, s25, $0xb8;
	[tilespmem:$0x3280] =	vst v63  }
0x26c: {  	s24 =	simm.s32 $0x200  }
0x26d: {  	[spmem:s5] =	stream.indirect.scatter.add.f32 [tilespmem:s26], [sflag:$0x3], $0x1, s24, s25, $0xb8;
	[tilespmem:$0x3280] =	vst v63  }
0x26e: {  	s24 =	simm.s32 $0x280  }
0x26f: {  	[spmem:s5] =	stream.indirect.scatter.add.f32 [tilespmem:s26], [sflag:$0x3], $0x1, s24, s25, $0xb8;
	[tilespmem:$0x3280] =	vst v63  }
0x270: {  	s24 =	simm.s32 $0x300  }
0x271: {  	[spmem:s5] =	stream.indirect.scatter.add.f32 [tilespmem:s26], [sflag:$0x3], $0x1, s24, s25, $0xb8;
	[tilespmem:$0x3280] =	vst v63  }
0x272: {  	s24 =	simm.s32 $0x380  }
0x273: {  	[spmem:s5] =	stream.indirect.scatter.add.f32 [tilespmem:s26], [sflag:$0x3], $0x1, s24, s25, $0xb8;
	[tilespmem:$0x3280] =	vst v63  }
0x274: {  	s24 =	simm.s32 $0x400  }
0x275: {  	[spmem:s5] =	stream.indirect.scatter.add.f32 [tilespmem:s26], [sflag:$0x3], $0x1, s24, s25, $0xb8;
	[tilespmem:$0x3280] =	vst v63  }
0x276: {  	s24 =	simm.s32 $0x480  }
0x277: {  	[spmem:s5] =	stream.indirect.scatter.add.f32 [tilespmem:s26], [sflag:$0x3], $0x1, s24, s25, $0xb8;
	[tilespmem:$0x3280] =	vst v63  }
0x278: {  	s24 =	simm.s32 $0x500  }
0x279: {  	[spmem:s5] =	stream.indirect.scatter.add.f32 [tilespmem:s26], [sflag:$0x3], $0x1, s24, s25, $0xb8;
	[tilespmem:$0x3280] =	vst v63  }
0x27a: {  	s24 =	simm.s32 $0x580  }
0x27b: {  	[spmem:s5] =	stream.indirect.scatter.add.f32 [tilespmem:s26], [sflag:$0x3], $0x1, s24, s25, $0xb8;
	[tilespmem:$0x3280] =	vst v63  }
0x27c: {  	s24 =	simm.s32 $0x600  }
0x27d: {  	[spmem:s5] =	stream.indirect.scatter.add.f32 [tilespmem:s26], [sflag:$0x3], $0x1, s24, s25, $0xb8;
	[tilespmem:$0x3280] =	vst v63  }
0x27e: {  	s24 =	simm.s32 $0x680  }
0x27f: {  	[spmem:s5] =	stream.indirect.scatter.add.f32 [tilespmem:s26], [sflag:$0x3], $0x1, s24, s25, $0xb8;
	[tilespmem:$0x3280] =	vst v63  }
0x280: {  	s24 =	simm.s32 $0x700  }
0x281: {  	[spmem:s5] =	stream.indirect.scatter.add.f32 [tilespmem:s26], [sflag:$0x3], $0x1, s24, s25, $0xb8;
	[tilespmem:$0x3280] =	vst v63  }
0x282: {  	s24 =	simm.s32 $0x780  }
0x283: {  	[spmem:s5] =	stream.indirect.scatter.add.f32 [tilespmem:s26], [sflag:$0x3], $0x1, s24, s25, $0xb8;
	[tilespmem:$0x3280] =	vst v63  }
0x284: {  	s24 =	simm.s32 $0x800  }
0x285: {  	[spmem:s5] =	stream.indirect.scatter.add.f32 [tilespmem:s26], [sflag:$0x3], $0x1, s24, s25, $0xb8;
	[tilespmem:$0x3280] =	vst v63  }
0x286: {  	s24 =	simm.s32 $0x880  }
0x287: {  	[spmem:s5] =	stream.indirect.scatter.add.f32 [tilespmem:s26], [sflag:$0x3], $0x1, s24, s25, $0xb8;
	[tilespmem:$0x3280] =	vst v63  }
0x288: {  	s24 =	simm.s32 $0x900  }
0x289: {  	[spmem:s5] =	stream.indirect.scatter.add.f32 [tilespmem:s26], [sflag:$0x3], $0x1, s24, s25, $0xb8;
	[tilespmem:$0x3280] =	vst v63  }
0x28a: {  	s24 =	simm.s32 $0x980  }
0x28b: {  	[spmem:s5] =	stream.indirect.scatter.add.f32 [tilespmem:s26], [sflag:$0x3], $0x1, s24, s25, $0xb8;
	[tilespmem:$0x3280] =	vst v63  }
0x28c: {  	s24 =	simm.s32 $0xA00  }
0x28d: {  	[spmem:s5] =	stream.indirect.scatter.add.f32 [tilespmem:s26], [sflag:$0x3], $0x1, s24, s25, $0xb8;
	[tilespmem:$0x3280] =	vst v63  }
0x28e: {  	s24 =	simm.s32 $0xA80  }
0x28f: {  	[spmem:s5] =	stream.indirect.scatter.add.f32 [tilespmem:s26], [sflag:$0x3], $0x1, s24, s25, $0xb8;
	[tilespmem:$0x3280] =	vst v63  }
0x290: {  	s24 =	simm.s32 $0xB00  }
0x291: {  	[spmem:s5] =	stream.indirect.scatter.add.f32 [tilespmem:s26], [sflag:$0x3], $0x1, s24, s25, $0xb8;
	[tilespmem:$0x3280] =	vst v63  }
0x292: {  	s24 =	simm.s32 $0xB80  }
0x293: {  	[spmem:s5] =	stream.indirect.scatter.add.f32 [tilespmem:s26], [sflag:$0x3], $0x1, s24, s25, $0xb8;
	[tilespmem:$0x3280] =	vst v63  }
0x294: {  	s24 =	simm.s32 $0xC00  }
0x295: {  	[spmem:s5] =	stream.indirect.scatter.add.f32 [tilespmem:s26], [sflag:$0x3], $0x1, s24, s25, $0xb8;
	[tilespmem:$0x3280] =	vst v63  }
0x296: {  	s24 =	simm.s32 $0xC80  }
0x297: {  	[spmem:s5] =	stream.indirect.scatter.add.f32 [tilespmem:s26], [sflag:$0x3], $0x1, s24, s25, $0xb8;
	[tilespmem:$0x3280] =	vst v63  }
0x298: {  	s24 =	simm.s32 $0xD00  }
0x299: {  	[spmem:s5] =	stream.indirect.scatter.add.f32 [tilespmem:s26], [sflag:$0x3], $0x1, s24, s25, $0xb8;
	[tilespmem:$0x3280] =	vst v63  }
0x29a: {  	s24 =	simm.s32 $0xD80  }
0x29b: {  	[spmem:s5] =	stream.indirect.scatter.add.f32 [tilespmem:s26], [sflag:$0x3], $0x1, s24, s25, $0xb8;
	[tilespmem:$0x3280] =	vst v63  }
0x29c: {  	s24 =	simm.s32 $0xE00  }
0x29d: {  	[spmem:s5] =	stream.indirect.scatter.add.f32 [tilespmem:s26], [sflag:$0x3], $0x1, s24, s25, $0xb8;
	[tilespmem:$0x3280] =	vst v63  }
0x29e: {  	s24 =	simm.s32 $0xE80  }
0x29f: {  	[spmem:s5] =	stream.indirect.scatter.add.f32 [tilespmem:s26], [sflag:$0x3], $0x1, s24, s25, $0xb8;
	[tilespmem:$0x3280] =	vst v63  }
0x2a0: {  	s24 =	simm.s32 $0xF00  }
0x2a1: {  	[spmem:s5] =	stream.indirect.scatter.add.f32 [tilespmem:s26], [sflag:$0x3], $0x1, s24, s25, $0xb8;
	[tilespmem:$0x3280] =	vst v63  }
0x2a2: {  	s24 =	simm.s32 $0xF80  }
0x2a3: {  	[spmem:s5] =	stream.indirect.scatter.add.f32 [tilespmem:s26], [sflag:$0x3], $0x1, s24, s25, $0xb8;
	[tilespmem:$0x3280] =	vst v63  }
0x2a4: {  	s24 =	simm.s32 $0x1000  }
0x2a5: {  	[spmem:s5] =	stream.indirect.scatter.add.f32 [tilespmem:s26], [sflag:$0x3], $0x1, s24, s25, $0xb8;
	[tilespmem:$0x3280] =	vst v63  }
0x2a6: {  	s24 =	simm.s32 $0x1080  }
0x2a7: {  	[spmem:s5] =	stream.indirect.scatter.add.f32 [tilespmem:s26], [sflag:$0x3], $0x1, s24, s25, $0xb8;
	[tilespmem:$0x3280] =	vst v63  }
0x2a8: {  	s24 =	simm.s32 $0x1100  }
0x2a9: {  	[spmem:s5] =	stream.indirect.scatter.add.f32 [tilespmem:s26], [sflag:$0x3], $0x1, s24, s25, $0xb8;
	[tilespmem:$0x3280] =	vst v63  }
0x2aa: {  	s24 =	simm.s32 $0x1180  }
0x2ab: {  	[spmem:s5] =	stream.indirect.scatter.add.f32 [tilespmem:s26], [sflag:$0x3], $0x1, s24, s25, $0xb8;
	[tilespmem:$0x3280] =	vst v63  }
0x2ac: {  	s24 =	simm.s32 $0x1200  }
0x2ad: {  	[spmem:s5] =	stream.indirect.scatter.add.f32 [tilespmem:s26], [sflag:$0x3], $0x1, s24, s25, $0xb8;
	[tilespmem:$0x3280] =	vst v63  }
0x2ae: {  	s24 =	simm.s32 $0x1280  }
0x2af: {  	[spmem:s5] =	stream.indirect.scatter.add.f32 [tilespmem:s26], [sflag:$0x3], $0x1, s24, s25, $0xb8;
	[tilespmem:$0x3280] =	vst v63  }
0x2b0: {  	s24 =	simm.s32 $0x1300  }
0x2b1: {  	[spmem:s5] =	stream.indirect.scatter.add.f32 [tilespmem:s26], [sflag:$0x3], $0x1, s24, s25, $0xb8;
	[tilespmem:$0x3280] =	vst v63  }
0x2b2: {  	s24 =	simm.s32 $0x1380  }
0x2b3: {  	[spmem:s5] =	stream.indirect.scatter.add.f32 [tilespmem:s26], [sflag:$0x3], $0x1, s24, s25, $0xb8;
	[tilespmem:$0x3280] =	vst v63  }
0x2b4: {  	_ =	swait.ge [sflag:s28], $0x80  }
0x2b5: {  	s24 =	simm.s32 $0x27;
	[sflag:s28] =	ssyncset.done $0x0  }
.LBB2_14:
0x2b6: {  	p0 =	sne.s32 s24, $0x1;
	s24 =	sadd.s32 $0xFFFFFFFF, s24;
	[sflag:s28] =	ssyncadd.s32 $0xFFFFFF80  }
.Ltmp6:
0x2b7: {  	(pc) =	sbr.rel @p0 .LBB2_14-.Ltmp6, $3  }
0x2b8: {  	_ =	sdelay $0x1  }
0x2b9: {  	_ =	swait.ge [sflag:s28], $0x80  }
0x2ba: {  	[sflag:s28] =	ssyncset.done $0x0  }
0x2bb: {  	[sflag:s28] =	ssyncadd.s32 $0xFFFFFF80  }
0x2bc: {  	_ =	swait.ge [sflag:s29], $0x1400  }
0x2bd: {  	[sflag:s29] =	ssyncset.done $0x0  }
0x2be: {  	[sflag:s29] =	ssyncadd.s32 $0xFFFFEC00  }
0x2bf: {  	[spmem:s5] =	stream.indirect.scatter.add.f32 [tilespmem:s26], [sflag:$0x3], $0x1, s20, s25, $0xb8;
	[tilespmem:$0x3280] =	vst v63  }
0x2c0: {  	s24 =	simm.s32 $0x1480  }
0x2c1: {  	[spmem:s5] =	stream.indirect.scatter.add.f32 [tilespmem:s26], [sflag:$0x3], $0x1, s24, s25, $0xb8;
	[tilespmem:$0x3280] =	vst v63  }
0x2c2: {  	s24 =	simm.s32 $0x1500  }
0x2c3: {  	[spmem:s5] =	stream.indirect.scatter.add.f32 [tilespmem:s26], [sflag:$0x3], $0x1, s24, s25, $0xb8;
	[tilespmem:$0x3280] =	vst v63  }
0x2c4: {  	s24 =	simm.s32 $0x1580  }
0x2c5: {  	[spmem:s5] =	stream.indirect.scatter.add.f32 [tilespmem:s26], [sflag:$0x3], $0x1, s24, s25, $0xb8;
	[tilespmem:$0x3280] =	vst v63  }
0x2c6: {  	s24 =	simm.s32 $0x1600  }
0x2c7: {  	[spmem:s5] =	stream.indirect.scatter.add.f32 [tilespmem:s26], [sflag:$0x3], $0x1, s24, s25, $0xb8;
	[tilespmem:$0x3280] =	vst v63  }
0x2c8: {  	s24 =	simm.s32 $0x1680  }
0x2c9: {  	[spmem:s5] =	stream.indirect.scatter.add.f32 [tilespmem:s26], [sflag:$0x3], $0x1, s24, s25, $0xb8;
	[tilespmem:$0x3280] =	vst v63  }
0x2ca: {  	s24 =	simm.s32 $0x1700  }
0x2cb: {  	[spmem:s5] =	stream.indirect.scatter.add.f32 [tilespmem:s26], [sflag:$0x3], $0x1, s24, s25, $0xb8;
	[tilespmem:$0x3280] =	vst v63  }
0x2cc: {  	s24 =	simm.s32 $0x1780  }
0x2cd: {  	[spmem:s5] =	stream.indirect.scatter.add.f32 [tilespmem:s26], [sflag:$0x3], $0x1, s24, s25, $0xb8;
	[tilespmem:$0x3280] =	vst v63  }
0x2ce: {  	s24 =	simm.s32 $0x1800  }
0x2cf: {  	[spmem:s5] =	stream.indirect.scatter.add.f32 [tilespmem:s26], [sflag:$0x3], $0x1, s24, s25, $0xb8;
	[tilespmem:$0x3280] =	vst v63  }
0x2d0: {  	s24 =	simm.s32 $0x1880  }
0x2d1: {  	[spmem:s5] =	stream.indirect.scatter.add.f32 [tilespmem:s26], [sflag:$0x3], $0x1, s24, s25, $0xb8;
	[tilespmem:$0x3280] =	vst v63  }
0x2d2: {  	s24 =	simm.s32 $0x1900  }
0x2d3: {  	[spmem:s5] =	stream.indirect.scatter.add.f32 [tilespmem:s26], [sflag:$0x3], $0x1, s24, s25, $0xb8;
	[tilespmem:$0x3280] =	vst v63  }
0x2d4: {  	s24 =	simm.s32 $0x1980  }
0x2d5: {  	[spmem:s5] =	stream.indirect.scatter.add.f32 [tilespmem:s26], [sflag:$0x3], $0x1, s24, s25, $0xb8;
	[tilespmem:$0x3280] =	vst v63  }
0x2d6: {  	s24 =	simm.s32 $0x1A00  }
0x2d7: {  	[spmem:s5] =	stream.indirect.scatter.add.f32 [tilespmem:s26], [sflag:$0x3], $0x1, s24, s25, $0xb8;
	[tilespmem:$0x3280] =	vst v63  }
0x2d8: {  	s24 =	simm.s32 $0x1A80  }
0x2d9: {  	[spmem:s5] =	stream.indirect.scatter.add.f32 [tilespmem:s26], [sflag:$0x3], $0x1, s24, s25, $0xb8;
	[tilespmem:$0x3280] =	vst v63  }
0x2da: {  	s24 =	simm.s32 $0x1B00  }
0x2db: {  	[spmem:s5] =	stream.indirect.scatter.add.f32 [tilespmem:s26], [sflag:$0x3], $0x1, s24, s25, $0xb8;
	[tilespmem:$0x3280] =	vst v63  }
0x2dc: {  	s24 =	simm.s32 $0x1B80  }
0x2dd: {  	[spmem:s5] =	stream.indirect.scatter.add.f32 [tilespmem:s26], [sflag:$0x3], $0x1, s24, s25, $0xb8;
	[tilespmem:$0x3280] =	vst v63  }
0x2de: {  	s24 =	simm.s32 $0x1C00  }
0x2df: {  	[spmem:s5] =	stream.indirect.scatter.add.f32 [tilespmem:s26], [sflag:$0x3], $0x1, s24, s25, $0xb8;
	[tilespmem:$0x3280] =	vst v63  }
0x2e0: {  	s24 =	simm.s32 $0x1C80  }
0x2e1: {  	[spmem:s5] =	stream.indirect.scatter.add.f32 [tilespmem:s26], [sflag:$0x3], $0x1, s24, s25, $0xb8;
	[tilespmem:$0x3280] =	vst v63  }
0x2e2: {  	s24 =	simm.s32 $0x1D00  }
0x2e3: {  	[spmem:s5] =	stream.indirect.scatter.add.f32 [tilespmem:s26], [sflag:$0x3], $0x1, s24, s25, $0xb8;
	[tilespmem:$0x3280] =	vst v63  }
0x2e4: {  	s24 =	simm.s32 $0x1D80  }
0x2e5: {  	[spmem:s5] =	stream.indirect.scatter.add.f32 [tilespmem:s26], [sflag:$0x3], $0x1, s24, s25, $0xb8;
	[tilespmem:$0x3280] =	vst v63  }
0x2e6: {  	s24 =	simm.s32 $0x1E00  }
0x2e7: {  	[spmem:s5] =	stream.indirect.scatter.add.f32 [tilespmem:s26], [sflag:$0x3], $0x1, s24, s25, $0xb8;
	[tilespmem:$0x3280] =	vst v63  }
0x2e8: {  	s24 =	simm.s32 $0x1E80  }
0x2e9: {  	[spmem:s5] =	stream.indirect.scatter.add.f32 [tilespmem:s26], [sflag:$0x3], $0x1, s24, s25, $0xb8;
	[tilespmem:$0x3280] =	vst v63  }
0x2ea: {  	s24 =	simm.s32 $0x1F00  }
0x2eb: {  	[spmem:s5] =	stream.indirect.scatter.add.f32 [tilespmem:s26], [sflag:$0x3], $0x1, s24, s25, $0xb8;
	[tilespmem:$0x3280] =	vst v63  }
0x2ec: {  	s24 =	simm.s32 $0x1F80  }
0x2ed: {  	[spmem:s5] =	stream.indirect.scatter.add.f32 [tilespmem:s26], [sflag:$0x3], $0x1, s24, s25, $0xb8;
	[tilespmem:$0x3280] =	vst v63  }
0x2ee: {  	s24 =	simm.s32 $0x2000  }
0x2ef: {  	[spmem:s5] =	stream.indirect.scatter.add.f32 [tilespmem:s26], [sflag:$0x3], $0x1, s24, s25, $0xb8;
	[tilespmem:$0x3280] =	vst v63  }
0x2f0: {  	s24 =	simm.s32 $0x2080  }
0x2f1: {  	[spmem:s5] =	stream.indirect.scatter.add.f32 [tilespmem:s26], [sflag:$0x3], $0x1, s24, s25, $0xb8;
	[tilespmem:$0x3280] =	vst v63  }
0x2f2: {  	s24 =	simm.s32 $0x2100  }
0x2f3: {  	[spmem:s5] =	stream.indirect.scatter.add.f32 [tilespmem:s26], [sflag:$0x3], $0x1, s24, s25, $0xb8;
	[tilespmem:$0x3280] =	vst v63  }
0x2f4: {  	s24 =	simm.s32 $0x2180  }
0x2f5: {  	[spmem:s5] =	stream.indirect.scatter.add.f32 [tilespmem:s26], [sflag:$0x3], $0x1, s24, s25, $0xb8;
	[tilespmem:$0x3280] =	vst v63  }
0x2f6: {  	s24 =	simm.s32 $0x2200  }
0x2f7: {  	[spmem:s5] =	stream.indirect.scatter.add.f32 [tilespmem:s26], [sflag:$0x3], $0x1, s24, s25, $0xb8;
	[tilespmem:$0x3280] =	vst v63  }
0x2f8: {  	s24 =	simm.s32 $0x2280  }
0x2f9: {  	[spmem:s5] =	stream.indirect.scatter.add.f32 [tilespmem:s26], [sflag:$0x3], $0x1, s24, s25, $0xb8;
	[tilespmem:$0x3280] =	vst v63  }
0x2fa: {  	s24 =	simm.s32 $0x2300  }
0x2fb: {  	[spmem:s5] =	stream.indirect.scatter.add.f32 [tilespmem:s26], [sflag:$0x3], $0x1, s24, s25, $0xb8;
	[tilespmem:$0x3280] =	vst v63  }
0x2fc: {  	_ = 	snop  }
0x2fd: {  	[spmem:s5] =	stream.indirect.scatter.add.f32 [tilespmem:s26], [sflag:$0x3], $0x1, s13, s25, $0xb8;
	[tilespmem:$0x3280] =	vst v63  }
0x2fe: {  	_ = 	snop  }
0x2ff: {  	[spmem:s5] =	stream.indirect.scatter.add.f32 [tilespmem:s26], [sflag:$0x3], $0x1, s14, s25, $0xb8;
	[tilespmem:$0x3280] =	vst v63  }
0x300: {  	_ = 	snop  }
0x301: {  	[spmem:s5] =	stream.indirect.scatter.add.f32 [tilespmem:s26], [sflag:$0x3], $0x1, s15, s25, $0xb8;
	[tilespmem:$0x3280] =	vst v63  }
0x302: {  	_ = 	snop  }
0x303: {  	[spmem:s5] =	stream.indirect.scatter.add.f32 [tilespmem:s26], [sflag:$0x3], $0x1, s16, s25, $0xb8;
	[tilespmem:$0x3280] =	vst v63  }
0x304: {  	_ = 	snop  }
0x305: {  	[spmem:s5] =	stream.indirect.scatter.add.f32 [tilespmem:s26], [sflag:$0x3], $0x1, s30, s25, $0xb8;
	[tilespmem:$0x3280] =	vst v63  }
0x306: {  	_ = 	snop  }
0x307: {  	[spmem:s5] =	stream.indirect.scatter.add.f32 [tilespmem:s26], [sflag:$0x3], $0x1, s31, s25, $0xb8;
	[tilespmem:$0x3280] =	vst v63  }
0x308: {  	_ = 	snop  }
0x309: {  	[spmem:s5] =	stream.indirect.scatter.add.f32 [tilespmem:s26], [sflag:$0x3], $0x1, s3, s25, $0xb8;
	[tilespmem:$0x3280] =	vst v63  }
0x30a: {  	_ = 	snop  }
0x30b: {  	[spmem:s5] =	stream.indirect.scatter.add.f32 [tilespmem:s26], [sflag:$0x3], $0x1, s1, s25, $0xb8;
	[tilespmem:$0x3280] =	vst v63  }
0x30c: {  	_ = 	snop  }
0x30d: {  	[spmem:s5] =	stream.indirect.scatter.add.f32 [tilespmem:s26], [sflag:$0x3], $0x1, s7, s25, $0xb8;
	[tilespmem:$0x3280] =	vst v63  }
0x30e: {  	_ =	swait.ge [sflag:s28], $0x80  }
0x30f: {  	s24 =	simm.s32 $0x27;
	[sflag:s28] =	ssyncset.done $0x0  }
.LBB2_16:
0x310: {  	p0 =	sne.s32 s24, $0x1;
	s24 =	sadd.s32 $0xFFFFFFFF, s24;
	[sflag:s28] =	ssyncadd.s32 $0xFFFFFF80  }
.Ltmp7:
0x311: {  	(pc) =	sbr.rel @p0 .LBB2_16-.Ltmp7, $3  }
0x312: {  	_ =	sdelay $0x1  }
0x313: {  	_ =	swait.ge [sflag:s28], $0x80  }
0x314: {  	[sflag:s28] =	ssyncset.done $0x0  }
0x315: {  	[sflag:s28] =	ssyncadd.s32 $0xFFFFFF80  }
0x316: {  	[bflag:$0x0] =	sbarrier.arrive $0xFFFF  }
0x317: {  	s24 =	rddreg [dreg:$0x10]  }
0x318: {  	[hbm:s24@s10], [sflag:s9] =	dma.strided [spmem:s17@s11], $0x50, s19, $0x10   }
0x319: {  	_ =	swait.ge [sflag:s18], $0x50  }
0x31a: {  	[sflag:s18] =	ssyncset.done $0x0  }
0x31b: {  	s24 =	rddreg [dreg:$0x11];
	[sflag:s18] =	ssyncadd.s32 $0xFFFFFFB0  }
0x31c: {  	[hbm:s24@s10], [sflag:s9] =	dma.strided [spmem:s21@s11], $0x50, s19, $0x10   }
0x31d: {  	_ =	swait.ge [sflag:s18], $0x50  }
0x31e: {  	[sflag:s18] =	ssyncset.done $0x0  }
0x31f: {  	s21 =	rddreg [dreg:$0x12];
	[sflag:s18] =	ssyncadd.s32 $0xFFFFFFB0  }
0x320: {  	[hbm:s21@s10], [sflag:s9] =	dma.strided [spmem:s22@s11], $0x50, s19, $0x10   }
0x321: {  	_ =	swait.ge [sflag:s18], $0x50  }
0x322: {  	[sflag:s18] =	ssyncset.done $0x0  }
0x323: {  	s22 =	rddreg [dreg:$0x13];
	[sflag:s18] =	ssyncadd.s32 $0xFFFFFFB0  }
0x324: {  	[hbm:s22@s10], [sflag:s9] =	dma.strided [spmem:s23@s11], $0x50, s19, $0x10   }
0x325: {  	_ =	swait.ge [sflag:s18], $0x50  }
0x326: {  	s12 =	sadd.s32 $0x1, s12;
	s24 =	rddreg [dreg:$0xf]  }
0x327: {  	p0 =	sne.s32 s12, s24  }
.Ltmp8:
0x328: {  	_ = 	snop;
	(pc) =	sbr.rel @p0 .LBB2_1-.Ltmp8, $3  }
0x329: {  	_ =	sdelay $0x1  }
0x32a: {  	[sflag:s18] =	ssyncset.done $0x0  }
0x32b: {  	[sflag:s18] =	ssyncadd.s32 $0xFFFFFFB0  }
0x32c: {  	_ =	sfence.sel $0x180000  }
0x32d: {  	[bflag:$0x0] =	sbarrier.arrive $0xFFFF  }
0x32e: {  	_ =	strace $0x90000047  }
0x32f: {  	s0 =	stileid.u32;
	[bflag:$0x2] =	sbarrier.arrive $0xFFFF  }
0x330: {  	p0 =	sne.s32 s0, $0x0;
	s0 =	rddreg [dreg:$0x6]  }
0x331: {  	s0 =	sadd.s32 @!p0 $0x100000, s0  }
0x332: {  	[sflag:s0] =	ssyncadd.tile.s32 @!p0 $0x1;
	_ =	shalt  }
.Lfunc_end2:
_tile_overlayer_lowered:
.L_overlay_start_2:
0x333: {  	(tag) =	ssettag $0x2  }
0x334: {  	s0 =	rddreg [dreg:$0x0];
	s2 =	stileid.u32  }
0x335: {  	s1 =	rddreg [dreg:$0x1];
	p0 =	sne.s32 s2, $0x0  }
0x336: {  	s3 =	rddreg [dreg:$0x2];
	[bflag:$0x3] =	sbarrier.arrive $0xFFFF;
	s2 =	simm.s32 @!p0 $0x1C04  }
0x337: {  	[timem:s3], [sflag:s2] =	dma.local @!p0 [hbm:s0], s1  }
0x338: {  	s0 =	simm.s32 @!p0 $0x4  }
0x339: {  	_ =	swait.ge @!p0 [sflag:s0], s1  }
0x33a: {  	s1 =	ssub.s32 @!p0 $0x0, s1;
	[sflag:s0] =	ssyncset.done @!p0 $0x0  }
0x33b: {  	[sflag:s0] =	ssyncadd.s32 @!p0 s1  }
0x33c: {  	[bflag:$0x3] =	sbarrier.arrive $0xFFFF  }
0x33d: {  	_ =	shalt  }

</sc_bundles>
